<compile_context>
chip_gen: v7x
topology: tpu7x:2x2x1
jax: 0.10.2.dev20260603
libtpu: 0.0.44.dev20260713+nightly
codegen_flags: <defaults>
</compile_context>

<pallas_src>
import functools

import jax
import jax.numpy as jnp
from jax import lax
from jax.experimental import pallas as pl
from jax.experimental.pallas import tpu as pltpu
from jax.experimental.pallas import tpu_sc as plsc

K = 128
ROWS = 128
COLS = 8192
L = 16
NWORKERS = 32
RPW = ROWS // NWORKERS
NVREG = COLS // L
NGRP = 32
CAND = 256
NCV = CAND // L
NEG_INF = float("-inf")


_GATHER_DNUMS = lax.GatherDimensionNumbers(
    offset_dims=(), collapsed_slice_dims=(0,), start_index_map=(0,))


def _shuffle(v, idx):
    return lax.gather(v, idx[:, None], dimension_numbers=_GATHER_DNUMS,
                      slice_sizes=(1,),
                      mode=lax.GatherScatterMode.PROMISE_IN_BOUNDS)


def _bcast_lane(v, lane):
    return _shuffle(v, jnp.full((L,), lane, jnp.int32))


def _vsort_desc(v):
    s, _ = plsc.sort_key_val(v, v, descending=True)
    return s


def _bmerge_desc(vs):
    n = len(vs)
    if n == 1:
        return [_vsort_desc(vs[0])]
    half = n // 2
    hi, lo = [], []
    for i in range(half):
        a, b = vs[i], vs[i + half]
        hi.append(jnp.maximum(a, b))
        lo.append(jnp.minimum(a, b))
    return _bmerge_desc(hi) + _bmerge_desc(lo)


def _bsort_desc(vs):
    n = len(vs)
    if n == 1:
        return [_vsort_desc(vs[0])]
    half = n // 2
    a = _bsort_desc(vs[:half])
    b = _bsort_desc(vs[half:])
    brev = [lax.rev(x, (0,)) for x in reversed(b)]
    return _bmerge_desc(a + brev)


def _merge_halve_desc(a, b):
    n = len(a)
    hi = [jnp.maximum(a[i], lax.rev(b[n - 1 - i], (0,))) for i in range(n)]
    return _bmerge_desc(hi)


def _ce_kv_desc(ka, va, kb, vb):
    c = ka >= kb
    hik = jnp.where(c, ka, kb)
    hiv = jnp.where(c, va, vb)
    lok = jnp.where(c, kb, ka)
    lov = jnp.where(c, vb, va)
    return (hik, hiv), (lok, lov)


def _bmerge_kv_desc(kvs):
    n = len(kvs)
    if n == 1:
        return [plsc.sort_key_val(kvs[0][0], kvs[0][1], descending=True)]
    half = n // 2
    hi, lo = [], []
    for i in range(half):
        h, l = _ce_kv_desc(*kvs[i], *kvs[i + half])
        hi.append(h)
        lo.append(l)
    return _bmerge_kv_desc(hi) + _bmerge_kv_desc(lo)


def _bsort_kv_desc(kvs):
    n = len(kvs)
    if n == 1:
        return [plsc.sort_key_val(kvs[0][0], kvs[0][1], descending=True)]
    half = n // 2
    a = _bsort_kv_desc(kvs[:half])
    b = _bsort_kv_desc(kvs[half:])
    brev = [(lax.rev(k, (0,)), lax.rev(v, (0,))) for (k, v) in reversed(b)]
    return _bmerge_kv_desc(a + brev)


def _sc_body(x_hbm, val_hbm, idx_hbm, rows_v, colmax_v, cidx_v, oval_v, oidx_v,
             in_sem):
    wid = lax.axis_index("s") * 2 + lax.axis_index("c")
    base = wid * RPW
    for r in range(RPW):
        pltpu.make_async_copy(
            x_hbm.at[pl.ds(base + r, 1)], rows_v.at[pl.ds(r, 1)], in_sem
        ).start()

    lane = lax.iota(jnp.int32, L)

    def row_body(r, carry):
        pltpu.make_async_copy(
            x_hbm.at[pl.ds(base, 1)], rows_v.at[pl.ds(0, 1)], in_sem
        ).wait()

        @plsc.parallel_loop(0, NGRP, unroll=2)
        def _grp_body(g):
            vs = [rows_v[r, pl.ds(g * 256 + j * L, L)] for j in range(16)]
            while len(vs) > 1:
                vs = [jnp.maximum(vs[i], vs[i + 1]) for i in range(0, len(vs), 2)]
            colmax_v[pl.ds(g * L, L)] = vs[0]

        cm = [colmax_v[pl.ds(i * L, L)] for i in range(NGRP)]
        g0 = _bsort_desc(cm[0:8])
        g1 = _bsort_desc(cm[8:16])
        g2 = _bsort_desc(cm[16:24])
        g3 = _bsort_desc(cm[24:32])
        top = _merge_halve_desc(
            _merge_halve_desc(g0, g1), _merge_halve_desc(g2, g3)
        )
        t_vec = _bcast_lane(top[7], L - 1)

        cap = jnp.full((L,), CAND + L - 1, jnp.int32)

        ones = jnp.full((L,), 1, jnp.int32)

        @plsc.parallel_loop(0, NVREG, unroll=8,
                            carry=jnp.full((L,), -1, jnp.int32))
        def cmp_body(j, off):
            v = rows_v[r, pl.ds(j * L, L)]
            mask = v >= t_vec
            posn = jnp.minimum(off + plsc.cumsum(ones, mask=mask), cap)
            idxv = lane + j * L
            plsc.store_scatter(cidx_v, [posn], idxv, mask=mask)
            return off + plsc.all_reduce_population_count(mask)

        n_vec = jnp.minimum(cmp_body + 1, jnp.full((L,), CAND, jnp.int32))

        r_vec = jnp.broadcast_to(r, (L,)).astype(jnp.int32)
        kvs = []
        for i in range(NCV):
            pos = lane + i * L
            valid = pos < n_vec
            idxs = jnp.where(valid, cidx_v[pl.ds(i * L, L)], 0)
            vals = plsc.load_gather(rows_v, [r_vec, idxs])
            vals = jnp.where(valid, vals, NEG_INF)
            kvs.append((vals, idxs))

        skv = _bsort_kv_desc(kvs)
        V = [kv[0] for kv in skv[: K // L + 1]]
        I = [kv[1] for kv in skv[: K // L + 1]]

        up = jnp.maximum(lane - 1, 0)
        down = jnp.minimum(lane + 1, L - 1)
        lane0 = lane == 0
        lane15 = lane == L - 1
        nv = len(V)
        vp, vn, eqp, eqn = [], [], [], []
        for i in range(nv):
            sh = _shuffle(V[i], up)
            if i > 0:
                sh = jnp.where(lane0, _bcast_lane(V[i - 1], L - 1), sh)
            vp.append(sh)
            e = V[i] == sh
            if i == 0:
                e = e & jnp.logical_not(lane0)
            eqp.append(e)
            sh = _shuffle(V[i], down)
            if i < nv - 1:
                sh = jnp.where(lane15, _bcast_lane(V[i + 1], 0), sh)
            vn.append(sh)
            e = V[i] == sh
            if i == nv - 1:
                e = e & jnp.logical_not(lane15)
            eqn.append(e)
        parity = (lane & 1) == 1
        for par in (0, 1, 0):
            pnext = parity if par else jnp.logical_not(parity)
            pprev = jnp.logical_not(pnext)
            newI = []
            for i in range(nv):
                sh = _shuffle(I[i], up)
                if i > 0:
                    sh = jnp.where(lane0, _bcast_lane(I[i - 1], L - 1), sh)
                ip = sh
                sh = _shuffle(I[i], down)
                if i < nv - 1:
                    sh = jnp.where(lane15, _bcast_lane(I[i + 1], 0), sh)
                inx = sh
                swn = eqn[i] & (inx < I[i]) & pnext
                swp = eqp[i] & (I[i] < ip) & pprev
                newI.append(jnp.where(swp, ip, jnp.where(swn, inx, I[i])))
            I = newI

        for i in range(K // L):
            oval_v[r, pl.ds(i * L, L)] = V[i]
            oidx_v[r, pl.ds(i * L, L)] = I[i]
        return carry

    lax.fori_loop(0, RPW, row_body, 0)

    cp_val = pltpu.make_async_copy(oval_v, val_hbm.at[pl.ds(base, RPW)], in_sem)
    cp_idx = pltpu.make_async_copy(oidx_v, idx_hbm.at[pl.ds(base, RPW)], in_sem)
    cp_val.start()
    cp_idx.start()
    cp_val.wait()
    cp_idx.wait()


_sc_topk = functools.partial(
    pl.kernel,
    mesh=plsc.VectorSubcoreMesh(core_axis_name="c", subcore_axis_name="s"),
    compiler_params=pltpu.CompilerParams(needs_layout_passes=False),
    out_type=(
        jax.ShapeDtypeStruct((ROWS, K), jnp.float32),
        jax.ShapeDtypeStruct((ROWS, K), jnp.int32),
    ),
    scratch_types=[
        pltpu.VMEM((RPW, COLS), jnp.float32),
        pltpu.VMEM((NGRP * L,), jnp.float32),
        pltpu.VMEM((CAND + L,), jnp.int32),
        pltpu.VMEM((RPW, K), jnp.float32),
        pltpu.VMEM((RPW, K), jnp.int32),
        pltpu.SemaphoreType.DMA,
    ],
)(_sc_body)


def kernel(x):
    return _sc_topk(x)

# --- scband reference (transcript-rebuilt; emitter-appended) ---
"""Pipeline reference for scband-my-model-61933428413493 (READ-ONLY COPY).

The authoritative reference and input builder live on the scoring server;
editing this copy changes nothing except your own understanding.
"""

import jax, jax.numpy as jnp
import numpy as np

K = 128

def setup_inputs(seed: int = 0) -> dict:
    key = jax.random.key(seed)
    x = jax.random.normal(key, (128, 8192), dtype=jnp.float32)
    return {"x": x}

def reference(x):
    # torch.topk(x, k=K, dim=1, largest=True, sorted=False)
    # dim=1 is the last axis of the 2D input, so jax.lax.top_k applies directly.
    # jax returns sorted values; torch sorted=False returns the same set of
    # top-k values/indices (order unspecified), so this is faithful.
    values, indices = jax.lax.top_k(x, K)
    return values, indices

if __name__ == "__main__":
    import jax
    _d = setup_inputs()
    print(jax.jit(kernel)(*tuple(_d.values())))

</pallas_src>

<mosaic_0001>
#map = affine_map<(d0, d1) -> (0, 0)>
module attributes {stable_mosaic.version = 14 : i64} {
  func.func @_sc_body(%arg0: i32, %arg1: i32, %arg2: memref<128x8192xf32, #tpu.memory_space<hbm>>, %arg3: memref<128x128xf32, #tpu.memory_space<hbm>>, %arg4: memref<128x128xi32, #tpu.memory_space<hbm>>, %arg5: memref<4x8192xf32, #tpu.memory_space<vmem>>, %arg6: memref<512xf32, #tpu.memory_space<vmem>>, %arg7: memref<272xi32, #tpu.memory_space<vmem>>, %arg8: memref<4x128xf32, #tpu.memory_space<vmem>>, %arg9: memref<4x128xi32, #tpu.memory_space<vmem>>, %arg10: memref<!tpu.dma_semaphore, #tpu.memory_space<semaphore_mem>>) attributes {dimension_semantics = [#tpu.dimension_semantics<core_parallel>, #tpu.dimension_semantics<subcore_parallel>], iteration_bounds = array<i64: 2, 16>, scalar_prefetch = 0 : i64, scratch_operands = 6 : i64, tpu.core_type = #tpu.core_type<sc_vector_subcore>, window_params = [{transform_indices = #map}, {transform_indices = #map}, {transform_indices = #map}]} {
    %mul3A = arith.constant 2 : i32
    %mul3A_0 = arith.muli %arg1, %mul3A : i32
    %add3A = arith.addi %mul3A_0, %arg0 : i32
    %mul3A_1 = arith.constant 4 : i32
    %mul3A_2 = arith.muli %add3A, %mul3A_1 : i32
    %add3A_3 = arith.constant 0 : i32
    %add3A_4 = arith.addi %mul3A_2, %add3A_3 : i32
    %dma_start3A = arith.constant 0 : i32
    %dma_start3A_5 = arith.constant 0 : i32
    %dma_start3A_6 = tpu.memref_slice %arg5[%dma_start3A, %dma_start3A_5] : memref<4x8192xf32, #tpu.memory_space<vmem>> -> memref<1x8192xf32, #tpu.memory_space<vmem>>
    %dma_start3A_7 = arith.constant 0 : i32
    %dma_start3A_8 = tpu.memref_slice %arg2[%add3A_4, %dma_start3A_7] : memref<128x8192xf32, #tpu.memory_space<hbm>> -> memref<1x8192xf32, #tpu.memory_space<hbm>>
    %dma_start3A_9 = arith.constant 0 : i32
    %dma_start3A_10 = arith.constant 0 : i32
    %dma_start3A_11 = tpu.memref_slice %arg5[%dma_start3A_9, %dma_start3A_10] : memref<4x8192xf32, #tpu.memory_space<vmem>> -> memref<1x8192xf32, #tpu.memory_space<vmem>>
    %dma_start3A_12 = arith.constant 0 : i32
    %dma_start3A_13 = tpu.memref_slice %arg2[%add3A_4, %dma_start3A_12] : memref<128x8192xf32, #tpu.memory_space<hbm>> -> memref<1x8192xf32, #tpu.memory_space<hbm>>
    tpu.enqueue_dma source(%dma_start3A_13 : memref<1x8192xf32, #tpu.memory_space<hbm>>) target(%dma_start3A_11 : memref<1x8192xf32, #tpu.memory_space<vmem>>) target_semaphore(%arg10 : memref<!tpu.dma_semaphore, #tpu.memory_space<semaphore_mem>>)
    %add3A_14 = arith.constant 1 : i32
    %add3A_15 = arith.addi %mul3A_2, %add3A_14 : i32
    %dma_start3A_16 = arith.constant 1 : i32
    %dma_start3A_17 = arith.constant 0 : i32
    %dma_start3A_18 = tpu.memref_slice %arg5[%dma_start3A_16, %dma_start3A_17] : memref<4x8192xf32, #tpu.memory_space<vmem>> -> memref<1x8192xf32, #tpu.memory_space<vmem>>
    %dma_start3A_19 = arith.constant 0 : i32
    %dma_start3A_20 = tpu.memref_slice %arg2[%add3A_15, %dma_start3A_19] : memref<128x8192xf32, #tpu.memory_space<hbm>> -> memref<1x8192xf32, #tpu.memory_space<hbm>>
    %dma_start3A_21 = arith.constant 1 : i32
    %dma_start3A_22 = arith.constant 0 : i32
    %dma_start3A_23 = tpu.memref_slice %arg5[%dma_start3A_21, %dma_start3A_22] : memref<4x8192xf32, #tpu.memory_space<vmem>> -> memref<1x8192xf32, #tpu.memory_space<vmem>>
    %dma_start3A_24 = arith.constant 0 : i32
    %dma_start3A_25 = tpu.memref_slice %arg2[%add3A_15, %dma_start3A_24] : memref<128x8192xf32, #tpu.memory_space<hbm>> -> memref<1x8192xf32, #tpu.memory_space<hbm>>
    tpu.enqueue_dma source(%dma_start3A_25 : memref<1x8192xf32, #tpu.memory_space<hbm>>) target(%dma_start3A_23 : memref<1x8192xf32, #tpu.memory_space<vmem>>) target_semaphore(%arg10 : memref<!tpu.dma_semaphore, #tpu.memory_space<semaphore_mem>>)
    %add3A_26 = arith.constant 2 : i32
    %add3A_27 = arith.addi %mul3A_2, %add3A_26 : i32
    %dma_start3A_28 = arith.constant 2 : i32
    %dma_start3A_29 = arith.constant 0 : i32
    %dma_start3A_30 = tpu.memref_slice %arg5[%dma_start3A_28, %dma_start3A_29] : memref<4x8192xf32, #tpu.memory_space<vmem>> -> memref<1x8192xf32, #tpu.memory_space<vmem>>
    %dma_start3A_31 = arith.constant 0 : i32
    %dma_start3A_32 = tpu.memref_slice %arg2[%add3A_27, %dma_start3A_31] : memref<128x8192xf32, #tpu.memory_space<hbm>> -> memref<1x8192xf32, #tpu.memory_space<hbm>>
    %dma_start3A_33 = arith.constant 2 : i32
    %dma_start3A_34 = arith.constant 0 : i32
    %dma_start3A_35 = tpu.memref_slice %arg5[%dma_start3A_33, %dma_start3A_34] : memref<4x8192xf32, #tpu.memory_space<vmem>> -> memref<1x8192xf32, #tpu.memory_space<vmem>>
    %dma_start3A_36 = arith.constant 0 : i32
    %dma_start3A_37 = tpu.memref_slice %arg2[%add3A_27, %dma_start3A_36] : memref<128x8192xf32, #tpu.memory_space<hbm>> -> memref<1x8192xf32, #tpu.memory_space<hbm>>
    tpu.enqueue_dma source(%dma_start3A_37 : memref<1x8192xf32, #tpu.memory_space<hbm>>) target(%dma_start3A_35 : memref<1x8192xf32, #tpu.memory_space<vmem>>) target_semaphore(%arg10 : memref<!tpu.dma_semaphore, #tpu.memory_space<semaphore_mem>>)
    %add3A_38 = arith.constant 3 : i32
    %add3A_39 = arith.addi %mul3A_2, %add3A_38 : i32
    %dma_start3A_40 = arith.constant 3 : i32
    %dma_start3A_41 = arith.constant 0 : i32
    %dma_start3A_42 = tpu.memref_slice %arg5[%dma_start3A_40, %dma_start3A_41] : memref<4x8192xf32, #tpu.memory_space<vmem>> -> memref<1x8192xf32, #tpu.memory_space<vmem>>
    %dma_start3A_43 = arith.constant 0 : i32
    %dma_start3A_44 = tpu.memref_slice %arg2[%add3A_39, %dma_start3A_43] : memref<128x8192xf32, #tpu.memory_space<hbm>> -> memref<1x8192xf32, #tpu.memory_space<hbm>>
    %dma_start3A_45 = arith.constant 3 : i32
    %dma_start3A_46 = arith.constant 0 : i32
    %dma_start3A_47 = tpu.memref_slice %arg5[%dma_start3A_45, %dma_start3A_46] : memref<4x8192xf32, #tpu.memory_space<vmem>> -> memref<1x8192xf32, #tpu.memory_space<vmem>>
    %dma_start3A_48 = arith.constant 0 : i32
    %dma_start3A_49 = tpu.memref_slice %arg2[%add3A_39, %dma_start3A_48] : memref<128x8192xf32, #tpu.memory_space<hbm>> -> memref<1x8192xf32, #tpu.memory_space<hbm>>
    tpu.enqueue_dma source(%dma_start3A_49 : memref<1x8192xf32, #tpu.memory_space<hbm>>) target(%dma_start3A_47 : memref<1x8192xf32, #tpu.memory_space<vmem>>) target_semaphore(%arg10 : memref<!tpu.dma_semaphore, #tpu.memory_space<semaphore_mem>>)
    %iota3A = tpu.iota {dimensions = array<i32: 0>} : vector<16xi32>
    %scan3A = arith.constant 0 : i32
    %scan3A_50 = arith.constant 0 : i32
    %scan3A_51 = arith.constant 4 : i32
    %scan3A_52 = arith.addi %scan3A_50, %scan3A_51 : i32
    %scan3A_53 = arith.constant 1 : i32
    scf.for %scan3A_70 = %scan3A_50 to %scan3A_52 step %scan3A_53  : i32 {
      %dma_wait3A_71 = arith.constant 0 : i32
      %dma_wait3A_72 = arith.constant 0 : i32
      %dma_wait3A_73 = tpu.memref_slice %arg5[%dma_wait3A_71, %dma_wait3A_72] : memref<4x8192xf32, #tpu.memory_space<vmem>> -> memref<1x8192xf32, #tpu.memory_space<vmem>>
      %dma_wait3A_74 = arith.constant 0 : i32
      %dma_wait3A_75 = tpu.memref_slice %arg2[%mul3A_2, %dma_wait3A_74] : memref<128x8192xf32, #tpu.memory_space<hbm>> -> memref<1x8192xf32, #tpu.memory_space<hbm>>
      %dma_wait3A_76 = arith.constant 0 : i32
      %dma_wait3A_77 = arith.constant 0 : i32
      %dma_wait3A_78 = tpu.memref_slice %arg5[%dma_wait3A_76, %dma_wait3A_77] : memref<4x8192xf32, #tpu.memory_space<vmem>> -> memref<1x8192xf32, #tpu.memory_space<vmem>>
      %dma_wait3A_79 = arith.constant 0 : i32
      %dma_wait3A_80 = tpu.memref_slice %arg2[%mul3A_2, %dma_wait3A_79] : memref<128x8192xf32, #tpu.memory_space<hbm>> -> memref<1x8192xf32, #tpu.memory_space<hbm>>
      tpu.wait_dma2 semaphore(%arg10 : memref<!tpu.dma_semaphore, #tpu.memory_space<semaphore_mem>>) src(%dma_wait3A_80 : memref<1x8192xf32, #tpu.memory_space<hbm>>) dst(%dma_wait3A_78 : memref<1x8192xf32, #tpu.memory_space<vmem>>)
      %parallel_loop3A = arith.constant 0 : i32
      %parallel_loop3A_81 = arith.constant 32 : i32
      %parallel_loop3A_82 = arith.constant 1 : i32
      scf.for %parallel_loop3A_3579 = %parallel_loop3A to %parallel_loop3A_81 step %parallel_loop3A_82  : i32 {
        %parallel_loop3A_3580 = arith.constant 256 : i32
        %parallel_loop3A_3581 = arith.muli %parallel_loop3A_3579, %parallel_loop3A_3580 : i32
        %parallel_loop3A_3582 = arith.constant 0 : i32
        %parallel_loop3A_3583 = arith.addi %parallel_loop3A_3581, %parallel_loop3A_3582 : i32
        %parallel_loop3A_3584 = arith.index_cast %scan3A_70 : i32 to index
        %parallel_loop3A_3585 = arith.index_cast %parallel_loop3A_3583 : i32 to index
        %parallel_loop3A_3586 = tpu.vector_load %arg5[%parallel_loop3A_3584, %parallel_loop3A_3585] {strides = array<i32>} : memref<4x8192xf32, #tpu.memory_space<vmem>>, vector<16xf32>,
        %parallel_loop3A_3587 = arith.constant 256 : i32
        %parallel_loop3A_3588 = arith.muli %parallel_loop3A_3579, %parallel_loop3A_3587 : i32
        %parallel_loop3A_3589 = arith.constant 16 : i32
        %parallel_loop3A_3590 = arith.addi %parallel_loop3A_3588, %parallel_loop3A_3589 : i32
        %parallel_loop3A_3591 = arith.index_cast %scan3A_70 : i32 to index
        %parallel_loop3A_3592 = arith.index_cast %parallel_loop3A_3590 : i32 to index
        %parallel_loop3A_3593 = tpu.vector_load %arg5[%parallel_loop3A_3591, %parallel_loop3A_3592] {strides = array<i32>} : memref<4x8192xf32, #tpu.memory_space<vmem>>, vector<16xf32>,
        %parallel_loop3A_3594 = arith.constant 256 : i32
        %parallel_loop3A_3595 = arith.muli %parallel_loop3A_3579, %parallel_loop3A_3594 : i32
        %parallel_loop3A_3596 = arith.constant 32 : i32
        %parallel_loop3A_3597 = arith.addi %parallel_loop3A_3595, %parallel_loop3A_3596 : i32
        %parallel_loop3A_3598 = arith.index_cast %scan3A_70 : i32 to index
        %parallel_loop3A_3599 = arith.index_cast %parallel_loop3A_3597 : i32 to index
        %parallel_loop3A_3600 = tpu.vector_load %arg5[%parallel_loop3A_3598, %parallel_loop3A_3599] {strides = array<i32>} : memref<4x8192xf32, #tpu.memory_space<vmem>>, vector<16xf32>,
        %parallel_loop3A_3601 = arith.constant 256 : i32
        %parallel_loop3A_3602 = arith.muli %parallel_loop3A_3579, %parallel_loop3A_3601 : i32
        %parallel_loop3A_3603 = arith.constant 48 : i32
        %parallel_loop3A_3604 = arith.addi %parallel_loop3A_3602, %parallel_loop3A_3603 : i32
        %parallel_loop3A_3605 = arith.index_cast %scan3A_70 : i32 to index
        %parallel_loop3A_3606 = arith.index_cast %parallel_loop3A_3604 : i32 to index
        %parallel_loop3A_3607 = tpu.vector_load %arg5[%parallel_loop3A_3605, %parallel_loop3A_3606] {strides = array<i32>} : memref<4x8192xf32, #tpu.memory_space<vmem>>, vector<16xf32>,
        %parallel_loop3A_3608 = arith.constant 256 : i32
        %parallel_loop3A_3609 = arith.muli %parallel_loop3A_3579, %parallel_loop3A_3608 : i32
        %parallel_loop3A_3610 = arith.constant 64 : i32
        %parallel_loop3A_3611 = arith.addi %parallel_loop3A_3609, %parallel_loop3A_3610 : i32
        %parallel_loop3A_3612 = arith.index_cast %scan3A_70 : i32 to index
        %parallel_loop3A_3613 = arith.index_cast %parallel_loop3A_3611 : i32 to index
        %parallel_loop3A_3614 = tpu.vector_load %arg5[%parallel_loop3A_3612, %parallel_loop3A_3613] {strides = array<i32>} : memref<4x8192xf32, #tpu.memory_space<vmem>>, vector<16xf32>,
        %parallel_loop3A_3615 = arith.constant 256 : i32
        %parallel_loop3A_3616 = arith.muli %parallel_loop3A_3579, %parallel_loop3A_3615 : i32
        %parallel_loop3A_3617 = arith.constant 80 : i32
        %parallel_loop3A_3618 = arith.addi %parallel_loop3A_3616, %parallel_loop3A_3617 : i32
        %parallel_loop3A_3619 = arith.index_cast %scan3A_70 : i32 to index
        %parallel_loop3A_3620 = arith.index_cast %parallel_loop3A_3618 : i32 to index
        %parallel_loop3A_3621 = tpu.vector_load %arg5[%parallel_loop3A_3619, %parallel_loop3A_3620] {strides = array<i32>} : memref<4x8192xf32, #tpu.memory_space<vmem>>, vector<16xf32>,
        %parallel_loop3A_3622 = arith.constant 256 : i32
        %parallel_loop3A_3623 = arith.muli %parallel_loop3A_3579, %parallel_loop3A_3622 : i32
        %parallel_loop3A_3624 = arith.constant 96 : i32
        %parallel_loop3A_3625 = arith.addi %parallel_loop3A_3623, %parallel_loop3A_3624 : i32
        %parallel_loop3A_3626 = arith.index_cast %scan3A_70 : i32 to index
        %parallel_loop3A_3627 = arith.index_cast %parallel_loop3A_3625 : i32 to index
        %parallel_loop3A_3628 = tpu.vector_load %arg5[%parallel_loop3A_3626, %parallel_loop3A_3627] {strides = array<i32>} : memref<4x8192xf32, #tpu.memory_space<vmem>>, vector<16xf32>,
        %parallel_loop3A_3629 = arith.constant 256 : i32
        %parallel_loop3A_3630 = arith.muli %parallel_loop3A_3579, %parallel_loop3A_3629 : i32
        %parallel_loop3A_3631 = arith.constant 112 : i32
        %parallel_loop3A_3632 = arith.addi %parallel_loop3A_3630, %parallel_loop3A_3631 : i32
        %parallel_loop3A_3633 = arith.index_cast %scan3A_70 : i32 to index
        %parallel_loop3A_3634 = arith.index_cast %parallel_loop3A_3632 : i32 to index
        %parallel_loop3A_3635 = tpu.vector_load %arg5[%parallel_loop3A_3633, %parallel_loop3A_3634] {strides = array<i32>} : memref<4x8192xf32, #tpu.memory_space<vmem>>, vector<16xf32>,
        %parallel_loop3A_3636 = arith.constant 256 : i32
        %parallel_loop3A_3637 = arith.muli %parallel_loop3A_3579, %parallel_loop3A_3636 : i32
        %parallel_loop3A_3638 = arith.constant 128 : i32
        %parallel_loop3A_3639 = arith.addi %parallel_loop3A_3637, %parallel_loop3A_3638 : i32
        %parallel_loop3A_3640 = arith.index_cast %scan3A_70 : i32 to index
        %parallel_loop3A_3641 = arith.index_cast %parallel_loop3A_3639 : i32 to index
        %parallel_loop3A_3642 = tpu.vector_load %arg5[%parallel_loop3A_3640, %parallel_loop3A_3641] {strides = array<i32>} : memref<4x8192xf32, #tpu.memory_space<vmem>>, vector<16xf32>,
        %parallel_loop3A_3643 = arith.constant 256 : i32
        %parallel_loop3A_3644 = arith.muli %parallel_loop3A_3579, %parallel_loop3A_3643 : i32
        %parallel_loop3A_3645 = arith.constant 144 : i32
        %parallel_loop3A_3646 = arith.addi %parallel_loop3A_3644, %parallel_loop3A_3645 : i32
        %parallel_loop3A_3647 = arith.index_cast %scan3A_70 : i32 to index
        %parallel_loop3A_3648 = arith.index_cast %parallel_loop3A_3646 : i32 to index
        %parallel_loop3A_3649 = tpu.vector_load %arg5[%parallel_loop3A_3647, %parallel_loop3A_3648] {strides = array<i32>} : memref<4x8192xf32, #tpu.memory_space<vmem>>, vector<16xf32>,
        %parallel_loop3A_3650 = arith.constant 256 : i32
        %parallel_loop3A_3651 = arith.muli %parallel_loop3A_3579, %parallel_loop3A_3650 : i32
        %parallel_loop3A_3652 = arith.constant 160 : i32
        %parallel_loop3A_3653 = arith.addi %parallel_loop3A_3651, %parallel_loop3A_3652 : i32
        %parallel_loop3A_3654 = arith.index_cast %scan3A_70 : i32 to index
        %parallel_loop3A_3655 = arith.index_cast %parallel_loop3A_3653 : i32 to index
        %parallel_loop3A_3656 = tpu.vector_load %arg5[%parallel_loop3A_3654, %parallel_loop3A_3655] {strides = array<i32>} : memref<4x8192xf32, #tpu.memory_space<vmem>>, vector<16xf32>,
        %parallel_loop3A_3657 = arith.constant 256 : i32
        %parallel_loop3A_3658 = arith.muli %parallel_loop3A_3579, %parallel_loop3A_3657 : i32
        %parallel_loop3A_3659 = arith.constant 176 : i32
        %parallel_loop3A_3660 = arith.addi %parallel_loop3A_3658, %parallel_loop3A_3659 : i32
        %parallel_loop3A_3661 = arith.index_cast %scan3A_70 : i32 to index
        %parallel_loop3A_3662 = arith.index_cast %parallel_loop3A_3660 : i32 to index
        %parallel_loop3A_3663 = tpu.vector_load %arg5[%parallel_loop3A_3661, %parallel_loop3A_3662] {strides = array<i32>} : memref<4x8192xf32, #tpu.memory_space<vmem>>, vector<16xf32>,
        %parallel_loop3A_3664 = arith.constant 256 : i32
        %parallel_loop3A_3665 = arith.muli %parallel_loop3A_3579, %parallel_loop3A_3664 : i32
        %parallel_loop3A_3666 = arith.constant 192 : i32
        %parallel_loop3A_3667 = arith.addi %parallel_loop3A_3665, %parallel_loop3A_3666 : i32
        %parallel_loop3A_3668 = arith.index_cast %scan3A_70 : i32 to index
        %parallel_loop3A_3669 = arith.index_cast %parallel_loop3A_3667 : i32 to index
        %parallel_loop3A_3670 = tpu.vector_load %arg5[%parallel_loop3A_3668, %parallel_loop3A_3669] {strides = array<i32>} : memref<4x8192xf32, #tpu.memory_space<vmem>>, vector<16xf32>,
        %parallel_loop3A_3671 = arith.constant 256 : i32
        %parallel_loop3A_3672 = arith.muli %parallel_loop3A_3579, %parallel_loop3A_3671 : i32
        %parallel_loop3A_3673 = arith.constant 208 : i32
        %parallel_loop3A_3674 = arith.addi %parallel_loop3A_3672, %parallel_loop3A_3673 : i32
        %parallel_loop3A_3675 = arith.index_cast %scan3A_70 : i32 to index
        %parallel_loop3A_3676 = arith.index_cast %parallel_loop3A_3674 : i32 to index
        %parallel_loop3A_3677 = tpu.vector_load %arg5[%parallel_loop3A_3675, %parallel_loop3A_3676] {strides = array<i32>} : memref<4x8192xf32, #tpu.memory_space<vmem>>, vector<16xf32>,
        %parallel_loop3A_3678 = arith.constant 256 : i32
        %parallel_loop3A_3679 = arith.muli %parallel_loop3A_3579, %parallel_loop3A_3678 : i32
        %parallel_loop3A_3680 = arith.constant 224 : i32
        %parallel_loop3A_3681 = arith.addi %parallel_loop3A_3679, %parallel_loop3A_3680 : i32
        %parallel_loop3A_3682 = arith.index_cast %scan3A_70 : i32 to index
        %parallel_loop3A_3683 = arith.index_cast %parallel_loop3A_3681 : i32 to index
        %parallel_loop3A_3684 = tpu.vector_load %arg5[%parallel_loop3A_3682, %parallel_loop3A_3683] {strides = array<i32>} : memref<4x8192xf32, #tpu.memory_space<vmem>>, vector<16xf32>,
        %parallel_loop3A_3685 = arith.constant 256 : i32
        %parallel_loop3A_3686 = arith.muli %parallel_loop3A_3579, %parallel_loop3A_3685 : i32
        %parallel_loop3A_3687 = arith.constant 240 : i32
        %parallel_loop3A_3688 = arith.addi %parallel_loop3A_3686, %parallel_loop3A_3687 : i32
        %parallel_loop3A_3689 = arith.index_cast %scan3A_70 : i32 to index
        %parallel_loop3A_3690 = arith.index_cast %parallel_loop3A_3688 : i32 to index
        %parallel_loop3A_3691 = tpu.vector_load %arg5[%parallel_loop3A_3689, %parallel_loop3A_3690] {strides = array<i32>} : memref<4x8192xf32, #tpu.memory_space<vmem>>, vector<16xf32>,
        %parallel_loop3A_3692 = arith.maximumf %parallel_loop3A_3586, %parallel_loop3A_3593 : vector<16xf32>
        %parallel_loop3A_3693 = arith.maximumf %parallel_loop3A_3600, %parallel_loop3A_3607 : vector<16xf32>
        %parallel_loop3A_3694 = arith.maximumf %parallel_loop3A_3614, %parallel_loop3A_3621 : vector<16xf32>
        %parallel_loop3A_3695 = arith.maximumf %parallel_loop3A_3628, %parallel_loop3A_3635 : vector<16xf32>
        %parallel_loop3A_3696 = arith.maximumf %parallel_loop3A_3642, %parallel_loop3A_3649 : vector<16xf32>
        %parallel_loop3A_3697 = arith.maximumf %parallel_loop3A_3656, %parallel_loop3A_3663 : vector<16xf32>
        %parallel_loop3A_3698 = arith.maximumf %parallel_loop3A_3670, %parallel_loop3A_3677 : vector<16xf32>
        %parallel_loop3A_3699 = arith.maximumf %parallel_loop3A_3684, %parallel_loop3A_3691 : vector<16xf32>
        %parallel_loop3A_3700 = arith.maximumf %parallel_loop3A_3692, %parallel_loop3A_3693 : vector<16xf32>
        %parallel_loop3A_3701 = arith.maximumf %parallel_loop3A_3694, %parallel_loop3A_3695 : vector<16xf32>
        %parallel_loop3A_3702 = arith.maximumf %parallel_loop3A_3696, %parallel_loop3A_3697 : vector<16xf32>
        %parallel_loop3A_3703 = arith.maximumf %parallel_loop3A_3698, %parallel_loop3A_3699 : vector<16xf32>
        %parallel_loop3A_3704 = arith.maximumf %parallel_loop3A_3700, %parallel_loop3A_3701 : vector<16xf32>
        %parallel_loop3A_3705 = arith.maximumf %parallel_loop3A_3702, %parallel_loop3A_3703 : vector<16xf32>
        %parallel_loop3A_3706 = arith.maximumf %parallel_loop3A_3704, %parallel_loop3A_3705 : vector<16xf32>
        %parallel_loop3A_3707 = arith.constant 16 : i32
        %parallel_loop3A_3708 = arith.muli %parallel_loop3A_3579, %parallel_loop3A_3707 : i32
        %parallel_loop3A_3709 = arith.index_cast %parallel_loop3A_3708 : i32 to index
        %parallel_loop3A_3710 = tpu.vector_load %arg6[%parallel_loop3A_3709] {strides = array<i32>} : memref<512xf32, #tpu.memory_space<vmem>>, vector<16xf32>,
        tpu.vector_store %arg6[%parallel_loop3A_3709], %parallel_loop3A_3706 {strides = array<i32>} : memref<512xf32, #tpu.memory_space<vmem>>, vector<16xf32>,
      } {sc.loop_unroll_factor = 2 : i64, sc.parallel_access}
      %get3A = arith.constant 0 : index
      %get3A_83 = tpu.vector_load %arg6[%get3A] {strides = array<i32>} : memref<512xf32, #tpu.memory_space<vmem>>, vector<16xf32>,
      %get3A_84 = arith.constant 16 : index
      %get3A_85 = tpu.vector_load %arg6[%get3A_84] {strides = array<i32>} : memref<512xf32, #tpu.memory_space<vmem>>, vector<16xf32>,
      %get3A_86 = arith.constant 32 : index
      %get3A_87 = tpu.vector_load %arg6[%get3A_86] {strides = array<i32>} : memref<512xf32, #tpu.memory_space<vmem>>, vector<16xf32>,
      %get3A_88 = arith.constant 48 : index
      %get3A_89 = tpu.vector_load %arg6[%get3A_88] {strides = array<i32>} : memref<512xf32, #tpu.memory_space<vmem>>, vector<16xf32>,
      %get3A_90 = arith.constant 64 : index
      %get3A_91 = tpu.vector_load %arg6[%get3A_90] {strides = array<i32>} : memref<512xf32, #tpu.memory_space<vmem>>, vector<16xf32>,
      %get3A_92 = arith.constant 80 : index
      %get3A_93 = tpu.vector_load %arg6[%get3A_92] {strides = array<i32>} : memref<512xf32, #tpu.memory_space<vmem>>, vector<16xf32>,
      %get3A_94 = arith.constant 96 : index
      %get3A_95 = tpu.vector_load %arg6[%get3A_94] {strides = array<i32>} : memref<512xf32, #tpu.memory_space<vmem>>, vector<16xf32>,
      %get3A_96 = arith.constant 112 : index
      %get3A_97 = tpu.vector_load %arg6[%get3A_96] {strides = array<i32>} : memref<512xf32, #tpu.memory_space<vmem>>, vector<16xf32>,
      %get3A_98 = arith.constant 128 : index
      %get3A_99 = tpu.vector_load %arg6[%get3A_98] {strides = array<i32>} : memref<512xf32, #tpu.memory_space<vmem>>, vector<16xf32>,
      %get3A_100 = arith.constant 144 : index
      %get3A_101 = tpu.vector_load %arg6[%get3A_100] {strides = array<i32>} : memref<512xf32, #tpu.memory_space<vmem>>, vector<16xf32>,
      %get3A_102 = arith.constant 160 : index
      %get3A_103 = tpu.vector_load %arg6[%get3A_102] {strides = array<i32>} : memref<512xf32, #tpu.memory_space<vmem>>, vector<16xf32>,
      %get3A_104 = arith.constant 176 : index
      %get3A_105 = tpu.vector_load %arg6[%get3A_104] {strides = array<i32>} : memref<512xf32, #tpu.memory_space<vmem>>, vector<16xf32>,
      %get3A_106 = arith.constant 192 : index
      %get3A_107 = tpu.vector_load %arg6[%get3A_106] {strides = array<i32>} : memref<512xf32, #tpu.memory_space<vmem>>, vector<16xf32>,
      %get3A_108 = arith.constant 208 : index
      %get3A_109 = tpu.vector_load %arg6[%get3A_108] {strides = array<i32>} : memref<512xf32, #tpu.memory_space<vmem>>, vector<16xf32>,
      %get3A_110 = arith.constant 224 : index
      %get3A_111 = tpu.vector_load %arg6[%get3A_110] {strides = array<i32>} : memref<512xf32, #tpu.memory_space<vmem>>, vector<16xf32>,
      %get3A_112 = arith.constant 240 : index
      %get3A_113 = tpu.vector_load %arg6[%get3A_112] {strides = array<i32>} : memref<512xf32, #tpu.memory_space<vmem>>, vector<16xf32>,
      %get3A_114 = arith.constant 256 : index
      %get3A_115 = tpu.vector_load %arg6[%get3A_114] {strides = array<i32>} : memref<512xf32, #tpu.memory_space<vmem>>, vector<16xf32>,
      %get3A_116 = arith.constant 272 : index
      %get3A_117 = tpu.vector_load %arg6[%get3A_116] {strides = array<i32>} : memref<512xf32, #tpu.memory_space<vmem>>, vector<16xf32>,
      %get3A_118 = arith.constant 288 : index
      %get3A_119 = tpu.vector_load %arg6[%get3A_118] {strides = array<i32>} : memref<512xf32, #tpu.memory_space<vmem>>, vector<16xf32>,
      %get3A_120 = arith.constant 304 : index
      %get3A_121 = tpu.vector_load %arg6[%get3A_120] {strides = array<i32>} : memref<512xf32, #tpu.memory_space<vmem>>, vector<16xf32>,
      %get3A_122 = arith.constant 320 : index
      %get3A_123 = tpu.vector_load %arg6[%get3A_122] {strides = array<i32>} : memref<512xf32, #tpu.memory_space<vmem>>, vector<16xf32>,
      %get3A_124 = arith.constant 336 : index
      %get3A_125 = tpu.vector_load %arg6[%get3A_124] {strides = array<i32>} : memref<512xf32, #tpu.memory_space<vmem>>, vector<16xf32>,
      %get3A_126 = arith.constant 352 : index
      %get3A_127 = tpu.vector_load %arg6[%get3A_126] {strides = array<i32>} : memref<512xf32, #tpu.memory_space<vmem>>, vector<16xf32>,
      %get3A_128 = arith.constant 368 : index
      %get3A_129 = tpu.vector_load %arg6[%get3A_128] {strides = array<i32>} : memref<512xf32, #tpu.memory_space<vmem>>, vector<16xf32>,
      %get3A_130 = arith.constant 384 : index
      %get3A_131 = tpu.vector_load %arg6[%get3A_130] {strides = array<i32>} : memref<512xf32, #tpu.memory_space<vmem>>, vector<16xf32>,
      %get3A_132 = arith.constant 400 : index
      %get3A_133 = tpu.vector_load %arg6[%get3A_132] {strides = array<i32>} : memref<512xf32, #tpu.memory_space<vmem>>, vector<16xf32>,
      %get3A_134 = arith.constant 416 : index
      %get3A_135 = tpu.vector_load %arg6[%get3A_134] {strides = array<i32>} : memref<512xf32, #tpu.memory_space<vmem>>, vector<16xf32>,
      %get3A_136 = arith.constant 432 : index
      %get3A_137 = tpu.vector_load %arg6[%get3A_136] {strides = array<i32>} : memref<512xf32, #tpu.memory_space<vmem>>, vector<16xf32>,
      %get3A_138 = arith.constant 448 : index
      %get3A_139 = tpu.vector_load %arg6[%get3A_138] {strides = array<i32>} : memref<512xf32, #tpu.memory_space<vmem>>, vector<16xf32>,
      %get3A_140 = arith.constant 464 : index
      %get3A_141 = tpu.vector_load %arg6[%get3A_140] {strides = array<i32>} : memref<512xf32, #tpu.memory_space<vmem>>, vector<16xf32>,
      %get3A_142 = arith.constant 480 : index
      %get3A_143 = tpu.vector_load %arg6[%get3A_142] {strides = array<i32>} : memref<512xf32, #tpu.memory_space<vmem>>, vector<16xf32>,
      %get3A_144 = arith.constant 496 : index
      %get3A_145 = tpu.vector_load %arg6[%get3A_144] {strides = array<i32>} : memref<512xf32, #tpu.memory_space<vmem>>, vector<16xf32>,
      %masked_sort3A = arith.constant dense<true> : vector<16xi1>
      %masked_sort3A_146, %masked_sort3A_147, %masked_sort3A_148 = tpu.sort %get3A_83, %get3A_83 masked %masked_sort3A {descending = true} : (vector<16xf32>, vector<16xf32>, vector<16xi1>) -> (vector<16xi1>, vector<16xf32>, vector<16xf32>)
      %masked_sort3A_149 = arith.constant dense<true> : vector<16xi1>
      %masked_sort3A_150, %masked_sort3A_151, %masked_sort3A_152 = tpu.sort %get3A_85, %get3A_85 masked %masked_sort3A_149 {descending = true} : (vector<16xf32>, vector<16xf32>, vector<16xi1>) -> (vector<16xi1>, vector<16xf32>, vector<16xf32>)
      %rev3A = arith.constant 15 : i32
      %rev3A_153 = vector.broadcast %rev3A : i32 to vector<16xi32>
      %rev3A_154 = tpu.iota {dimensions = array<i32: 0>} : vector<16xi32>
      %rev3A_155 = arith.subi %rev3A_153, %rev3A_154 : vector<16xi32>
      %rev3A_156 = tpu.dynamic_gather %masked_sort3A_151[%rev3A_155] in [0] : vector<16xf32>, vector<16xi32> -> vector<16xf32>
      %max3A = arith.maximumf %masked_sort3A_147, %rev3A_156 : vector<16xf32>
      %min3A = arith.minimumf %masked_sort3A_147, %rev3A_156 : vector<16xf32>
      %masked_sort3A_157 = arith.constant dense<true> : vector<16xi1>
      %masked_sort3A_158, %masked_sort3A_159, %masked_sort3A_160 = tpu.sort %max3A, %max3A masked %masked_sort3A_157 {descending = true} : (vector<16xf32>, vector<16xf32>, vector<16xi1>) -> (vector<16xi1>, vector<16xf32>, vector<16xf32>)
      %masked_sort3A_161 = arith.constant dense<true> : vector<16xi1>
      %masked_sort3A_162, %masked_sort3A_163, %masked_sort3A_164 = tpu.sort %min3A, %min3A masked %masked_sort3A_161 {descending = true} : (vector<16xf32>, vector<16xf32>, vector<16xi1>) -> (vector<16xi1>, vector<16xf32>, vector<16xf32>)
      %masked_sort3A_165 = arith.constant dense<true> : vector<16xi1>
      %masked_sort3A_166, %masked_sort3A_167, %masked_sort3A_168 = tpu.sort %get3A_87, %get3A_87 masked %masked_sort3A_165 {descending = true} : (vector<16xf32>, vector<16xf32>, vector<16xi1>) -> (vector<16xi1>, vector<16xf32>, vector<16xf32>)
      %masked_sort3A_169 = arith.constant dense<true> : vector<16xi1>
      %masked_sort3A_170, %masked_sort3A_171, %masked_sort3A_172 = tpu.sort %get3A_89, %get3A_89 masked %masked_sort3A_169 {descending = true} : (vector<16xf32>, vector<16xf32>, vector<16xi1>) -> (vector<16xi1>, vector<16xf32>, vector<16xf32>)
      %rev3A_173 = arith.constant 15 : i32
      %rev3A_174 = vector.broadcast %rev3A_173 : i32 to vector<16xi32>
      %rev3A_175 = tpu.iota {dimensions = array<i32: 0>} : vector<16xi32>
      %rev3A_176 = arith.subi %rev3A_174, %rev3A_175 : vector<16xi32>
      %rev3A_177 = tpu.dynamic_gather %masked_sort3A_171[%rev3A_176] in [0] : vector<16xf32>, vector<16xi32> -> vector<16xf32>
      %max3A_178 = arith.maximumf %masked_sort3A_167, %rev3A_177 : vector<16xf32>
      %min3A_179 = arith.minimumf %masked_sort3A_167, %rev3A_177 : vector<16xf32>
      %masked_sort3A_180 = arith.constant dense<true> : vector<16xi1>
      %masked_sort3A_181, %masked_sort3A_182, %masked_sort3A_183 = tpu.sort %max3A_178, %max3A_178 masked %masked_sort3A_180 {descending = true} : (vector<16xf32>, vector<16xf32>, vector<16xi1>) -> (vector<16xi1>, vector<16xf32>, vector<16xf32>)
      %masked_sort3A_184 = arith.constant dense<true> : vector<16xi1>
      %masked_sort3A_185, %masked_sort3A_186, %masked_sort3A_187 = tpu.sort %min3A_179, %min3A_179 masked %masked_sort3A_184 {descending = true} : (vector<16xf32>, vector<16xf32>, vector<16xi1>) -> (vector<16xi1>, vector<16xf32>, vector<16xf32>)
      %rev3A_188 = arith.constant 15 : i32
      %rev3A_189 = vector.broadcast %rev3A_188 : i32 to vector<16xi32>
      %rev3A_190 = tpu.iota {dimensions = array<i32: 0>} : vector<16xi32>
      %rev3A_191 = arith.subi %rev3A_189, %rev3A_190 : vector<16xi32>
      %rev3A_192 = tpu.dynamic_gather %masked_sort3A_186[%rev3A_191] in [0] : vector<16xf32>, vector<16xi32> -> vector<16xf32>
      %rev3A_193 = arith.constant 15 : i32
      %rev3A_194 = vector.broadcast %rev3A_193 : i32 to vector<16xi32>
      %rev3A_195 = tpu.iota {dimensions = array<i32: 0>} : vector<16xi32>
      %rev3A_196 = arith.subi %rev3A_194, %rev3A_195 : vector<16xi32>
      %rev3A_197 = tpu.dynamic_gather %masked_sort3A_182[%rev3A_196] in [0] : vector<16xf32>, vector<16xi32> -> vector<16xf32>
      %max3A_198 = arith.maximumf %masked_sort3A_159, %rev3A_192 : vector<16xf32>
      %min3A_199 = arith.minimumf %masked_sort3A_159, %rev3A_192 : vector<16xf32>
      %max3A_200 = arith.maximumf %masked_sort3A_163, %rev3A_197 : vector<16xf32>
      %min3A_201 = arith.minimumf %masked_sort3A_163, %rev3A_197 : vector<16xf32>
      %max3A_202 = arith.maximumf %max3A_198, %max3A_200 : vector<16xf32>
      %min3A_203 = arith.minimumf %max3A_198, %max3A_200 : vector<16xf32>
      %masked_sort3A_204 = arith.constant dense<true> : vector<16xi1>
      %masked_sort3A_205, %masked_sort3A_206, %masked_sort3A_207 = tpu.sort %max3A_202, %max3A_202 masked %masked_sort3A_204 {descending = true} : (vector<16xf32>, vector<16xf32>, vector<16xi1>) -> (vector<16xi1>, vector<16xf32>, vector<16xf32>)
      %masked_sort3A_208 = arith.constant dense<true> : vector<16xi1>
      %masked_sort3A_209, %masked_sort3A_210, %masked_sort3A_211 = tpu.sort %min3A_203, %min3A_203 masked %masked_sort3A_208 {descending = true} : (vector<16xf32>, vector<16xf32>, vector<16xi1>) -> (vector<16xi1>, vector<16xf32>, vector<16xf32>)
      %max3A_212 = arith.maximumf %min3A_199, %min3A_201 : vector<16xf32>
      %min3A_213 = arith.minimumf %min3A_199, %min3A_201 : vector<16xf32>
      %masked_sort3A_214 = arith.constant dense<true> : vector<16xi1>
      %masked_sort3A_215, %masked_sort3A_216, %masked_sort3A_217 = tpu.sort %max3A_212, %max3A_212 masked %masked_sort3A_214 {descending = true} : (vector<16xf32>, vector<16xf32>, vector<16xi1>) -> (vector<16xi1>, vector<16xf32>, vector<16xf32>)
      %masked_sort3A_218 = arith.constant dense<true> : vector<16xi1>
      %masked_sort3A_219, %masked_sort3A_220, %masked_sort3A_221 = tpu.sort %min3A_213, %min3A_213 masked %masked_sort3A_218 {descending = true} : (vector<16xf32>, vector<16xf32>, vector<16xi1>) -> (vector<16xi1>, vector<16xf32>, vector<16xf32>)
      %masked_sort3A_222 = arith.constant dense<true> : vector<16xi1>
      %masked_sort3A_223, %masked_sort3A_224, %masked_sort3A_225 = tpu.sort %get3A_91, %get3A_91 masked %masked_sort3A_222 {descending = true} : (vector<16xf32>, vector<16xf32>, vector<16xi1>) -> (vector<16xi1>, vector<16xf32>, vector<16xf32>)
      %masked_sort3A_226 = arith.constant dense<true> : vector<16xi1>
      %masked_sort3A_227, %masked_sort3A_228, %masked_sort3A_229 = tpu.sort %get3A_93, %get3A_93 masked %masked_sort3A_226 {descending = true} : (vector<16xf32>, vector<16xf32>, vector<16xi1>) -> (vector<16xi1>, vector<16xf32>, vector<16xf32>)
      %rev3A_230 = arith.constant 15 : i32
      %rev3A_231 = vector.broadcast %rev3A_230 : i32 to vector<16xi32>
      %rev3A_232 = tpu.iota {dimensions = array<i32: 0>} : vector<16xi32>
      %rev3A_233 = arith.subi %rev3A_231, %rev3A_232 : vector<16xi32>
      %rev3A_234 = tpu.dynamic_gather %masked_sort3A_228[%rev3A_233] in [0] : vector<16xf32>, vector<16xi32> -> vector<16xf32>
      %max3A_235 = arith.maximumf %masked_sort3A_224, %rev3A_234 : vector<16xf32>
      %min3A_236 = arith.minimumf %masked_sort3A_224, %rev3A_234 : vector<16xf32>
      %masked_sort3A_237 = arith.constant dense<true> : vector<16xi1>
      %masked_sort3A_238, %masked_sort3A_239, %masked_sort3A_240 = tpu.sort %max3A_235, %max3A_235 masked %masked_sort3A_237 {descending = true} : (vector<16xf32>, vector<16xf32>, vector<16xi1>) -> (vector<16xi1>, vector<16xf32>, vector<16xf32>)
      %masked_sort3A_241 = arith.constant dense<true> : vector<16xi1>
      %masked_sort3A_242, %masked_sort3A_243, %masked_sort3A_244 = tpu.sort %min3A_236, %min3A_236 masked %masked_sort3A_241 {descending = true} : (vector<16xf32>, vector<16xf32>, vector<16xi1>) -> (vector<16xi1>, vector<16xf32>, vector<16xf32>)
      %masked_sort3A_245 = arith.constant dense<true> : vector<16xi1>
      %masked_sort3A_246, %masked_sort3A_247, %masked_sort3A_248 = tpu.sort %get3A_95, %get3A_95 masked %masked_sort3A_245 {descending = true} : (vector<16xf32>, vector<16xf32>, vector<16xi1>) -> (vector<16xi1>, vector<16xf32>, vector<16xf32>)
      %masked_sort3A_249 = arith.constant dense<true> : vector<16xi1>
      %masked_sort3A_250, %masked_sort3A_251, %masked_sort3A_252 = tpu.sort %get3A_97, %get3A_97 masked %masked_sort3A_249 {descending = true} : (vector<16xf32>, vector<16xf32>, vector<16xi1>) -> (vector<16xi1>, vector<16xf32>, vector<16xf32>)
      %rev3A_253 = arith.constant 15 : i32
      %rev3A_254 = vector.broadcast %rev3A_253 : i32 to vector<16xi32>
      %rev3A_255 = tpu.iota {dimensions = array<i32: 0>} : vector<16xi32>
      %rev3A_256 = arith.subi %rev3A_254, %rev3A_255 : vector<16xi32>
      %rev3A_257 = tpu.dynamic_gather %masked_sort3A_251[%rev3A_256] in [0] : vector<16xf32>, vector<16xi32> -> vector<16xf32>
      %max3A_258 = arith.maximumf %masked_sort3A_247, %rev3A_257 : vector<16xf32>
      %min3A_259 = arith.minimumf %masked_sort3A_247, %rev3A_257 : vector<16xf32>
      %masked_sort3A_260 = arith.constant dense<true> : vector<16xi1>
      %masked_sort3A_261, %masked_sort3A_262, %masked_sort3A_263 = tpu.sort %max3A_258, %max3A_258 masked %masked_sort3A_260 {descending = true} : (vector<16xf32>, vector<16xf32>, vector<16xi1>) -> (vector<16xi1>, vector<16xf32>, vector<16xf32>)
      %masked_sort3A_264 = arith.constant dense<true> : vector<16xi1>
      %masked_sort3A_265, %masked_sort3A_266, %masked_sort3A_267 = tpu.sort %min3A_259, %min3A_259 masked %masked_sort3A_264 {descending = true} : (vector<16xf32>, vector<16xf32>, vector<16xi1>) -> (vector<16xi1>, vector<16xf32>, vector<16xf32>)
      %rev3A_268 = arith.constant 15 : i32
      %rev3A_269 = vector.broadcast %rev3A_268 : i32 to vector<16xi32>
      %rev3A_270 = tpu.iota {dimensions = array<i32: 0>} : vector<16xi32>
      %rev3A_271 = arith.subi %rev3A_269, %rev3A_270 : vector<16xi32>
      %rev3A_272 = tpu.dynamic_gather %masked_sort3A_266[%rev3A_271] in [0] : vector<16xf32>, vector<16xi32> -> vector<16xf32>
      %rev3A_273 = arith.constant 15 : i32
      %rev3A_274 = vector.broadcast %rev3A_273 : i32 to vector<16xi32>
      %rev3A_275 = tpu.iota {dimensions = array<i32: 0>} : vector<16xi32>
      %rev3A_276 = arith.subi %rev3A_274, %rev3A_275 : vector<16xi32>
      %rev3A_277 = tpu.dynamic_gather %masked_sort3A_262[%rev3A_276] in [0] : vector<16xf32>, vector<16xi32> -> vector<16xf32>
      %max3A_278 = arith.maximumf %masked_sort3A_239, %rev3A_272 : vector<16xf32>
      %min3A_279 = arith.minimumf %masked_sort3A_239, %rev3A_272 : vector<16xf32>
      %max3A_280 = arith.maximumf %masked_sort3A_243, %rev3A_277 : vector<16xf32>
      %min3A_281 = arith.minimumf %masked_sort3A_243, %rev3A_277 : vector<16xf32>
      %max3A_282 = arith.maximumf %max3A_278, %max3A_280 : vector<16xf32>
      %min3A_283 = arith.minimumf %max3A_278, %max3A_280 : vector<16xf32>
      %masked_sort3A_284 = arith.constant dense<true> : vector<16xi1>
      %masked_sort3A_285, %masked_sort3A_286, %masked_sort3A_287 = tpu.sort %max3A_282, %max3A_282 masked %masked_sort3A_284 {descending = true} : (vector<16xf32>, vector<16xf32>, vector<16xi1>) -> (vector<16xi1>, vector<16xf32>, vector<16xf32>)
      %masked_sort3A_288 = arith.constant dense<true> : vector<16xi1>
      %masked_sort3A_289, %masked_sort3A_290, %masked_sort3A_291 = tpu.sort %min3A_283, %min3A_283 masked %masked_sort3A_288 {descending = true} : (vector<16xf32>, vector<16xf32>, vector<16xi1>) -> (vector<16xi1>, vector<16xf32>, vector<16xf32>)
      %max3A_292 = arith.maximumf %min3A_279, %min3A_281 : vector<16xf32>
      %min3A_293 = arith.minimumf %min3A_279, %min3A_281 : vector<16xf32>
      %masked_sort3A_294 = arith.constant dense<true> : vector<16xi1>
      %masked_sort3A_295, %masked_sort3A_296, %masked_sort3A_297 = tpu.sort %max3A_292, %max3A_292 masked %masked_sort3A_294 {descending = true} : (vector<16xf32>, vector<16xf32>, vector<16xi1>) -> (vector<16xi1>, vector<16xf32>, vector<16xf32>)
      %masked_sort3A_298 = arith.constant dense<true> : vector<16xi1>
      %masked_sort3A_299, %masked_sort3A_300, %masked_sort3A_301 = tpu.sort %min3A_293, %min3A_293 masked %masked_sort3A_298 {descending = true} : (vector<16xf32>, vector<16xf32>, vector<16xi1>) -> (vector<16xi1>, vector<16xf32>, vector<16xf32>)
      %rev3A_302 = arith.constant 15 : i32
      %rev3A_303 = vector.broadcast %rev3A_302 : i32 to vector<16xi32>
      %rev3A_304 = tpu.iota {dimensions = array<i32: 0>} : vector<16xi32>
      %rev3A_305 = arith.subi %rev3A_303, %rev3A_304 : vector<16xi32>
      %rev3A_306 = tpu.dynamic_gather %masked_sort3A_300[%rev3A_305] in [0] : vector<16xf32>, vector<16xi32> -> vector<16xf32>
      %rev3A_307 = arith.constant 15 : i32
      %rev3A_308 = vector.broadcast %rev3A_307 : i32 to vector<16xi32>
      %rev3A_309 = tpu.iota {dimensions = array<i32: 0>} : vector<16xi32>
      %rev3A_310 = arith.subi %rev3A_308, %rev3A_309 : vector<16xi32>
      %rev3A_311 = tpu.dynamic_gather %masked_sort3A_296[%rev3A_310] in [0] : vector<16xf32>, vector<16xi32> -> vector<16xf32>
      %rev3A_312 = arith.constant 15 : i32
      %rev3A_313 = vector.broadcast %rev3A_312 : i32 to vector<16xi32>
      %rev3A_314 = tpu.iota {dimensions = array<i32: 0>} : vector<16xi32>
      %rev3A_315 = arith.subi %rev3A_313, %rev3A_314 : vector<16xi32>
      %rev3A_316 = tpu.dynamic_gather %masked_sort3A_290[%rev3A_315] in [0] : vector<16xf32>, vector<16xi32> -> vector<16xf32>
      %rev3A_317 = arith.constant 15 : i32
      %rev3A_318 = vector.broadcast %rev3A_317 : i32 to vector<16xi32>
      %rev3A_319 = tpu.iota {dimensions = array<i32: 0>} : vector<16xi32>
      %rev3A_320 = arith.subi %rev3A_318, %rev3A_319 : vector<16xi32>
      %rev3A_321 = tpu.dynamic_gather %masked_sort3A_286[%rev3A_320] in [0] : vector<16xf32>, vector<16xi32> -> vector<16xf32>
      %max3A_322 = arith.maximumf %masked_sort3A_206, %rev3A_306 : vector<16xf32>
      %min3A_323 = arith.minimumf %masked_sort3A_206, %rev3A_306 : vector<16xf32>
      %max3A_324 = arith.maximumf %masked_sort3A_210, %rev3A_311 : vector<16xf32>
      %min3A_325 = arith.minimumf %masked_sort3A_210, %rev3A_311 : vector<16xf32>
      %max3A_326 = arith.maximumf %masked_sort3A_216, %rev3A_316 : vector<16xf32>
      %min3A_327 = arith.minimumf %masked_sort3A_216, %rev3A_316 : vector<16xf32>
      %max3A_328 = arith.maximumf %masked_sort3A_220, %rev3A_321 : vector<16xf32>
      %min3A_329 = arith.minimumf %masked_sort3A_220, %rev3A_321 : vector<16xf32>
      %max3A_330 = arith.maximumf %max3A_322, %max3A_326 : vector<16xf32>
      %min3A_331 = arith.minimumf %max3A_322, %max3A_326 : vector<16xf32>
      %max3A_332 = arith.maximumf %max3A_324, %max3A_328 : vector<16xf32>
      %min3A_333 = arith.minimumf %max3A_324, %max3A_328 : vector<16xf32>
      %max3A_334 = arith.maximumf %max3A_330, %max3A_332 : vector<16xf32>
      %min3A_335 = arith.minimumf %max3A_330, %max3A_332 : vector<16xf32>
      %masked_sort3A_336 = arith.constant dense<true> : vector<16xi1>
      %masked_sort3A_337, %masked_sort3A_338, %masked_sort3A_339 = tpu.sort %max3A_334, %max3A_334 masked %masked_sort3A_336 {descending = true} : (vector<16xf32>, vector<16xf32>, vector<16xi1>) -> (vector<16xi1>, vector<16xf32>, vector<16xf32>)
      %masked_sort3A_340 = arith.constant dense<true> : vector<16xi1>
      %masked_sort3A_341, %masked_sort3A_342, %masked_sort3A_343 = tpu.sort %min3A_335, %min3A_335 masked %masked_sort3A_340 {descending = true} : (vector<16xf32>, vector<16xf32>, vector<16xi1>) -> (vector<16xi1>, vector<16xf32>, vector<16xf32>)
      %max3A_344 = arith.maximumf %min3A_331, %min3A_333 : vector<16xf32>
      %min3A_345 = arith.minimumf %min3A_331, %min3A_333 : vector<16xf32>
      %masked_sort3A_346 = arith.constant dense<true> : vector<16xi1>
      %masked_sort3A_347, %masked_sort3A_348, %masked_sort3A_349 = tpu.sort %max3A_344, %max3A_344 masked %masked_sort3A_346 {descending = true} : (vector<16xf32>, vector<16xf32>, vector<16xi1>) -> (vector<16xi1>, vector<16xf32>, vector<16xf32>)
      %masked_sort3A_350 = arith.constant dense<true> : vector<16xi1>
      %masked_sort3A_351, %masked_sort3A_352, %masked_sort3A_353 = tpu.sort %min3A_345, %min3A_345 masked %masked_sort3A_350 {descending = true} : (vector<16xf32>, vector<16xf32>, vector<16xi1>) -> (vector<16xi1>, vector<16xf32>, vector<16xf32>)
      %max3A_354 = arith.maximumf %min3A_323, %min3A_327 : vector<16xf32>
      %min3A_355 = arith.minimumf %min3A_323, %min3A_327 : vector<16xf32>
      %max3A_356 = arith.maximumf %min3A_325, %min3A_329 : vector<16xf32>
      %min3A_357 = arith.minimumf %min3A_325, %min3A_329 : vector<16xf32>
      %max3A_358 = arith.maximumf %max3A_354, %max3A_356 : vector<16xf32>
      %min3A_359 = arith.minimumf %max3A_354, %max3A_356 : vector<16xf32>
      %masked_sort3A_360 = arith.constant dense<true> : vector<16xi1>
      %masked_sort3A_361, %masked_sort3A_362, %masked_sort3A_363 = tpu.sort %max3A_358, %max3A_358 masked %masked_sort3A_360 {descending = true} : (vector<16xf32>, vector<16xf32>, vector<16xi1>) -> (vector<16xi1>, vector<16xf32>, vector<16xf32>)
      %masked_sort3A_364 = arith.constant dense<true> : vector<16xi1>
      %masked_sort3A_365, %masked_sort3A_366, %masked_sort3A_367 = tpu.sort %min3A_359, %min3A_359 masked %masked_sort3A_364 {descending = true} : (vector<16xf32>, vector<16xf32>, vector<16xi1>) -> (vector<16xi1>, vector<16xf32>, vector<16xf32>)
      %max3A_368 = arith.maximumf %min3A_355, %min3A_357 : vector<16xf32>
      %min3A_369 = arith.minimumf %min3A_355, %min3A_357 : vector<16xf32>
      %masked_sort3A_370 = arith.constant dense<true> : vector<16xi1>
      %masked_sort3A_371, %masked_sort3A_372, %masked_sort3A_373 = tpu.sort %max3A_368, %max3A_368 masked %masked_sort3A_370 {descending = true} : (vector<16xf32>, vector<16xf32>, vector<16xi1>) -> (vector<16xi1>, vector<16xf32>, vector<16xf32>)
      %masked_sort3A_374 = arith.constant dense<true> : vector<16xi1>
      %masked_sort3A_375, %masked_sort3A_376, %masked_sort3A_377 = tpu.sort %min3A_369, %min3A_369 masked %masked_sort3A_374 {descending = true} : (vector<16xf32>, vector<16xf32>, vector<16xi1>) -> (vector<16xi1>, vector<16xf32>, vector<16xf32>)
      %masked_sort3A_378 = arith.constant dense<true> : vector<16xi1>
      %masked_sort3A_379, %masked_sort3A_380, %masked_sort3A_381 = tpu.sort %get3A_99, %get3A_99 masked %masked_sort3A_378 {descending = true} : (vector<16xf32>, vector<16xf32>, vector<16xi1>) -> (vector<16xi1>, vector<16xf32>, vector<16xf32>)
      %masked_sort3A_382 = arith.constant dense<true> : vector<16xi1>
      %masked_sort3A_383, %masked_sort3A_384, %masked_sort3A_385 = tpu.sort %get3A_101, %get3A_101 masked %masked_sort3A_382 {descending = true} : (vector<16xf32>, vector<16xf32>, vector<16xi1>) -> (vector<16xi1>, vector<16xf32>, vector<16xf32>)
      %rev3A_386 = arith.constant 15 : i32
      %rev3A_387 = vector.broadcast %rev3A_386 : i32 to vector<16xi32>
      %rev3A_388 = tpu.iota {dimensions = array<i32: 0>} : vector<16xi32>
      %rev3A_389 = arith.subi %rev3A_387, %rev3A_388 : vector<16xi32>
      %rev3A_390 = tpu.dynamic_gather %masked_sort3A_384[%rev3A_389] in [0] : vector<16xf32>, vector<16xi32> -> vector<16xf32>
      %max3A_391 = arith.maximumf %masked_sort3A_380, %rev3A_390 : vector<16xf32>
      %min3A_392 = arith.minimumf %masked_sort3A_380, %rev3A_390 : vector<16xf32>
      %masked_sort3A_393 = arith.constant dense<true> : vector<16xi1>
      %masked_sort3A_394, %masked_sort3A_395, %masked_sort3A_396 = tpu.sort %max3A_391, %max3A_391 masked %masked_sort3A_393 {descending = true} : (vector<16xf32>, vector<16xf32>, vector<16xi1>) -> (vector<16xi1>, vector<16xf32>, vector<16xf32>)
      %masked_sort3A_397 = arith.constant dense<true> : vector<16xi1>
      %masked_sort3A_398, %masked_sort3A_399, %masked_sort3A_400 = tpu.sort %min3A_392, %min3A_392 masked %masked_sort3A_397 {descending = true} : (vector<16xf32>, vector<16xf32>, vector<16xi1>) -> (vector<16xi1>, vector<16xf32>, vector<16xf32>)
      %masked_sort3A_401 = arith.constant dense<true> : vector<16xi1>
      %masked_sort3A_402, %masked_sort3A_403, %masked_sort3A_404 = tpu.sort %get3A_103, %get3A_103 masked %masked_sort3A_401 {descending = true} : (vector<16xf32>, vector<16xf32>, vector<16xi1>) -> (vector<16xi1>, vector<16xf32>, vector<16xf32>)
      %masked_sort3A_405 = arith.constant dense<true> : vector<16xi1>
      %masked_sort3A_406, %masked_sort3A_407, %masked_sort3A_408 = tpu.sort %get3A_105, %get3A_105 masked %masked_sort3A_405 {descending = true} : (vector<16xf32>, vector<16xf32>, vector<16xi1>) -> (vector<16xi1>, vector<16xf32>, vector<16xf32>)
      %rev3A_409 = arith.constant 15 : i32
      %rev3A_410 = vector.broadcast %rev3A_409 : i32 to vector<16xi32>
      %rev3A_411 = tpu.iota {dimensions = array<i32: 0>} : vector<16xi32>
      %rev3A_412 = arith.subi %rev3A_410, %rev3A_411 : vector<16xi32>
      %rev3A_413 = tpu.dynamic_gather %masked_sort3A_407[%rev3A_412] in [0] : vector<16xf32>, vector<16xi32> -> vector<16xf32>
      %max3A_414 = arith.maximumf %masked_sort3A_403, %rev3A_413 : vector<16xf32>
      %min3A_415 = arith.minimumf %masked_sort3A_403, %rev3A_413 : vector<16xf32>
      %masked_sort3A_416 = arith.constant dense<true> : vector<16xi1>
      %masked_sort3A_417, %masked_sort3A_418, %masked_sort3A_419 = tpu.sort %max3A_414, %max3A_414 masked %masked_sort3A_416 {descending = true} : (vector<16xf32>, vector<16xf32>, vector<16xi1>) -> (vector<16xi1>, vector<16xf32>, vector<16xf32>)
      %masked_sort3A_420 = arith.constant dense<true> : vector<16xi1>
      %masked_sort3A_421, %masked_sort3A_422, %masked_sort3A_423 = tpu.sort %min3A_415, %min3A_415 masked %masked_sort3A_420 {descending = true} : (vector<16xf32>, vector<16xf32>, vector<16xi1>) -> (vector<16xi1>, vector<16xf32>, vector<16xf32>)
      %rev3A_424 = arith.constant 15 : i32
      %rev3A_425 = vector.broadcast %rev3A_424 : i32 to vector<16xi32>
      %rev3A_426 = tpu.iota {dimensions = array<i32: 0>} : vector<16xi32>
      %rev3A_427 = arith.subi %rev3A_425, %rev3A_426 : vector<16xi32>
      %rev3A_428 = tpu.dynamic_gather %masked_sort3A_422[%rev3A_427] in [0] : vector<16xf32>, vector<16xi32> -> vector<16xf32>
      %rev3A_429 = arith.constant 15 : i32
      %rev3A_430 = vector.broadcast %rev3A_429 : i32 to vector<16xi32>
      %rev3A_431 = tpu.iota {dimensions = array<i32: 0>} : vector<16xi32>
      %rev3A_432 = arith.subi %rev3A_430, %rev3A_431 : vector<16xi32>
      %rev3A_433 = tpu.dynamic_gather %masked_sort3A_418[%rev3A_432] in [0] : vector<16xf32>, vector<16xi32> -> vector<16xf32>
      %max3A_434 = arith.maximumf %masked_sort3A_395, %rev3A_428 : vector<16xf32>
      %min3A_435 = arith.minimumf %masked_sort3A_395, %rev3A_428 : vector<16xf32>
      %max3A_436 = arith.maximumf %masked_sort3A_399, %rev3A_433 : vector<16xf32>
      %min3A_437 = arith.minimumf %masked_sort3A_399, %rev3A_433 : vector<16xf32>
      %max3A_438 = arith.maximumf %max3A_434, %max3A_436 : vector<16xf32>
      %min3A_439 = arith.minimumf %max3A_434, %max3A_436 : vector<16xf32>
      %masked_sort3A_440 = arith.constant dense<true> : vector<16xi1>
      %masked_sort3A_441, %masked_sort3A_442, %masked_sort3A_443 = tpu.sort %max3A_438, %max3A_438 masked %masked_sort3A_440 {descending = true} : (vector<16xf32>, vector<16xf32>, vector<16xi1>) -> (vector<16xi1>, vector<16xf32>, vector<16xf32>)
      %masked_sort3A_444 = arith.constant dense<true> : vector<16xi1>
      %masked_sort3A_445, %masked_sort3A_446, %masked_sort3A_447 = tpu.sort %min3A_439, %min3A_439 masked %masked_sort3A_444 {descending = true} : (vector<16xf32>, vector<16xf32>, vector<16xi1>) -> (vector<16xi1>, vector<16xf32>, vector<16xf32>)
      %max3A_448 = arith.maximumf %min3A_435, %min3A_437 : vector<16xf32>
      %min3A_449 = arith.minimumf %min3A_435, %min3A_437 : vector<16xf32>
      %masked_sort3A_450 = arith.constant dense<true> : vector<16xi1>
      %masked_sort3A_451, %masked_sort3A_452, %masked_sort3A_453 = tpu.sort %max3A_448, %max3A_448 masked %masked_sort3A_450 {descending = true} : (vector<16xf32>, vector<16xf32>, vector<16xi1>) -> (vector<16xi1>, vector<16xf32>, vector<16xf32>)
      %masked_sort3A_454 = arith.constant dense<true> : vector<16xi1>
      %masked_sort3A_455, %masked_sort3A_456, %masked_sort3A_457 = tpu.sort %min3A_449, %min3A_449 masked %masked_sort3A_454 {descending = true} : (vector<16xf32>, vector<16xf32>, vector<16xi1>) -> (vector<16xi1>, vector<16xf32>, vector<16xf32>)
      %masked_sort3A_458 = arith.constant dense<true> : vector<16xi1>
      %masked_sort3A_459, %masked_sort3A_460, %masked_sort3A_461 = tpu.sort %get3A_107, %get3A_107 masked %masked_sort3A_458 {descending = true} : (vector<16xf32>, vector<16xf32>, vector<16xi1>) -> (vector<16xi1>, vector<16xf32>, vector<16xf32>)
      %masked_sort3A_462 = arith.constant dense<true> : vector<16xi1>
      %masked_sort3A_463, %masked_sort3A_464, %masked_sort3A_465 = tpu.sort %get3A_109, %get3A_109 masked %masked_sort3A_462 {descending = true} : (vector<16xf32>, vector<16xf32>, vector<16xi1>) -> (vector<16xi1>, vector<16xf32>, vector<16xf32>)
      %rev3A_466 = arith.constant 15 : i32
      %rev3A_467 = vector.broadcast %rev3A_466 : i32 to vector<16xi32>
      %rev3A_468 = tpu.iota {dimensions = array<i32: 0>} : vector<16xi32>
      %rev3A_469 = arith.subi %rev3A_467, %rev3A_468 : vector<16xi32>
      %rev3A_470 = tpu.dynamic_gather %masked_sort3A_464[%rev3A_469] in [0] : vector<16xf32>, vector<16xi32> -> vector<16xf32>
      %max3A_471 = arith.maximumf %masked_sort3A_460, %rev3A_470 : vector<16xf32>
      %min3A_472 = arith.minimumf %masked_sort3A_460, %rev3A_470 : vector<16xf32>
      %masked_sort3A_473 = arith.constant dense<true> : vector<16xi1>
      %masked_sort3A_474, %masked_sort3A_475, %masked_sort3A_476 = tpu.sort %max3A_471, %max3A_471 masked %masked_sort3A_473 {descending = true} : (vector<16xf32>, vector<16xf32>, vector<16xi1>) -> (vector<16xi1>, vector<16xf32>, vector<16xf32>)
      %masked_sort3A_477 = arith.constant dense<true> : vector<16xi1>
      %masked_sort3A_478, %masked_sort3A_479, %masked_sort3A_480 = tpu.sort %min3A_472, %min3A_472 masked %masked_sort3A_477 {descending = true} : (vector<16xf32>, vector<16xf32>, vector<16xi1>) -> (vector<16xi1>, vector<16xf32>, vector<16xf32>)
      %masked_sort3A_481 = arith.constant dense<true> : vector<16xi1>
      %masked_sort3A_482, %masked_sort3A_483, %masked_sort3A_484 = tpu.sort %get3A_111, %get3A_111 masked %masked_sort3A_481 {descending = true} : (vector<16xf32>, vector<16xf32>, vector<16xi1>) -> (vector<16xi1>, vector<16xf32>, vector<16xf32>)
      %masked_sort3A_485 = arith.constant dense<true> : vector<16xi1>
      %masked_sort3A_486, %masked_sort3A_487, %masked_sort3A_488 = tpu.sort %get3A_113, %get3A_113 masked %masked_sort3A_485 {descending = true} : (vector<16xf32>, vector<16xf32>, vector<16xi1>) -> (vector<16xi1>, vector<16xf32>, vector<16xf32>)
      %rev3A_489 = arith.constant 15 : i32
      %rev3A_490 = vector.broadcast %rev3A_489 : i32 to vector<16xi32>
      %rev3A_491 = tpu.iota {dimensions = array<i32: 0>} : vector<16xi32>
      %rev3A_492 = arith.subi %rev3A_490, %rev3A_491 : vector<16xi32>
      %rev3A_493 = tpu.dynamic_gather %masked_sort3A_487[%rev3A_492] in [0] : vector<16xf32>, vector<16xi32> -> vector<16xf32>
      %max3A_494 = arith.maximumf %masked_sort3A_483, %rev3A_493 : vector<16xf32>
      %min3A_495 = arith.minimumf %masked_sort3A_483, %rev3A_493 : vector<16xf32>
      %masked_sort3A_496 = arith.constant dense<true> : vector<16xi1>
      %masked_sort3A_497, %masked_sort3A_498, %masked_sort3A_499 = tpu.sort %max3A_494, %max3A_494 masked %masked_sort3A_496 {descending = true} : (vector<16xf32>, vector<16xf32>, vector<16xi1>) -> (vector<16xi1>, vector<16xf32>, vector<16xf32>)
      %masked_sort3A_500 = arith.constant dense<true> : vector<16xi1>
      %masked_sort3A_501, %masked_sort3A_502, %masked_sort3A_503 = tpu.sort %min3A_495, %min3A_495 masked %masked_sort3A_500 {descending = true} : (vector<16xf32>, vector<16xf32>, vector<16xi1>) -> (vector<16xi1>, vector<16xf32>, vector<16xf32>)
      %rev3A_504 = arith.constant 15 : i32
      %rev3A_505 = vector.broadcast %rev3A_504 : i32 to vector<16xi32>
      %rev3A_506 = tpu.iota {dimensions = array<i32: 0>} : vector<16xi32>
      %rev3A_507 = arith.subi %rev3A_505, %rev3A_506 : vector<16xi32>
      %rev3A_508 = tpu.dynamic_gather %masked_sort3A_502[%rev3A_507] in [0] : vector<16xf32>, vector<16xi32> -> vector<16xf32>
      %rev3A_509 = arith.constant 15 : i32
      %rev3A_510 = vector.broadcast %rev3A_509 : i32 to vector<16xi32>
      %rev3A_511 = tpu.iota {dimensions = array<i32: 0>} : vector<16xi32>
      %rev3A_512 = arith.subi %rev3A_510, %rev3A_511 : vector<16xi32>
      %rev3A_513 = tpu.dynamic_gather %masked_sort3A_498[%rev3A_512] in [0] : vector<16xf32>, vector<16xi32> -> vector<16xf32>
      %max3A_514 = arith.maximumf %masked_sort3A_475, %rev3A_508 : vector<16xf32>
      %min3A_515 = arith.minimumf %masked_sort3A_475, %rev3A_508 : vector<16xf32>
      %max3A_516 = arith.maximumf %masked_sort3A_479, %rev3A_513 : vector<16xf32>
      %min3A_517 = arith.minimumf %masked_sort3A_479, %rev3A_513 : vector<16xf32>
      %max3A_518 = arith.maximumf %max3A_514, %max3A_516 : vector<16xf32>
      %min3A_519 = arith.minimumf %max3A_514, %max3A_516 : vector<16xf32>
      %masked_sort3A_520 = arith.constant dense<true> : vector<16xi1>
      %masked_sort3A_521, %masked_sort3A_522, %masked_sort3A_523 = tpu.sort %max3A_518, %max3A_518 masked %masked_sort3A_520 {descending = true} : (vector<16xf32>, vector<16xf32>, vector<16xi1>) -> (vector<16xi1>, vector<16xf32>, vector<16xf32>)
      %masked_sort3A_524 = arith.constant dense<true> : vector<16xi1>
      %masked_sort3A_525, %masked_sort3A_526, %masked_sort3A_527 = tpu.sort %min3A_519, %min3A_519 masked %masked_sort3A_524 {descending = true} : (vector<16xf32>, vector<16xf32>, vector<16xi1>) -> (vector<16xi1>, vector<16xf32>, vector<16xf32>)
      %max3A_528 = arith.maximumf %min3A_515, %min3A_517 : vector<16xf32>
      %min3A_529 = arith.minimumf %min3A_515, %min3A_517 : vector<16xf32>
      %masked_sort3A_530 = arith.constant dense<true> : vector<16xi1>
      %masked_sort3A_531, %masked_sort3A_532, %masked_sort3A_533 = tpu.sort %max3A_528, %max3A_528 masked %masked_sort3A_530 {descending = true} : (vector<16xf32>, vector<16xf32>, vector<16xi1>) -> (vector<16xi1>, vector<16xf32>, vector<16xf32>)
      %masked_sort3A_534 = arith.constant dense<true> : vector<16xi1>
      %masked_sort3A_535, %masked_sort3A_536, %masked_sort3A_537 = tpu.sort %min3A_529, %min3A_529 masked %masked_sort3A_534 {descending = true} : (vector<16xf32>, vector<16xf32>, vector<16xi1>) -> (vector<16xi1>, vector<16xf32>, vector<16xf32>)
      %rev3A_538 = arith.constant 15 : i32
      %rev3A_539 = vector.broadcast %rev3A_538 : i32 to vector<16xi32>
      %rev3A_540 = tpu.iota {dimensions = array<i32: 0>} : vector<16xi32>
      %rev3A_541 = arith.subi %rev3A_539, %rev3A_540 : vector<16xi32>
      %rev3A_542 = tpu.dynamic_gather %masked_sort3A_536[%rev3A_541] in [0] : vector<16xf32>, vector<16xi32> -> vector<16xf32>
      %rev3A_543 = arith.constant 15 : i32
      %rev3A_544 = vector.broadcast %rev3A_543 : i32 to vector<16xi32>
      %rev3A_545 = tpu.iota {dimensions = array<i32: 0>} : vector<16xi32>
      %rev3A_546 = arith.subi %rev3A_544, %rev3A_545 : vector<16xi32>
      %rev3A_547 = tpu.dynamic_gather %masked_sort3A_532[%rev3A_546] in [0] : vector<16xf32>, vector<16xi32> -> vector<16xf32>
      %rev3A_548 = arith.constant 15 : i32
      %rev3A_549 = vector.broadcast %rev3A_548 : i32 to vector<16xi32>
      %rev3A_550 = tpu.iota {dimensions = array<i32: 0>} : vector<16xi32>
      %rev3A_551 = arith.subi %rev3A_549, %rev3A_550 : vector<16xi32>
      %rev3A_552 = tpu.dynamic_gather %masked_sort3A_526[%rev3A_551] in [0] : vector<16xf32>, vector<16xi32> -> vector<16xf32>
      %rev3A_553 = arith.constant 15 : i32
      %rev3A_554 = vector.broadcast %rev3A_553 : i32 to vector<16xi32>
      %rev3A_555 = tpu.iota {dimensions = array<i32: 0>} : vector<16xi32>
      %rev3A_556 = arith.subi %rev3A_554, %rev3A_555 : vector<16xi32>
      %rev3A_557 = tpu.dynamic_gather %masked_sort3A_522[%rev3A_556] in [0] : vector<16xf32>, vector<16xi32> -> vector<16xf32>
      %max3A_558 = arith.maximumf %masked_sort3A_442, %rev3A_542 : vector<16xf32>
      %min3A_559 = arith.minimumf %masked_sort3A_442, %rev3A_542 : vector<16xf32>
      %max3A_560 = arith.maximumf %masked_sort3A_446, %rev3A_547 : vector<16xf32>
      %min3A_561 = arith.minimumf %masked_sort3A_446, %rev3A_547 : vector<16xf32>
      %max3A_562 = arith.maximumf %masked_sort3A_452, %rev3A_552 : vector<16xf32>
      %min3A_563 = arith.minimumf %masked_sort3A_452, %rev3A_552 : vector<16xf32>
      %max3A_564 = arith.maximumf %masked_sort3A_456, %rev3A_557 : vector<16xf32>
      %min3A_565 = arith.minimumf %masked_sort3A_456, %rev3A_557 : vector<16xf32>
      %max3A_566 = arith.maximumf %max3A_558, %max3A_562 : vector<16xf32>
      %min3A_567 = arith.minimumf %max3A_558, %max3A_562 : vector<16xf32>
      %max3A_568 = arith.maximumf %max3A_560, %max3A_564 : vector<16xf32>
      %min3A_569 = arith.minimumf %max3A_560, %max3A_564 : vector<16xf32>
      %max3A_570 = arith.maximumf %max3A_566, %max3A_568 : vector<16xf32>
      %min3A_571 = arith.minimumf %max3A_566, %max3A_568 : vector<16xf32>
      %masked_sort3A_572 = arith.constant dense<true> : vector<16xi1>
      %masked_sort3A_573, %masked_sort3A_574, %masked_sort3A_575 = tpu.sort %max3A_570, %max3A_570 masked %masked_sort3A_572 {descending = true} : (vector<16xf32>, vector<16xf32>, vector<16xi1>) -> (vector<16xi1>, vector<16xf32>, vector<16xf32>)
      %masked_sort3A_576 = arith.constant dense<true> : vector<16xi1>
      %masked_sort3A_577, %masked_sort3A_578, %masked_sort3A_579 = tpu.sort %min3A_571, %min3A_571 masked %masked_sort3A_576 {descending = true} : (vector<16xf32>, vector<16xf32>, vector<16xi1>) -> (vector<16xi1>, vector<16xf32>, vector<16xf32>)
      %max3A_580 = arith.maximumf %min3A_567, %min3A_569 : vector<16xf32>
      %min3A_581 = arith.minimumf %min3A_567, %min3A_569 : vector<16xf32>
      %masked_sort3A_582 = arith.constant dense<true> : vector<16xi1>
      %masked_sort3A_583, %masked_sort3A_584, %masked_sort3A_585 = tpu.sort %max3A_580, %max3A_580 masked %masked_sort3A_582 {descending = true} : (vector<16xf32>, vector<16xf32>, vector<16xi1>) -> (vector<16xi1>, vector<16xf32>, vector<16xf32>)
      %masked_sort3A_586 = arith.constant dense<true> : vector<16xi1>
      %masked_sort3A_587, %masked_sort3A_588, %masked_sort3A_589 = tpu.sort %min3A_581, %min3A_581 masked %masked_sort3A_586 {descending = true} : (vector<16xf32>, vector<16xf32>, vector<16xi1>) -> (vector<16xi1>, vector<16xf32>, vector<16xf32>)
      %max3A_590 = arith.maximumf %min3A_559, %min3A_563 : vector<16xf32>
      %min3A_591 = arith.minimumf %min3A_559, %min3A_563 : vector<16xf32>
      %max3A_592 = arith.maximumf %min3A_561, %min3A_565 : vector<16xf32>
      %min3A_593 = arith.minimumf %min3A_561, %min3A_565 : vector<16xf32>
      %max3A_594 = arith.maximumf %max3A_590, %max3A_592 : vector<16xf32>
      %min3A_595 = arith.minimumf %max3A_590, %max3A_592 : vector<16xf32>
      %masked_sort3A_596 = arith.constant dense<true> : vector<16xi1>
      %masked_sort3A_597, %masked_sort3A_598, %masked_sort3A_599 = tpu.sort %max3A_594, %max3A_594 masked %masked_sort3A_596 {descending = true} : (vector<16xf32>, vector<16xf32>, vector<16xi1>) -> (vector<16xi1>, vector<16xf32>, vector<16xf32>)
      %masked_sort3A_600 = arith.constant dense<true> : vector<16xi1>
      %masked_sort3A_601, %masked_sort3A_602, %masked_sort3A_603 = tpu.sort %min3A_595, %min3A_595 masked %masked_sort3A_600 {descending = true} : (vector<16xf32>, vector<16xf32>, vector<16xi1>) -> (vector<16xi1>, vector<16xf32>, vector<16xf32>)
      %max3A_604 = arith.maximumf %min3A_591, %min3A_593 : vector<16xf32>
      %min3A_605 = arith.minimumf %min3A_591, %min3A_593 : vector<16xf32>
      %masked_sort3A_606 = arith.constant dense<true> : vector<16xi1>
      %masked_sort3A_607, %masked_sort3A_608, %masked_sort3A_609 = tpu.sort %max3A_604, %max3A_604 masked %masked_sort3A_606 {descending = true} : (vector<16xf32>, vector<16xf32>, vector<16xi1>) -> (vector<16xi1>, vector<16xf32>, vector<16xf32>)
      %masked_sort3A_610 = arith.constant dense<true> : vector<16xi1>
      %masked_sort3A_611, %masked_sort3A_612, %masked_sort3A_613 = tpu.sort %min3A_605, %min3A_605 masked %masked_sort3A_610 {descending = true} : (vector<16xf32>, vector<16xf32>, vector<16xi1>) -> (vector<16xi1>, vector<16xf32>, vector<16xf32>)
      %masked_sort3A_614 = arith.constant dense<true> : vector<16xi1>
      %masked_sort3A_615, %masked_sort3A_616, %masked_sort3A_617 = tpu.sort %get3A_115, %get3A_115 masked %masked_sort3A_614 {descending = true} : (vector<16xf32>, vector<16xf32>, vector<16xi1>) -> (vector<16xi1>, vector<16xf32>, vector<16xf32>)
      %masked_sort3A_618 = arith.constant dense<true> : vector<16xi1>
      %masked_sort3A_619, %masked_sort3A_620, %masked_sort3A_621 = tpu.sort %get3A_117, %get3A_117 masked %masked_sort3A_618 {descending = true} : (vector<16xf32>, vector<16xf32>, vector<16xi1>) -> (vector<16xi1>, vector<16xf32>, vector<16xf32>)
      %rev3A_622 = arith.constant 15 : i32
      %rev3A_623 = vector.broadcast %rev3A_622 : i32 to vector<16xi32>
      %rev3A_624 = tpu.iota {dimensions = array<i32: 0>} : vector<16xi32>
      %rev3A_625 = arith.subi %rev3A_623, %rev3A_624 : vector<16xi32>
      %rev3A_626 = tpu.dynamic_gather %masked_sort3A_620[%rev3A_625] in [0] : vector<16xf32>, vector<16xi32> -> vector<16xf32>
      %max3A_627 = arith.maximumf %masked_sort3A_616, %rev3A_626 : vector<16xf32>
      %min3A_628 = arith.minimumf %masked_sort3A_616, %rev3A_626 : vector<16xf32>
      %masked_sort3A_629 = arith.constant dense<true> : vector<16xi1>
      %masked_sort3A_630, %masked_sort3A_631, %masked_sort3A_632 = tpu.sort %max3A_627, %max3A_627 masked %masked_sort3A_629 {descending = true} : (vector<16xf32>, vector<16xf32>, vector<16xi1>) -> (vector<16xi1>, vector<16xf32>, vector<16xf32>)
      %masked_sort3A_633 = arith.constant dense<true> : vector<16xi1>
      %masked_sort3A_634, %masked_sort3A_635, %masked_sort3A_636 = tpu.sort %min3A_628, %min3A_628 masked %masked_sort3A_633 {descending = true} : (vector<16xf32>, vector<16xf32>, vector<16xi1>) -> (vector<16xi1>, vector<16xf32>, vector<16xf32>)
      %masked_sort3A_637 = arith.constant dense<true> : vector<16xi1>
      %masked_sort3A_638, %masked_sort3A_639, %masked_sort3A_640 = tpu.sort %get3A_119, %get3A_119 masked %masked_sort3A_637 {descending = true} : (vector<16xf32>, vector<16xf32>, vector<16xi1>) -> (vector<16xi1>, vector<16xf32>, vector<16xf32>)
      %masked_sort3A_641 = arith.constant dense<true> : vector<16xi1>
      %masked_sort3A_642, %masked_sort3A_643, %masked_sort3A_644 = tpu.sort %get3A_121, %get3A_121 masked %masked_sort3A_641 {descending = true} : (vector<16xf32>, vector<16xf32>, vector<16xi1>) -> (vector<16xi1>, vector<16xf32>, vector<16xf32>)
      %rev3A_645 = arith.constant 15 : i32
      %rev3A_646 = vector.broadcast %rev3A_645 : i32 to vector<16xi32>
      %rev3A_647 = tpu.iota {dimensions = array<i32: 0>} : vector<16xi32>
      %rev3A_648 = arith.subi %rev3A_646, %rev3A_647 : vector<16xi32>
      %rev3A_649 = tpu.dynamic_gather %masked_sort3A_643[%rev3A_648] in [0] : vector<16xf32>, vector<16xi32> -> vector<16xf32>
      %max3A_650 = arith.maximumf %masked_sort3A_639, %rev3A_649 : vector<16xf32>
      %min3A_651 = arith.minimumf %masked_sort3A_639, %rev3A_649 : vector<16xf32>
      %masked_sort3A_652 = arith.constant dense<true> : vector<16xi1>
      %masked_sort3A_653, %masked_sort3A_654, %masked_sort3A_655 = tpu.sort %max3A_650, %max3A_650 masked %masked_sort3A_652 {descending = true} : (vector<16xf32>, vector<16xf32>, vector<16xi1>) -> (vector<16xi1>, vector<16xf32>, vector<16xf32>)
      %masked_sort3A_656 = arith.constant dense<true> : vector<16xi1>
      %masked_sort3A_657, %masked_sort3A_658, %masked_sort3A_659 = tpu.sort %min3A_651, %min3A_651 masked %masked_sort3A_656 {descending = true} : (vector<16xf32>, vector<16xf32>, vector<16xi1>) -> (vector<16xi1>, vector<16xf32>, vector<16xf32>)
      %rev3A_660 = arith.constant 15 : i32
      %rev3A_661 = vector.broadcast %rev3A_660 : i32 to vector<16xi32>
      %rev3A_662 = tpu.iota {dimensions = array<i32: 0>} : vector<16xi32>
      %rev3A_663 = arith.subi %rev3A_661, %rev3A_662 : vector<16xi32>
      %rev3A_664 = tpu.dynamic_gather %masked_sort3A_658[%rev3A_663] in [0] : vector<16xf32>, vector<16xi32> -> vector<16xf32>
      %rev3A_665 = arith.constant 15 : i32
      %rev3A_666 = vector.broadcast %rev3A_665 : i32 to vector<16xi32>
      %rev3A_667 = tpu.iota {dimensions = array<i32: 0>} : vector<16xi32>
      %rev3A_668 = arith.subi %rev3A_666, %rev3A_667 : vector<16xi32>
      %rev3A_669 = tpu.dynamic_gather %masked_sort3A_654[%rev3A_668] in [0] : vector<16xf32>, vector<16xi32> -> vector<16xf32>
      %max3A_670 = arith.maximumf %masked_sort3A_631, %rev3A_664 : vector<16xf32>
      %min3A_671 = arith.minimumf %masked_sort3A_631, %rev3A_664 : vector<16xf32>
      %max3A_672 = arith.maximumf %masked_sort3A_635, %rev3A_669 : vector<16xf32>
      %min3A_673 = arith.minimumf %masked_sort3A_635, %rev3A_669 : vector<16xf32>
      %max3A_674 = arith.maximumf %max3A_670, %max3A_672 : vector<16xf32>
      %min3A_675 = arith.minimumf %max3A_670, %max3A_672 : vector<16xf32>
      %masked_sort3A_676 = arith.constant dense<true> : vector<16xi1>
      %masked_sort3A_677, %masked_sort3A_678, %masked_sort3A_679 = tpu.sort %max3A_674, %max3A_674 masked %masked_sort3A_676 {descending = true} : (vector<16xf32>, vector<16xf32>, vector<16xi1>) -> (vector<16xi1>, vector<16xf32>, vector<16xf32>)
      %masked_sort3A_680 = arith.constant dense<true> : vector<16xi1>
      %masked_sort3A_681, %masked_sort3A_682, %masked_sort3A_683 = tpu.sort %min3A_675, %min3A_675 masked %masked_sort3A_680 {descending = true} : (vector<16xf32>, vector<16xf32>, vector<16xi1>) -> (vector<16xi1>, vector<16xf32>, vector<16xf32>)
      %max3A_684 = arith.maximumf %min3A_671, %min3A_673 : vector<16xf32>
      %min3A_685 = arith.minimumf %min3A_671, %min3A_673 : vector<16xf32>
      %masked_sort3A_686 = arith.constant dense<true> : vector<16xi1>
      %masked_sort3A_687, %masked_sort3A_688, %masked_sort3A_689 = tpu.sort %max3A_684, %max3A_684 masked %masked_sort3A_686 {descending = true} : (vector<16xf32>, vector<16xf32>, vector<16xi1>) -> (vector<16xi1>, vector<16xf32>, vector<16xf32>)
      %masked_sort3A_690 = arith.constant dense<true> : vector<16xi1>
      %masked_sort3A_691, %masked_sort3A_692, %masked_sort3A_693 = tpu.sort %min3A_685, %min3A_685 masked %masked_sort3A_690 {descending = true} : (vector<16xf32>, vector<16xf32>, vector<16xi1>) -> (vector<16xi1>, vector<16xf32>, vector<16xf32>)
      %masked_sort3A_694 = arith.constant dense<true> : vector<16xi1>
      %masked_sort3A_695, %masked_sort3A_696, %masked_sort3A_697 = tpu.sort %get3A_123, %get3A_123 masked %masked_sort3A_694 {descending = true} : (vector<16xf32>, vector<16xf32>, vector<16xi1>) -> (vector<16xi1>, vector<16xf32>, vector<16xf32>)
      %masked_sort3A_698 = arith.constant dense<true> : vector<16xi1>
      %masked_sort3A_699, %masked_sort3A_700, %masked_sort3A_701 = tpu.sort %get3A_125, %get3A_125 masked %masked_sort3A_698 {descending = true} : (vector<16xf32>, vector<16xf32>, vector<16xi1>) -> (vector<16xi1>, vector<16xf32>, vector<16xf32>)
      %rev3A_702 = arith.constant 15 : i32
      %rev3A_703 = vector.broadcast %rev3A_702 : i32 to vector<16xi32>
      %rev3A_704 = tpu.iota {dimensions = array<i32: 0>} : vector<16xi32>
      %rev3A_705 = arith.subi %rev3A_703, %rev3A_704 : vector<16xi32>
      %rev3A_706 = tpu.dynamic_gather %masked_sort3A_700[%rev3A_705] in [0] : vector<16xf32>, vector<16xi32> -> vector<16xf32>
      %max3A_707 = arith.maximumf %masked_sort3A_696, %rev3A_706 : vector<16xf32>
      %min3A_708 = arith.minimumf %masked_sort3A_696, %rev3A_706 : vector<16xf32>
      %masked_sort3A_709 = arith.constant dense<true> : vector<16xi1>
      %masked_sort3A_710, %masked_sort3A_711, %masked_sort3A_712 = tpu.sort %max3A_707, %max3A_707 masked %masked_sort3A_709 {descending = true} : (vector<16xf32>, vector<16xf32>, vector<16xi1>) -> (vector<16xi1>, vector<16xf32>, vector<16xf32>)
      %masked_sort3A_713 = arith.constant dense<true> : vector<16xi1>
      %masked_sort3A_714, %masked_sort3A_715, %masked_sort3A_716 = tpu.sort %min3A_708, %min3A_708 masked %masked_sort3A_713 {descending = true} : (vector<16xf32>, vector<16xf32>, vector<16xi1>) -> (vector<16xi1>, vector<16xf32>, vector<16xf32>)
      %masked_sort3A_717 = arith.constant dense<true> : vector<16xi1>
      %masked_sort3A_718, %masked_sort3A_719, %masked_sort3A_720 = tpu.sort %get3A_127, %get3A_127 masked %masked_sort3A_717 {descending = true} : (vector<16xf32>, vector<16xf32>, vector<16xi1>) -> (vector<16xi1>, vector<16xf32>, vector<16xf32>)
      %masked_sort3A_721 = arith.constant dense<true> : vector<16xi1>
      %masked_sort3A_722, %masked_sort3A_723, %masked_sort3A_724 = tpu.sort %get3A_129, %get3A_129 masked %masked_sort3A_721 {descending = true} : (vector<16xf32>, vector<16xf32>, vector<16xi1>) -> (vector<16xi1>, vector<16xf32>, vector<16xf32>)
      %rev3A_725 = arith.constant 15 : i32
      %rev3A_726 = vector.broadcast %rev3A_725 : i32 to vector<16xi32>
      %rev3A_727 = tpu.iota {dimensions = array<i32: 0>} : vector<16xi32>
      %rev3A_728 = arith.subi %rev3A_726, %rev3A_727 : vector<16xi32>
      %rev3A_729 = tpu.dynamic_gather %masked_sort3A_723[%rev3A_728] in [0] : vector<16xf32>, vector<16xi32> -> vector<16xf32>
      %max3A_730 = arith.maximumf %masked_sort3A_719, %rev3A_729 : vector<16xf32>
      %min3A_731 = arith.minimumf %masked_sort3A_719, %rev3A_729 : vector<16xf32>
      %masked_sort3A_732 = arith.constant dense<true> : vector<16xi1>
      %masked_sort3A_733, %masked_sort3A_734, %masked_sort3A_735 = tpu.sort %max3A_730, %max3A_730 masked %masked_sort3A_732 {descending = true} : (vector<16xf32>, vector<16xf32>, vector<16xi1>) -> (vector<16xi1>, vector<16xf32>, vector<16xf32>)
      %masked_sort3A_736 = arith.constant dense<true> : vector<16xi1>
      %masked_sort3A_737, %masked_sort3A_738, %masked_sort3A_739 = tpu.sort %min3A_731, %min3A_731 masked %masked_sort3A_736 {descending = true} : (vector<16xf32>, vector<16xf32>, vector<16xi1>) -> (vector<16xi1>, vector<16xf32>, vector<16xf32>)
      %rev3A_740 = arith.constant 15 : i32
      %rev3A_741 = vector.broadcast %rev3A_740 : i32 to vector<16xi32>
      %rev3A_742 = tpu.iota {dimensions = array<i32: 0>} : vector<16xi32>
      %rev3A_743 = arith.subi %rev3A_741, %rev3A_742 : vector<16xi32>
      %rev3A_744 = tpu.dynamic_gather %masked_sort3A_738[%rev3A_743] in [0] : vector<16xf32>, vector<16xi32> -> vector<16xf32>
      %rev3A_745 = arith.constant 15 : i32
      %rev3A_746 = vector.broadcast %rev3A_745 : i32 to vector<16xi32>
      %rev3A_747 = tpu.iota {dimensions = array<i32: 0>} : vector<16xi32>
      %rev3A_748 = arith.subi %rev3A_746, %rev3A_747 : vector<16xi32>
      %rev3A_749 = tpu.dynamic_gather %masked_sort3A_734[%rev3A_748] in [0] : vector<16xf32>, vector<16xi32> -> vector<16xf32>
      %max3A_750 = arith.maximumf %masked_sort3A_711, %rev3A_744 : vector<16xf32>
      %min3A_751 = arith.minimumf %masked_sort3A_711, %rev3A_744 : vector<16xf32>
      %max3A_752 = arith.maximumf %masked_sort3A_715, %rev3A_749 : vector<16xf32>
      %min3A_753 = arith.minimumf %masked_sort3A_715, %rev3A_749 : vector<16xf32>
      %max3A_754 = arith.maximumf %max3A_750, %max3A_752 : vector<16xf32>
      %min3A_755 = arith.minimumf %max3A_750, %max3A_752 : vector<16xf32>
      %masked_sort3A_756 = arith.constant dense<true> : vector<16xi1>
      %masked_sort3A_757, %masked_sort3A_758, %masked_sort3A_759 = tpu.sort %max3A_754, %max3A_754 masked %masked_sort3A_756 {descending = true} : (vector<16xf32>, vector<16xf32>, vector<16xi1>) -> (vector<16xi1>, vector<16xf32>, vector<16xf32>)
      %masked_sort3A_760 = arith.constant dense<true> : vector<16xi1>
      %masked_sort3A_761, %masked_sort3A_762, %masked_sort3A_763 = tpu.sort %min3A_755, %min3A_755 masked %masked_sort3A_760 {descending = true} : (vector<16xf32>, vector<16xf32>, vector<16xi1>) -> (vector<16xi1>, vector<16xf32>, vector<16xf32>)
      %max3A_764 = arith.maximumf %min3A_751, %min3A_753 : vector<16xf32>
      %min3A_765 = arith.minimumf %min3A_751, %min3A_753 : vector<16xf32>
      %masked_sort3A_766 = arith.constant dense<true> : vector<16xi1>
      %masked_sort3A_767, %masked_sort3A_768, %masked_sort3A_769 = tpu.sort %max3A_764, %max3A_764 masked %masked_sort3A_766 {descending = true} : (vector<16xf32>, vector<16xf32>, vector<16xi1>) -> (vector<16xi1>, vector<16xf32>, vector<16xf32>)
      %masked_sort3A_770 = arith.constant dense<true> : vector<16xi1>
      %masked_sort3A_771, %masked_sort3A_772, %masked_sort3A_773 = tpu.sort %min3A_765, %min3A_765 masked %masked_sort3A_770 {descending = true} : (vector<16xf32>, vector<16xf32>, vector<16xi1>) -> (vector<16xi1>, vector<16xf32>, vector<16xf32>)
      %rev3A_774 = arith.constant 15 : i32
      %rev3A_775 = vector.broadcast %rev3A_774 : i32 to vector<16xi32>
      %rev3A_776 = tpu.iota {dimensions = array<i32: 0>} : vector<16xi32>
      %rev3A_777 = arith.subi %rev3A_775, %rev3A_776 : vector<16xi32>
      %rev3A_778 = tpu.dynamic_gather %masked_sort3A_772[%rev3A_777] in [0] : vector<16xf32>, vector<16xi32> -> vector<16xf32>
      %rev3A_779 = arith.constant 15 : i32
      %rev3A_780 = vector.broadcast %rev3A_779 : i32 to vector<16xi32>
      %rev3A_781 = tpu.iota {dimensions = array<i32: 0>} : vector<16xi32>
      %rev3A_782 = arith.subi %rev3A_780, %rev3A_781 : vector<16xi32>
      %rev3A_783 = tpu.dynamic_gather %masked_sort3A_768[%rev3A_782] in [0] : vector<16xf32>, vector<16xi32> -> vector<16xf32>
      %rev3A_784 = arith.constant 15 : i32
      %rev3A_785 = vector.broadcast %rev3A_784 : i32 to vector<16xi32>
      %rev3A_786 = tpu.iota {dimensions = array<i32: 0>} : vector<16xi32>
      %rev3A_787 = arith.subi %rev3A_785, %rev3A_786 : vector<16xi32>
      %rev3A_788 = tpu.dynamic_gather %masked_sort3A_762[%rev3A_787] in [0] : vector<16xf32>, vector<16xi32> -> vector<16xf32>
      %rev3A_789 = arith.constant 15 : i32
      %rev3A_790 = vector.broadcast %rev3A_789 : i32 to vector<16xi32>
      %rev3A_791 = tpu.iota {dimensions = array<i32: 0>} : vector<16xi32>
      %rev3A_792 = arith.subi %rev3A_790, %rev3A_791 : vector<16xi32>
      %rev3A_793 = tpu.dynamic_gather %masked_sort3A_758[%rev3A_792] in [0] : vector<16xf32>, vector<16xi32> -> vector<16xf32>
      %max3A_794 = arith.maximumf %masked_sort3A_678, %rev3A_778 : vector<16xf32>
      %min3A_795 = arith.minimumf %masked_sort3A_678, %rev3A_778 : vector<16xf32>
      %max3A_796 = arith.maximumf %masked_sort3A_682, %rev3A_783 : vector<16xf32>
      %min3A_797 = arith.minimumf %masked_sort3A_682, %rev3A_783 : vector<16xf32>
      %max3A_798 = arith.maximumf %masked_sort3A_688, %rev3A_788 : vector<16xf32>
      %min3A_799 = arith.minimumf %masked_sort3A_688, %rev3A_788 : vector<16xf32>
      %max3A_800 = arith.maximumf %masked_sort3A_692, %rev3A_793 : vector<16xf32>
      %min3A_801 = arith.minimumf %masked_sort3A_692, %rev3A_793 : vector<16xf32>
      %max3A_802 = arith.maximumf %max3A_794, %max3A_798 : vector<16xf32>
      %min3A_803 = arith.minimumf %max3A_794, %max3A_798 : vector<16xf32>
      %max3A_804 = arith.maximumf %max3A_796, %max3A_800 : vector<16xf32>
      %min3A_805 = arith.minimumf %max3A_796, %max3A_800 : vector<16xf32>
      %max3A_806 = arith.maximumf %max3A_802, %max3A_804 : vector<16xf32>
      %min3A_807 = arith.minimumf %max3A_802, %max3A_804 : vector<16xf32>
      %masked_sort3A_808 = arith.constant dense<true> : vector<16xi1>
      %masked_sort3A_809, %masked_sort3A_810, %masked_sort3A_811 = tpu.sort %max3A_806, %max3A_806 masked %masked_sort3A_808 {descending = true} : (vector<16xf32>, vector<16xf32>, vector<16xi1>) -> (vector<16xi1>, vector<16xf32>, vector<16xf32>)
      %masked_sort3A_812 = arith.constant dense<true> : vector<16xi1>
      %masked_sort3A_813, %masked_sort3A_814, %masked_sort3A_815 = tpu.sort %min3A_807, %min3A_807 masked %masked_sort3A_812 {descending = true} : (vector<16xf32>, vector<16xf32>, vector<16xi1>) -> (vector<16xi1>, vector<16xf32>, vector<16xf32>)
      %max3A_816 = arith.maximumf %min3A_803, %min3A_805 : vector<16xf32>
      %min3A_817 = arith.minimumf %min3A_803, %min3A_805 : vector<16xf32>
      %masked_sort3A_818 = arith.constant dense<true> : vector<16xi1>
      %masked_sort3A_819, %masked_sort3A_820, %masked_sort3A_821 = tpu.sort %max3A_816, %max3A_816 masked %masked_sort3A_818 {descending = true} : (vector<16xf32>, vector<16xf32>, vector<16xi1>) -> (vector<16xi1>, vector<16xf32>, vector<16xf32>)
      %masked_sort3A_822 = arith.constant dense<true> : vector<16xi1>
      %masked_sort3A_823, %masked_sort3A_824, %masked_sort3A_825 = tpu.sort %min3A_817, %min3A_817 masked %masked_sort3A_822 {descending = true} : (vector<16xf32>, vector<16xf32>, vector<16xi1>) -> (vector<16xi1>, vector<16xf32>, vector<16xf32>)
      %max3A_826 = arith.maximumf %min3A_795, %min3A_799 : vector<16xf32>
      %min3A_827 = arith.minimumf %min3A_795, %min3A_799 : vector<16xf32>
      %max3A_828 = arith.maximumf %min3A_797, %min3A_801 : vector<16xf32>
      %min3A_829 = arith.minimumf %min3A_797, %min3A_801 : vector<16xf32>
      %max3A_830 = arith.maximumf %max3A_826, %max3A_828 : vector<16xf32>
      %min3A_831 = arith.minimumf %max3A_826, %max3A_828 : vector<16xf32>
      %masked_sort3A_832 = arith.constant dense<true> : vector<16xi1>
      %masked_sort3A_833, %masked_sort3A_834, %masked_sort3A_835 = tpu.sort %max3A_830, %max3A_830 masked %masked_sort3A_832 {descending = true} : (vector<16xf32>, vector<16xf32>, vector<16xi1>) -> (vector<16xi1>, vector<16xf32>, vector<16xf32>)
      %masked_sort3A_836 = arith.constant dense<true> : vector<16xi1>
      %masked_sort3A_837, %masked_sort3A_838, %masked_sort3A_839 = tpu.sort %min3A_831, %min3A_831 masked %masked_sort3A_836 {descending = true} : (vector<16xf32>, vector<16xf32>, vector<16xi1>) -> (vector<16xi1>, vector<16xf32>, vector<16xf32>)
      %max3A_840 = arith.maximumf %min3A_827, %min3A_829 : vector<16xf32>
      %min3A_841 = arith.minimumf %min3A_827, %min3A_829 : vector<16xf32>
      %masked_sort3A_842 = arith.constant dense<true> : vector<16xi1>
      %masked_sort3A_843, %masked_sort3A_844, %masked_sort3A_845 = tpu.sort %max3A_840, %max3A_840 masked %masked_sort3A_842 {descending = true} : (vector<16xf32>, vector<16xf32>, vector<16xi1>) -> (vector<16xi1>, vector<16xf32>, vector<16xf32>)
      %masked_sort3A_846 = arith.constant dense<true> : vector<16xi1>
      %masked_sort3A_847, %masked_sort3A_848, %masked_sort3A_849 = tpu.sort %min3A_841, %min3A_841 masked %masked_sort3A_846 {descending = true} : (vector<16xf32>, vector<16xf32>, vector<16xi1>) -> (vector<16xi1>, vector<16xf32>, vector<16xf32>)
      %masked_sort3A_850 = arith.constant dense<true> : vector<16xi1>
      %masked_sort3A_851, %masked_sort3A_852, %masked_sort3A_853 = tpu.sort %get3A_131, %get3A_131 masked %masked_sort3A_850 {descending = true} : (vector<16xf32>, vector<16xf32>, vector<16xi1>) -> (vector<16xi1>, vector<16xf32>, vector<16xf32>)
      %masked_sort3A_854 = arith.constant dense<true> : vector<16xi1>
      %masked_sort3A_855, %masked_sort3A_856, %masked_sort3A_857 = tpu.sort %get3A_133, %get3A_133 masked %masked_sort3A_854 {descending = true} : (vector<16xf32>, vector<16xf32>, vector<16xi1>) -> (vector<16xi1>, vector<16xf32>, vector<16xf32>)
      %rev3A_858 = arith.constant 15 : i32
      %rev3A_859 = vector.broadcast %rev3A_858 : i32 to vector<16xi32>
      %rev3A_860 = tpu.iota {dimensions = array<i32: 0>} : vector<16xi32>
      %rev3A_861 = arith.subi %rev3A_859, %rev3A_860 : vector<16xi32>
      %rev3A_862 = tpu.dynamic_gather %masked_sort3A_856[%rev3A_861] in [0] : vector<16xf32>, vector<16xi32> -> vector<16xf32>
      %max3A_863 = arith.maximumf %masked_sort3A_852, %rev3A_862 : vector<16xf32>
      %min3A_864 = arith.minimumf %masked_sort3A_852, %rev3A_862 : vector<16xf32>
      %masked_sort3A_865 = arith.constant dense<true> : vector<16xi1>
      %masked_sort3A_866, %masked_sort3A_867, %masked_sort3A_868 = tpu.sort %max3A_863, %max3A_863 masked %masked_sort3A_865 {descending = true} : (vector<16xf32>, vector<16xf32>, vector<16xi1>) -> (vector<16xi1>, vector<16xf32>, vector<16xf32>)
      %masked_sort3A_869 = arith.constant dense<true> : vector<16xi1>
      %masked_sort3A_870, %masked_sort3A_871, %masked_sort3A_872 = tpu.sort %min3A_864, %min3A_864 masked %masked_sort3A_869 {descending = true} : (vector<16xf32>, vector<16xf32>, vector<16xi1>) -> (vector<16xi1>, vector<16xf32>, vector<16xf32>)
      %masked_sort3A_873 = arith.constant dense<true> : vector<16xi1>
      %masked_sort3A_874, %masked_sort3A_875, %masked_sort3A_876 = tpu.sort %get3A_135, %get3A_135 masked %masked_sort3A_873 {descending = true} : (vector<16xf32>, vector<16xf32>, vector<16xi1>) -> (vector<16xi1>, vector<16xf32>, vector<16xf32>)
      %masked_sort3A_877 = arith.constant dense<true> : vector<16xi1>
      %masked_sort3A_878, %masked_sort3A_879, %masked_sort3A_880 = tpu.sort %get3A_137, %get3A_137 masked %masked_sort3A_877 {descending = true} : (vector<16xf32>, vector<16xf32>, vector<16xi1>) -> (vector<16xi1>, vector<16xf32>, vector<16xf32>)
      %rev3A_881 = arith.constant 15 : i32
      %rev3A_882 = vector.broadcast %rev3A_881 : i32 to vector<16xi32>
      %rev3A_883 = tpu.iota {dimensions = array<i32: 0>} : vector<16xi32>
      %rev3A_884 = arith.subi %rev3A_882, %rev3A_883 : vector<16xi32>
      %rev3A_885 = tpu.dynamic_gather %masked_sort3A_879[%rev3A_884] in [0] : vector<16xf32>, vector<16xi32> -> vector<16xf32>
      %max3A_886 = arith.maximumf %masked_sort3A_875, %rev3A_885 : vector<16xf32>
      %min3A_887 = arith.minimumf %masked_sort3A_875, %rev3A_885 : vector<16xf32>
      %masked_sort3A_888 = arith.constant dense<true> : vector<16xi1>
      %masked_sort3A_889, %masked_sort3A_890, %masked_sort3A_891 = tpu.sort %max3A_886, %max3A_886 masked %masked_sort3A_888 {descending = true} : (vector<16xf32>, vector<16xf32>, vector<16xi1>) -> (vector<16xi1>, vector<16xf32>, vector<16xf32>)
      %masked_sort3A_892 = arith.constant dense<true> : vector<16xi1>
      %masked_sort3A_893, %masked_sort3A_894, %masked_sort3A_895 = tpu.sort %min3A_887, %min3A_887 masked %masked_sort3A_892 {descending = true} : (vector<16xf32>, vector<16xf32>, vector<16xi1>) -> (vector<16xi1>, vector<16xf32>, vector<16xf32>)
      %rev3A_896 = arith.constant 15 : i32
      %rev3A_897 = vector.broadcast %rev3A_896 : i32 to vector<16xi32>
      %rev3A_898 = tpu.iota {dimensions = array<i32: 0>} : vector<16xi32>
      %rev3A_899 = arith.subi %rev3A_897, %rev3A_898 : vector<16xi32>
      %rev3A_900 = tpu.dynamic_gather %masked_sort3A_894[%rev3A_899] in [0] : vector<16xf32>, vector<16xi32> -> vector<16xf32>
      %rev3A_901 = arith.constant 15 : i32
      %rev3A_902 = vector.broadcast %rev3A_901 : i32 to vector<16xi32>
      %rev3A_903 = tpu.iota {dimensions = array<i32: 0>} : vector<16xi32>
      %rev3A_904 = arith.subi %rev3A_902, %rev3A_903 : vector<16xi32>
      %rev3A_905 = tpu.dynamic_gather %masked_sort3A_890[%rev3A_904] in [0] : vector<16xf32>, vector<16xi32> -> vector<16xf32>
      %max3A_906 = arith.maximumf %masked_sort3A_867, %rev3A_900 : vector<16xf32>
      %min3A_907 = arith.minimumf %masked_sort3A_867, %rev3A_900 : vector<16xf32>
      %max3A_908 = arith.maximumf %masked_sort3A_871, %rev3A_905 : vector<16xf32>
      %min3A_909 = arith.minimumf %masked_sort3A_871, %rev3A_905 : vector<16xf32>
      %max3A_910 = arith.maximumf %max3A_906, %max3A_908 : vector<16xf32>
      %min3A_911 = arith.minimumf %max3A_906, %max3A_908 : vector<16xf32>
      %masked_sort3A_912 = arith.constant dense<true> : vector<16xi1>
      %masked_sort3A_913, %masked_sort3A_914, %masked_sort3A_915 = tpu.sort %max3A_910, %max3A_910 masked %masked_sort3A_912 {descending = true} : (vector<16xf32>, vector<16xf32>, vector<16xi1>) -> (vector<16xi1>, vector<16xf32>, vector<16xf32>)
      %masked_sort3A_916 = arith.constant dense<true> : vector<16xi1>
      %masked_sort3A_917, %masked_sort3A_918, %masked_sort3A_919 = tpu.sort %min3A_911, %min3A_911 masked %masked_sort3A_916 {descending = true} : (vector<16xf32>, vector<16xf32>, vector<16xi1>) -> (vector<16xi1>, vector<16xf32>, vector<16xf32>)
      %max3A_920 = arith.maximumf %min3A_907, %min3A_909 : vector<16xf32>
      %min3A_921 = arith.minimumf %min3A_907, %min3A_909 : vector<16xf32>
      %masked_sort3A_922 = arith.constant dense<true> : vector<16xi1>
      %masked_sort3A_923, %masked_sort3A_924, %masked_sort3A_925 = tpu.sort %max3A_920, %max3A_920 masked %masked_sort3A_922 {descending = true} : (vector<16xf32>, vector<16xf32>, vector<16xi1>) -> (vector<16xi1>, vector<16xf32>, vector<16xf32>)
      %masked_sort3A_926 = arith.constant dense<true> : vector<16xi1>
      %masked_sort3A_927, %masked_sort3A_928, %masked_sort3A_929 = tpu.sort %min3A_921, %min3A_921 masked %masked_sort3A_926 {descending = true} : (vector<16xf32>, vector<16xf32>, vector<16xi1>) -> (vector<16xi1>, vector<16xf32>, vector<16xf32>)
      %masked_sort3A_930 = arith.constant dense<true> : vector<16xi1>
      %masked_sort3A_931, %masked_sort3A_932, %masked_sort3A_933 = tpu.sort %get3A_139, %get3A_139 masked %masked_sort3A_930 {descending = true} : (vector<16xf32>, vector<16xf32>, vector<16xi1>) -> (vector<16xi1>, vector<16xf32>, vector<16xf32>)
      %masked_sort3A_934 = arith.constant dense<true> : vector<16xi1>
      %masked_sort3A_935, %masked_sort3A_936, %masked_sort3A_937 = tpu.sort %get3A_141, %get3A_141 masked %masked_sort3A_934 {descending = true} : (vector<16xf32>, vector<16xf32>, vector<16xi1>) -> (vector<16xi1>, vector<16xf32>, vector<16xf32>)
      %rev3A_938 = arith.constant 15 : i32
      %rev3A_939 = vector.broadcast %rev3A_938 : i32 to vector<16xi32>
      %rev3A_940 = tpu.iota {dimensions = array<i32: 0>} : vector<16xi32>
      %rev3A_941 = arith.subi %rev3A_939, %rev3A_940 : vector<16xi32>
      %rev3A_942 = tpu.dynamic_gather %masked_sort3A_936[%rev3A_941] in [0] : vector<16xf32>, vector<16xi32> -> vector<16xf32>
      %max3A_943 = arith.maximumf %masked_sort3A_932, %rev3A_942 : vector<16xf32>
      %min3A_944 = arith.minimumf %masked_sort3A_932, %rev3A_942 : vector<16xf32>
      %masked_sort3A_945 = arith.constant dense<true> : vector<16xi1>
      %masked_sort3A_946, %masked_sort3A_947, %masked_sort3A_948 = tpu.sort %max3A_943, %max3A_943 masked %masked_sort3A_945 {descending = true} : (vector<16xf32>, vector<16xf32>, vector<16xi1>) -> (vector<16xi1>, vector<16xf32>, vector<16xf32>)
      %masked_sort3A_949 = arith.constant dense<true> : vector<16xi1>
      %masked_sort3A_950, %masked_sort3A_951, %masked_sort3A_952 = tpu.sort %min3A_944, %min3A_944 masked %masked_sort3A_949 {descending = true} : (vector<16xf32>, vector<16xf32>, vector<16xi1>) -> (vector<16xi1>, vector<16xf32>, vector<16xf32>)
      %masked_sort3A_953 = arith.constant dense<true> : vector<16xi1>
      %masked_sort3A_954, %masked_sort3A_955, %masked_sort3A_956 = tpu.sort %get3A_143, %get3A_143 masked %masked_sort3A_953 {descending = true} : (vector<16xf32>, vector<16xf32>, vector<16xi1>) -> (vector<16xi1>, vector<16xf32>, vector<16xf32>)
      %masked_sort3A_957 = arith.constant dense<true> : vector<16xi1>
      %masked_sort3A_958, %masked_sort3A_959, %masked_sort3A_960 = tpu.sort %get3A_145, %get3A_145 masked %masked_sort3A_957 {descending = true} : (vector<16xf32>, vector<16xf32>, vector<16xi1>) -> (vector<16xi1>, vector<16xf32>, vector<16xf32>)
      %rev3A_961 = arith.constant 15 : i32
      %rev3A_962 = vector.broadcast %rev3A_961 : i32 to vector<16xi32>
      %rev3A_963 = tpu.iota {dimensions = array<i32: 0>} : vector<16xi32>
      %rev3A_964 = arith.subi %rev3A_962, %rev3A_963 : vector<16xi32>
      %rev3A_965 = tpu.dynamic_gather %masked_sort3A_959[%rev3A_964] in [0] : vector<16xf32>, vector<16xi32> -> vector<16xf32>
      %max3A_966 = arith.maximumf %masked_sort3A_955, %rev3A_965 : vector<16xf32>
      %min3A_967 = arith.minimumf %masked_sort3A_955, %rev3A_965 : vector<16xf32>
      %masked_sort3A_968 = arith.constant dense<true> : vector<16xi1>
      %masked_sort3A_969, %masked_sort3A_970, %masked_sort3A_971 = tpu.sort %max3A_966, %max3A_966 masked %masked_sort3A_968 {descending = true} : (vector<16xf32>, vector<16xf32>, vector<16xi1>) -> (vector<16xi1>, vector<16xf32>, vector<16xf32>)
      %masked_sort3A_972 = arith.constant dense<true> : vector<16xi1>
      %masked_sort3A_973, %masked_sort3A_974, %masked_sort3A_975 = tpu.sort %min3A_967, %min3A_967 masked %masked_sort3A_972 {descending = true} : (vector<16xf32>, vector<16xf32>, vector<16xi1>) -> (vector<16xi1>, vector<16xf32>, vector<16xf32>)
      %rev3A_976 = arith.constant 15 : i32
      %rev3A_977 = vector.broadcast %rev3A_976 : i32 to vector<16xi32>
      %rev3A_978 = tpu.iota {dimensions = array<i32: 0>} : vector<16xi32>
      %rev3A_979 = arith.subi %rev3A_977, %rev3A_978 : vector<16xi32>
      %rev3A_980 = tpu.dynamic_gather %masked_sort3A_974[%rev3A_979] in [0] : vector<16xf32>, vector<16xi32> -> vector<16xf32>
      %rev3A_981 = arith.constant 15 : i32
      %rev3A_982 = vector.broadcast %rev3A_981 : i32 to vector<16xi32>
      %rev3A_983 = tpu.iota {dimensions = array<i32: 0>} : vector<16xi32>
      %rev3A_984 = arith.subi %rev3A_982, %rev3A_983 : vector<16xi32>
      %rev3A_985 = tpu.dynamic_gather %masked_sort3A_970[%rev3A_984] in [0] : vector<16xf32>, vector<16xi32> -> vector<16xf32>
      %max3A_986 = arith.maximumf %masked_sort3A_947, %rev3A_980 : vector<16xf32>
      %min3A_987 = arith.minimumf %masked_sort3A_947, %rev3A_980 : vector<16xf32>
      %max3A_988 = arith.maximumf %masked_sort3A_951, %rev3A_985 : vector<16xf32>
      %min3A_989 = arith.minimumf %masked_sort3A_951, %rev3A_985 : vector<16xf32>
      %max3A_990 = arith.maximumf %max3A_986, %max3A_988 : vector<16xf32>
      %min3A_991 = arith.minimumf %max3A_986, %max3A_988 : vector<16xf32>
      %masked_sort3A_992 = arith.constant dense<true> : vector<16xi1>
      %masked_sort3A_993, %masked_sort3A_994, %masked_sort3A_995 = tpu.sort %max3A_990, %max3A_990 masked %masked_sort3A_992 {descending = true} : (vector<16xf32>, vector<16xf32>, vector<16xi1>) -> (vector<16xi1>, vector<16xf32>, vector<16xf32>)
      %masked_sort3A_996 = arith.constant dense<true> : vector<16xi1>
      %masked_sort3A_997, %masked_sort3A_998, %masked_sort3A_999 = tpu.sort %min3A_991, %min3A_991 masked %masked_sort3A_996 {descending = true} : (vector<16xf32>, vector<16xf32>, vector<16xi1>) -> (vector<16xi1>, vector<16xf32>, vector<16xf32>)
      %max3A_1000 = arith.maximumf %min3A_987, %min3A_989 : vector<16xf32>
      %min3A_1001 = arith.minimumf %min3A_987, %min3A_989 : vector<16xf32>
      %masked_sort3A_1002 = arith.constant dense<true> : vector<16xi1>
      %masked_sort3A_1003, %masked_sort3A_1004, %masked_sort3A_1005 = tpu.sort %max3A_1000, %max3A_1000 masked %masked_sort3A_1002 {descending = true} : (vector<16xf32>, vector<16xf32>, vector<16xi1>) -> (vector<16xi1>, vector<16xf32>, vector<16xf32>)
      %masked_sort3A_1006 = arith.constant dense<true> : vector<16xi1>
      %masked_sort3A_1007, %masked_sort3A_1008, %masked_sort3A_1009 = tpu.sort %min3A_1001, %min3A_1001 masked %masked_sort3A_1006 {descending = true} : (vector<16xf32>, vector<16xf32>, vector<16xi1>) -> (vector<16xi1>, vector<16xf32>, vector<16xf32>)
      %rev3A_1010 = arith.constant 15 : i32
      %rev3A_1011 = vector.broadcast %rev3A_1010 : i32 to vector<16xi32>
      %rev3A_1012 = tpu.iota {dimensions = array<i32: 0>} : vector<16xi32>
      %rev3A_1013 = arith.subi %rev3A_1011, %rev3A_1012 : vector<16xi32>
      %rev3A_1014 = tpu.dynamic_gather %masked_sort3A_1008[%rev3A_1013] in [0] : vector<16xf32>, vector<16xi32> -> vector<16xf32>
      %rev3A_1015 = arith.constant 15 : i32
      %rev3A_1016 = vector.broadcast %rev3A_1015 : i32 to vector<16xi32>
      %rev3A_1017 = tpu.iota {dimensions = array<i32: 0>} : vector<16xi32>
      %rev3A_1018 = arith.subi %rev3A_1016, %rev3A_1017 : vector<16xi32>
      %rev3A_1019 = tpu.dynamic_gather %masked_sort3A_1004[%rev3A_1018] in [0] : vector<16xf32>, vector<16xi32> -> vector<16xf32>
      %rev3A_1020 = arith.constant 15 : i32
      %rev3A_1021 = vector.broadcast %rev3A_1020 : i32 to vector<16xi32>
      %rev3A_1022 = tpu.iota {dimensions = array<i32: 0>} : vector<16xi32>
      %rev3A_1023 = arith.subi %rev3A_1021, %rev3A_1022 : vector<16xi32>
      %rev3A_1024 = tpu.dynamic_gather %masked_sort3A_998[%rev3A_1023] in [0] : vector<16xf32>, vector<16xi32> -> vector<16xf32>
      %rev3A_1025 = arith.constant 15 : i32
      %rev3A_1026 = vector.broadcast %rev3A_1025 : i32 to vector<16xi32>
      %rev3A_1027 = tpu.iota {dimensions = array<i32: 0>} : vector<16xi32>
      %rev3A_1028 = arith.subi %rev3A_1026, %rev3A_1027 : vector<16xi32>
      %rev3A_1029 = tpu.dynamic_gather %masked_sort3A_994[%rev3A_1028] in [0] : vector<16xf32>, vector<16xi32> -> vector<16xf32>
      %max3A_1030 = arith.maximumf %masked_sort3A_914, %rev3A_1014 : vector<16xf32>
      %min3A_1031 = arith.minimumf %masked_sort3A_914, %rev3A_1014 : vector<16xf32>
      %max3A_1032 = arith.maximumf %masked_sort3A_918, %rev3A_1019 : vector<16xf32>
      %min3A_1033 = arith.minimumf %masked_sort3A_918, %rev3A_1019 : vector<16xf32>
      %max3A_1034 = arith.maximumf %masked_sort3A_924, %rev3A_1024 : vector<16xf32>
      %min3A_1035 = arith.minimumf %masked_sort3A_924, %rev3A_1024 : vector<16xf32>
      %max3A_1036 = arith.maximumf %masked_sort3A_928, %rev3A_1029 : vector<16xf32>
      %min3A_1037 = arith.minimumf %masked_sort3A_928, %rev3A_1029 : vector<16xf32>
      %max3A_1038 = arith.maximumf %max3A_1030, %max3A_1034 : vector<16xf32>
      %min3A_1039 = arith.minimumf %max3A_1030, %max3A_1034 : vector<16xf32>
      %max3A_1040 = arith.maximumf %max3A_1032, %max3A_1036 : vector<16xf32>
      %min3A_1041 = arith.minimumf %max3A_1032, %max3A_1036 : vector<16xf32>
      %max3A_1042 = arith.maximumf %max3A_1038, %max3A_1040 : vector<16xf32>
      %min3A_1043 = arith.minimumf %max3A_1038, %max3A_1040 : vector<16xf32>
      %masked_sort3A_1044 = arith.constant dense<true> : vector<16xi1>
      %masked_sort3A_1045, %masked_sort3A_1046, %masked_sort3A_1047 = tpu.sort %max3A_1042, %max3A_1042 masked %masked_sort3A_1044 {descending = true} : (vector<16xf32>, vector<16xf32>, vector<16xi1>) -> (vector<16xi1>, vector<16xf32>, vector<16xf32>)
      %masked_sort3A_1048 = arith.constant dense<true> : vector<16xi1>
      %masked_sort3A_1049, %masked_sort3A_1050, %masked_sort3A_1051 = tpu.sort %min3A_1043, %min3A_1043 masked %masked_sort3A_1048 {descending = true} : (vector<16xf32>, vector<16xf32>, vector<16xi1>) -> (vector<16xi1>, vector<16xf32>, vector<16xf32>)
      %max3A_1052 = arith.maximumf %min3A_1039, %min3A_1041 : vector<16xf32>
      %min3A_1053 = arith.minimumf %min3A_1039, %min3A_1041 : vector<16xf32>
      %masked_sort3A_1054 = arith.constant dense<true> : vector<16xi1>
      %masked_sort3A_1055, %masked_sort3A_1056, %masked_sort3A_1057 = tpu.sort %max3A_1052, %max3A_1052 masked %masked_sort3A_1054 {descending = true} : (vector<16xf32>, vector<16xf32>, vector<16xi1>) -> (vector<16xi1>, vector<16xf32>, vector<16xf32>)
      %masked_sort3A_1058 = arith.constant dense<true> : vector<16xi1>
      %masked_sort3A_1059, %masked_sort3A_1060, %masked_sort3A_1061 = tpu.sort %min3A_1053, %min3A_1053 masked %masked_sort3A_1058 {descending = true} : (vector<16xf32>, vector<16xf32>, vector<16xi1>) -> (vector<16xi1>, vector<16xf32>, vector<16xf32>)
      %max3A_1062 = arith.maximumf %min3A_1031, %min3A_1035 : vector<16xf32>
      %min3A_1063 = arith.minimumf %min3A_1031, %min3A_1035 : vector<16xf32>
      %max3A_1064 = arith.maximumf %min3A_1033, %min3A_1037 : vector<16xf32>
      %min3A_1065 = arith.minimumf %min3A_1033, %min3A_1037 : vector<16xf32>
      %max3A_1066 = arith.maximumf %max3A_1062, %max3A_1064 : vector<16xf32>
      %min3A_1067 = arith.minimumf %max3A_1062, %max3A_1064 : vector<16xf32>
      %masked_sort3A_1068 = arith.constant dense<true> : vector<16xi1>
      %masked_sort3A_1069, %masked_sort3A_1070, %masked_sort3A_1071 = tpu.sort %max3A_1066, %max3A_1066 masked %masked_sort3A_1068 {descending = true} : (vector<16xf32>, vector<16xf32>, vector<16xi1>) -> (vector<16xi1>, vector<16xf32>, vector<16xf32>)
      %masked_sort3A_1072 = arith.constant dense<true> : vector<16xi1>
      %masked_sort3A_1073, %masked_sort3A_1074, %masked_sort3A_1075 = tpu.sort %min3A_1067, %min3A_1067 masked %masked_sort3A_1072 {descending = true} : (vector<16xf32>, vector<16xf32>, vector<16xi1>) -> (vector<16xi1>, vector<16xf32>, vector<16xf32>)
      %max3A_1076 = arith.maximumf %min3A_1063, %min3A_1065 : vector<16xf32>
      %min3A_1077 = arith.minimumf %min3A_1063, %min3A_1065 : vector<16xf32>
      %masked_sort3A_1078 = arith.constant dense<true> : vector<16xi1>
      %masked_sort3A_1079, %masked_sort3A_1080, %masked_sort3A_1081 = tpu.sort %max3A_1076, %max3A_1076 masked %masked_sort3A_1078 {descending = true} : (vector<16xf32>, vector<16xf32>, vector<16xi1>) -> (vector<16xi1>, vector<16xf32>, vector<16xf32>)
      %masked_sort3A_1082 = arith.constant dense<true> : vector<16xi1>
      %masked_sort3A_1083, %masked_sort3A_1084, %masked_sort3A_1085 = tpu.sort %min3A_1077, %min3A_1077 masked %masked_sort3A_1082 {descending = true} : (vector<16xf32>, vector<16xf32>, vector<16xi1>) -> (vector<16xi1>, vector<16xf32>, vector<16xf32>)
      %rev3A_1086 = arith.constant 15 : i32
      %rev3A_1087 = vector.broadcast %rev3A_1086 : i32 to vector<16xi32>
      %rev3A_1088 = tpu.iota {dimensions = array<i32: 0>} : vector<16xi32>
      %rev3A_1089 = arith.subi %rev3A_1087, %rev3A_1088 : vector<16xi32>
      %rev3A_1090 = tpu.dynamic_gather %masked_sort3A_612[%rev3A_1089] in [0] : vector<16xf32>, vector<16xi32> -> vector<16xf32>
      %max3A_1091 = arith.maximumf %masked_sort3A_338, %rev3A_1090 : vector<16xf32>
      %rev3A_1092 = arith.constant 15 : i32
      %rev3A_1093 = vector.broadcast %rev3A_1092 : i32 to vector<16xi32>
      %rev3A_1094 = tpu.iota {dimensions = array<i32: 0>} : vector<16xi32>
      %rev3A_1095 = arith.subi %rev3A_1093, %rev3A_1094 : vector<16xi32>
      %rev3A_1096 = tpu.dynamic_gather %masked_sort3A_608[%rev3A_1095] in [0] : vector<16xf32>, vector<16xi32> -> vector<16xf32>
      %max3A_1097 = arith.maximumf %masked_sort3A_342, %rev3A_1096 : vector<16xf32>
      %rev3A_1098 = arith.constant 15 : i32
      %rev3A_1099 = vector.broadcast %rev3A_1098 : i32 to vector<16xi32>
      %rev3A_1100 = tpu.iota {dimensions = array<i32: 0>} : vector<16xi32>
      %rev3A_1101 = arith.subi %rev3A_1099, %rev3A_1100 : vector<16xi32>
      %rev3A_1102 = tpu.dynamic_gather %masked_sort3A_602[%rev3A_1101] in [0] : vector<16xf32>, vector<16xi32> -> vector<16xf32>
      %max3A_1103 = arith.maximumf %masked_sort3A_348, %rev3A_1102 : vector<16xf32>
      %rev3A_1104 = arith.constant 15 : i32
      %rev3A_1105 = vector.broadcast %rev3A_1104 : i32 to vector<16xi32>
      %rev3A_1106 = tpu.iota {dimensions = array<i32: 0>} : vector<16xi32>
      %rev3A_1107 = arith.subi %rev3A_1105, %rev3A_1106 : vector<16xi32>
      %rev3A_1108 = tpu.dynamic_gather %masked_sort3A_598[%rev3A_1107] in [0] : vector<16xf32>, vector<16xi32> -> vector<16xf32>
      %max3A_1109 = arith.maximumf %masked_sort3A_352, %rev3A_1108 : vector<16xf32>
      %rev3A_1110 = arith.constant 15 : i32
      %rev3A_1111 = vector.broadcast %rev3A_1110 : i32 to vector<16xi32>
      %rev3A_1112 = tpu.iota {dimensions = array<i32: 0>} : vector<16xi32>
      %rev3A_1113 = arith.subi %rev3A_1111, %rev3A_1112 : vector<16xi32>
      %rev3A_1114 = tpu.dynamic_gather %masked_sort3A_588[%rev3A_1113] in [0] : vector<16xf32>, vector<16xi32> -> vector<16xf32>
      %max3A_1115 = arith.maximumf %masked_sort3A_362, %rev3A_1114 : vector<16xf32>
      %rev3A_1116 = arith.constant 15 : i32
      %rev3A_1117 = vector.broadcast %rev3A_1116 : i32 to vector<16xi32>
      %rev3A_1118 = tpu.iota {dimensions = array<i32: 0>} : vector<16xi32>
      %rev3A_1119 = arith.subi %rev3A_1117, %rev3A_1118 : vector<16xi32>
      %rev3A_1120 = tpu.dynamic_gather %masked_sort3A_584[%rev3A_1119] in [0] : vector<16xf32>, vector<16xi32> -> vector<16xf32>
      %max3A_1121 = arith.maximumf %masked_sort3A_366, %rev3A_1120 : vector<16xf32>
      %rev3A_1122 = arith.constant 15 : i32
      %rev3A_1123 = vector.broadcast %rev3A_1122 : i32 to vector<16xi32>
      %rev3A_1124 = tpu.iota {dimensions = array<i32: 0>} : vector<16xi32>
      %rev3A_1125 = arith.subi %rev3A_1123, %rev3A_1124 : vector<16xi32>
      %rev3A_1126 = tpu.dynamic_gather %masked_sort3A_578[%rev3A_1125] in [0] : vector<16xf32>, vector<16xi32> -> vector<16xf32>
      %max3A_1127 = arith.maximumf %masked_sort3A_372, %rev3A_1126 : vector<16xf32>
      %rev3A_1128 = arith.constant 15 : i32
      %rev3A_1129 = vector.broadcast %rev3A_1128 : i32 to vector<16xi32>
      %rev3A_1130 = tpu.iota {dimensions = array<i32: 0>} : vector<16xi32>
      %rev3A_1131 = arith.subi %rev3A_1129, %rev3A_1130 : vector<16xi32>
      %rev3A_1132 = tpu.dynamic_gather %masked_sort3A_574[%rev3A_1131] in [0] : vector<16xf32>, vector<16xi32> -> vector<16xf32>
      %max3A_1133 = arith.maximumf %masked_sort3A_376, %rev3A_1132 : vector<16xf32>
      %max3A_1134 = arith.maximumf %max3A_1091, %max3A_1115 : vector<16xf32>
      %min3A_1135 = arith.minimumf %max3A_1091, %max3A_1115 : vector<16xf32>
      %max3A_1136 = arith.maximumf %max3A_1097, %max3A_1121 : vector<16xf32>
      %min3A_1137 = arith.minimumf %max3A_1097, %max3A_1121 : vector<16xf32>
      %max3A_1138 = arith.maximumf %max3A_1103, %max3A_1127 : vector<16xf32>
      %min3A_1139 = arith.minimumf %max3A_1103, %max3A_1127 : vector<16xf32>
      %max3A_1140 = arith.maximumf %max3A_1109, %max3A_1133 : vector<16xf32>
      %min3A_1141 = arith.minimumf %max3A_1109, %max3A_1133 : vector<16xf32>
      %max3A_1142 = arith.maximumf %max3A_1134, %max3A_1138 : vector<16xf32>
      %min3A_1143 = arith.minimumf %max3A_1134, %max3A_1138 : vector<16xf32>
      %max3A_1144 = arith.maximumf %max3A_1136, %max3A_1140 : vector<16xf32>
      %min3A_1145 = arith.minimumf %max3A_1136, %max3A_1140 : vector<16xf32>
      %max3A_1146 = arith.maximumf %max3A_1142, %max3A_1144 : vector<16xf32>
      %min3A_1147 = arith.minimumf %max3A_1142, %max3A_1144 : vector<16xf32>
      %masked_sort3A_1148 = arith.constant dense<true> : vector<16xi1>
      %masked_sort3A_1149, %masked_sort3A_1150, %masked_sort3A_1151 = tpu.sort %max3A_1146, %max3A_1146 masked %masked_sort3A_1148 {descending = true} : (vector<16xf32>, vector<16xf32>, vector<16xi1>) -> (vector<16xi1>, vector<16xf32>, vector<16xf32>)
      %masked_sort3A_1152 = arith.constant dense<true> : vector<16xi1>
      %masked_sort3A_1153, %masked_sort3A_1154, %masked_sort3A_1155 = tpu.sort %min3A_1147, %min3A_1147 masked %masked_sort3A_1152 {descending = true} : (vector<16xf32>, vector<16xf32>, vector<16xi1>) -> (vector<16xi1>, vector<16xf32>, vector<16xf32>)
      %max3A_1156 = arith.maximumf %min3A_1143, %min3A_1145 : vector<16xf32>
      %min3A_1157 = arith.minimumf %min3A_1143, %min3A_1145 : vector<16xf32>
      %masked_sort3A_1158 = arith.constant dense<true> : vector<16xi1>
      %masked_sort3A_1159, %masked_sort3A_1160, %masked_sort3A_1161 = tpu.sort %max3A_1156, %max3A_1156 masked %masked_sort3A_1158 {descending = true} : (vector<16xf32>, vector<16xf32>, vector<16xi1>) -> (vector<16xi1>, vector<16xf32>, vector<16xf32>)
      %masked_sort3A_1162 = arith.constant dense<true> : vector<16xi1>
      %masked_sort3A_1163, %masked_sort3A_1164, %masked_sort3A_1165 = tpu.sort %min3A_1157, %min3A_1157 masked %masked_sort3A_1162 {descending = true} : (vector<16xf32>, vector<16xf32>, vector<16xi1>) -> (vector<16xi1>, vector<16xf32>, vector<16xf32>)
      %max3A_1166 = arith.maximumf %min3A_1135, %min3A_1139 : vector<16xf32>
      %min3A_1167 = arith.minimumf %min3A_1135, %min3A_1139 : vector<16xf32>
      %max3A_1168 = arith.maximumf %min3A_1137, %min3A_1141 : vector<16xf32>
      %min3A_1169 = arith.minimumf %min3A_1137, %min3A_1141 : vector<16xf32>
      %max3A_1170 = arith.maximumf %max3A_1166, %max3A_1168 : vector<16xf32>
      %min3A_1171 = arith.minimumf %max3A_1166, %max3A_1168 : vector<16xf32>
      %masked_sort3A_1172 = arith.constant dense<true> : vector<16xi1>
      %masked_sort3A_1173, %masked_sort3A_1174, %masked_sort3A_1175 = tpu.sort %max3A_1170, %max3A_1170 masked %masked_sort3A_1172 {descending = true} : (vector<16xf32>, vector<16xf32>, vector<16xi1>) -> (vector<16xi1>, vector<16xf32>, vector<16xf32>)
      %masked_sort3A_1176 = arith.constant dense<true> : vector<16xi1>
      %masked_sort3A_1177, %masked_sort3A_1178, %masked_sort3A_1179 = tpu.sort %min3A_1171, %min3A_1171 masked %masked_sort3A_1176 {descending = true} : (vector<16xf32>, vector<16xf32>, vector<16xi1>) -> (vector<16xi1>, vector<16xf32>, vector<16xf32>)
      %max3A_1180 = arith.maximumf %min3A_1167, %min3A_1169 : vector<16xf32>
      %min3A_1181 = arith.minimumf %min3A_1167, %min3A_1169 : vector<16xf32>
      %masked_sort3A_1182 = arith.constant dense<true> : vector<16xi1>
      %masked_sort3A_1183, %masked_sort3A_1184, %masked_sort3A_1185 = tpu.sort %max3A_1180, %max3A_1180 masked %masked_sort3A_1182 {descending = true} : (vector<16xf32>, vector<16xf32>, vector<16xi1>) -> (vector<16xi1>, vector<16xf32>, vector<16xf32>)
      %masked_sort3A_1186 = arith.constant dense<true> : vector<16xi1>
      %masked_sort3A_1187, %masked_sort3A_1188, %masked_sort3A_1189 = tpu.sort %min3A_1181, %min3A_1181 masked %masked_sort3A_1186 {descending = true} : (vector<16xf32>, vector<16xf32>, vector<16xi1>) -> (vector<16xi1>, vector<16xf32>, vector<16xf32>)
      %rev3A_1190 = arith.constant 15 : i32
      %rev3A_1191 = vector.broadcast %rev3A_1190 : i32 to vector<16xi32>
      %rev3A_1192 = tpu.iota {dimensions = array<i32: 0>} : vector<16xi32>
      %rev3A_1193 = arith.subi %rev3A_1191, %rev3A_1192 : vector<16xi32>
      %rev3A_1194 = tpu.dynamic_gather %masked_sort3A_1084[%rev3A_1193] in [0] : vector<16xf32>, vector<16xi32> -> vector<16xf32>
      %max3A_1195 = arith.maximumf %masked_sort3A_810, %rev3A_1194 : vector<16xf32>
      %rev3A_1196 = arith.constant 15 : i32
      %rev3A_1197 = vector.broadcast %rev3A_1196 : i32 to vector<16xi32>
      %rev3A_1198 = tpu.iota {dimensions = array<i32: 0>} : vector<16xi32>
      %rev3A_1199 = arith.subi %rev3A_1197, %rev3A_1198 : vector<16xi32>
      %rev3A_1200 = tpu.dynamic_gather %masked_sort3A_1080[%rev3A_1199] in [0] : vector<16xf32>, vector<16xi32> -> vector<16xf32>
      %max3A_1201 = arith.maximumf %masked_sort3A_814, %rev3A_1200 : vector<16xf32>
      %rev3A_1202 = arith.constant 15 : i32
      %rev3A_1203 = vector.broadcast %rev3A_1202 : i32 to vector<16xi32>
      %rev3A_1204 = tpu.iota {dimensions = array<i32: 0>} : vector<16xi32>
      %rev3A_1205 = arith.subi %rev3A_1203, %rev3A_1204 : vector<16xi32>
      %rev3A_1206 = tpu.dynamic_gather %masked_sort3A_1074[%rev3A_1205] in [0] : vector<16xf32>, vector<16xi32> -> vector<16xf32>
      %max3A_1207 = arith.maximumf %masked_sort3A_820, %rev3A_1206 : vector<16xf32>
      %rev3A_1208 = arith.constant 15 : i32
      %rev3A_1209 = vector.broadcast %rev3A_1208 : i32 to vector<16xi32>
      %rev3A_1210 = tpu.iota {dimensions = array<i32: 0>} : vector<16xi32>
      %rev3A_1211 = arith.subi %rev3A_1209, %rev3A_1210 : vector<16xi32>
      %rev3A_1212 = tpu.dynamic_gather %masked_sort3A_1070[%rev3A_1211] in [0] : vector<16xf32>, vector<16xi32> -> vector<16xf32>
      %max3A_1213 = arith.maximumf %masked_sort3A_824, %rev3A_1212 : vector<16xf32>
      %rev3A_1214 = arith.constant 15 : i32
      %rev3A_1215 = vector.broadcast %rev3A_1214 : i32 to vector<16xi32>
      %rev3A_1216 = tpu.iota {dimensions = array<i32: 0>} : vector<16xi32>
      %rev3A_1217 = arith.subi %rev3A_1215, %rev3A_1216 : vector<16xi32>
      %rev3A_1218 = tpu.dynamic_gather %masked_sort3A_1060[%rev3A_1217] in [0] : vector<16xf32>, vector<16xi32> -> vector<16xf32>
      %max3A_1219 = arith.maximumf %masked_sort3A_834, %rev3A_1218 : vector<16xf32>
      %rev3A_1220 = arith.constant 15 : i32
      %rev3A_1221 = vector.broadcast %rev3A_1220 : i32 to vector<16xi32>
      %rev3A_1222 = tpu.iota {dimensions = array<i32: 0>} : vector<16xi32>
      %rev3A_1223 = arith.subi %rev3A_1221, %rev3A_1222 : vector<16xi32>
      %rev3A_1224 = tpu.dynamic_gather %masked_sort3A_1056[%rev3A_1223] in [0] : vector<16xf32>, vector<16xi32> -> vector<16xf32>
      %max3A_1225 = arith.maximumf %masked_sort3A_838, %rev3A_1224 : vector<16xf32>
      %rev3A_1226 = arith.constant 15 : i32
      %rev3A_1227 = vector.broadcast %rev3A_1226 : i32 to vector<16xi32>
      %rev3A_1228 = tpu.iota {dimensions = array<i32: 0>} : vector<16xi32>
      %rev3A_1229 = arith.subi %rev3A_1227, %rev3A_1228 : vector<16xi32>
      %rev3A_1230 = tpu.dynamic_gather %masked_sort3A_1050[%rev3A_1229] in [0] : vector<16xf32>, vector<16xi32> -> vector<16xf32>
      %max3A_1231 = arith.maximumf %masked_sort3A_844, %rev3A_1230 : vector<16xf32>
      %rev3A_1232 = arith.constant 15 : i32
      %rev3A_1233 = vector.broadcast %rev3A_1232 : i32 to vector<16xi32>
      %rev3A_1234 = tpu.iota {dimensions = array<i32: 0>} : vector<16xi32>
      %rev3A_1235 = arith.subi %rev3A_1233, %rev3A_1234 : vector<16xi32>
      %rev3A_1236 = tpu.dynamic_gather %masked_sort3A_1046[%rev3A_1235] in [0] : vector<16xf32>, vector<16xi32> -> vector<16xf32>
      %max3A_1237 = arith.maximumf %masked_sort3A_848, %rev3A_1236 : vector<16xf32>
      %max3A_1238 = arith.maximumf %max3A_1195, %max3A_1219 : vector<16xf32>
      %min3A_1239 = arith.minimumf %max3A_1195, %max3A_1219 : vector<16xf32>
      %max3A_1240 = arith.maximumf %max3A_1201, %max3A_1225 : vector<16xf32>
      %min3A_1241 = arith.minimumf %max3A_1201, %max3A_1225 : vector<16xf32>
      %max3A_1242 = arith.maximumf %max3A_1207, %max3A_1231 : vector<16xf32>
      %min3A_1243 = arith.minimumf %max3A_1207, %max3A_1231 : vector<16xf32>
      %max3A_1244 = arith.maximumf %max3A_1213, %max3A_1237 : vector<16xf32>
      %min3A_1245 = arith.minimumf %max3A_1213, %max3A_1237 : vector<16xf32>
      %max3A_1246 = arith.maximumf %max3A_1238, %max3A_1242 : vector<16xf32>
      %min3A_1247 = arith.minimumf %max3A_1238, %max3A_1242 : vector<16xf32>
      %max3A_1248 = arith.maximumf %max3A_1240, %max3A_1244 : vector<16xf32>
      %min3A_1249 = arith.minimumf %max3A_1240, %max3A_1244 : vector<16xf32>
      %max3A_1250 = arith.maximumf %max3A_1246, %max3A_1248 : vector<16xf32>
      %min3A_1251 = arith.minimumf %max3A_1246, %max3A_1248 : vector<16xf32>
      %masked_sort3A_1252 = arith.constant dense<true> : vector<16xi1>
      %masked_sort3A_1253, %masked_sort3A_1254, %masked_sort3A_1255 = tpu.sort %max3A_1250, %max3A_1250 masked %masked_sort3A_1252 {descending = true} : (vector<16xf32>, vector<16xf32>, vector<16xi1>) -> (vector<16xi1>, vector<16xf32>, vector<16xf32>)
      %masked_sort3A_1256 = arith.constant dense<true> : vector<16xi1>
      %masked_sort3A_1257, %masked_sort3A_1258, %masked_sort3A_1259 = tpu.sort %min3A_1251, %min3A_1251 masked %masked_sort3A_1256 {descending = true} : (vector<16xf32>, vector<16xf32>, vector<16xi1>) -> (vector<16xi1>, vector<16xf32>, vector<16xf32>)
      %max3A_1260 = arith.maximumf %min3A_1247, %min3A_1249 : vector<16xf32>
      %min3A_1261 = arith.minimumf %min3A_1247, %min3A_1249 : vector<16xf32>
      %masked_sort3A_1262 = arith.constant dense<true> : vector<16xi1>
      %masked_sort3A_1263, %masked_sort3A_1264, %masked_sort3A_1265 = tpu.sort %max3A_1260, %max3A_1260 masked %masked_sort3A_1262 {descending = true} : (vector<16xf32>, vector<16xf32>, vector<16xi1>) -> (vector<16xi1>, vector<16xf32>, vector<16xf32>)
      %masked_sort3A_1266 = arith.constant dense<true> : vector<16xi1>
      %masked_sort3A_1267, %masked_sort3A_1268, %masked_sort3A_1269 = tpu.sort %min3A_1261, %min3A_1261 masked %masked_sort3A_1266 {descending = true} : (vector<16xf32>, vector<16xf32>, vector<16xi1>) -> (vector<16xi1>, vector<16xf32>, vector<16xf32>)
      %max3A_1270 = arith.maximumf %min3A_1239, %min3A_1243 : vector<16xf32>
      %min3A_1271 = arith.minimumf %min3A_1239, %min3A_1243 : vector<16xf32>
      %max3A_1272 = arith.maximumf %min3A_1241, %min3A_1245 : vector<16xf32>
      %min3A_1273 = arith.minimumf %min3A_1241, %min3A_1245 : vector<16xf32>
      %max3A_1274 = arith.maximumf %max3A_1270, %max3A_1272 : vector<16xf32>
      %min3A_1275 = arith.minimumf %max3A_1270, %max3A_1272 : vector<16xf32>
      %masked_sort3A_1276 = arith.constant dense<true> : vector<16xi1>
      %masked_sort3A_1277, %masked_sort3A_1278, %masked_sort3A_1279 = tpu.sort %max3A_1274, %max3A_1274 masked %masked_sort3A_1276 {descending = true} : (vector<16xf32>, vector<16xf32>, vector<16xi1>) -> (vector<16xi1>, vector<16xf32>, vector<16xf32>)
      %masked_sort3A_1280 = arith.constant dense<true> : vector<16xi1>
      %masked_sort3A_1281, %masked_sort3A_1282, %masked_sort3A_1283 = tpu.sort %min3A_1275, %min3A_1275 masked %masked_sort3A_1280 {descending = true} : (vector<16xf32>, vector<16xf32>, vector<16xi1>) -> (vector<16xi1>, vector<16xf32>, vector<16xf32>)
      %max3A_1284 = arith.maximumf %min3A_1271, %min3A_1273 : vector<16xf32>
      %min3A_1285 = arith.minimumf %min3A_1271, %min3A_1273 : vector<16xf32>
      %masked_sort3A_1286 = arith.constant dense<true> : vector<16xi1>
      %masked_sort3A_1287, %masked_sort3A_1288, %masked_sort3A_1289 = tpu.sort %max3A_1284, %max3A_1284 masked %masked_sort3A_1286 {descending = true} : (vector<16xf32>, vector<16xf32>, vector<16xi1>) -> (vector<16xi1>, vector<16xf32>, vector<16xf32>)
      %masked_sort3A_1290 = arith.constant dense<true> : vector<16xi1>
      %masked_sort3A_1291, %masked_sort3A_1292, %masked_sort3A_1293 = tpu.sort %min3A_1285, %min3A_1285 masked %masked_sort3A_1290 {descending = true} : (vector<16xf32>, vector<16xf32>, vector<16xi1>) -> (vector<16xi1>, vector<16xf32>, vector<16xf32>)
      %rev3A_1294 = arith.constant 15 : i32
      %rev3A_1295 = vector.broadcast %rev3A_1294 : i32 to vector<16xi32>
      %rev3A_1296 = tpu.iota {dimensions = array<i32: 0>} : vector<16xi32>
      %rev3A_1297 = arith.subi %rev3A_1295, %rev3A_1296 : vector<16xi32>
      %rev3A_1298 = tpu.dynamic_gather %masked_sort3A_1292[%rev3A_1297] in [0] : vector<16xf32>, vector<16xi32> -> vector<16xf32>
      %max3A_1299 = arith.maximumf %masked_sort3A_1150, %rev3A_1298 : vector<16xf32>
      %rev3A_1300 = arith.constant 15 : i32
      %rev3A_1301 = vector.broadcast %rev3A_1300 : i32 to vector<16xi32>
      %rev3A_1302 = tpu.iota {dimensions = array<i32: 0>} : vector<16xi32>
      %rev3A_1303 = arith.subi %rev3A_1301, %rev3A_1302 : vector<16xi32>
      %rev3A_1304 = tpu.dynamic_gather %masked_sort3A_1288[%rev3A_1303] in [0] : vector<16xf32>, vector<16xi32> -> vector<16xf32>
      %max3A_1305 = arith.maximumf %masked_sort3A_1154, %rev3A_1304 : vector<16xf32>
      %rev3A_1306 = arith.constant 15 : i32
      %rev3A_1307 = vector.broadcast %rev3A_1306 : i32 to vector<16xi32>
      %rev3A_1308 = tpu.iota {dimensions = array<i32: 0>} : vector<16xi32>
      %rev3A_1309 = arith.subi %rev3A_1307, %rev3A_1308 : vector<16xi32>
      %rev3A_1310 = tpu.dynamic_gather %masked_sort3A_1282[%rev3A_1309] in [0] : vector<16xf32>, vector<16xi32> -> vector<16xf32>
      %max3A_1311 = arith.maximumf %masked_sort3A_1160, %rev3A_1310 : vector<16xf32>
      %rev3A_1312 = arith.constant 15 : i32
      %rev3A_1313 = vector.broadcast %rev3A_1312 : i32 to vector<16xi32>
      %rev3A_1314 = tpu.iota {dimensions = array<i32: 0>} : vector<16xi32>
      %rev3A_1315 = arith.subi %rev3A_1313, %rev3A_1314 : vector<16xi32>
      %rev3A_1316 = tpu.dynamic_gather %masked_sort3A_1278[%rev3A_1315] in [0] : vector<16xf32>, vector<16xi32> -> vector<16xf32>
      %max3A_1317 = arith.maximumf %masked_sort3A_1164, %rev3A_1316 : vector<16xf32>
      %rev3A_1318 = arith.constant 15 : i32
      %rev3A_1319 = vector.broadcast %rev3A_1318 : i32 to vector<16xi32>
      %rev3A_1320 = tpu.iota {dimensions = array<i32: 0>} : vector<16xi32>
      %rev3A_1321 = arith.subi %rev3A_1319, %rev3A_1320 : vector<16xi32>
      %rev3A_1322 = tpu.dynamic_gather %masked_sort3A_1268[%rev3A_1321] in [0] : vector<16xf32>, vector<16xi32> -> vector<16xf32>
      %max3A_1323 = arith.maximumf %masked_sort3A_1174, %rev3A_1322 : vector<16xf32>
      %rev3A_1324 = arith.constant 15 : i32
      %rev3A_1325 = vector.broadcast %rev3A_1324 : i32 to vector<16xi32>
      %rev3A_1326 = tpu.iota {dimensions = array<i32: 0>} : vector<16xi32>
      %rev3A_1327 = arith.subi %rev3A_1325, %rev3A_1326 : vector<16xi32>
      %rev3A_1328 = tpu.dynamic_gather %masked_sort3A_1264[%rev3A_1327] in [0] : vector<16xf32>, vector<16xi32> -> vector<16xf32>
      %max3A_1329 = arith.maximumf %masked_sort3A_1178, %rev3A_1328 : vector<16xf32>
      %rev3A_1330 = arith.constant 15 : i32
      %rev3A_1331 = vector.broadcast %rev3A_1330 : i32 to vector<16xi32>
      %rev3A_1332 = tpu.iota {dimensions = array<i32: 0>} : vector<16xi32>
      %rev3A_1333 = arith.subi %rev3A_1331, %rev3A_1332 : vector<16xi32>
      %rev3A_1334 = tpu.dynamic_gather %masked_sort3A_1258[%rev3A_1333] in [0] : vector<16xf32>, vector<16xi32> -> vector<16xf32>
      %max3A_1335 = arith.maximumf %masked_sort3A_1184, %rev3A_1334 : vector<16xf32>
      %rev3A_1336 = arith.constant 15 : i32
      %rev3A_1337 = vector.broadcast %rev3A_1336 : i32 to vector<16xi32>
      %rev3A_1338 = tpu.iota {dimensions = array<i32: 0>} : vector<16xi32>
      %rev3A_1339 = arith.subi %rev3A_1337, %rev3A_1338 : vector<16xi32>
      %rev3A_1340 = tpu.dynamic_gather %masked_sort3A_1254[%rev3A_1339] in [0] : vector<16xf32>, vector<16xi32> -> vector<16xf32>
      %max3A_1341 = arith.maximumf %masked_sort3A_1188, %rev3A_1340 : vector<16xf32>
      %max3A_1342 = arith.maximumf %max3A_1299, %max3A_1323 : vector<16xf32>
      %min3A_1343 = arith.minimumf %max3A_1299, %max3A_1323 : vector<16xf32>
      %max3A_1344 = arith.maximumf %max3A_1305, %max3A_1329 : vector<16xf32>
      %min3A_1345 = arith.minimumf %max3A_1305, %max3A_1329 : vector<16xf32>
      %max3A_1346 = arith.maximumf %max3A_1311, %max3A_1335 : vector<16xf32>
      %min3A_1347 = arith.minimumf %max3A_1311, %max3A_1335 : vector<16xf32>
      %max3A_1348 = arith.maximumf %max3A_1317, %max3A_1341 : vector<16xf32>
      %min3A_1349 = arith.minimumf %max3A_1317, %max3A_1341 : vector<16xf32>
      %max3A_1350 = arith.maximumf %max3A_1342, %max3A_1346 : vector<16xf32>
      %min3A_1351 = arith.minimumf %max3A_1342, %max3A_1346 : vector<16xf32>
      %max3A_1352 = arith.maximumf %max3A_1344, %max3A_1348 : vector<16xf32>
      %min3A_1353 = arith.minimumf %max3A_1344, %max3A_1348 : vector<16xf32>
      %max3A_1354 = arith.maximumf %max3A_1350, %max3A_1352 : vector<16xf32>
      %min3A_1355 = arith.minimumf %max3A_1350, %max3A_1352 : vector<16xf32>
      %masked_sort3A_1356 = arith.constant dense<true> : vector<16xi1>
      %masked_sort3A_1357, %masked_sort3A_1358, %masked_sort3A_1359 = tpu.sort %max3A_1354, %max3A_1354 masked %masked_sort3A_1356 {descending = true} : (vector<16xf32>, vector<16xf32>, vector<16xi1>) -> (vector<16xi1>, vector<16xf32>, vector<16xf32>)
      %masked_sort3A_1360 = arith.constant dense<true> : vector<16xi1>
      %masked_sort3A_1361, %masked_sort3A_1362, %masked_sort3A_1363 = tpu.sort %min3A_1355, %min3A_1355 masked %masked_sort3A_1360 {descending = true} : (vector<16xf32>, vector<16xf32>, vector<16xi1>) -> (vector<16xi1>, vector<16xf32>, vector<16xf32>)
      %max3A_1364 = arith.maximumf %min3A_1351, %min3A_1353 : vector<16xf32>
      %min3A_1365 = arith.minimumf %min3A_1351, %min3A_1353 : vector<16xf32>
      %masked_sort3A_1366 = arith.constant dense<true> : vector<16xi1>
      %masked_sort3A_1367, %masked_sort3A_1368, %masked_sort3A_1369 = tpu.sort %max3A_1364, %max3A_1364 masked %masked_sort3A_1366 {descending = true} : (vector<16xf32>, vector<16xf32>, vector<16xi1>) -> (vector<16xi1>, vector<16xf32>, vector<16xf32>)
      %masked_sort3A_1370 = arith.constant dense<true> : vector<16xi1>
      %masked_sort3A_1371, %masked_sort3A_1372, %masked_sort3A_1373 = tpu.sort %min3A_1365, %min3A_1365 masked %masked_sort3A_1370 {descending = true} : (vector<16xf32>, vector<16xf32>, vector<16xi1>) -> (vector<16xi1>, vector<16xf32>, vector<16xf32>)
      %max3A_1374 = arith.maximumf %min3A_1343, %min3A_1347 : vector<16xf32>
      %min3A_1375 = arith.minimumf %min3A_1343, %min3A_1347 : vector<16xf32>
      %max3A_1376 = arith.maximumf %min3A_1345, %min3A_1349 : vector<16xf32>
      %min3A_1377 = arith.minimumf %min3A_1345, %min3A_1349 : vector<16xf32>
      %max3A_1378 = arith.maximumf %max3A_1374, %max3A_1376 : vector<16xf32>
      %min3A_1379 = arith.minimumf %max3A_1374, %max3A_1376 : vector<16xf32>
      %masked_sort3A_1380 = arith.constant dense<true> : vector<16xi1>
      %masked_sort3A_1381, %masked_sort3A_1382, %masked_sort3A_1383 = tpu.sort %max3A_1378, %max3A_1378 masked %masked_sort3A_1380 {descending = true} : (vector<16xf32>, vector<16xf32>, vector<16xi1>) -> (vector<16xi1>, vector<16xf32>, vector<16xf32>)
      %masked_sort3A_1384 = arith.constant dense<true> : vector<16xi1>
      %masked_sort3A_1385, %masked_sort3A_1386, %masked_sort3A_1387 = tpu.sort %min3A_1379, %min3A_1379 masked %masked_sort3A_1384 {descending = true} : (vector<16xf32>, vector<16xf32>, vector<16xi1>) -> (vector<16xi1>, vector<16xf32>, vector<16xf32>)
      %max3A_1388 = arith.maximumf %min3A_1375, %min3A_1377 : vector<16xf32>
      %min3A_1389 = arith.minimumf %min3A_1375, %min3A_1377 : vector<16xf32>
      %masked_sort3A_1390 = arith.constant dense<true> : vector<16xi1>
      %masked_sort3A_1391, %masked_sort3A_1392, %masked_sort3A_1393 = tpu.sort %max3A_1388, %max3A_1388 masked %masked_sort3A_1390 {descending = true} : (vector<16xf32>, vector<16xf32>, vector<16xi1>) -> (vector<16xi1>, vector<16xf32>, vector<16xf32>)
      %masked_sort3A_1394 = arith.constant dense<true> : vector<16xi1>
      %masked_sort3A_1395, %masked_sort3A_1396, %masked_sort3A_1397 = tpu.sort %min3A_1389, %min3A_1389 masked %masked_sort3A_1394 {descending = true} : (vector<16xf32>, vector<16xf32>, vector<16xi1>) -> (vector<16xi1>, vector<16xf32>, vector<16xf32>)
      %broadcast_in_dim3A = arith.constant 15 : i32
      %broadcast_in_dim3A_1398 = vector.broadcast %broadcast_in_dim3A : i32 to vector<16xi32>
      %broadcast_in_dim3A_1399 = vector.shape_cast %broadcast_in_dim3A_1398 : vector<16xi32> to vector<16x1xi32>
      %gather3A = vector.shape_cast %broadcast_in_dim3A_1399 : vector<16x1xi32> to vector<16xi32>
      %gather3A_1400 = tpu.dynamic_gather %masked_sort3A_1396[%gather3A] in [0] : vector<16xf32>, vector<16xi32> -> vector<16xf32>
      %broadcast_in_dim3A_1401 = arith.constant 271 : i32
      %broadcast_in_dim3A_1402 = vector.broadcast %broadcast_in_dim3A_1401 : i32 to vector<16xi32>
      %broadcast_in_dim3A_1403 = arith.constant 1 : i32
      %broadcast_in_dim3A_1404 = vector.broadcast %broadcast_in_dim3A_1403 : i32 to vector<16xi32>
      %broadcast_in_dim3A_1405 = arith.constant -1 : i32
      %broadcast_in_dim3A_1406 = vector.broadcast %broadcast_in_dim3A_1405 : i32 to vector<16xi32>
      %parallel_loop3A_1407 = arith.constant 0 : i32
      %parallel_loop3A_1408 = arith.constant 512 : i32
      %parallel_loop3A_1409 = arith.constant 1 : i32
      %parallel_loop3A_1410 = scf.for %parallel_loop3A_3579 = %parallel_loop3A_1407 to %parallel_loop3A_1408 step %parallel_loop3A_1409 iter_args(%parallel_loop3A_3580 = %broadcast_in_dim3A_1406) -> (vector<16xi32>)  : i32 {
        %parallel_loop3A_3581 = arith.constant 16 : i32
        %parallel_loop3A_3582 = arith.muli %parallel_loop3A_3579, %parallel_loop3A_3581 : i32
        %parallel_loop3A_3583 = arith.index_cast %scan3A_70 : i32 to index
        %parallel_loop3A_3584 = arith.index_cast %parallel_loop3A_3582 : i32 to index
        %parallel_loop3A_3585 = tpu.vector_load %arg5[%parallel_loop3A_3583, %parallel_loop3A_3584] {strides = array<i32>} : memref<4x8192xf32, #tpu.memory_space<vmem>>, vector<16xf32>,
        %parallel_loop3A_3586 = arith.cmpf oge, %parallel_loop3A_3585, %gather3A_1400 : vector<16xf32>
        %parallel_loop3A_3587 = tpu.scan <sum>, %broadcast_in_dim3A_1404 masked %parallel_loop3A_3586 : vector<16xi32>, vector<16xi1> -> vector<16xi32>
        %parallel_loop3A_3588 = arith.addi %parallel_loop3A_3580, %parallel_loop3A_3587 : vector<16xi32>
        %parallel_loop3A_3589 = arith.minsi %parallel_loop3A_3588, %broadcast_in_dim3A_1402 : vector<16xi32>
        %parallel_loop3A_3590 = arith.constant 16 : i32
        %parallel_loop3A_3591 = arith.muli %parallel_loop3A_3579, %parallel_loop3A_3590 : i32
        %parallel_loop3A_3592 = vector.broadcast %parallel_loop3A_3591 : i32 to vector<16xi32>
        %parallel_loop3A_3593 = arith.addi %iota3A, %parallel_loop3A_3592 : vector<16xi32>
        tpu.vector_store_idx %arg7[%parallel_loop3A_3589], %parallel_loop3A_3593 masked %parallel_loop3A_3586 : memref<272xi32, #tpu.memory_space<vmem>>[vector<16xi32>], vector<16xi32>, vector<16xi1>
        %parallel_loop3A_3594 = tpu.all_reduce %parallel_loop3A_3586 {dim = 0 : i64, kind = #tpu.reduction_kind<sum>} : vector<16xi1> -> vector<16xi32>
        %parallel_loop3A_3595 = arith.addi %parallel_loop3A_3580, %parallel_loop3A_3594 : vector<16xi32>
        scf.yield %parallel_loop3A_3595 : vector<16xi32>
      } {sc.loop_unroll_factor = 8 : i64, sc.parallel_access}
      %add3A_1411 = arith.constant 1 : i32
      %add3A_1412 = vector.broadcast %add3A_1411 : i32 to vector<16xi32>
      %add3A_1413 = arith.addi %parallel_loop3A_1410, %add3A_1412 : vector<16xi32>
      %broadcast_in_dim3A_1414 = arith.constant 256 : i32
      %broadcast_in_dim3A_1415 = vector.broadcast %broadcast_in_dim3A_1414 : i32 to vector<16xi32>
      %min3A_1416 = arith.minsi %add3A_1413, %broadcast_in_dim3A_1415 : vector<16xi32>
      %broadcast_in_dim3A_1417 = vector.broadcast %scan3A_70 : i32 to vector<16xi32>
      %add3A_1418 = arith.constant 0 : i32
      %add3A_1419 = vector.broadcast %add3A_1418 : i32 to vector<16xi32>
      %add3A_1420 = arith.addi %iota3A, %add3A_1419 : vector<16xi32>
      %lt3A = arith.cmpi slt, %add3A_1420, %min3A_1416 : vector<16xi32>
      %get3A_1421 = arith.constant 0 : index
      %get3A_1422 = tpu.vector_load %arg7[%get3A_1421] {strides = array<i32>} : memref<272xi32, #tpu.memory_space<vmem>>, vector<16xi32>,
      %jit3A = arith.constant 0 : i32
      %broadcast_in_dim3A_1423 = vector.broadcast %jit3A : i32 to vector<16xi32>
      %select_n3A = arith.select %lt3A, %get3A_1422, %broadcast_in_dim3A_1423 : vector<16xi1>, vector<16xi32>
      %gather3A_1424 = tpu.vector_load_idx %arg5[%broadcast_in_dim3A_1417, %select_n3A] : memref<4x8192xf32, #tpu.memory_space<vmem>>[vector<16xi32>, vector<16xi32>], vector<16xf32>,
      %jit3A_1425 = arith.constant 0xFF800000 : f32
      %broadcast_in_dim3A_1426 = vector.broadcast %jit3A_1425 : f32 to vector<16xf32>
      %select_n3A_1427 = arith.select %lt3A, %gather3A_1424, %broadcast_in_dim3A_1426 : vector<16xi1>, vector<16xf32>
      %add3A_1428 = arith.constant 16 : i32
      %add3A_1429 = vector.broadcast %add3A_1428 : i32 to vector<16xi32>
      %add3A_1430 = arith.addi %iota3A, %add3A_1429 : vector<16xi32>
      %lt3A_1431 = arith.cmpi slt, %add3A_1430, %min3A_1416 : vector<16xi32>
      %get3A_1432 = arith.constant 16 : index
      %get3A_1433 = tpu.vector_load %arg7[%get3A_1432] {strides = array<i32>} : memref<272xi32, #tpu.memory_space<vmem>>, vector<16xi32>,
      %jit3A_1434 = arith.constant 0 : i32
      %broadcast_in_dim3A_1435 = vector.broadcast %jit3A_1434 : i32 to vector<16xi32>
      %select_n3A_1436 = arith.select %lt3A_1431, %get3A_1433, %broadcast_in_dim3A_1435 : vector<16xi1>, vector<16xi32>
      %gather3A_1437 = tpu.vector_load_idx %arg5[%broadcast_in_dim3A_1417, %select_n3A_1436] : memref<4x8192xf32, #tpu.memory_space<vmem>>[vector<16xi32>, vector<16xi32>], vector<16xf32>,
      %jit3A_1438 = arith.constant 0xFF800000 : f32
      %broadcast_in_dim3A_1439 = vector.broadcast %jit3A_1438 : f32 to vector<16xf32>
      %select_n3A_1440 = arith.select %lt3A_1431, %gather3A_1437, %broadcast_in_dim3A_1439 : vector<16xi1>, vector<16xf32>
      %add3A_1441 = arith.constant 32 : i32
      %add3A_1442 = vector.broadcast %add3A_1441 : i32 to vector<16xi32>
      %add3A_1443 = arith.addi %iota3A, %add3A_1442 : vector<16xi32>
      %lt3A_1444 = arith.cmpi slt, %add3A_1443, %min3A_1416 : vector<16xi32>
      %get3A_1445 = arith.constant 32 : index
      %get3A_1446 = tpu.vector_load %arg7[%get3A_1445] {strides = array<i32>} : memref<272xi32, #tpu.memory_space<vmem>>, vector<16xi32>,
      %jit3A_1447 = arith.constant 0 : i32
      %broadcast_in_dim3A_1448 = vector.broadcast %jit3A_1447 : i32 to vector<16xi32>
      %select_n3A_1449 = arith.select %lt3A_1444, %get3A_1446, %broadcast_in_dim3A_1448 : vector<16xi1>, vector<16xi32>
      %gather3A_1450 = tpu.vector_load_idx %arg5[%broadcast_in_dim3A_1417, %select_n3A_1449] : memref<4x8192xf32, #tpu.memory_space<vmem>>[vector<16xi32>, vector<16xi32>], vector<16xf32>,
      %jit3A_1451 = arith.constant 0xFF800000 : f32
      %broadcast_in_dim3A_1452 = vector.broadcast %jit3A_1451 : f32 to vector<16xf32>
      %select_n3A_1453 = arith.select %lt3A_1444, %gather3A_1450, %broadcast_in_dim3A_1452 : vector<16xi1>, vector<16xf32>
      %add3A_1454 = arith.constant 48 : i32
      %add3A_1455 = vector.broadcast %add3A_1454 : i32 to vector<16xi32>
      %add3A_1456 = arith.addi %iota3A, %add3A_1455 : vector<16xi32>
      %lt3A_1457 = arith.cmpi slt, %add3A_1456, %min3A_1416 : vector<16xi32>
      %get3A_1458 = arith.constant 48 : index
      %get3A_1459 = tpu.vector_load %arg7[%get3A_1458] {strides = array<i32>} : memref<272xi32, #tpu.memory_space<vmem>>, vector<16xi32>,
      %jit3A_1460 = arith.constant 0 : i32
      %broadcast_in_dim3A_1461 = vector.broadcast %jit3A_1460 : i32 to vector<16xi32>
      %select_n3A_1462 = arith.select %lt3A_1457, %get3A_1459, %broadcast_in_dim3A_1461 : vector<16xi1>, vector<16xi32>
      %gather3A_1463 = tpu.vector_load_idx %arg5[%broadcast_in_dim3A_1417, %select_n3A_1462] : memref<4x8192xf32, #tpu.memory_space<vmem>>[vector<16xi32>, vector<16xi32>], vector<16xf32>,
      %jit3A_1464 = arith.constant 0xFF800000 : f32
      %broadcast_in_dim3A_1465 = vector.broadcast %jit3A_1464 : f32 to vector<16xf32>
      %select_n3A_1466 = arith.select %lt3A_1457, %gather3A_1463, %broadcast_in_dim3A_1465 : vector<16xi1>, vector<16xf32>
      %add3A_1467 = arith.constant 64 : i32
      %add3A_1468 = vector.broadcast %add3A_1467 : i32 to vector<16xi32>
      %add3A_1469 = arith.addi %iota3A, %add3A_1468 : vector<16xi32>
      %lt3A_1470 = arith.cmpi slt, %add3A_1469, %min3A_1416 : vector<16xi32>
      %get3A_1471 = arith.constant 64 : index
      %get3A_1472 = tpu.vector_load %arg7[%get3A_1471] {strides = array<i32>} : memref<272xi32, #tpu.memory_space<vmem>>, vector<16xi32>,
      %jit3A_1473 = arith.constant 0 : i32
      %broadcast_in_dim3A_1474 = vector.broadcast %jit3A_1473 : i32 to vector<16xi32>
      %select_n3A_1475 = arith.select %lt3A_1470, %get3A_1472, %broadcast_in_dim3A_1474 : vector<16xi1>, vector<16xi32>
      %gather3A_1476 = tpu.vector_load_idx %arg5[%broadcast_in_dim3A_1417, %select_n3A_1475] : memref<4x8192xf32, #tpu.memory_space<vmem>>[vector<16xi32>, vector<16xi32>], vector<16xf32>,
      %jit3A_1477 = arith.constant 0xFF800000 : f32
      %broadcast_in_dim3A_1478 = vector.broadcast %jit3A_1477 : f32 to vector<16xf32>
      %select_n3A_1479 = arith.select %lt3A_1470, %gather3A_1476, %broadcast_in_dim3A_1478 : vector<16xi1>, vector<16xf32>
      %add3A_1480 = arith.constant 80 : i32
      %add3A_1481 = vector.broadcast %add3A_1480 : i32 to vector<16xi32>
      %add3A_1482 = arith.addi %iota3A, %add3A_1481 : vector<16xi32>
      %lt3A_1483 = arith.cmpi slt, %add3A_1482, %min3A_1416 : vector<16xi32>
      %get3A_1484 = arith.constant 80 : index
      %get3A_1485 = tpu.vector_load %arg7[%get3A_1484] {strides = array<i32>} : memref<272xi32, #tpu.memory_space<vmem>>, vector<16xi32>,
      %jit3A_1486 = arith.constant 0 : i32
      %broadcast_in_dim3A_1487 = vector.broadcast %jit3A_1486 : i32 to vector<16xi32>
      %select_n3A_1488 = arith.select %lt3A_1483, %get3A_1485, %broadcast_in_dim3A_1487 : vector<16xi1>, vector<16xi32>
      %gather3A_1489 = tpu.vector_load_idx %arg5[%broadcast_in_dim3A_1417, %select_n3A_1488] : memref<4x8192xf32, #tpu.memory_space<vmem>>[vector<16xi32>, vector<16xi32>], vector<16xf32>,
      %jit3A_1490 = arith.constant 0xFF800000 : f32
      %broadcast_in_dim3A_1491 = vector.broadcast %jit3A_1490 : f32 to vector<16xf32>
      %select_n3A_1492 = arith.select %lt3A_1483, %gather3A_1489, %broadcast_in_dim3A_1491 : vector<16xi1>, vector<16xf32>
      %add3A_1493 = arith.constant 96 : i32
      %add3A_1494 = vector.broadcast %add3A_1493 : i32 to vector<16xi32>
      %add3A_1495 = arith.addi %iota3A, %add3A_1494 : vector<16xi32>
      %lt3A_1496 = arith.cmpi slt, %add3A_1495, %min3A_1416 : vector<16xi32>
      %get3A_1497 = arith.constant 96 : index
      %get3A_1498 = tpu.vector_load %arg7[%get3A_1497] {strides = array<i32>} : memref<272xi32, #tpu.memory_space<vmem>>, vector<16xi32>,
      %jit3A_1499 = arith.constant 0 : i32
      %broadcast_in_dim3A_1500 = vector.broadcast %jit3A_1499 : i32 to vector<16xi32>
      %select_n3A_1501 = arith.select %lt3A_1496, %get3A_1498, %broadcast_in_dim3A_1500 : vector<16xi1>, vector<16xi32>
      %gather3A_1502 = tpu.vector_load_idx %arg5[%broadcast_in_dim3A_1417, %select_n3A_1501] : memref<4x8192xf32, #tpu.memory_space<vmem>>[vector<16xi32>, vector<16xi32>], vector<16xf32>,
      %jit3A_1503 = arith.constant 0xFF800000 : f32
      %broadcast_in_dim3A_1504 = vector.broadcast %jit3A_1503 : f32 to vector<16xf32>
      %select_n3A_1505 = arith.select %lt3A_1496, %gather3A_1502, %broadcast_in_dim3A_1504 : vector<16xi1>, vector<16xf32>
      %add3A_1506 = arith.constant 112 : i32
      %add3A_1507 = vector.broadcast %add3A_1506 : i32 to vector<16xi32>
      %add3A_1508 = arith.addi %iota3A, %add3A_1507 : vector<16xi32>
      %lt3A_1509 = arith.cmpi slt, %add3A_1508, %min3A_1416 : vector<16xi32>
      %get3A_1510 = arith.constant 112 : index
      %get3A_1511 = tpu.vector_load %arg7[%get3A_1510] {strides = array<i32>} : memref<272xi32, #tpu.memory_space<vmem>>, vector<16xi32>,
      %jit3A_1512 = arith.constant 0 : i32
      %broadcast_in_dim3A_1513 = vector.broadcast %jit3A_1512 : i32 to vector<16xi32>
      %select_n3A_1514 = arith.select %lt3A_1509, %get3A_1511, %broadcast_in_dim3A_1513 : vector<16xi1>, vector<16xi32>
      %gather3A_1515 = tpu.vector_load_idx %arg5[%broadcast_in_dim3A_1417, %select_n3A_1514] : memref<4x8192xf32, #tpu.memory_space<vmem>>[vector<16xi32>, vector<16xi32>], vector<16xf32>,
      %jit3A_1516 = arith.constant 0xFF800000 : f32
      %broadcast_in_dim3A_1517 = vector.broadcast %jit3A_1516 : f32 to vector<16xf32>
      %select_n3A_1518 = arith.select %lt3A_1509, %gather3A_1515, %broadcast_in_dim3A_1517 : vector<16xi1>, vector<16xf32>
      %add3A_1519 = arith.constant 128 : i32
      %add3A_1520 = vector.broadcast %add3A_1519 : i32 to vector<16xi32>
      %add3A_1521 = arith.addi %iota3A, %add3A_1520 : vector<16xi32>
      %lt3A_1522 = arith.cmpi slt, %add3A_1521, %min3A_1416 : vector<16xi32>
      %get3A_1523 = arith.constant 128 : index
      %get3A_1524 = tpu.vector_load %arg7[%get3A_1523] {strides = array<i32>} : memref<272xi32, #tpu.memory_space<vmem>>, vector<16xi32>,
      %jit3A_1525 = arith.constant 0 : i32
      %broadcast_in_dim3A_1526 = vector.broadcast %jit3A_1525 : i32 to vector<16xi32>
      %select_n3A_1527 = arith.select %lt3A_1522, %get3A_1524, %broadcast_in_dim3A_1526 : vector<16xi1>, vector<16xi32>
      %gather3A_1528 = tpu.vector_load_idx %arg5[%broadcast_in_dim3A_1417, %select_n3A_1527] : memref<4x8192xf32, #tpu.memory_space<vmem>>[vector<16xi32>, vector<16xi32>], vector<16xf32>,
      %jit3A_1529 = arith.constant 0xFF800000 : f32
      %broadcast_in_dim3A_1530 = vector.broadcast %jit3A_1529 : f32 to vector<16xf32>
      %select_n3A_1531 = arith.select %lt3A_1522, %gather3A_1528, %broadcast_in_dim3A_1530 : vector<16xi1>, vector<16xf32>
      %add3A_1532 = arith.constant 144 : i32
      %add3A_1533 = vector.broadcast %add3A_1532 : i32 to vector<16xi32>
      %add3A_1534 = arith.addi %iota3A, %add3A_1533 : vector<16xi32>
      %lt3A_1535 = arith.cmpi slt, %add3A_1534, %min3A_1416 : vector<16xi32>
      %get3A_1536 = arith.constant 144 : index
      %get3A_1537 = tpu.vector_load %arg7[%get3A_1536] {strides = array<i32>} : memref<272xi32, #tpu.memory_space<vmem>>, vector<16xi32>,
      %jit3A_1538 = arith.constant 0 : i32
      %broadcast_in_dim3A_1539 = vector.broadcast %jit3A_1538 : i32 to vector<16xi32>
      %select_n3A_1540 = arith.select %lt3A_1535, %get3A_1537, %broadcast_in_dim3A_1539 : vector<16xi1>, vector<16xi32>
      %gather3A_1541 = tpu.vector_load_idx %arg5[%broadcast_in_dim3A_1417, %select_n3A_1540] : memref<4x8192xf32, #tpu.memory_space<vmem>>[vector<16xi32>, vector<16xi32>], vector<16xf32>,
      %jit3A_1542 = arith.constant 0xFF800000 : f32
      %broadcast_in_dim3A_1543 = vector.broadcast %jit3A_1542 : f32 to vector<16xf32>
      %select_n3A_1544 = arith.select %lt3A_1535, %gather3A_1541, %broadcast_in_dim3A_1543 : vector<16xi1>, vector<16xf32>
      %add3A_1545 = arith.constant 160 : i32
      %add3A_1546 = vector.broadcast %add3A_1545 : i32 to vector<16xi32>
      %add3A_1547 = arith.addi %iota3A, %add3A_1546 : vector<16xi32>
      %lt3A_1548 = arith.cmpi slt, %add3A_1547, %min3A_1416 : vector<16xi32>
      %get3A_1549 = arith.constant 160 : index
      %get3A_1550 = tpu.vector_load %arg7[%get3A_1549] {strides = array<i32>} : memref<272xi32, #tpu.memory_space<vmem>>, vector<16xi32>,
      %jit3A_1551 = arith.constant 0 : i32
      %broadcast_in_dim3A_1552 = vector.broadcast %jit3A_1551 : i32 to vector<16xi32>
      %select_n3A_1553 = arith.select %lt3A_1548, %get3A_1550, %broadcast_in_dim3A_1552 : vector<16xi1>, vector<16xi32>
      %gather3A_1554 = tpu.vector_load_idx %arg5[%broadcast_in_dim3A_1417, %select_n3A_1553] : memref<4x8192xf32, #tpu.memory_space<vmem>>[vector<16xi32>, vector<16xi32>], vector<16xf32>,
      %jit3A_1555 = arith.constant 0xFF800000 : f32
      %broadcast_in_dim3A_1556 = vector.broadcast %jit3A_1555 : f32 to vector<16xf32>
      %select_n3A_1557 = arith.select %lt3A_1548, %gather3A_1554, %broadcast_in_dim3A_1556 : vector<16xi1>, vector<16xf32>
      %add3A_1558 = arith.constant 176 : i32
      %add3A_1559 = vector.broadcast %add3A_1558 : i32 to vector<16xi32>
      %add3A_1560 = arith.addi %iota3A, %add3A_1559 : vector<16xi32>
      %lt3A_1561 = arith.cmpi slt, %add3A_1560, %min3A_1416 : vector<16xi32>
      %get3A_1562 = arith.constant 176 : index
      %get3A_1563 = tpu.vector_load %arg7[%get3A_1562] {strides = array<i32>} : memref<272xi32, #tpu.memory_space<vmem>>, vector<16xi32>,
      %jit3A_1564 = arith.constant 0 : i32
      %broadcast_in_dim3A_1565 = vector.broadcast %jit3A_1564 : i32 to vector<16xi32>
      %select_n3A_1566 = arith.select %lt3A_1561, %get3A_1563, %broadcast_in_dim3A_1565 : vector<16xi1>, vector<16xi32>
      %gather3A_1567 = tpu.vector_load_idx %arg5[%broadcast_in_dim3A_1417, %select_n3A_1566] : memref<4x8192xf32, #tpu.memory_space<vmem>>[vector<16xi32>, vector<16xi32>], vector<16xf32>,
      %jit3A_1568 = arith.constant 0xFF800000 : f32
      %broadcast_in_dim3A_1569 = vector.broadcast %jit3A_1568 : f32 to vector<16xf32>
      %select_n3A_1570 = arith.select %lt3A_1561, %gather3A_1567, %broadcast_in_dim3A_1569 : vector<16xi1>, vector<16xf32>
      %add3A_1571 = arith.constant 192 : i32
      %add3A_1572 = vector.broadcast %add3A_1571 : i32 to vector<16xi32>
      %add3A_1573 = arith.addi %iota3A, %add3A_1572 : vector<16xi32>
      %lt3A_1574 = arith.cmpi slt, %add3A_1573, %min3A_1416 : vector<16xi32>
      %get3A_1575 = arith.constant 192 : index
      %get3A_1576 = tpu.vector_load %arg7[%get3A_1575] {strides = array<i32>} : memref<272xi32, #tpu.memory_space<vmem>>, vector<16xi32>,
      %jit3A_1577 = arith.constant 0 : i32
      %broadcast_in_dim3A_1578 = vector.broadcast %jit3A_1577 : i32 to vector<16xi32>
      %select_n3A_1579 = arith.select %lt3A_1574, %get3A_1576, %broadcast_in_dim3A_1578 : vector<16xi1>, vector<16xi32>
      %gather3A_1580 = tpu.vector_load_idx %arg5[%broadcast_in_dim3A_1417, %select_n3A_1579] : memref<4x8192xf32, #tpu.memory_space<vmem>>[vector<16xi32>, vector<16xi32>], vector<16xf32>,
      %jit3A_1581 = arith.constant 0xFF800000 : f32
      %broadcast_in_dim3A_1582 = vector.broadcast %jit3A_1581 : f32 to vector<16xf32>
      %select_n3A_1583 = arith.select %lt3A_1574, %gather3A_1580, %broadcast_in_dim3A_1582 : vector<16xi1>, vector<16xf32>
      %add3A_1584 = arith.constant 208 : i32
      %add3A_1585 = vector.broadcast %add3A_1584 : i32 to vector<16xi32>
      %add3A_1586 = arith.addi %iota3A, %add3A_1585 : vector<16xi32>
      %lt3A_1587 = arith.cmpi slt, %add3A_1586, %min3A_1416 : vector<16xi32>
      %get3A_1588 = arith.constant 208 : index
      %get3A_1589 = tpu.vector_load %arg7[%get3A_1588] {strides = array<i32>} : memref<272xi32, #tpu.memory_space<vmem>>, vector<16xi32>,
      %jit3A_1590 = arith.constant 0 : i32
      %broadcast_in_dim3A_1591 = vector.broadcast %jit3A_1590 : i32 to vector<16xi32>
      %select_n3A_1592 = arith.select %lt3A_1587, %get3A_1589, %broadcast_in_dim3A_1591 : vector<16xi1>, vector<16xi32>
      %gather3A_1593 = tpu.vector_load_idx %arg5[%broadcast_in_dim3A_1417, %select_n3A_1592] : memref<4x8192xf32, #tpu.memory_space<vmem>>[vector<16xi32>, vector<16xi32>], vector<16xf32>,
      %jit3A_1594 = arith.constant 0xFF800000 : f32
      %broadcast_in_dim3A_1595 = vector.broadcast %jit3A_1594 : f32 to vector<16xf32>
      %select_n3A_1596 = arith.select %lt3A_1587, %gather3A_1593, %broadcast_in_dim3A_1595 : vector<16xi1>, vector<16xf32>
      %add3A_1597 = arith.constant 224 : i32
      %add3A_1598 = vector.broadcast %add3A_1597 : i32 to vector<16xi32>
      %add3A_1599 = arith.addi %iota3A, %add3A_1598 : vector<16xi32>
      %lt3A_1600 = arith.cmpi slt, %add3A_1599, %min3A_1416 : vector<16xi32>
      %get3A_1601 = arith.constant 224 : index
      %get3A_1602 = tpu.vector_load %arg7[%get3A_1601] {strides = array<i32>} : memref<272xi32, #tpu.memory_space<vmem>>, vector<16xi32>,
      %jit3A_1603 = arith.constant 0 : i32
      %broadcast_in_dim3A_1604 = vector.broadcast %jit3A_1603 : i32 to vector<16xi32>
      %select_n3A_1605 = arith.select %lt3A_1600, %get3A_1602, %broadcast_in_dim3A_1604 : vector<16xi1>, vector<16xi32>
      %gather3A_1606 = tpu.vector_load_idx %arg5[%broadcast_in_dim3A_1417, %select_n3A_1605] : memref<4x8192xf32, #tpu.memory_space<vmem>>[vector<16xi32>, vector<16xi32>], vector<16xf32>,
      %jit3A_1607 = arith.constant 0xFF800000 : f32
      %broadcast_in_dim3A_1608 = vector.broadcast %jit3A_1607 : f32 to vector<16xf32>
      %select_n3A_1609 = arith.select %lt3A_1600, %gather3A_1606, %broadcast_in_dim3A_1608 : vector<16xi1>, vector<16xf32>
      %add3A_1610 = arith.constant 240 : i32
      %add3A_1611 = vector.broadcast %add3A_1610 : i32 to vector<16xi32>
      %add3A_1612 = arith.addi %iota3A, %add3A_1611 : vector<16xi32>
      %lt3A_1613 = arith.cmpi slt, %add3A_1612, %min3A_1416 : vector<16xi32>
      %get3A_1614 = arith.constant 240 : index
      %get3A_1615 = tpu.vector_load %arg7[%get3A_1614] {strides = array<i32>} : memref<272xi32, #tpu.memory_space<vmem>>, vector<16xi32>,
      %jit3A_1616 = arith.constant 0 : i32
      %broadcast_in_dim3A_1617 = vector.broadcast %jit3A_1616 : i32 to vector<16xi32>
      %select_n3A_1618 = arith.select %lt3A_1613, %get3A_1615, %broadcast_in_dim3A_1617 : vector<16xi1>, vector<16xi32>
      %gather3A_1619 = tpu.vector_load_idx %arg5[%broadcast_in_dim3A_1417, %select_n3A_1618] : memref<4x8192xf32, #tpu.memory_space<vmem>>[vector<16xi32>, vector<16xi32>], vector<16xf32>,
      %jit3A_1620 = arith.constant 0xFF800000 : f32
      %broadcast_in_dim3A_1621 = vector.broadcast %jit3A_1620 : f32 to vector<16xf32>
      %select_n3A_1622 = arith.select %lt3A_1613, %gather3A_1619, %broadcast_in_dim3A_1621 : vector<16xi1>, vector<16xf32>
      %masked_sort3A_1623 = arith.constant dense<true> : vector<16xi1>
      %masked_sort3A_1624, %masked_sort3A_1625, %masked_sort3A_1626 = tpu.sort %select_n3A_1427, %select_n3A masked %masked_sort3A_1623 {descending = true} : (vector<16xf32>, vector<16xi32>, vector<16xi1>) -> (vector<16xi1>, vector<16xf32>, vector<16xi32>)
      %masked_sort3A_1627 = arith.constant dense<true> : vector<16xi1>
      %masked_sort3A_1628, %masked_sort3A_1629, %masked_sort3A_1630 = tpu.sort %select_n3A_1440, %select_n3A_1436 masked %masked_sort3A_1627 {descending = true} : (vector<16xf32>, vector<16xi32>, vector<16xi1>) -> (vector<16xi1>, vector<16xf32>, vector<16xi32>)
      %rev3A_1631 = arith.constant 15 : i32
      %rev3A_1632 = vector.broadcast %rev3A_1631 : i32 to vector<16xi32>
      %rev3A_1633 = tpu.iota {dimensions = array<i32: 0>} : vector<16xi32>
      %rev3A_1634 = arith.subi %rev3A_1632, %rev3A_1633 : vector<16xi32>
      %rev3A_1635 = tpu.dynamic_gather %masked_sort3A_1629[%rev3A_1634] in [0] : vector<16xf32>, vector<16xi32> -> vector<16xf32>
      %rev3A_1636 = arith.constant 15 : i32
      %rev3A_1637 = vector.broadcast %rev3A_1636 : i32 to vector<16xi32>
      %rev3A_1638 = tpu.iota {dimensions = array<i32: 0>} : vector<16xi32>
      %rev3A_1639 = arith.subi %rev3A_1637, %rev3A_1638 : vector<16xi32>
      %rev3A_1640 = tpu.dynamic_gather %masked_sort3A_1630[%rev3A_1639] in [0] : vector<16xi32>, vector<16xi32> -> vector<16xi32>
      %ge3A = arith.cmpf oge, %masked_sort3A_1625, %rev3A_1635 : vector<16xf32>
      %select_n3A_1641 = arith.select %ge3A, %masked_sort3A_1625, %rev3A_1635 : vector<16xi1>, vector<16xf32>
      %select_n3A_1642 = arith.select %ge3A, %masked_sort3A_1626, %rev3A_1640 : vector<16xi1>, vector<16xi32>
      %select_n3A_1643 = arith.select %ge3A, %rev3A_1635, %masked_sort3A_1625 : vector<16xi1>, vector<16xf32>
      %select_n3A_1644 = arith.select %ge3A, %rev3A_1640, %masked_sort3A_1626 : vector<16xi1>, vector<16xi32>
      %masked_sort3A_1645 = arith.constant dense<true> : vector<16xi1>
      %masked_sort3A_1646, %masked_sort3A_1647, %masked_sort3A_1648 = tpu.sort %select_n3A_1641, %select_n3A_1642 masked %masked_sort3A_1645 {descending = true} : (vector<16xf32>, vector<16xi32>, vector<16xi1>) -> (vector<16xi1>, vector<16xf32>, vector<16xi32>)
      %masked_sort3A_1649 = arith.constant dense<true> : vector<16xi1>
      %masked_sort3A_1650, %masked_sort3A_1651, %masked_sort3A_1652 = tpu.sort %select_n3A_1643, %select_n3A_1644 masked %masked_sort3A_1649 {descending = true} : (vector<16xf32>, vector<16xi32>, vector<16xi1>) -> (vector<16xi1>, vector<16xf32>, vector<16xi32>)
      %masked_sort3A_1653 = arith.constant dense<true> : vector<16xi1>
      %masked_sort3A_1654, %masked_sort3A_1655, %masked_sort3A_1656 = tpu.sort %select_n3A_1453, %select_n3A_1449 masked %masked_sort3A_1653 {descending = true} : (vector<16xf32>, vector<16xi32>, vector<16xi1>) -> (vector<16xi1>, vector<16xf32>, vector<16xi32>)
      %masked_sort3A_1657 = arith.constant dense<true> : vector<16xi1>
      %masked_sort3A_1658, %masked_sort3A_1659, %masked_sort3A_1660 = tpu.sort %select_n3A_1466, %select_n3A_1462 masked %masked_sort3A_1657 {descending = true} : (vector<16xf32>, vector<16xi32>, vector<16xi1>) -> (vector<16xi1>, vector<16xf32>, vector<16xi32>)
      %rev3A_1661 = arith.constant 15 : i32
      %rev3A_1662 = vector.broadcast %rev3A_1661 : i32 to vector<16xi32>
      %rev3A_1663 = tpu.iota {dimensions = array<i32: 0>} : vector<16xi32>
      %rev3A_1664 = arith.subi %rev3A_1662, %rev3A_1663 : vector<16xi32>
      %rev3A_1665 = tpu.dynamic_gather %masked_sort3A_1659[%rev3A_1664] in [0] : vector<16xf32>, vector<16xi32> -> vector<16xf32>
      %rev3A_1666 = arith.constant 15 : i32
      %rev3A_1667 = vector.broadcast %rev3A_1666 : i32 to vector<16xi32>
      %rev3A_1668 = tpu.iota {dimensions = array<i32: 0>} : vector<16xi32>
      %rev3A_1669 = arith.subi %rev3A_1667, %rev3A_1668 : vector<16xi32>
      %rev3A_1670 = tpu.dynamic_gather %masked_sort3A_1660[%rev3A_1669] in [0] : vector<16xi32>, vector<16xi32> -> vector<16xi32>
      %ge3A_1671 = arith.cmpf oge, %masked_sort3A_1655, %rev3A_1665 : vector<16xf32>
      %select_n3A_1672 = arith.select %ge3A_1671, %masked_sort3A_1655, %rev3A_1665 : vector<16xi1>, vector<16xf32>
      %select_n3A_1673 = arith.select %ge3A_1671, %masked_sort3A_1656, %rev3A_1670 : vector<16xi1>, vector<16xi32>
      %select_n3A_1674 = arith.select %ge3A_1671, %rev3A_1665, %masked_sort3A_1655 : vector<16xi1>, vector<16xf32>
      %select_n3A_1675 = arith.select %ge3A_1671, %rev3A_1670, %masked_sort3A_1656 : vector<16xi1>, vector<16xi32>
      %masked_sort3A_1676 = arith.constant dense<true> : vector<16xi1>
      %masked_sort3A_1677, %masked_sort3A_1678, %masked_sort3A_1679 = tpu.sort %select_n3A_1672, %select_n3A_1673 masked %masked_sort3A_1676 {descending = true} : (vector<16xf32>, vector<16xi32>, vector<16xi1>) -> (vector<16xi1>, vector<16xf32>, vector<16xi32>)
      %masked_sort3A_1680 = arith.constant dense<true> : vector<16xi1>
      %masked_sort3A_1681, %masked_sort3A_1682, %masked_sort3A_1683 = tpu.sort %select_n3A_1674, %select_n3A_1675 masked %masked_sort3A_1680 {descending = true} : (vector<16xf32>, vector<16xi32>, vector<16xi1>) -> (vector<16xi1>, vector<16xf32>, vector<16xi32>)
      %rev3A_1684 = arith.constant 15 : i32
      %rev3A_1685 = vector.broadcast %rev3A_1684 : i32 to vector<16xi32>
      %rev3A_1686 = tpu.iota {dimensions = array<i32: 0>} : vector<16xi32>
      %rev3A_1687 = arith.subi %rev3A_1685, %rev3A_1686 : vector<16xi32>
      %rev3A_1688 = tpu.dynamic_gather %masked_sort3A_1682[%rev3A_1687] in [0] : vector<16xf32>, vector<16xi32> -> vector<16xf32>
      %rev3A_1689 = arith.constant 15 : i32
      %rev3A_1690 = vector.broadcast %rev3A_1689 : i32 to vector<16xi32>
      %rev3A_1691 = tpu.iota {dimensions = array<i32: 0>} : vector<16xi32>
      %rev3A_1692 = arith.subi %rev3A_1690, %rev3A_1691 : vector<16xi32>
      %rev3A_1693 = tpu.dynamic_gather %masked_sort3A_1683[%rev3A_1692] in [0] : vector<16xi32>, vector<16xi32> -> vector<16xi32>
      %rev3A_1694 = arith.constant 15 : i32
      %rev3A_1695 = vector.broadcast %rev3A_1694 : i32 to vector<16xi32>
      %rev3A_1696 = tpu.iota {dimensions = array<i32: 0>} : vector<16xi32>
      %rev3A_1697 = arith.subi %rev3A_1695, %rev3A_1696 : vector<16xi32>
      %rev3A_1698 = tpu.dynamic_gather %masked_sort3A_1678[%rev3A_1697] in [0] : vector<16xf32>, vector<16xi32> -> vector<16xf32>
      %rev3A_1699 = arith.constant 15 : i32
      %rev3A_1700 = vector.broadcast %rev3A_1699 : i32 to vector<16xi32>
      %rev3A_1701 = tpu.iota {dimensions = array<i32: 0>} : vector<16xi32>
      %rev3A_1702 = arith.subi %rev3A_1700, %rev3A_1701 : vector<16xi32>
      %rev3A_1703 = tpu.dynamic_gather %masked_sort3A_1679[%rev3A_1702] in [0] : vector<16xi32>, vector<16xi32> -> vector<16xi32>
      %ge3A_1704 = arith.cmpf oge, %masked_sort3A_1647, %rev3A_1688 : vector<16xf32>
      %select_n3A_1705 = arith.select %ge3A_1704, %masked_sort3A_1647, %rev3A_1688 : vector<16xi1>, vector<16xf32>
      %select_n3A_1706 = arith.select %ge3A_1704, %masked_sort3A_1648, %rev3A_1693 : vector<16xi1>, vector<16xi32>
      %select_n3A_1707 = arith.select %ge3A_1704, %rev3A_1688, %masked_sort3A_1647 : vector<16xi1>, vector<16xf32>
      %select_n3A_1708 = arith.select %ge3A_1704, %rev3A_1693, %masked_sort3A_1648 : vector<16xi1>, vector<16xi32>
      %ge3A_1709 = arith.cmpf oge, %masked_sort3A_1651, %rev3A_1698 : vector<16xf32>
      %select_n3A_1710 = arith.select %ge3A_1709, %masked_sort3A_1651, %rev3A_1698 : vector<16xi1>, vector<16xf32>
      %select_n3A_1711 = arith.select %ge3A_1709, %masked_sort3A_1652, %rev3A_1703 : vector<16xi1>, vector<16xi32>
      %select_n3A_1712 = arith.select %ge3A_1709, %rev3A_1698, %masked_sort3A_1651 : vector<16xi1>, vector<16xf32>
      %select_n3A_1713 = arith.select %ge3A_1709, %rev3A_1703, %masked_sort3A_1652 : vector<16xi1>, vector<16xi32>
      %ge3A_1714 = arith.cmpf oge, %select_n3A_1705, %select_n3A_1710 : vector<16xf32>
      %select_n3A_1715 = arith.select %ge3A_1714, %select_n3A_1705, %select_n3A_1710 : vector<16xi1>, vector<16xf32>
      %select_n3A_1716 = arith.select %ge3A_1714, %select_n3A_1706, %select_n3A_1711 : vector<16xi1>, vector<16xi32>
      %select_n3A_1717 = arith.select %ge3A_1714, %select_n3A_1710, %select_n3A_1705 : vector<16xi1>, vector<16xf32>
      %select_n3A_1718 = arith.select %ge3A_1714, %select_n3A_1711, %select_n3A_1706 : vector<16xi1>, vector<16xi32>
      %masked_sort3A_1719 = arith.constant dense<true> : vector<16xi1>
      %masked_sort3A_1720, %masked_sort3A_1721, %masked_sort3A_1722 = tpu.sort %select_n3A_1715, %select_n3A_1716 masked %masked_sort3A_1719 {descending = true} : (vector<16xf32>, vector<16xi32>, vector<16xi1>) -> (vector<16xi1>, vector<16xf32>, vector<16xi32>)
      %masked_sort3A_1723 = arith.constant dense<true> : vector<16xi1>
      %masked_sort3A_1724, %masked_sort3A_1725, %masked_sort3A_1726 = tpu.sort %select_n3A_1717, %select_n3A_1718 masked %masked_sort3A_1723 {descending = true} : (vector<16xf32>, vector<16xi32>, vector<16xi1>) -> (vector<16xi1>, vector<16xf32>, vector<16xi32>)
      %ge3A_1727 = arith.cmpf oge, %select_n3A_1707, %select_n3A_1712 : vector<16xf32>
      %select_n3A_1728 = arith.select %ge3A_1727, %select_n3A_1707, %select_n3A_1712 : vector<16xi1>, vector<16xf32>
      %select_n3A_1729 = arith.select %ge3A_1727, %select_n3A_1708, %select_n3A_1713 : vector<16xi1>, vector<16xi32>
      %select_n3A_1730 = arith.select %ge3A_1727, %select_n3A_1712, %select_n3A_1707 : vector<16xi1>, vector<16xf32>
      %select_n3A_1731 = arith.select %ge3A_1727, %select_n3A_1713, %select_n3A_1708 : vector<16xi1>, vector<16xi32>
      %masked_sort3A_1732 = arith.constant dense<true> : vector<16xi1>
      %masked_sort3A_1733, %masked_sort3A_1734, %masked_sort3A_1735 = tpu.sort %select_n3A_1728, %select_n3A_1729 masked %masked_sort3A_1732 {descending = true} : (vector<16xf32>, vector<16xi32>, vector<16xi1>) -> (vector<16xi1>, vector<16xf32>, vector<16xi32>)
      %masked_sort3A_1736 = arith.constant dense<true> : vector<16xi1>
      %masked_sort3A_1737, %masked_sort3A_1738, %masked_sort3A_1739 = tpu.sort %select_n3A_1730, %select_n3A_1731 masked %masked_sort3A_1736 {descending = true} : (vector<16xf32>, vector<16xi32>, vector<16xi1>) -> (vector<16xi1>, vector<16xf32>, vector<16xi32>)
      %masked_sort3A_1740 = arith.constant dense<true> : vector<16xi1>
      %masked_sort3A_1741, %masked_sort3A_1742, %masked_sort3A_1743 = tpu.sort %select_n3A_1479, %select_n3A_1475 masked %masked_sort3A_1740 {descending = true} : (vector<16xf32>, vector<16xi32>, vector<16xi1>) -> (vector<16xi1>, vector<16xf32>, vector<16xi32>)
      %masked_sort3A_1744 = arith.constant dense<true> : vector<16xi1>
      %masked_sort3A_1745, %masked_sort3A_1746, %masked_sort3A_1747 = tpu.sort %select_n3A_1492, %select_n3A_1488 masked %masked_sort3A_1744 {descending = true} : (vector<16xf32>, vector<16xi32>, vector<16xi1>) -> (vector<16xi1>, vector<16xf32>, vector<16xi32>)
      %rev3A_1748 = arith.constant 15 : i32
      %rev3A_1749 = vector.broadcast %rev3A_1748 : i32 to vector<16xi32>
      %rev3A_1750 = tpu.iota {dimensions = array<i32: 0>} : vector<16xi32>
      %rev3A_1751 = arith.subi %rev3A_1749, %rev3A_1750 : vector<16xi32>
      %rev3A_1752 = tpu.dynamic_gather %masked_sort3A_1746[%rev3A_1751] in [0] : vector<16xf32>, vector<16xi32> -> vector<16xf32>
      %rev3A_1753 = arith.constant 15 : i32
      %rev3A_1754 = vector.broadcast %rev3A_1753 : i32 to vector<16xi32>
      %rev3A_1755 = tpu.iota {dimensions = array<i32: 0>} : vector<16xi32>
      %rev3A_1756 = arith.subi %rev3A_1754, %rev3A_1755 : vector<16xi32>
      %rev3A_1757 = tpu.dynamic_gather %masked_sort3A_1747[%rev3A_1756] in [0] : vector<16xi32>, vector<16xi32> -> vector<16xi32>
      %ge3A_1758 = arith.cmpf oge, %masked_sort3A_1742, %rev3A_1752 : vector<16xf32>
      %select_n3A_1759 = arith.select %ge3A_1758, %masked_sort3A_1742, %rev3A_1752 : vector<16xi1>, vector<16xf32>
      %select_n3A_1760 = arith.select %ge3A_1758, %masked_sort3A_1743, %rev3A_1757 : vector<16xi1>, vector<16xi32>
      %select_n3A_1761 = arith.select %ge3A_1758, %rev3A_1752, %masked_sort3A_1742 : vector<16xi1>, vector<16xf32>
      %select_n3A_1762 = arith.select %ge3A_1758, %rev3A_1757, %masked_sort3A_1743 : vector<16xi1>, vector<16xi32>
      %masked_sort3A_1763 = arith.constant dense<true> : vector<16xi1>
      %masked_sort3A_1764, %masked_sort3A_1765, %masked_sort3A_1766 = tpu.sort %select_n3A_1759, %select_n3A_1760 masked %masked_sort3A_1763 {descending = true} : (vector<16xf32>, vector<16xi32>, vector<16xi1>) -> (vector<16xi1>, vector<16xf32>, vector<16xi32>)
      %masked_sort3A_1767 = arith.constant dense<true> : vector<16xi1>
      %masked_sort3A_1768, %masked_sort3A_1769, %masked_sort3A_1770 = tpu.sort %select_n3A_1761, %select_n3A_1762 masked %masked_sort3A_1767 {descending = true} : (vector<16xf32>, vector<16xi32>, vector<16xi1>) -> (vector<16xi1>, vector<16xf32>, vector<16xi32>)
      %masked_sort3A_1771 = arith.constant dense<true> : vector<16xi1>
      %masked_sort3A_1772, %masked_sort3A_1773, %masked_sort3A_1774 = tpu.sort %select_n3A_1505, %select_n3A_1501 masked %masked_sort3A_1771 {descending = true} : (vector<16xf32>, vector<16xi32>, vector<16xi1>) -> (vector<16xi1>, vector<16xf32>, vector<16xi32>)
      %masked_sort3A_1775 = arith.constant dense<true> : vector<16xi1>
      %masked_sort3A_1776, %masked_sort3A_1777, %masked_sort3A_1778 = tpu.sort %select_n3A_1518, %select_n3A_1514 masked %masked_sort3A_1775 {descending = true} : (vector<16xf32>, vector<16xi32>, vector<16xi1>) -> (vector<16xi1>, vector<16xf32>, vector<16xi32>)
      %rev3A_1779 = arith.constant 15 : i32
      %rev3A_1780 = vector.broadcast %rev3A_1779 : i32 to vector<16xi32>
      %rev3A_1781 = tpu.iota {dimensions = array<i32: 0>} : vector<16xi32>
      %rev3A_1782 = arith.subi %rev3A_1780, %rev3A_1781 : vector<16xi32>
      %rev3A_1783 = tpu.dynamic_gather %masked_sort3A_1777[%rev3A_1782] in [0] : vector<16xf32>, vector<16xi32> -> vector<16xf32>
      %rev3A_1784 = arith.constant 15 : i32
      %rev3A_1785 = vector.broadcast %rev3A_1784 : i32 to vector<16xi32>
      %rev3A_1786 = tpu.iota {dimensions = array<i32: 0>} : vector<16xi32>
      %rev3A_1787 = arith.subi %rev3A_1785, %rev3A_1786 : vector<16xi32>
      %rev3A_1788 = tpu.dynamic_gather %masked_sort3A_1778[%rev3A_1787] in [0] : vector<16xi32>, vector<16xi32> -> vector<16xi32>
      %ge3A_1789 = arith.cmpf oge, %masked_sort3A_1773, %rev3A_1783 : vector<16xf32>
      %select_n3A_1790 = arith.select %ge3A_1789, %masked_sort3A_1773, %rev3A_1783 : vector<16xi1>, vector<16xf32>
      %select_n3A_1791 = arith.select %ge3A_1789, %masked_sort3A_1774, %rev3A_1788 : vector<16xi1>, vector<16xi32>
      %select_n3A_1792 = arith.select %ge3A_1789, %rev3A_1783, %masked_sort3A_1773 : vector<16xi1>, vector<16xf32>
      %select_n3A_1793 = arith.select %ge3A_1789, %rev3A_1788, %masked_sort3A_1774 : vector<16xi1>, vector<16xi32>
      %masked_sort3A_1794 = arith.constant dense<true> : vector<16xi1>
      %masked_sort3A_1795, %masked_sort3A_1796, %masked_sort3A_1797 = tpu.sort %select_n3A_1790, %select_n3A_1791 masked %masked_sort3A_1794 {descending = true} : (vector<16xf32>, vector<16xi32>, vector<16xi1>) -> (vector<16xi1>, vector<16xf32>, vector<16xi32>)
      %masked_sort3A_1798 = arith.constant dense<true> : vector<16xi1>
      %masked_sort3A_1799, %masked_sort3A_1800, %masked_sort3A_1801 = tpu.sort %select_n3A_1792, %select_n3A_1793 masked %masked_sort3A_1798 {descending = true} : (vector<16xf32>, vector<16xi32>, vector<16xi1>) -> (vector<16xi1>, vector<16xf32>, vector<16xi32>)
      %rev3A_1802 = arith.constant 15 : i32
      %rev3A_1803 = vector.broadcast %rev3A_1802 : i32 to vector<16xi32>
      %rev3A_1804 = tpu.iota {dimensions = array<i32: 0>} : vector<16xi32>
      %rev3A_1805 = arith.subi %rev3A_1803, %rev3A_1804 : vector<16xi32>
      %rev3A_1806 = tpu.dynamic_gather %masked_sort3A_1800[%rev3A_1805] in [0] : vector<16xf32>, vector<16xi32> -> vector<16xf32>
      %rev3A_1807 = arith.constant 15 : i32
      %rev3A_1808 = vector.broadcast %rev3A_1807 : i32 to vector<16xi32>
      %rev3A_1809 = tpu.iota {dimensions = array<i32: 0>} : vector<16xi32>
      %rev3A_1810 = arith.subi %rev3A_1808, %rev3A_1809 : vector<16xi32>
      %rev3A_1811 = tpu.dynamic_gather %masked_sort3A_1801[%rev3A_1810] in [0] : vector<16xi32>, vector<16xi32> -> vector<16xi32>
      %rev3A_1812 = arith.constant 15 : i32
      %rev3A_1813 = vector.broadcast %rev3A_1812 : i32 to vector<16xi32>
      %rev3A_1814 = tpu.iota {dimensions = array<i32: 0>} : vector<16xi32>
      %rev3A_1815 = arith.subi %rev3A_1813, %rev3A_1814 : vector<16xi32>
      %rev3A_1816 = tpu.dynamic_gather %masked_sort3A_1796[%rev3A_1815] in [0] : vector<16xf32>, vector<16xi32> -> vector<16xf32>
      %rev3A_1817 = arith.constant 15 : i32
      %rev3A_1818 = vector.broadcast %rev3A_1817 : i32 to vector<16xi32>
      %rev3A_1819 = tpu.iota {dimensions = array<i32: 0>} : vector<16xi32>
      %rev3A_1820 = arith.subi %rev3A_1818, %rev3A_1819 : vector<16xi32>
      %rev3A_1821 = tpu.dynamic_gather %masked_sort3A_1797[%rev3A_1820] in [0] : vector<16xi32>, vector<16xi32> -> vector<16xi32>
      %ge3A_1822 = arith.cmpf oge, %masked_sort3A_1765, %rev3A_1806 : vector<16xf32>
      %select_n3A_1823 = arith.select %ge3A_1822, %masked_sort3A_1765, %rev3A_1806 : vector<16xi1>, vector<16xf32>
      %select_n3A_1824 = arith.select %ge3A_1822, %masked_sort3A_1766, %rev3A_1811 : vector<16xi1>, vector<16xi32>
      %select_n3A_1825 = arith.select %ge3A_1822, %rev3A_1806, %masked_sort3A_1765 : vector<16xi1>, vector<16xf32>
      %select_n3A_1826 = arith.select %ge3A_1822, %rev3A_1811, %masked_sort3A_1766 : vector<16xi1>, vector<16xi32>
      %ge3A_1827 = arith.cmpf oge, %masked_sort3A_1769, %rev3A_1816 : vector<16xf32>
      %select_n3A_1828 = arith.select %ge3A_1827, %masked_sort3A_1769, %rev3A_1816 : vector<16xi1>, vector<16xf32>
      %select_n3A_1829 = arith.select %ge3A_1827, %masked_sort3A_1770, %rev3A_1821 : vector<16xi1>, vector<16xi32>
      %select_n3A_1830 = arith.select %ge3A_1827, %rev3A_1816, %masked_sort3A_1769 : vector<16xi1>, vector<16xf32>
      %select_n3A_1831 = arith.select %ge3A_1827, %rev3A_1821, %masked_sort3A_1770 : vector<16xi1>, vector<16xi32>
      %ge3A_1832 = arith.cmpf oge, %select_n3A_1823, %select_n3A_1828 : vector<16xf32>
      %select_n3A_1833 = arith.select %ge3A_1832, %select_n3A_1823, %select_n3A_1828 : vector<16xi1>, vector<16xf32>
      %select_n3A_1834 = arith.select %ge3A_1832, %select_n3A_1824, %select_n3A_1829 : vector<16xi1>, vector<16xi32>
      %select_n3A_1835 = arith.select %ge3A_1832, %select_n3A_1828, %select_n3A_1823 : vector<16xi1>, vector<16xf32>
      %select_n3A_1836 = arith.select %ge3A_1832, %select_n3A_1829, %select_n3A_1824 : vector<16xi1>, vector<16xi32>
      %masked_sort3A_1837 = arith.constant dense<true> : vector<16xi1>
      %masked_sort3A_1838, %masked_sort3A_1839, %masked_sort3A_1840 = tpu.sort %select_n3A_1833, %select_n3A_1834 masked %masked_sort3A_1837 {descending = true} : (vector<16xf32>, vector<16xi32>, vector<16xi1>) -> (vector<16xi1>, vector<16xf32>, vector<16xi32>)
      %masked_sort3A_1841 = arith.constant dense<true> : vector<16xi1>
      %masked_sort3A_1842, %masked_sort3A_1843, %masked_sort3A_1844 = tpu.sort %select_n3A_1835, %select_n3A_1836 masked %masked_sort3A_1841 {descending = true} : (vector<16xf32>, vector<16xi32>, vector<16xi1>) -> (vector<16xi1>, vector<16xf32>, vector<16xi32>)
      %ge3A_1845 = arith.cmpf oge, %select_n3A_1825, %select_n3A_1830 : vector<16xf32>
      %select_n3A_1846 = arith.select %ge3A_1845, %select_n3A_1825, %select_n3A_1830 : vector<16xi1>, vector<16xf32>
      %select_n3A_1847 = arith.select %ge3A_1845, %select_n3A_1826, %select_n3A_1831 : vector<16xi1>, vector<16xi32>
      %select_n3A_1848 = arith.select %ge3A_1845, %select_n3A_1830, %select_n3A_1825 : vector<16xi1>, vector<16xf32>
      %select_n3A_1849 = arith.select %ge3A_1845, %select_n3A_1831, %select_n3A_1826 : vector<16xi1>, vector<16xi32>
      %masked_sort3A_1850 = arith.constant dense<true> : vector<16xi1>
      %masked_sort3A_1851, %masked_sort3A_1852, %masked_sort3A_1853 = tpu.sort %select_n3A_1846, %select_n3A_1847 masked %masked_sort3A_1850 {descending = true} : (vector<16xf32>, vector<16xi32>, vector<16xi1>) -> (vector<16xi1>, vector<16xf32>, vector<16xi32>)
      %masked_sort3A_1854 = arith.constant dense<true> : vector<16xi1>
      %masked_sort3A_1855, %masked_sort3A_1856, %masked_sort3A_1857 = tpu.sort %select_n3A_1848, %select_n3A_1849 masked %masked_sort3A_1854 {descending = true} : (vector<16xf32>, vector<16xi32>, vector<16xi1>) -> (vector<16xi1>, vector<16xf32>, vector<16xi32>)
      %rev3A_1858 = arith.constant 15 : i32
      %rev3A_1859 = vector.broadcast %rev3A_1858 : i32 to vector<16xi32>
      %rev3A_1860 = tpu.iota {dimensions = array<i32: 0>} : vector<16xi32>
      %rev3A_1861 = arith.subi %rev3A_1859, %rev3A_1860 : vector<16xi32>
      %rev3A_1862 = tpu.dynamic_gather %masked_sort3A_1856[%rev3A_1861] in [0] : vector<16xf32>, vector<16xi32> -> vector<16xf32>
      %rev3A_1863 = arith.constant 15 : i32
      %rev3A_1864 = vector.broadcast %rev3A_1863 : i32 to vector<16xi32>
      %rev3A_1865 = tpu.iota {dimensions = array<i32: 0>} : vector<16xi32>
      %rev3A_1866 = arith.subi %rev3A_1864, %rev3A_1865 : vector<16xi32>
      %rev3A_1867 = tpu.dynamic_gather %masked_sort3A_1857[%rev3A_1866] in [0] : vector<16xi32>, vector<16xi32> -> vector<16xi32>
      %rev3A_1868 = arith.constant 15 : i32
      %rev3A_1869 = vector.broadcast %rev3A_1868 : i32 to vector<16xi32>
      %rev3A_1870 = tpu.iota {dimensions = array<i32: 0>} : vector<16xi32>
      %rev3A_1871 = arith.subi %rev3A_1869, %rev3A_1870 : vector<16xi32>
      %rev3A_1872 = tpu.dynamic_gather %masked_sort3A_1852[%rev3A_1871] in [0] : vector<16xf32>, vector<16xi32> -> vector<16xf32>
      %rev3A_1873 = arith.constant 15 : i32
      %rev3A_1874 = vector.broadcast %rev3A_1873 : i32 to vector<16xi32>
      %rev3A_1875 = tpu.iota {dimensions = array<i32: 0>} : vector<16xi32>
      %rev3A_1876 = arith.subi %rev3A_1874, %rev3A_1875 : vector<16xi32>
      %rev3A_1877 = tpu.dynamic_gather %masked_sort3A_1853[%rev3A_1876] in [0] : vector<16xi32>, vector<16xi32> -> vector<16xi32>
      %rev3A_1878 = arith.constant 15 : i32
      %rev3A_1879 = vector.broadcast %rev3A_1878 : i32 to vector<16xi32>
      %rev3A_1880 = tpu.iota {dimensions = array<i32: 0>} : vector<16xi32>
      %rev3A_1881 = arith.subi %rev3A_1879, %rev3A_1880 : vector<16xi32>
      %rev3A_1882 = tpu.dynamic_gather %masked_sort3A_1843[%rev3A_1881] in [0] : vector<16xf32>, vector<16xi32> -> vector<16xf32>
      %rev3A_1883 = arith.constant 15 : i32
      %rev3A_1884 = vector.broadcast %rev3A_1883 : i32 to vector<16xi32>
      %rev3A_1885 = tpu.iota {dimensions = array<i32: 0>} : vector<16xi32>
      %rev3A_1886 = arith.subi %rev3A_1884, %rev3A_1885 : vector<16xi32>
      %rev3A_1887 = tpu.dynamic_gather %masked_sort3A_1844[%rev3A_1886] in [0] : vector<16xi32>, vector<16xi32> -> vector<16xi32>
      %rev3A_1888 = arith.constant 15 : i32
      %rev3A_1889 = vector.broadcast %rev3A_1888 : i32 to vector<16xi32>
      %rev3A_1890 = tpu.iota {dimensions = array<i32: 0>} : vector<16xi32>
      %rev3A_1891 = arith.subi %rev3A_1889, %rev3A_1890 : vector<16xi32>
      %rev3A_1892 = tpu.dynamic_gather %masked_sort3A_1839[%rev3A_1891] in [0] : vector<16xf32>, vector<16xi32> -> vector<16xf32>
      %rev3A_1893 = arith.constant 15 : i32
      %rev3A_1894 = vector.broadcast %rev3A_1893 : i32 to vector<16xi32>
      %rev3A_1895 = tpu.iota {dimensions = array<i32: 0>} : vector<16xi32>
      %rev3A_1896 = arith.subi %rev3A_1894, %rev3A_1895 : vector<16xi32>
      %rev3A_1897 = tpu.dynamic_gather %masked_sort3A_1840[%rev3A_1896] in [0] : vector<16xi32>, vector<16xi32> -> vector<16xi32>
      %ge3A_1898 = arith.cmpf oge, %masked_sort3A_1721, %rev3A_1862 : vector<16xf32>
      %select_n3A_1899 = arith.select %ge3A_1898, %masked_sort3A_1721, %rev3A_1862 : vector<16xi1>, vector<16xf32>
      %select_n3A_1900 = arith.select %ge3A_1898, %masked_sort3A_1722, %rev3A_1867 : vector<16xi1>, vector<16xi32>
      %select_n3A_1901 = arith.select %ge3A_1898, %rev3A_1862, %masked_sort3A_1721 : vector<16xi1>, vector<16xf32>
      %select_n3A_1902 = arith.select %ge3A_1898, %rev3A_1867, %masked_sort3A_1722 : vector<16xi1>, vector<16xi32>
      %ge3A_1903 = arith.cmpf oge, %masked_sort3A_1725, %rev3A_1872 : vector<16xf32>
      %select_n3A_1904 = arith.select %ge3A_1903, %masked_sort3A_1725, %rev3A_1872 : vector<16xi1>, vector<16xf32>
      %select_n3A_1905 = arith.select %ge3A_1903, %masked_sort3A_1726, %rev3A_1877 : vector<16xi1>, vector<16xi32>
      %select_n3A_1906 = arith.select %ge3A_1903, %rev3A_1872, %masked_sort3A_1725 : vector<16xi1>, vector<16xf32>
      %select_n3A_1907 = arith.select %ge3A_1903, %rev3A_1877, %masked_sort3A_1726 : vector<16xi1>, vector<16xi32>
      %ge3A_1908 = arith.cmpf oge, %masked_sort3A_1734, %rev3A_1882 : vector<16xf32>
      %select_n3A_1909 = arith.select %ge3A_1908, %masked_sort3A_1734, %rev3A_1882 : vector<16xi1>, vector<16xf32>
      %select_n3A_1910 = arith.select %ge3A_1908, %masked_sort3A_1735, %rev3A_1887 : vector<16xi1>, vector<16xi32>
      %select_n3A_1911 = arith.select %ge3A_1908, %rev3A_1882, %masked_sort3A_1734 : vector<16xi1>, vector<16xf32>
      %select_n3A_1912 = arith.select %ge3A_1908, %rev3A_1887, %masked_sort3A_1735 : vector<16xi1>, vector<16xi32>
      %ge3A_1913 = arith.cmpf oge, %masked_sort3A_1738, %rev3A_1892 : vector<16xf32>
      %select_n3A_1914 = arith.select %ge3A_1913, %masked_sort3A_1738, %rev3A_1892 : vector<16xi1>, vector<16xf32>
      %select_n3A_1915 = arith.select %ge3A_1913, %masked_sort3A_1739, %rev3A_1897 : vector<16xi1>, vector<16xi32>
      %select_n3A_1916 = arith.select %ge3A_1913, %rev3A_1892, %masked_sort3A_1738 : vector<16xi1>, vector<16xf32>
      %select_n3A_1917 = arith.select %ge3A_1913, %rev3A_1897, %masked_sort3A_1739 : vector<16xi1>, vector<16xi32>
      %ge3A_1918 = arith.cmpf oge, %select_n3A_1899, %select_n3A_1909 : vector<16xf32>
      %select_n3A_1919 = arith.select %ge3A_1918, %select_n3A_1899, %select_n3A_1909 : vector<16xi1>, vector<16xf32>
      %select_n3A_1920 = arith.select %ge3A_1918, %select_n3A_1900, %select_n3A_1910 : vector<16xi1>, vector<16xi32>
      %select_n3A_1921 = arith.select %ge3A_1918, %select_n3A_1909, %select_n3A_1899 : vector<16xi1>, vector<16xf32>
      %select_n3A_1922 = arith.select %ge3A_1918, %select_n3A_1910, %select_n3A_1900 : vector<16xi1>, vector<16xi32>
      %ge3A_1923 = arith.cmpf oge, %select_n3A_1904, %select_n3A_1914 : vector<16xf32>
      %select_n3A_1924 = arith.select %ge3A_1923, %select_n3A_1904, %select_n3A_1914 : vector<16xi1>, vector<16xf32>
      %select_n3A_1925 = arith.select %ge3A_1923, %select_n3A_1905, %select_n3A_1915 : vector<16xi1>, vector<16xi32>
      %select_n3A_1926 = arith.select %ge3A_1923, %select_n3A_1914, %select_n3A_1904 : vector<16xi1>, vector<16xf32>
      %select_n3A_1927 = arith.select %ge3A_1923, %select_n3A_1915, %select_n3A_1905 : vector<16xi1>, vector<16xi32>
      %ge3A_1928 = arith.cmpf oge, %select_n3A_1919, %select_n3A_1924 : vector<16xf32>
      %select_n3A_1929 = arith.select %ge3A_1928, %select_n3A_1919, %select_n3A_1924 : vector<16xi1>, vector<16xf32>
      %select_n3A_1930 = arith.select %ge3A_1928, %select_n3A_1920, %select_n3A_1925 : vector<16xi1>, vector<16xi32>
      %select_n3A_1931 = arith.select %ge3A_1928, %select_n3A_1924, %select_n3A_1919 : vector<16xi1>, vector<16xf32>
      %select_n3A_1932 = arith.select %ge3A_1928, %select_n3A_1925, %select_n3A_1920 : vector<16xi1>, vector<16xi32>
      %masked_sort3A_1933 = arith.constant dense<true> : vector<16xi1>
      %masked_sort3A_1934, %masked_sort3A_1935, %masked_sort3A_1936 = tpu.sort %select_n3A_1929, %select_n3A_1930 masked %masked_sort3A_1933 {descending = true} : (vector<16xf32>, vector<16xi32>, vector<16xi1>) -> (vector<16xi1>, vector<16xf32>, vector<16xi32>)
      %masked_sort3A_1937 = arith.constant dense<true> : vector<16xi1>
      %masked_sort3A_1938, %masked_sort3A_1939, %masked_sort3A_1940 = tpu.sort %select_n3A_1931, %select_n3A_1932 masked %masked_sort3A_1937 {descending = true} : (vector<16xf32>, vector<16xi32>, vector<16xi1>) -> (vector<16xi1>, vector<16xf32>, vector<16xi32>)
      %ge3A_1941 = arith.cmpf oge, %select_n3A_1921, %select_n3A_1926 : vector<16xf32>
      %select_n3A_1942 = arith.select %ge3A_1941, %select_n3A_1921, %select_n3A_1926 : vector<16xi1>, vector<16xf32>
      %select_n3A_1943 = arith.select %ge3A_1941, %select_n3A_1922, %select_n3A_1927 : vector<16xi1>, vector<16xi32>
      %select_n3A_1944 = arith.select %ge3A_1941, %select_n3A_1926, %select_n3A_1921 : vector<16xi1>, vector<16xf32>
      %select_n3A_1945 = arith.select %ge3A_1941, %select_n3A_1927, %select_n3A_1922 : vector<16xi1>, vector<16xi32>
      %masked_sort3A_1946 = arith.constant dense<true> : vector<16xi1>
      %masked_sort3A_1947, %masked_sort3A_1948, %masked_sort3A_1949 = tpu.sort %select_n3A_1942, %select_n3A_1943 masked %masked_sort3A_1946 {descending = true} : (vector<16xf32>, vector<16xi32>, vector<16xi1>) -> (vector<16xi1>, vector<16xf32>, vector<16xi32>)
      %masked_sort3A_1950 = arith.constant dense<true> : vector<16xi1>
      %masked_sort3A_1951, %masked_sort3A_1952, %masked_sort3A_1953 = tpu.sort %select_n3A_1944, %select_n3A_1945 masked %masked_sort3A_1950 {descending = true} : (vector<16xf32>, vector<16xi32>, vector<16xi1>) -> (vector<16xi1>, vector<16xf32>, vector<16xi32>)
      %ge3A_1954 = arith.cmpf oge, %select_n3A_1901, %select_n3A_1911 : vector<16xf32>
      %select_n3A_1955 = arith.select %ge3A_1954, %select_n3A_1901, %select_n3A_1911 : vector<16xi1>, vector<16xf32>
      %select_n3A_1956 = arith.select %ge3A_1954, %select_n3A_1902, %select_n3A_1912 : vector<16xi1>, vector<16xi32>
      %select_n3A_1957 = arith.select %ge3A_1954, %select_n3A_1911, %select_n3A_1901 : vector<16xi1>, vector<16xf32>
      %select_n3A_1958 = arith.select %ge3A_1954, %select_n3A_1912, %select_n3A_1902 : vector<16xi1>, vector<16xi32>
      %ge3A_1959 = arith.cmpf oge, %select_n3A_1906, %select_n3A_1916 : vector<16xf32>
      %select_n3A_1960 = arith.select %ge3A_1959, %select_n3A_1906, %select_n3A_1916 : vector<16xi1>, vector<16xf32>
      %select_n3A_1961 = arith.select %ge3A_1959, %select_n3A_1907, %select_n3A_1917 : vector<16xi1>, vector<16xi32>
      %select_n3A_1962 = arith.select %ge3A_1959, %select_n3A_1916, %select_n3A_1906 : vector<16xi1>, vector<16xf32>
      %select_n3A_1963 = arith.select %ge3A_1959, %select_n3A_1917, %select_n3A_1907 : vector<16xi1>, vector<16xi32>
      %ge3A_1964 = arith.cmpf oge, %select_n3A_1955, %select_n3A_1960 : vector<16xf32>
      %select_n3A_1965 = arith.select %ge3A_1964, %select_n3A_1955, %select_n3A_1960 : vector<16xi1>, vector<16xf32>
      %select_n3A_1966 = arith.select %ge3A_1964, %select_n3A_1956, %select_n3A_1961 : vector<16xi1>, vector<16xi32>
      %select_n3A_1967 = arith.select %ge3A_1964, %select_n3A_1960, %select_n3A_1955 : vector<16xi1>, vector<16xf32>
      %select_n3A_1968 = arith.select %ge3A_1964, %select_n3A_1961, %select_n3A_1956 : vector<16xi1>, vector<16xi32>
      %masked_sort3A_1969 = arith.constant dense<true> : vector<16xi1>
      %masked_sort3A_1970, %masked_sort3A_1971, %masked_sort3A_1972 = tpu.sort %select_n3A_1965, %select_n3A_1966 masked %masked_sort3A_1969 {descending = true} : (vector<16xf32>, vector<16xi32>, vector<16xi1>) -> (vector<16xi1>, vector<16xf32>, vector<16xi32>)
      %masked_sort3A_1973 = arith.constant dense<true> : vector<16xi1>
      %masked_sort3A_1974, %masked_sort3A_1975, %masked_sort3A_1976 = tpu.sort %select_n3A_1967, %select_n3A_1968 masked %masked_sort3A_1973 {descending = true} : (vector<16xf32>, vector<16xi32>, vector<16xi1>) -> (vector<16xi1>, vector<16xf32>, vector<16xi32>)
      %ge3A_1977 = arith.cmpf oge, %select_n3A_1957, %select_n3A_1962 : vector<16xf32>
      %select_n3A_1978 = arith.select %ge3A_1977, %select_n3A_1957, %select_n3A_1962 : vector<16xi1>, vector<16xf32>
      %select_n3A_1979 = arith.select %ge3A_1977, %select_n3A_1958, %select_n3A_1963 : vector<16xi1>, vector<16xi32>
      %select_n3A_1980 = arith.select %ge3A_1977, %select_n3A_1962, %select_n3A_1957 : vector<16xi1>, vector<16xf32>
      %select_n3A_1981 = arith.select %ge3A_1977, %select_n3A_1963, %select_n3A_1958 : vector<16xi1>, vector<16xi32>
      %masked_sort3A_1982 = arith.constant dense<true> : vector<16xi1>
      %masked_sort3A_1983, %masked_sort3A_1984, %masked_sort3A_1985 = tpu.sort %select_n3A_1978, %select_n3A_1979 masked %masked_sort3A_1982 {descending = true} : (vector<16xf32>, vector<16xi32>, vector<16xi1>) -> (vector<16xi1>, vector<16xf32>, vector<16xi32>)
      %masked_sort3A_1986 = arith.constant dense<true> : vector<16xi1>
      %masked_sort3A_1987, %masked_sort3A_1988, %masked_sort3A_1989 = tpu.sort %select_n3A_1980, %select_n3A_1981 masked %masked_sort3A_1986 {descending = true} : (vector<16xf32>, vector<16xi32>, vector<16xi1>) -> (vector<16xi1>, vector<16xf32>, vector<16xi32>)
      %masked_sort3A_1990 = arith.constant dense<true> : vector<16xi1>
      %masked_sort3A_1991, %masked_sort3A_1992, %masked_sort3A_1993 = tpu.sort %select_n3A_1531, %select_n3A_1527 masked %masked_sort3A_1990 {descending = true} : (vector<16xf32>, vector<16xi32>, vector<16xi1>) -> (vector<16xi1>, vector<16xf32>, vector<16xi32>)
      %masked_sort3A_1994 = arith.constant dense<true> : vector<16xi1>
      %masked_sort3A_1995, %masked_sort3A_1996, %masked_sort3A_1997 = tpu.sort %select_n3A_1544, %select_n3A_1540 masked %masked_sort3A_1994 {descending = true} : (vector<16xf32>, vector<16xi32>, vector<16xi1>) -> (vector<16xi1>, vector<16xf32>, vector<16xi32>)
      %rev3A_1998 = arith.constant 15 : i32
      %rev3A_1999 = vector.broadcast %rev3A_1998 : i32 to vector<16xi32>
      %rev3A_2000 = tpu.iota {dimensions = array<i32: 0>} : vector<16xi32>
      %rev3A_2001 = arith.subi %rev3A_1999, %rev3A_2000 : vector<16xi32>
      %rev3A_2002 = tpu.dynamic_gather %masked_sort3A_1996[%rev3A_2001] in [0] : vector<16xf32>, vector<16xi32> -> vector<16xf32>
      %rev3A_2003 = arith.constant 15 : i32
      %rev3A_2004 = vector.broadcast %rev3A_2003 : i32 to vector<16xi32>
      %rev3A_2005 = tpu.iota {dimensions = array<i32: 0>} : vector<16xi32>
      %rev3A_2006 = arith.subi %rev3A_2004, %rev3A_2005 : vector<16xi32>
      %rev3A_2007 = tpu.dynamic_gather %masked_sort3A_1997[%rev3A_2006] in [0] : vector<16xi32>, vector<16xi32> -> vector<16xi32>
      %ge3A_2008 = arith.cmpf oge, %masked_sort3A_1992, %rev3A_2002 : vector<16xf32>
      %select_n3A_2009 = arith.select %ge3A_2008, %masked_sort3A_1992, %rev3A_2002 : vector<16xi1>, vector<16xf32>
      %select_n3A_2010 = arith.select %ge3A_2008, %masked_sort3A_1993, %rev3A_2007 : vector<16xi1>, vector<16xi32>
      %select_n3A_2011 = arith.select %ge3A_2008, %rev3A_2002, %masked_sort3A_1992 : vector<16xi1>, vector<16xf32>
      %select_n3A_2012 = arith.select %ge3A_2008, %rev3A_2007, %masked_sort3A_1993 : vector<16xi1>, vector<16xi32>
      %masked_sort3A_2013 = arith.constant dense<true> : vector<16xi1>
      %masked_sort3A_2014, %masked_sort3A_2015, %masked_sort3A_2016 = tpu.sort %select_n3A_2009, %select_n3A_2010 masked %masked_sort3A_2013 {descending = true} : (vector<16xf32>, vector<16xi32>, vector<16xi1>) -> (vector<16xi1>, vector<16xf32>, vector<16xi32>)
      %masked_sort3A_2017 = arith.constant dense<true> : vector<16xi1>
      %masked_sort3A_2018, %masked_sort3A_2019, %masked_sort3A_2020 = tpu.sort %select_n3A_2011, %select_n3A_2012 masked %masked_sort3A_2017 {descending = true} : (vector<16xf32>, vector<16xi32>, vector<16xi1>) -> (vector<16xi1>, vector<16xf32>, vector<16xi32>)
      %masked_sort3A_2021 = arith.constant dense<true> : vector<16xi1>
      %masked_sort3A_2022, %masked_sort3A_2023, %masked_sort3A_2024 = tpu.sort %select_n3A_1557, %select_n3A_1553 masked %masked_sort3A_2021 {descending = true} : (vector<16xf32>, vector<16xi32>, vector<16xi1>) -> (vector<16xi1>, vector<16xf32>, vector<16xi32>)
      %masked_sort3A_2025 = arith.constant dense<true> : vector<16xi1>
      %masked_sort3A_2026, %masked_sort3A_2027, %masked_sort3A_2028 = tpu.sort %select_n3A_1570, %select_n3A_1566 masked %masked_sort3A_2025 {descending = true} : (vector<16xf32>, vector<16xi32>, vector<16xi1>) -> (vector<16xi1>, vector<16xf32>, vector<16xi32>)
      %rev3A_2029 = arith.constant 15 : i32
      %rev3A_2030 = vector.broadcast %rev3A_2029 : i32 to vector<16xi32>
      %rev3A_2031 = tpu.iota {dimensions = array<i32: 0>} : vector<16xi32>
      %rev3A_2032 = arith.subi %rev3A_2030, %rev3A_2031 : vector<16xi32>
      %rev3A_2033 = tpu.dynamic_gather %masked_sort3A_2027[%rev3A_2032] in [0] : vector<16xf32>, vector<16xi32> -> vector<16xf32>
      %rev3A_2034 = arith.constant 15 : i32
      %rev3A_2035 = vector.broadcast %rev3A_2034 : i32 to vector<16xi32>
      %rev3A_2036 = tpu.iota {dimensions = array<i32: 0>} : vector<16xi32>
      %rev3A_2037 = arith.subi %rev3A_2035, %rev3A_2036 : vector<16xi32>
      %rev3A_2038 = tpu.dynamic_gather %masked_sort3A_2028[%rev3A_2037] in [0] : vector<16xi32>, vector<16xi32> -> vector<16xi32>
      %ge3A_2039 = arith.cmpf oge, %masked_sort3A_2023, %rev3A_2033 : vector<16xf32>
      %select_n3A_2040 = arith.select %ge3A_2039, %masked_sort3A_2023, %rev3A_2033 : vector<16xi1>, vector<16xf32>
      %select_n3A_2041 = arith.select %ge3A_2039, %masked_sort3A_2024, %rev3A_2038 : vector<16xi1>, vector<16xi32>
      %select_n3A_2042 = arith.select %ge3A_2039, %rev3A_2033, %masked_sort3A_2023 : vector<16xi1>, vector<16xf32>
      %select_n3A_2043 = arith.select %ge3A_2039, %rev3A_2038, %masked_sort3A_2024 : vector<16xi1>, vector<16xi32>
      %masked_sort3A_2044 = arith.constant dense<true> : vector<16xi1>
      %masked_sort3A_2045, %masked_sort3A_2046, %masked_sort3A_2047 = tpu.sort %select_n3A_2040, %select_n3A_2041 masked %masked_sort3A_2044 {descending = true} : (vector<16xf32>, vector<16xi32>, vector<16xi1>) -> (vector<16xi1>, vector<16xf32>, vector<16xi32>)
      %masked_sort3A_2048 = arith.constant dense<true> : vector<16xi1>
      %masked_sort3A_2049, %masked_sort3A_2050, %masked_sort3A_2051 = tpu.sort %select_n3A_2042, %select_n3A_2043 masked %masked_sort3A_2048 {descending = true} : (vector<16xf32>, vector<16xi32>, vector<16xi1>) -> (vector<16xi1>, vector<16xf32>, vector<16xi32>)
      %rev3A_2052 = arith.constant 15 : i32
      %rev3A_2053 = vector.broadcast %rev3A_2052 : i32 to vector<16xi32>
      %rev3A_2054 = tpu.iota {dimensions = array<i32: 0>} : vector<16xi32>
      %rev3A_2055 = arith.subi %rev3A_2053, %rev3A_2054 : vector<16xi32>
      %rev3A_2056 = tpu.dynamic_gather %masked_sort3A_2050[%rev3A_2055] in [0] : vector<16xf32>, vector<16xi32> -> vector<16xf32>
      %rev3A_2057 = arith.constant 15 : i32
      %rev3A_2058 = vector.broadcast %rev3A_2057 : i32 to vector<16xi32>
      %rev3A_2059 = tpu.iota {dimensions = array<i32: 0>} : vector<16xi32>
      %rev3A_2060 = arith.subi %rev3A_2058, %rev3A_2059 : vector<16xi32>
      %rev3A_2061 = tpu.dynamic_gather %masked_sort3A_2051[%rev3A_2060] in [0] : vector<16xi32>, vector<16xi32> -> vector<16xi32>
      %rev3A_2062 = arith.constant 15 : i32
      %rev3A_2063 = vector.broadcast %rev3A_2062 : i32 to vector<16xi32>
      %rev3A_2064 = tpu.iota {dimensions = array<i32: 0>} : vector<16xi32>
      %rev3A_2065 = arith.subi %rev3A_2063, %rev3A_2064 : vector<16xi32>
      %rev3A_2066 = tpu.dynamic_gather %masked_sort3A_2046[%rev3A_2065] in [0] : vector<16xf32>, vector<16xi32> -> vector<16xf32>
      %rev3A_2067 = arith.constant 15 : i32
      %rev3A_2068 = vector.broadcast %rev3A_2067 : i32 to vector<16xi32>
      %rev3A_2069 = tpu.iota {dimensions = array<i32: 0>} : vector<16xi32>
      %rev3A_2070 = arith.subi %rev3A_2068, %rev3A_2069 : vector<16xi32>
      %rev3A_2071 = tpu.dynamic_gather %masked_sort3A_2047[%rev3A_2070] in [0] : vector<16xi32>, vector<16xi32> -> vector<16xi32>
      %ge3A_2072 = arith.cmpf oge, %masked_sort3A_2015, %rev3A_2056 : vector<16xf32>
      %select_n3A_2073 = arith.select %ge3A_2072, %masked_sort3A_2015, %rev3A_2056 : vector<16xi1>, vector<16xf32>
      %select_n3A_2074 = arith.select %ge3A_2072, %masked_sort3A_2016, %rev3A_2061 : vector<16xi1>, vector<16xi32>
      %select_n3A_2075 = arith.select %ge3A_2072, %rev3A_2056, %masked_sort3A_2015 : vector<16xi1>, vector<16xf32>
      %select_n3A_2076 = arith.select %ge3A_2072, %rev3A_2061, %masked_sort3A_2016 : vector<16xi1>, vector<16xi32>
      %ge3A_2077 = arith.cmpf oge, %masked_sort3A_2019, %rev3A_2066 : vector<16xf32>
      %select_n3A_2078 = arith.select %ge3A_2077, %masked_sort3A_2019, %rev3A_2066 : vector<16xi1>, vector<16xf32>
      %select_n3A_2079 = arith.select %ge3A_2077, %masked_sort3A_2020, %rev3A_2071 : vector<16xi1>, vector<16xi32>
      %select_n3A_2080 = arith.select %ge3A_2077, %rev3A_2066, %masked_sort3A_2019 : vector<16xi1>, vector<16xf32>
      %select_n3A_2081 = arith.select %ge3A_2077, %rev3A_2071, %masked_sort3A_2020 : vector<16xi1>, vector<16xi32>
      %ge3A_2082 = arith.cmpf oge, %select_n3A_2073, %select_n3A_2078 : vector<16xf32>
      %select_n3A_2083 = arith.select %ge3A_2082, %select_n3A_2073, %select_n3A_2078 : vector<16xi1>, vector<16xf32>
      %select_n3A_2084 = arith.select %ge3A_2082, %select_n3A_2074, %select_n3A_2079 : vector<16xi1>, vector<16xi32>
      %select_n3A_2085 = arith.select %ge3A_2082, %select_n3A_2078, %select_n3A_2073 : vector<16xi1>, vector<16xf32>
      %select_n3A_2086 = arith.select %ge3A_2082, %select_n3A_2079, %select_n3A_2074 : vector<16xi1>, vector<16xi32>
      %masked_sort3A_2087 = arith.constant dense<true> : vector<16xi1>
      %masked_sort3A_2088, %masked_sort3A_2089, %masked_sort3A_2090 = tpu.sort %select_n3A_2083, %select_n3A_2084 masked %masked_sort3A_2087 {descending = true} : (vector<16xf32>, vector<16xi32>, vector<16xi1>) -> (vector<16xi1>, vector<16xf32>, vector<16xi32>)
      %masked_sort3A_2091 = arith.constant dense<true> : vector<16xi1>
      %masked_sort3A_2092, %masked_sort3A_2093, %masked_sort3A_2094 = tpu.sort %select_n3A_2085, %select_n3A_2086 masked %masked_sort3A_2091 {descending = true} : (vector<16xf32>, vector<16xi32>, vector<16xi1>) -> (vector<16xi1>, vector<16xf32>, vector<16xi32>)
      %ge3A_2095 = arith.cmpf oge, %select_n3A_2075, %select_n3A_2080 : vector<16xf32>
      %select_n3A_2096 = arith.select %ge3A_2095, %select_n3A_2075, %select_n3A_2080 : vector<16xi1>, vector<16xf32>
      %select_n3A_2097 = arith.select %ge3A_2095, %select_n3A_2076, %select_n3A_2081 : vector<16xi1>, vector<16xi32>
      %select_n3A_2098 = arith.select %ge3A_2095, %select_n3A_2080, %select_n3A_2075 : vector<16xi1>, vector<16xf32>
      %select_n3A_2099 = arith.select %ge3A_2095, %select_n3A_2081, %select_n3A_2076 : vector<16xi1>, vector<16xi32>
      %masked_sort3A_2100 = arith.constant dense<true> : vector<16xi1>
      %masked_sort3A_2101, %masked_sort3A_2102, %masked_sort3A_2103 = tpu.sort %select_n3A_2096, %select_n3A_2097 masked %masked_sort3A_2100 {descending = true} : (vector<16xf32>, vector<16xi32>, vector<16xi1>) -> (vector<16xi1>, vector<16xf32>, vector<16xi32>)
      %masked_sort3A_2104 = arith.constant dense<true> : vector<16xi1>
      %masked_sort3A_2105, %masked_sort3A_2106, %masked_sort3A_2107 = tpu.sort %select_n3A_2098, %select_n3A_2099 masked %masked_sort3A_2104 {descending = true} : (vector<16xf32>, vector<16xi32>, vector<16xi1>) -> (vector<16xi1>, vector<16xf32>, vector<16xi32>)
      %masked_sort3A_2108 = arith.constant dense<true> : vector<16xi1>
      %masked_sort3A_2109, %masked_sort3A_2110, %masked_sort3A_2111 = tpu.sort %select_n3A_1583, %select_n3A_1579 masked %masked_sort3A_2108 {descending = true} : (vector<16xf32>, vector<16xi32>, vector<16xi1>) -> (vector<16xi1>, vector<16xf32>, vector<16xi32>)
      %masked_sort3A_2112 = arith.constant dense<true> : vector<16xi1>
      %masked_sort3A_2113, %masked_sort3A_2114, %masked_sort3A_2115 = tpu.sort %select_n3A_1596, %select_n3A_1592 masked %masked_sort3A_2112 {descending = true} : (vector<16xf32>, vector<16xi32>, vector<16xi1>) -> (vector<16xi1>, vector<16xf32>, vector<16xi32>)
      %rev3A_2116 = arith.constant 15 : i32
      %rev3A_2117 = vector.broadcast %rev3A_2116 : i32 to vector<16xi32>
      %rev3A_2118 = tpu.iota {dimensions = array<i32: 0>} : vector<16xi32>
      %rev3A_2119 = arith.subi %rev3A_2117, %rev3A_2118 : vector<16xi32>
      %rev3A_2120 = tpu.dynamic_gather %masked_sort3A_2114[%rev3A_2119] in [0] : vector<16xf32>, vector<16xi32> -> vector<16xf32>
      %rev3A_2121 = arith.constant 15 : i32
      %rev3A_2122 = vector.broadcast %rev3A_2121 : i32 to vector<16xi32>
      %rev3A_2123 = tpu.iota {dimensions = array<i32: 0>} : vector<16xi32>
      %rev3A_2124 = arith.subi %rev3A_2122, %rev3A_2123 : vector<16xi32>
      %rev3A_2125 = tpu.dynamic_gather %masked_sort3A_2115[%rev3A_2124] in [0] : vector<16xi32>, vector<16xi32> -> vector<16xi32>
      %ge3A_2126 = arith.cmpf oge, %masked_sort3A_2110, %rev3A_2120 : vector<16xf32>
      %select_n3A_2127 = arith.select %ge3A_2126, %masked_sort3A_2110, %rev3A_2120 : vector<16xi1>, vector<16xf32>
      %select_n3A_2128 = arith.select %ge3A_2126, %masked_sort3A_2111, %rev3A_2125 : vector<16xi1>, vector<16xi32>
      %select_n3A_2129 = arith.select %ge3A_2126, %rev3A_2120, %masked_sort3A_2110 : vector<16xi1>, vector<16xf32>
      %select_n3A_2130 = arith.select %ge3A_2126, %rev3A_2125, %masked_sort3A_2111 : vector<16xi1>, vector<16xi32>
      %masked_sort3A_2131 = arith.constant dense<true> : vector<16xi1>
      %masked_sort3A_2132, %masked_sort3A_2133, %masked_sort3A_2134 = tpu.sort %select_n3A_2127, %select_n3A_2128 masked %masked_sort3A_2131 {descending = true} : (vector<16xf32>, vector<16xi32>, vector<16xi1>) -> (vector<16xi1>, vector<16xf32>, vector<16xi32>)
      %masked_sort3A_2135 = arith.constant dense<true> : vector<16xi1>
      %masked_sort3A_2136, %masked_sort3A_2137, %masked_sort3A_2138 = tpu.sort %select_n3A_2129, %select_n3A_2130 masked %masked_sort3A_2135 {descending = true} : (vector<16xf32>, vector<16xi32>, vector<16xi1>) -> (vector<16xi1>, vector<16xf32>, vector<16xi32>)
      %masked_sort3A_2139 = arith.constant dense<true> : vector<16xi1>
      %masked_sort3A_2140, %masked_sort3A_2141, %masked_sort3A_2142 = tpu.sort %select_n3A_1609, %select_n3A_1605 masked %masked_sort3A_2139 {descending = true} : (vector<16xf32>, vector<16xi32>, vector<16xi1>) -> (vector<16xi1>, vector<16xf32>, vector<16xi32>)
      %masked_sort3A_2143 = arith.constant dense<true> : vector<16xi1>
      %masked_sort3A_2144, %masked_sort3A_2145, %masked_sort3A_2146 = tpu.sort %select_n3A_1622, %select_n3A_1618 masked %masked_sort3A_2143 {descending = true} : (vector<16xf32>, vector<16xi32>, vector<16xi1>) -> (vector<16xi1>, vector<16xf32>, vector<16xi32>)
      %rev3A_2147 = arith.constant 15 : i32
      %rev3A_2148 = vector.broadcast %rev3A_2147 : i32 to vector<16xi32>
      %rev3A_2149 = tpu.iota {dimensions = array<i32: 0>} : vector<16xi32>
      %rev3A_2150 = arith.subi %rev3A_2148, %rev3A_2149 : vector<16xi32>
      %rev3A_2151 = tpu.dynamic_gather %masked_sort3A_2145[%rev3A_2150] in [0] : vector<16xf32>, vector<16xi32> -> vector<16xf32>
      %rev3A_2152 = arith.constant 15 : i32
      %rev3A_2153 = vector.broadcast %rev3A_2152 : i32 to vector<16xi32>
      %rev3A_2154 = tpu.iota {dimensions = array<i32: 0>} : vector<16xi32>
      %rev3A_2155 = arith.subi %rev3A_2153, %rev3A_2154 : vector<16xi32>
      %rev3A_2156 = tpu.dynamic_gather %masked_sort3A_2146[%rev3A_2155] in [0] : vector<16xi32>, vector<16xi32> -> vector<16xi32>
      %ge3A_2157 = arith.cmpf oge, %masked_sort3A_2141, %rev3A_2151 : vector<16xf32>
      %select_n3A_2158 = arith.select %ge3A_2157, %masked_sort3A_2141, %rev3A_2151 : vector<16xi1>, vector<16xf32>
      %select_n3A_2159 = arith.select %ge3A_2157, %masked_sort3A_2142, %rev3A_2156 : vector<16xi1>, vector<16xi32>
      %select_n3A_2160 = arith.select %ge3A_2157, %rev3A_2151, %masked_sort3A_2141 : vector<16xi1>, vector<16xf32>
      %select_n3A_2161 = arith.select %ge3A_2157, %rev3A_2156, %masked_sort3A_2142 : vector<16xi1>, vector<16xi32>
      %masked_sort3A_2162 = arith.constant dense<true> : vector<16xi1>
      %masked_sort3A_2163, %masked_sort3A_2164, %masked_sort3A_2165 = tpu.sort %select_n3A_2158, %select_n3A_2159 masked %masked_sort3A_2162 {descending = true} : (vector<16xf32>, vector<16xi32>, vector<16xi1>) -> (vector<16xi1>, vector<16xf32>, vector<16xi32>)
      %masked_sort3A_2166 = arith.constant dense<true> : vector<16xi1>
      %masked_sort3A_2167, %masked_sort3A_2168, %masked_sort3A_2169 = tpu.sort %select_n3A_2160, %select_n3A_2161 masked %masked_sort3A_2166 {descending = true} : (vector<16xf32>, vector<16xi32>, vector<16xi1>) -> (vector<16xi1>, vector<16xf32>, vector<16xi32>)
      %rev3A_2170 = arith.constant 15 : i32
      %rev3A_2171 = vector.broadcast %rev3A_2170 : i32 to vector<16xi32>
      %rev3A_2172 = tpu.iota {dimensions = array<i32: 0>} : vector<16xi32>
      %rev3A_2173 = arith.subi %rev3A_2171, %rev3A_2172 : vector<16xi32>
      %rev3A_2174 = tpu.dynamic_gather %masked_sort3A_2168[%rev3A_2173] in [0] : vector<16xf32>, vector<16xi32> -> vector<16xf32>
      %rev3A_2175 = arith.constant 15 : i32
      %rev3A_2176 = vector.broadcast %rev3A_2175 : i32 to vector<16xi32>
      %rev3A_2177 = tpu.iota {dimensions = array<i32: 0>} : vector<16xi32>
      %rev3A_2178 = arith.subi %rev3A_2176, %rev3A_2177 : vector<16xi32>
      %rev3A_2179 = tpu.dynamic_gather %masked_sort3A_2169[%rev3A_2178] in [0] : vector<16xi32>, vector<16xi32> -> vector<16xi32>
      %rev3A_2180 = arith.constant 15 : i32
      %rev3A_2181 = vector.broadcast %rev3A_2180 : i32 to vector<16xi32>
      %rev3A_2182 = tpu.iota {dimensions = array<i32: 0>} : vector<16xi32>
      %rev3A_2183 = arith.subi %rev3A_2181, %rev3A_2182 : vector<16xi32>
      %rev3A_2184 = tpu.dynamic_gather %masked_sort3A_2164[%rev3A_2183] in [0] : vector<16xf32>, vector<16xi32> -> vector<16xf32>
      %rev3A_2185 = arith.constant 15 : i32
      %rev3A_2186 = vector.broadcast %rev3A_2185 : i32 to vector<16xi32>
      %rev3A_2187 = tpu.iota {dimensions = array<i32: 0>} : vector<16xi32>
      %rev3A_2188 = arith.subi %rev3A_2186, %rev3A_2187 : vector<16xi32>
      %rev3A_2189 = tpu.dynamic_gather %masked_sort3A_2165[%rev3A_2188] in [0] : vector<16xi32>, vector<16xi32> -> vector<16xi32>
      %ge3A_2190 = arith.cmpf oge, %masked_sort3A_2133, %rev3A_2174 : vector<16xf32>
      %select_n3A_2191 = arith.select %ge3A_2190, %masked_sort3A_2133, %rev3A_2174 : vector<16xi1>, vector<16xf32>
      %select_n3A_2192 = arith.select %ge3A_2190, %masked_sort3A_2134, %rev3A_2179 : vector<16xi1>, vector<16xi32>
      %select_n3A_2193 = arith.select %ge3A_2190, %rev3A_2174, %masked_sort3A_2133 : vector<16xi1>, vector<16xf32>
      %select_n3A_2194 = arith.select %ge3A_2190, %rev3A_2179, %masked_sort3A_2134 : vector<16xi1>, vector<16xi32>
      %ge3A_2195 = arith.cmpf oge, %masked_sort3A_2137, %rev3A_2184 : vector<16xf32>
      %select_n3A_2196 = arith.select %ge3A_2195, %masked_sort3A_2137, %rev3A_2184 : vector<16xi1>, vector<16xf32>
      %select_n3A_2197 = arith.select %ge3A_2195, %masked_sort3A_2138, %rev3A_2189 : vector<16xi1>, vector<16xi32>
      %select_n3A_2198 = arith.select %ge3A_2195, %rev3A_2184, %masked_sort3A_2137 : vector<16xi1>, vector<16xf32>
      %select_n3A_2199 = arith.select %ge3A_2195, %rev3A_2189, %masked_sort3A_2138 : vector<16xi1>, vector<16xi32>
      %ge3A_2200 = arith.cmpf oge, %select_n3A_2191, %select_n3A_2196 : vector<16xf32>
      %select_n3A_2201 = arith.select %ge3A_2200, %select_n3A_2191, %select_n3A_2196 : vector<16xi1>, vector<16xf32>
      %select_n3A_2202 = arith.select %ge3A_2200, %select_n3A_2192, %select_n3A_2197 : vector<16xi1>, vector<16xi32>
      %select_n3A_2203 = arith.select %ge3A_2200, %select_n3A_2196, %select_n3A_2191 : vector<16xi1>, vector<16xf32>
      %select_n3A_2204 = arith.select %ge3A_2200, %select_n3A_2197, %select_n3A_2192 : vector<16xi1>, vector<16xi32>
      %masked_sort3A_2205 = arith.constant dense<true> : vector<16xi1>
      %masked_sort3A_2206, %masked_sort3A_2207, %masked_sort3A_2208 = tpu.sort %select_n3A_2201, %select_n3A_2202 masked %masked_sort3A_2205 {descending = true} : (vector<16xf32>, vector<16xi32>, vector<16xi1>) -> (vector<16xi1>, vector<16xf32>, vector<16xi32>)
      %masked_sort3A_2209 = arith.constant dense<true> : vector<16xi1>
      %masked_sort3A_2210, %masked_sort3A_2211, %masked_sort3A_2212 = tpu.sort %select_n3A_2203, %select_n3A_2204 masked %masked_sort3A_2209 {descending = true} : (vector<16xf32>, vector<16xi32>, vector<16xi1>) -> (vector<16xi1>, vector<16xf32>, vector<16xi32>)
      %ge3A_2213 = arith.cmpf oge, %select_n3A_2193, %select_n3A_2198 : vector<16xf32>
      %select_n3A_2214 = arith.select %ge3A_2213, %select_n3A_2193, %select_n3A_2198 : vector<16xi1>, vector<16xf32>
      %select_n3A_2215 = arith.select %ge3A_2213, %select_n3A_2194, %select_n3A_2199 : vector<16xi1>, vector<16xi32>
      %select_n3A_2216 = arith.select %ge3A_2213, %select_n3A_2198, %select_n3A_2193 : vector<16xi1>, vector<16xf32>
      %select_n3A_2217 = arith.select %ge3A_2213, %select_n3A_2199, %select_n3A_2194 : vector<16xi1>, vector<16xi32>
      %masked_sort3A_2218 = arith.constant dense<true> : vector<16xi1>
      %masked_sort3A_2219, %masked_sort3A_2220, %masked_sort3A_2221 = tpu.sort %select_n3A_2214, %select_n3A_2215 masked %masked_sort3A_2218 {descending = true} : (vector<16xf32>, vector<16xi32>, vector<16xi1>) -> (vector<16xi1>, vector<16xf32>, vector<16xi32>)
      %masked_sort3A_2222 = arith.constant dense<true> : vector<16xi1>
      %masked_sort3A_2223, %masked_sort3A_2224, %masked_sort3A_2225 = tpu.sort %select_n3A_2216, %select_n3A_2217 masked %masked_sort3A_2222 {descending = true} : (vector<16xf32>, vector<16xi32>, vector<16xi1>) -> (vector<16xi1>, vector<16xf32>, vector<16xi32>)
      %rev3A_2226 = arith.constant 15 : i32
      %rev3A_2227 = vector.broadcast %rev3A_2226 : i32 to vector<16xi32>
      %rev3A_2228 = tpu.iota {dimensions = array<i32: 0>} : vector<16xi32>
      %rev3A_2229 = arith.subi %rev3A_2227, %rev3A_2228 : vector<16xi32>
      %rev3A_2230 = tpu.dynamic_gather %masked_sort3A_2224[%rev3A_2229] in [0] : vector<16xf32>, vector<16xi32> -> vector<16xf32>
      %rev3A_2231 = arith.constant 15 : i32
      %rev3A_2232 = vector.broadcast %rev3A_2231 : i32 to vector<16xi32>
      %rev3A_2233 = tpu.iota {dimensions = array<i32: 0>} : vector<16xi32>
      %rev3A_2234 = arith.subi %rev3A_2232, %rev3A_2233 : vector<16xi32>
      %rev3A_2235 = tpu.dynamic_gather %masked_sort3A_2225[%rev3A_2234] in [0] : vector<16xi32>, vector<16xi32> -> vector<16xi32>
      %rev3A_2236 = arith.constant 15 : i32
      %rev3A_2237 = vector.broadcast %rev3A_2236 : i32 to vector<16xi32>
      %rev3A_2238 = tpu.iota {dimensions = array<i32: 0>} : vector<16xi32>
      %rev3A_2239 = arith.subi %rev3A_2237, %rev3A_2238 : vector<16xi32>
      %rev3A_2240 = tpu.dynamic_gather %masked_sort3A_2220[%rev3A_2239] in [0] : vector<16xf32>, vector<16xi32> -> vector<16xf32>
      %rev3A_2241 = arith.constant 15 : i32
      %rev3A_2242 = vector.broadcast %rev3A_2241 : i32 to vector<16xi32>
      %rev3A_2243 = tpu.iota {dimensions = array<i32: 0>} : vector<16xi32>
      %rev3A_2244 = arith.subi %rev3A_2242, %rev3A_2243 : vector<16xi32>
      %rev3A_2245 = tpu.dynamic_gather %masked_sort3A_2221[%rev3A_2244] in [0] : vector<16xi32>, vector<16xi32> -> vector<16xi32>
      %rev3A_2246 = arith.constant 15 : i32
      %rev3A_2247 = vector.broadcast %rev3A_2246 : i32 to vector<16xi32>
      %rev3A_2248 = tpu.iota {dimensions = array<i32: 0>} : vector<16xi32>
      %rev3A_2249 = arith.subi %rev3A_2247, %rev3A_2248 : vector<16xi32>
      %rev3A_2250 = tpu.dynamic_gather %masked_sort3A_2211[%rev3A_2249] in [0] : vector<16xf32>, vector<16xi32> -> vector<16xf32>
      %rev3A_2251 = arith.constant 15 : i32
      %rev3A_2252 = vector.broadcast %rev3A_2251 : i32 to vector<16xi32>
      %rev3A_2253 = tpu.iota {dimensions = array<i32: 0>} : vector<16xi32>
      %rev3A_2254 = arith.subi %rev3A_2252, %rev3A_2253 : vector<16xi32>
      %rev3A_2255 = tpu.dynamic_gather %masked_sort3A_2212[%rev3A_2254] in [0] : vector<16xi32>, vector<16xi32> -> vector<16xi32>
      %rev3A_2256 = arith.constant 15 : i32
      %rev3A_2257 = vector.broadcast %rev3A_2256 : i32 to vector<16xi32>
      %rev3A_2258 = tpu.iota {dimensions = array<i32: 0>} : vector<16xi32>
      %rev3A_2259 = arith.subi %rev3A_2257, %rev3A_2258 : vector<16xi32>
      %rev3A_2260 = tpu.dynamic_gather %masked_sort3A_2207[%rev3A_2259] in [0] : vector<16xf32>, vector<16xi32> -> vector<16xf32>
      %rev3A_2261 = arith.constant 15 : i32
      %rev3A_2262 = vector.broadcast %rev3A_2261 : i32 to vector<16xi32>
      %rev3A_2263 = tpu.iota {dimensions = array<i32: 0>} : vector<16xi32>
      %rev3A_2264 = arith.subi %rev3A_2262, %rev3A_2263 : vector<16xi32>
      %rev3A_2265 = tpu.dynamic_gather %masked_sort3A_2208[%rev3A_2264] in [0] : vector<16xi32>, vector<16xi32> -> vector<16xi32>
      %ge3A_2266 = arith.cmpf oge, %masked_sort3A_2089, %rev3A_2230 : vector<16xf32>
      %select_n3A_2267 = arith.select %ge3A_2266, %masked_sort3A_2089, %rev3A_2230 : vector<16xi1>, vector<16xf32>
      %select_n3A_2268 = arith.select %ge3A_2266, %masked_sort3A_2090, %rev3A_2235 : vector<16xi1>, vector<16xi32>
      %select_n3A_2269 = arith.select %ge3A_2266, %rev3A_2230, %masked_sort3A_2089 : vector<16xi1>, vector<16xf32>
      %select_n3A_2270 = arith.select %ge3A_2266, %rev3A_2235, %masked_sort3A_2090 : vector<16xi1>, vector<16xi32>
      %ge3A_2271 = arith.cmpf oge, %masked_sort3A_2093, %rev3A_2240 : vector<16xf32>
      %select_n3A_2272 = arith.select %ge3A_2271, %masked_sort3A_2093, %rev3A_2240 : vector<16xi1>, vector<16xf32>
      %select_n3A_2273 = arith.select %ge3A_2271, %masked_sort3A_2094, %rev3A_2245 : vector<16xi1>, vector<16xi32>
      %select_n3A_2274 = arith.select %ge3A_2271, %rev3A_2240, %masked_sort3A_2093 : vector<16xi1>, vector<16xf32>
      %select_n3A_2275 = arith.select %ge3A_2271, %rev3A_2245, %masked_sort3A_2094 : vector<16xi1>, vector<16xi32>
      %ge3A_2276 = arith.cmpf oge, %masked_sort3A_2102, %rev3A_2250 : vector<16xf32>
      %select_n3A_2277 = arith.select %ge3A_2276, %masked_sort3A_2102, %rev3A_2250 : vector<16xi1>, vector<16xf32>
      %select_n3A_2278 = arith.select %ge3A_2276, %masked_sort3A_2103, %rev3A_2255 : vector<16xi1>, vector<16xi32>
      %select_n3A_2279 = arith.select %ge3A_2276, %rev3A_2250, %masked_sort3A_2102 : vector<16xi1>, vector<16xf32>
      %select_n3A_2280 = arith.select %ge3A_2276, %rev3A_2255, %masked_sort3A_2103 : vector<16xi1>, vector<16xi32>
      %ge3A_2281 = arith.cmpf oge, %masked_sort3A_2106, %rev3A_2260 : vector<16xf32>
      %select_n3A_2282 = arith.select %ge3A_2281, %masked_sort3A_2106, %rev3A_2260 : vector<16xi1>, vector<16xf32>
      %select_n3A_2283 = arith.select %ge3A_2281, %masked_sort3A_2107, %rev3A_2265 : vector<16xi1>, vector<16xi32>
      %select_n3A_2284 = arith.select %ge3A_2281, %rev3A_2260, %masked_sort3A_2106 : vector<16xi1>, vector<16xf32>
      %select_n3A_2285 = arith.select %ge3A_2281, %rev3A_2265, %masked_sort3A_2107 : vector<16xi1>, vector<16xi32>
      %ge3A_2286 = arith.cmpf oge, %select_n3A_2267, %select_n3A_2277 : vector<16xf32>
      %select_n3A_2287 = arith.select %ge3A_2286, %select_n3A_2267, %select_n3A_2277 : vector<16xi1>, vector<16xf32>
      %select_n3A_2288 = arith.select %ge3A_2286, %select_n3A_2268, %select_n3A_2278 : vector<16xi1>, vector<16xi32>
      %select_n3A_2289 = arith.select %ge3A_2286, %select_n3A_2277, %select_n3A_2267 : vector<16xi1>, vector<16xf32>
      %select_n3A_2290 = arith.select %ge3A_2286, %select_n3A_2278, %select_n3A_2268 : vector<16xi1>, vector<16xi32>
      %ge3A_2291 = arith.cmpf oge, %select_n3A_2272, %select_n3A_2282 : vector<16xf32>
      %select_n3A_2292 = arith.select %ge3A_2291, %select_n3A_2272, %select_n3A_2282 : vector<16xi1>, vector<16xf32>
      %select_n3A_2293 = arith.select %ge3A_2291, %select_n3A_2273, %select_n3A_2283 : vector<16xi1>, vector<16xi32>
      %select_n3A_2294 = arith.select %ge3A_2291, %select_n3A_2282, %select_n3A_2272 : vector<16xi1>, vector<16xf32>
      %select_n3A_2295 = arith.select %ge3A_2291, %select_n3A_2283, %select_n3A_2273 : vector<16xi1>, vector<16xi32>
      %ge3A_2296 = arith.cmpf oge, %select_n3A_2287, %select_n3A_2292 : vector<16xf32>
      %select_n3A_2297 = arith.select %ge3A_2296, %select_n3A_2287, %select_n3A_2292 : vector<16xi1>, vector<16xf32>
      %select_n3A_2298 = arith.select %ge3A_2296, %select_n3A_2288, %select_n3A_2293 : vector<16xi1>, vector<16xi32>
      %select_n3A_2299 = arith.select %ge3A_2296, %select_n3A_2292, %select_n3A_2287 : vector<16xi1>, vector<16xf32>
      %select_n3A_2300 = arith.select %ge3A_2296, %select_n3A_2293, %select_n3A_2288 : vector<16xi1>, vector<16xi32>
      %masked_sort3A_2301 = arith.constant dense<true> : vector<16xi1>
      %masked_sort3A_2302, %masked_sort3A_2303, %masked_sort3A_2304 = tpu.sort %select_n3A_2297, %select_n3A_2298 masked %masked_sort3A_2301 {descending = true} : (vector<16xf32>, vector<16xi32>, vector<16xi1>) -> (vector<16xi1>, vector<16xf32>, vector<16xi32>)
      %masked_sort3A_2305 = arith.constant dense<true> : vector<16xi1>
      %masked_sort3A_2306, %masked_sort3A_2307, %masked_sort3A_2308 = tpu.sort %select_n3A_2299, %select_n3A_2300 masked %masked_sort3A_2305 {descending = true} : (vector<16xf32>, vector<16xi32>, vector<16xi1>) -> (vector<16xi1>, vector<16xf32>, vector<16xi32>)
      %ge3A_2309 = arith.cmpf oge, %select_n3A_2289, %select_n3A_2294 : vector<16xf32>
      %select_n3A_2310 = arith.select %ge3A_2309, %select_n3A_2289, %select_n3A_2294 : vector<16xi1>, vector<16xf32>
      %select_n3A_2311 = arith.select %ge3A_2309, %select_n3A_2290, %select_n3A_2295 : vector<16xi1>, vector<16xi32>
      %select_n3A_2312 = arith.select %ge3A_2309, %select_n3A_2294, %select_n3A_2289 : vector<16xi1>, vector<16xf32>
      %select_n3A_2313 = arith.select %ge3A_2309, %select_n3A_2295, %select_n3A_2290 : vector<16xi1>, vector<16xi32>
      %masked_sort3A_2314 = arith.constant dense<true> : vector<16xi1>
      %masked_sort3A_2315, %masked_sort3A_2316, %masked_sort3A_2317 = tpu.sort %select_n3A_2310, %select_n3A_2311 masked %masked_sort3A_2314 {descending = true} : (vector<16xf32>, vector<16xi32>, vector<16xi1>) -> (vector<16xi1>, vector<16xf32>, vector<16xi32>)
      %masked_sort3A_2318 = arith.constant dense<true> : vector<16xi1>
      %masked_sort3A_2319, %masked_sort3A_2320, %masked_sort3A_2321 = tpu.sort %select_n3A_2312, %select_n3A_2313 masked %masked_sort3A_2318 {descending = true} : (vector<16xf32>, vector<16xi32>, vector<16xi1>) -> (vector<16xi1>, vector<16xf32>, vector<16xi32>)
      %ge3A_2322 = arith.cmpf oge, %select_n3A_2269, %select_n3A_2279 : vector<16xf32>
      %select_n3A_2323 = arith.select %ge3A_2322, %select_n3A_2269, %select_n3A_2279 : vector<16xi1>, vector<16xf32>
      %select_n3A_2324 = arith.select %ge3A_2322, %select_n3A_2270, %select_n3A_2280 : vector<16xi1>, vector<16xi32>
      %select_n3A_2325 = arith.select %ge3A_2322, %select_n3A_2279, %select_n3A_2269 : vector<16xi1>, vector<16xf32>
      %select_n3A_2326 = arith.select %ge3A_2322, %select_n3A_2280, %select_n3A_2270 : vector<16xi1>, vector<16xi32>
      %ge3A_2327 = arith.cmpf oge, %select_n3A_2274, %select_n3A_2284 : vector<16xf32>
      %select_n3A_2328 = arith.select %ge3A_2327, %select_n3A_2274, %select_n3A_2284 : vector<16xi1>, vector<16xf32>
      %select_n3A_2329 = arith.select %ge3A_2327, %select_n3A_2275, %select_n3A_2285 : vector<16xi1>, vector<16xi32>
      %select_n3A_2330 = arith.select %ge3A_2327, %select_n3A_2284, %select_n3A_2274 : vector<16xi1>, vector<16xf32>
      %select_n3A_2331 = arith.select %ge3A_2327, %select_n3A_2285, %select_n3A_2275 : vector<16xi1>, vector<16xi32>
      %ge3A_2332 = arith.cmpf oge, %select_n3A_2323, %select_n3A_2328 : vector<16xf32>
      %select_n3A_2333 = arith.select %ge3A_2332, %select_n3A_2323, %select_n3A_2328 : vector<16xi1>, vector<16xf32>
      %select_n3A_2334 = arith.select %ge3A_2332, %select_n3A_2324, %select_n3A_2329 : vector<16xi1>, vector<16xi32>
      %select_n3A_2335 = arith.select %ge3A_2332, %select_n3A_2328, %select_n3A_2323 : vector<16xi1>, vector<16xf32>
      %select_n3A_2336 = arith.select %ge3A_2332, %select_n3A_2329, %select_n3A_2324 : vector<16xi1>, vector<16xi32>
      %masked_sort3A_2337 = arith.constant dense<true> : vector<16xi1>
      %masked_sort3A_2338, %masked_sort3A_2339, %masked_sort3A_2340 = tpu.sort %select_n3A_2333, %select_n3A_2334 masked %masked_sort3A_2337 {descending = true} : (vector<16xf32>, vector<16xi32>, vector<16xi1>) -> (vector<16xi1>, vector<16xf32>, vector<16xi32>)
      %masked_sort3A_2341 = arith.constant dense<true> : vector<16xi1>
      %masked_sort3A_2342, %masked_sort3A_2343, %masked_sort3A_2344 = tpu.sort %select_n3A_2335, %select_n3A_2336 masked %masked_sort3A_2341 {descending = true} : (vector<16xf32>, vector<16xi32>, vector<16xi1>) -> (vector<16xi1>, vector<16xf32>, vector<16xi32>)
      %ge3A_2345 = arith.cmpf oge, %select_n3A_2325, %select_n3A_2330 : vector<16xf32>
      %select_n3A_2346 = arith.select %ge3A_2345, %select_n3A_2325, %select_n3A_2330 : vector<16xi1>, vector<16xf32>
      %select_n3A_2347 = arith.select %ge3A_2345, %select_n3A_2326, %select_n3A_2331 : vector<16xi1>, vector<16xi32>
      %select_n3A_2348 = arith.select %ge3A_2345, %select_n3A_2330, %select_n3A_2325 : vector<16xi1>, vector<16xf32>
      %select_n3A_2349 = arith.select %ge3A_2345, %select_n3A_2331, %select_n3A_2326 : vector<16xi1>, vector<16xi32>
      %masked_sort3A_2350 = arith.constant dense<true> : vector<16xi1>
      %masked_sort3A_2351, %masked_sort3A_2352, %masked_sort3A_2353 = tpu.sort %select_n3A_2346, %select_n3A_2347 masked %masked_sort3A_2350 {descending = true} : (vector<16xf32>, vector<16xi32>, vector<16xi1>) -> (vector<16xi1>, vector<16xf32>, vector<16xi32>)
      %masked_sort3A_2354 = arith.constant dense<true> : vector<16xi1>
      %masked_sort3A_2355, %masked_sort3A_2356, %masked_sort3A_2357 = tpu.sort %select_n3A_2348, %select_n3A_2349 masked %masked_sort3A_2354 {descending = true} : (vector<16xf32>, vector<16xi32>, vector<16xi1>) -> (vector<16xi1>, vector<16xf32>, vector<16xi32>)
      %rev3A_2358 = arith.constant 15 : i32
      %rev3A_2359 = vector.broadcast %rev3A_2358 : i32 to vector<16xi32>
      %rev3A_2360 = tpu.iota {dimensions = array<i32: 0>} : vector<16xi32>
      %rev3A_2361 = arith.subi %rev3A_2359, %rev3A_2360 : vector<16xi32>
      %rev3A_2362 = tpu.dynamic_gather %masked_sort3A_2356[%rev3A_2361] in [0] : vector<16xf32>, vector<16xi32> -> vector<16xf32>
      %rev3A_2363 = arith.constant 15 : i32
      %rev3A_2364 = vector.broadcast %rev3A_2363 : i32 to vector<16xi32>
      %rev3A_2365 = tpu.iota {dimensions = array<i32: 0>} : vector<16xi32>
      %rev3A_2366 = arith.subi %rev3A_2364, %rev3A_2365 : vector<16xi32>
      %rev3A_2367 = tpu.dynamic_gather %masked_sort3A_2357[%rev3A_2366] in [0] : vector<16xi32>, vector<16xi32> -> vector<16xi32>
      %rev3A_2368 = arith.constant 15 : i32
      %rev3A_2369 = vector.broadcast %rev3A_2368 : i32 to vector<16xi32>
      %rev3A_2370 = tpu.iota {dimensions = array<i32: 0>} : vector<16xi32>
      %rev3A_2371 = arith.subi %rev3A_2369, %rev3A_2370 : vector<16xi32>
      %rev3A_2372 = tpu.dynamic_gather %masked_sort3A_2352[%rev3A_2371] in [0] : vector<16xf32>, vector<16xi32> -> vector<16xf32>
      %rev3A_2373 = arith.constant 15 : i32
      %rev3A_2374 = vector.broadcast %rev3A_2373 : i32 to vector<16xi32>
      %rev3A_2375 = tpu.iota {dimensions = array<i32: 0>} : vector<16xi32>
      %rev3A_2376 = arith.subi %rev3A_2374, %rev3A_2375 : vector<16xi32>
      %rev3A_2377 = tpu.dynamic_gather %masked_sort3A_2353[%rev3A_2376] in [0] : vector<16xi32>, vector<16xi32> -> vector<16xi32>
      %rev3A_2378 = arith.constant 15 : i32
      %rev3A_2379 = vector.broadcast %rev3A_2378 : i32 to vector<16xi32>
      %rev3A_2380 = tpu.iota {dimensions = array<i32: 0>} : vector<16xi32>
      %rev3A_2381 = arith.subi %rev3A_2379, %rev3A_2380 : vector<16xi32>
      %rev3A_2382 = tpu.dynamic_gather %masked_sort3A_2343[%rev3A_2381] in [0] : vector<16xf32>, vector<16xi32> -> vector<16xf32>
      %rev3A_2383 = arith.constant 15 : i32
      %rev3A_2384 = vector.broadcast %rev3A_2383 : i32 to vector<16xi32>
      %rev3A_2385 = tpu.iota {dimensions = array<i32: 0>} : vector<16xi32>
      %rev3A_2386 = arith.subi %rev3A_2384, %rev3A_2385 : vector<16xi32>
      %rev3A_2387 = tpu.dynamic_gather %masked_sort3A_2344[%rev3A_2386] in [0] : vector<16xi32>, vector<16xi32> -> vector<16xi32>
      %rev3A_2388 = arith.constant 15 : i32
      %rev3A_2389 = vector.broadcast %rev3A_2388 : i32 to vector<16xi32>
      %rev3A_2390 = tpu.iota {dimensions = array<i32: 0>} : vector<16xi32>
      %rev3A_2391 = arith.subi %rev3A_2389, %rev3A_2390 : vector<16xi32>
      %rev3A_2392 = tpu.dynamic_gather %masked_sort3A_2339[%rev3A_2391] in [0] : vector<16xf32>, vector<16xi32> -> vector<16xf32>
      %rev3A_2393 = arith.constant 15 : i32
      %rev3A_2394 = vector.broadcast %rev3A_2393 : i32 to vector<16xi32>
      %rev3A_2395 = tpu.iota {dimensions = array<i32: 0>} : vector<16xi32>
      %rev3A_2396 = arith.subi %rev3A_2394, %rev3A_2395 : vector<16xi32>
      %rev3A_2397 = tpu.dynamic_gather %masked_sort3A_2340[%rev3A_2396] in [0] : vector<16xi32>, vector<16xi32> -> vector<16xi32>
      %rev3A_2398 = arith.constant 15 : i32
      %rev3A_2399 = vector.broadcast %rev3A_2398 : i32 to vector<16xi32>
      %rev3A_2400 = tpu.iota {dimensions = array<i32: 0>} : vector<16xi32>
      %rev3A_2401 = arith.subi %rev3A_2399, %rev3A_2400 : vector<16xi32>
      %rev3A_2402 = tpu.dynamic_gather %masked_sort3A_2320[%rev3A_2401] in [0] : vector<16xf32>, vector<16xi32> -> vector<16xf32>
      %rev3A_2403 = arith.constant 15 : i32
      %rev3A_2404 = vector.broadcast %rev3A_2403 : i32 to vector<16xi32>
      %rev3A_2405 = tpu.iota {dimensions = array<i32: 0>} : vector<16xi32>
      %rev3A_2406 = arith.subi %rev3A_2404, %rev3A_2405 : vector<16xi32>
      %rev3A_2407 = tpu.dynamic_gather %masked_sort3A_2321[%rev3A_2406] in [0] : vector<16xi32>, vector<16xi32> -> vector<16xi32>
      %rev3A_2408 = arith.constant 15 : i32
      %rev3A_2409 = vector.broadcast %rev3A_2408 : i32 to vector<16xi32>
      %rev3A_2410 = tpu.iota {dimensions = array<i32: 0>} : vector<16xi32>
      %rev3A_2411 = arith.subi %rev3A_2409, %rev3A_2410 : vector<16xi32>
      %rev3A_2412 = tpu.dynamic_gather %masked_sort3A_2316[%rev3A_2411] in [0] : vector<16xf32>, vector<16xi32> -> vector<16xf32>
      %rev3A_2413 = arith.constant 15 : i32
      %rev3A_2414 = vector.broadcast %rev3A_2413 : i32 to vector<16xi32>
      %rev3A_2415 = tpu.iota {dimensions = array<i32: 0>} : vector<16xi32>
      %rev3A_2416 = arith.subi %rev3A_2414, %rev3A_2415 : vector<16xi32>
      %rev3A_2417 = tpu.dynamic_gather %masked_sort3A_2317[%rev3A_2416] in [0] : vector<16xi32>, vector<16xi32> -> vector<16xi32>
      %rev3A_2418 = arith.constant 15 : i32
      %rev3A_2419 = vector.broadcast %rev3A_2418 : i32 to vector<16xi32>
      %rev3A_2420 = tpu.iota {dimensions = array<i32: 0>} : vector<16xi32>
      %rev3A_2421 = arith.subi %rev3A_2419, %rev3A_2420 : vector<16xi32>
      %rev3A_2422 = tpu.dynamic_gather %masked_sort3A_2307[%rev3A_2421] in [0] : vector<16xf32>, vector<16xi32> -> vector<16xf32>
      %rev3A_2423 = arith.constant 15 : i32
      %rev3A_2424 = vector.broadcast %rev3A_2423 : i32 to vector<16xi32>
      %rev3A_2425 = tpu.iota {dimensions = array<i32: 0>} : vector<16xi32>
      %rev3A_2426 = arith.subi %rev3A_2424, %rev3A_2425 : vector<16xi32>
      %rev3A_2427 = tpu.dynamic_gather %masked_sort3A_2308[%rev3A_2426] in [0] : vector<16xi32>, vector<16xi32> -> vector<16xi32>
      %rev3A_2428 = arith.constant 15 : i32
      %rev3A_2429 = vector.broadcast %rev3A_2428 : i32 to vector<16xi32>
      %rev3A_2430 = tpu.iota {dimensions = array<i32: 0>} : vector<16xi32>
      %rev3A_2431 = arith.subi %rev3A_2429, %rev3A_2430 : vector<16xi32>
      %rev3A_2432 = tpu.dynamic_gather %masked_sort3A_2303[%rev3A_2431] in [0] : vector<16xf32>, vector<16xi32> -> vector<16xf32>
      %rev3A_2433 = arith.constant 15 : i32
      %rev3A_2434 = vector.broadcast %rev3A_2433 : i32 to vector<16xi32>
      %rev3A_2435 = tpu.iota {dimensions = array<i32: 0>} : vector<16xi32>
      %rev3A_2436 = arith.subi %rev3A_2434, %rev3A_2435 : vector<16xi32>
      %rev3A_2437 = tpu.dynamic_gather %masked_sort3A_2304[%rev3A_2436] in [0] : vector<16xi32>, vector<16xi32> -> vector<16xi32>
      %ge3A_2438 = arith.cmpf oge, %masked_sort3A_1935, %rev3A_2362 : vector<16xf32>
      %select_n3A_2439 = arith.select %ge3A_2438, %masked_sort3A_1935, %rev3A_2362 : vector<16xi1>, vector<16xf32>
      %select_n3A_2440 = arith.select %ge3A_2438, %masked_sort3A_1936, %rev3A_2367 : vector<16xi1>, vector<16xi32>
      %select_n3A_2441 = arith.select %ge3A_2438, %rev3A_2362, %masked_sort3A_1935 : vector<16xi1>, vector<16xf32>
      %select_n3A_2442 = arith.select %ge3A_2438, %rev3A_2367, %masked_sort3A_1936 : vector<16xi1>, vector<16xi32>
      %ge3A_2443 = arith.cmpf oge, %masked_sort3A_1939, %rev3A_2372 : vector<16xf32>
      %select_n3A_2444 = arith.select %ge3A_2443, %masked_sort3A_1939, %rev3A_2372 : vector<16xi1>, vector<16xf32>
      %select_n3A_2445 = arith.select %ge3A_2443, %masked_sort3A_1940, %rev3A_2377 : vector<16xi1>, vector<16xi32>
      %select_n3A_2446 = arith.select %ge3A_2443, %rev3A_2372, %masked_sort3A_1939 : vector<16xi1>, vector<16xf32>
      %select_n3A_2447 = arith.select %ge3A_2443, %rev3A_2377, %masked_sort3A_1940 : vector<16xi1>, vector<16xi32>
      %ge3A_2448 = arith.cmpf oge, %masked_sort3A_1948, %rev3A_2382 : vector<16xf32>
      %select_n3A_2449 = arith.select %ge3A_2448, %masked_sort3A_1948, %rev3A_2382 : vector<16xi1>, vector<16xf32>
      %select_n3A_2450 = arith.select %ge3A_2448, %masked_sort3A_1949, %rev3A_2387 : vector<16xi1>, vector<16xi32>
      %select_n3A_2451 = arith.select %ge3A_2448, %rev3A_2382, %masked_sort3A_1948 : vector<16xi1>, vector<16xf32>
      %select_n3A_2452 = arith.select %ge3A_2448, %rev3A_2387, %masked_sort3A_1949 : vector<16xi1>, vector<16xi32>
      %ge3A_2453 = arith.cmpf oge, %masked_sort3A_1952, %rev3A_2392 : vector<16xf32>
      %select_n3A_2454 = arith.select %ge3A_2453, %masked_sort3A_1952, %rev3A_2392 : vector<16xi1>, vector<16xf32>
      %select_n3A_2455 = arith.select %ge3A_2453, %masked_sort3A_1953, %rev3A_2397 : vector<16xi1>, vector<16xi32>
      %select_n3A_2456 = arith.select %ge3A_2453, %rev3A_2392, %masked_sort3A_1952 : vector<16xi1>, vector<16xf32>
      %select_n3A_2457 = arith.select %ge3A_2453, %rev3A_2397, %masked_sort3A_1953 : vector<16xi1>, vector<16xi32>
      %ge3A_2458 = arith.cmpf oge, %masked_sort3A_1971, %rev3A_2402 : vector<16xf32>
      %select_n3A_2459 = arith.select %ge3A_2458, %masked_sort3A_1971, %rev3A_2402 : vector<16xi1>, vector<16xf32>
      %select_n3A_2460 = arith.select %ge3A_2458, %masked_sort3A_1972, %rev3A_2407 : vector<16xi1>, vector<16xi32>
      %select_n3A_2461 = arith.select %ge3A_2458, %rev3A_2402, %masked_sort3A_1971 : vector<16xi1>, vector<16xf32>
      %select_n3A_2462 = arith.select %ge3A_2458, %rev3A_2407, %masked_sort3A_1972 : vector<16xi1>, vector<16xi32>
      %ge3A_2463 = arith.cmpf oge, %masked_sort3A_1975, %rev3A_2412 : vector<16xf32>
      %select_n3A_2464 = arith.select %ge3A_2463, %masked_sort3A_1975, %rev3A_2412 : vector<16xi1>, vector<16xf32>
      %select_n3A_2465 = arith.select %ge3A_2463, %masked_sort3A_1976, %rev3A_2417 : vector<16xi1>, vector<16xi32>
      %select_n3A_2466 = arith.select %ge3A_2463, %rev3A_2412, %masked_sort3A_1975 : vector<16xi1>, vector<16xf32>
      %select_n3A_2467 = arith.select %ge3A_2463, %rev3A_2417, %masked_sort3A_1976 : vector<16xi1>, vector<16xi32>
      %ge3A_2468 = arith.cmpf oge, %masked_sort3A_1984, %rev3A_2422 : vector<16xf32>
      %select_n3A_2469 = arith.select %ge3A_2468, %masked_sort3A_1984, %rev3A_2422 : vector<16xi1>, vector<16xf32>
      %select_n3A_2470 = arith.select %ge3A_2468, %masked_sort3A_1985, %rev3A_2427 : vector<16xi1>, vector<16xi32>
      %select_n3A_2471 = arith.select %ge3A_2468, %rev3A_2422, %masked_sort3A_1984 : vector<16xi1>, vector<16xf32>
      %select_n3A_2472 = arith.select %ge3A_2468, %rev3A_2427, %masked_sort3A_1985 : vector<16xi1>, vector<16xi32>
      %ge3A_2473 = arith.cmpf oge, %masked_sort3A_1988, %rev3A_2432 : vector<16xf32>
      %select_n3A_2474 = arith.select %ge3A_2473, %masked_sort3A_1988, %rev3A_2432 : vector<16xi1>, vector<16xf32>
      %select_n3A_2475 = arith.select %ge3A_2473, %masked_sort3A_1989, %rev3A_2437 : vector<16xi1>, vector<16xi32>
      %select_n3A_2476 = arith.select %ge3A_2473, %rev3A_2432, %masked_sort3A_1988 : vector<16xi1>, vector<16xf32>
      %select_n3A_2477 = arith.select %ge3A_2473, %rev3A_2437, %masked_sort3A_1989 : vector<16xi1>, vector<16xi32>
      %ge3A_2478 = arith.cmpf oge, %select_n3A_2439, %select_n3A_2459 : vector<16xf32>
      %select_n3A_2479 = arith.select %ge3A_2478, %select_n3A_2439, %select_n3A_2459 : vector<16xi1>, vector<16xf32>
      %select_n3A_2480 = arith.select %ge3A_2478, %select_n3A_2440, %select_n3A_2460 : vector<16xi1>, vector<16xi32>
      %select_n3A_2481 = arith.select %ge3A_2478, %select_n3A_2459, %select_n3A_2439 : vector<16xi1>, vector<16xf32>
      %select_n3A_2482 = arith.select %ge3A_2478, %select_n3A_2460, %select_n3A_2440 : vector<16xi1>, vector<16xi32>
      %ge3A_2483 = arith.cmpf oge, %select_n3A_2444, %select_n3A_2464 : vector<16xf32>
      %select_n3A_2484 = arith.select %ge3A_2483, %select_n3A_2444, %select_n3A_2464 : vector<16xi1>, vector<16xf32>
      %select_n3A_2485 = arith.select %ge3A_2483, %select_n3A_2445, %select_n3A_2465 : vector<16xi1>, vector<16xi32>
      %select_n3A_2486 = arith.select %ge3A_2483, %select_n3A_2464, %select_n3A_2444 : vector<16xi1>, vector<16xf32>
      %select_n3A_2487 = arith.select %ge3A_2483, %select_n3A_2465, %select_n3A_2445 : vector<16xi1>, vector<16xi32>
      %ge3A_2488 = arith.cmpf oge, %select_n3A_2449, %select_n3A_2469 : vector<16xf32>
      %select_n3A_2489 = arith.select %ge3A_2488, %select_n3A_2449, %select_n3A_2469 : vector<16xi1>, vector<16xf32>
      %select_n3A_2490 = arith.select %ge3A_2488, %select_n3A_2450, %select_n3A_2470 : vector<16xi1>, vector<16xi32>
      %select_n3A_2491 = arith.select %ge3A_2488, %select_n3A_2469, %select_n3A_2449 : vector<16xi1>, vector<16xf32>
      %select_n3A_2492 = arith.select %ge3A_2488, %select_n3A_2470, %select_n3A_2450 : vector<16xi1>, vector<16xi32>
      %ge3A_2493 = arith.cmpf oge, %select_n3A_2454, %select_n3A_2474 : vector<16xf32>
      %select_n3A_2494 = arith.select %ge3A_2493, %select_n3A_2454, %select_n3A_2474 : vector<16xi1>, vector<16xf32>
      %select_n3A_2495 = arith.select %ge3A_2493, %select_n3A_2455, %select_n3A_2475 : vector<16xi1>, vector<16xi32>
      %select_n3A_2496 = arith.select %ge3A_2493, %select_n3A_2474, %select_n3A_2454 : vector<16xi1>, vector<16xf32>
      %select_n3A_2497 = arith.select %ge3A_2493, %select_n3A_2475, %select_n3A_2455 : vector<16xi1>, vector<16xi32>
      %ge3A_2498 = arith.cmpf oge, %select_n3A_2479, %select_n3A_2489 : vector<16xf32>
      %select_n3A_2499 = arith.select %ge3A_2498, %select_n3A_2479, %select_n3A_2489 : vector<16xi1>, vector<16xf32>
      %select_n3A_2500 = arith.select %ge3A_2498, %select_n3A_2480, %select_n3A_2490 : vector<16xi1>, vector<16xi32>
      %select_n3A_2501 = arith.select %ge3A_2498, %select_n3A_2489, %select_n3A_2479 : vector<16xi1>, vector<16xf32>
      %select_n3A_2502 = arith.select %ge3A_2498, %select_n3A_2490, %select_n3A_2480 : vector<16xi1>, vector<16xi32>
      %ge3A_2503 = arith.cmpf oge, %select_n3A_2484, %select_n3A_2494 : vector<16xf32>
      %select_n3A_2504 = arith.select %ge3A_2503, %select_n3A_2484, %select_n3A_2494 : vector<16xi1>, vector<16xf32>
      %select_n3A_2505 = arith.select %ge3A_2503, %select_n3A_2485, %select_n3A_2495 : vector<16xi1>, vector<16xi32>
      %select_n3A_2506 = arith.select %ge3A_2503, %select_n3A_2494, %select_n3A_2484 : vector<16xi1>, vector<16xf32>
      %select_n3A_2507 = arith.select %ge3A_2503, %select_n3A_2495, %select_n3A_2485 : vector<16xi1>, vector<16xi32>
      %ge3A_2508 = arith.cmpf oge, %select_n3A_2499, %select_n3A_2504 : vector<16xf32>
      %select_n3A_2509 = arith.select %ge3A_2508, %select_n3A_2499, %select_n3A_2504 : vector<16xi1>, vector<16xf32>
      %select_n3A_2510 = arith.select %ge3A_2508, %select_n3A_2500, %select_n3A_2505 : vector<16xi1>, vector<16xi32>
      %select_n3A_2511 = arith.select %ge3A_2508, %select_n3A_2504, %select_n3A_2499 : vector<16xi1>, vector<16xf32>
      %select_n3A_2512 = arith.select %ge3A_2508, %select_n3A_2505, %select_n3A_2500 : vector<16xi1>, vector<16xi32>
      %masked_sort3A_2513 = arith.constant dense<true> : vector<16xi1>
      %masked_sort3A_2514, %masked_sort3A_2515, %masked_sort3A_2516 = tpu.sort %select_n3A_2509, %select_n3A_2510 masked %masked_sort3A_2513 {descending = true} : (vector<16xf32>, vector<16xi32>, vector<16xi1>) -> (vector<16xi1>, vector<16xf32>, vector<16xi32>)
      %masked_sort3A_2517 = arith.constant dense<true> : vector<16xi1>
      %masked_sort3A_2518, %masked_sort3A_2519, %masked_sort3A_2520 = tpu.sort %select_n3A_2511, %select_n3A_2512 masked %masked_sort3A_2517 {descending = true} : (vector<16xf32>, vector<16xi32>, vector<16xi1>) -> (vector<16xi1>, vector<16xf32>, vector<16xi32>)
      %ge3A_2521 = arith.cmpf oge, %select_n3A_2501, %select_n3A_2506 : vector<16xf32>
      %select_n3A_2522 = arith.select %ge3A_2521, %select_n3A_2501, %select_n3A_2506 : vector<16xi1>, vector<16xf32>
      %select_n3A_2523 = arith.select %ge3A_2521, %select_n3A_2502, %select_n3A_2507 : vector<16xi1>, vector<16xi32>
      %select_n3A_2524 = arith.select %ge3A_2521, %select_n3A_2506, %select_n3A_2501 : vector<16xi1>, vector<16xf32>
      %select_n3A_2525 = arith.select %ge3A_2521, %select_n3A_2507, %select_n3A_2502 : vector<16xi1>, vector<16xi32>
      %masked_sort3A_2526 = arith.constant dense<true> : vector<16xi1>
      %masked_sort3A_2527, %masked_sort3A_2528, %masked_sort3A_2529 = tpu.sort %select_n3A_2522, %select_n3A_2523 masked %masked_sort3A_2526 {descending = true} : (vector<16xf32>, vector<16xi32>, vector<16xi1>) -> (vector<16xi1>, vector<16xf32>, vector<16xi32>)
      %masked_sort3A_2530 = arith.constant dense<true> : vector<16xi1>
      %masked_sort3A_2531, %masked_sort3A_2532, %masked_sort3A_2533 = tpu.sort %select_n3A_2524, %select_n3A_2525 masked %masked_sort3A_2530 {descending = true} : (vector<16xf32>, vector<16xi32>, vector<16xi1>) -> (vector<16xi1>, vector<16xf32>, vector<16xi32>)
      %ge3A_2534 = arith.cmpf oge, %select_n3A_2481, %select_n3A_2491 : vector<16xf32>
      %select_n3A_2535 = arith.select %ge3A_2534, %select_n3A_2481, %select_n3A_2491 : vector<16xi1>, vector<16xf32>
      %select_n3A_2536 = arith.select %ge3A_2534, %select_n3A_2482, %select_n3A_2492 : vector<16xi1>, vector<16xi32>
      %select_n3A_2537 = arith.select %ge3A_2534, %select_n3A_2491, %select_n3A_2481 : vector<16xi1>, vector<16xf32>
      %select_n3A_2538 = arith.select %ge3A_2534, %select_n3A_2492, %select_n3A_2482 : vector<16xi1>, vector<16xi32>
      %ge3A_2539 = arith.cmpf oge, %select_n3A_2486, %select_n3A_2496 : vector<16xf32>
      %select_n3A_2540 = arith.select %ge3A_2539, %select_n3A_2486, %select_n3A_2496 : vector<16xi1>, vector<16xf32>
      %select_n3A_2541 = arith.select %ge3A_2539, %select_n3A_2487, %select_n3A_2497 : vector<16xi1>, vector<16xi32>
      %select_n3A_2542 = arith.select %ge3A_2539, %select_n3A_2496, %select_n3A_2486 : vector<16xi1>, vector<16xf32>
      %select_n3A_2543 = arith.select %ge3A_2539, %select_n3A_2497, %select_n3A_2487 : vector<16xi1>, vector<16xi32>
      %ge3A_2544 = arith.cmpf oge, %select_n3A_2535, %select_n3A_2540 : vector<16xf32>
      %select_n3A_2545 = arith.select %ge3A_2544, %select_n3A_2535, %select_n3A_2540 : vector<16xi1>, vector<16xf32>
      %select_n3A_2546 = arith.select %ge3A_2544, %select_n3A_2536, %select_n3A_2541 : vector<16xi1>, vector<16xi32>
      %select_n3A_2547 = arith.select %ge3A_2544, %select_n3A_2540, %select_n3A_2535 : vector<16xi1>, vector<16xf32>
      %select_n3A_2548 = arith.select %ge3A_2544, %select_n3A_2541, %select_n3A_2536 : vector<16xi1>, vector<16xi32>
      %masked_sort3A_2549 = arith.constant dense<true> : vector<16xi1>
      %masked_sort3A_2550, %masked_sort3A_2551, %masked_sort3A_2552 = tpu.sort %select_n3A_2545, %select_n3A_2546 masked %masked_sort3A_2549 {descending = true} : (vector<16xf32>, vector<16xi32>, vector<16xi1>) -> (vector<16xi1>, vector<16xf32>, vector<16xi32>)
      %masked_sort3A_2553 = arith.constant dense<true> : vector<16xi1>
      %masked_sort3A_2554, %masked_sort3A_2555, %masked_sort3A_2556 = tpu.sort %select_n3A_2547, %select_n3A_2548 masked %masked_sort3A_2553 {descending = true} : (vector<16xf32>, vector<16xi32>, vector<16xi1>) -> (vector<16xi1>, vector<16xf32>, vector<16xi32>)
      %ge3A_2557 = arith.cmpf oge, %select_n3A_2537, %select_n3A_2542 : vector<16xf32>
      %select_n3A_2558 = arith.select %ge3A_2557, %select_n3A_2537, %select_n3A_2542 : vector<16xi1>, vector<16xf32>
      %select_n3A_2559 = arith.select %ge3A_2557, %select_n3A_2538, %select_n3A_2543 : vector<16xi1>, vector<16xi32>
      %select_n3A_2560 = arith.select %ge3A_2557, %select_n3A_2542, %select_n3A_2537 : vector<16xi1>, vector<16xf32>
      %select_n3A_2561 = arith.select %ge3A_2557, %select_n3A_2543, %select_n3A_2538 : vector<16xi1>, vector<16xi32>
      %masked_sort3A_2562 = arith.constant dense<true> : vector<16xi1>
      %masked_sort3A_2563, %masked_sort3A_2564, %masked_sort3A_2565 = tpu.sort %select_n3A_2558, %select_n3A_2559 masked %masked_sort3A_2562 {descending = true} : (vector<16xf32>, vector<16xi32>, vector<16xi1>) -> (vector<16xi1>, vector<16xf32>, vector<16xi32>)
      %masked_sort3A_2566 = arith.constant dense<true> : vector<16xi1>
      %masked_sort3A_2567, %masked_sort3A_2568, %masked_sort3A_2569 = tpu.sort %select_n3A_2560, %select_n3A_2561 masked %masked_sort3A_2566 {descending = true} : (vector<16xf32>, vector<16xi32>, vector<16xi1>) -> (vector<16xi1>, vector<16xf32>, vector<16xi32>)
      %ge3A_2570 = arith.cmpf oge, %select_n3A_2441, %select_n3A_2461 : vector<16xf32>
      %select_n3A_2571 = arith.select %ge3A_2570, %select_n3A_2441, %select_n3A_2461 : vector<16xi1>, vector<16xf32>
      %select_n3A_2572 = arith.select %ge3A_2570, %select_n3A_2442, %select_n3A_2462 : vector<16xi1>, vector<16xi32>
      %select_n3A_2573 = arith.select %ge3A_2570, %select_n3A_2461, %select_n3A_2441 : vector<16xi1>, vector<16xf32>
      %select_n3A_2574 = arith.select %ge3A_2570, %select_n3A_2462, %select_n3A_2442 : vector<16xi1>, vector<16xi32>
      %ge3A_2575 = arith.cmpf oge, %select_n3A_2446, %select_n3A_2466 : vector<16xf32>
      %select_n3A_2576 = arith.select %ge3A_2575, %select_n3A_2446, %select_n3A_2466 : vector<16xi1>, vector<16xf32>
      %select_n3A_2577 = arith.select %ge3A_2575, %select_n3A_2447, %select_n3A_2467 : vector<16xi1>, vector<16xi32>
      %select_n3A_2578 = arith.select %ge3A_2575, %select_n3A_2466, %select_n3A_2446 : vector<16xi1>, vector<16xf32>
      %select_n3A_2579 = arith.select %ge3A_2575, %select_n3A_2467, %select_n3A_2447 : vector<16xi1>, vector<16xi32>
      %ge3A_2580 = arith.cmpf oge, %select_n3A_2451, %select_n3A_2471 : vector<16xf32>
      %select_n3A_2581 = arith.select %ge3A_2580, %select_n3A_2451, %select_n3A_2471 : vector<16xi1>, vector<16xf32>
      %select_n3A_2582 = arith.select %ge3A_2580, %select_n3A_2452, %select_n3A_2472 : vector<16xi1>, vector<16xi32>
      %select_n3A_2583 = arith.select %ge3A_2580, %select_n3A_2471, %select_n3A_2451 : vector<16xi1>, vector<16xf32>
      %select_n3A_2584 = arith.select %ge3A_2580, %select_n3A_2472, %select_n3A_2452 : vector<16xi1>, vector<16xi32>
      %ge3A_2585 = arith.cmpf oge, %select_n3A_2456, %select_n3A_2476 : vector<16xf32>
      %select_n3A_2586 = arith.select %ge3A_2585, %select_n3A_2456, %select_n3A_2476 : vector<16xi1>, vector<16xf32>
      %select_n3A_2587 = arith.select %ge3A_2585, %select_n3A_2457, %select_n3A_2477 : vector<16xi1>, vector<16xi32>
      %select_n3A_2588 = arith.select %ge3A_2585, %select_n3A_2476, %select_n3A_2456 : vector<16xi1>, vector<16xf32>
      %select_n3A_2589 = arith.select %ge3A_2585, %select_n3A_2477, %select_n3A_2457 : vector<16xi1>, vector<16xi32>
      %ge3A_2590 = arith.cmpf oge, %select_n3A_2571, %select_n3A_2581 : vector<16xf32>
      %select_n3A_2591 = arith.select %ge3A_2590, %select_n3A_2571, %select_n3A_2581 : vector<16xi1>, vector<16xf32>
      %select_n3A_2592 = arith.select %ge3A_2590, %select_n3A_2572, %select_n3A_2582 : vector<16xi1>, vector<16xi32>
      %select_n3A_2593 = arith.select %ge3A_2590, %select_n3A_2581, %select_n3A_2571 : vector<16xi1>, vector<16xf32>
      %select_n3A_2594 = arith.select %ge3A_2590, %select_n3A_2582, %select_n3A_2572 : vector<16xi1>, vector<16xi32>
      %ge3A_2595 = arith.cmpf oge, %select_n3A_2576, %select_n3A_2586 : vector<16xf32>
      %select_n3A_2596 = arith.select %ge3A_2595, %select_n3A_2576, %select_n3A_2586 : vector<16xi1>, vector<16xf32>
      %select_n3A_2597 = arith.select %ge3A_2595, %select_n3A_2577, %select_n3A_2587 : vector<16xi1>, vector<16xi32>
      %select_n3A_2598 = arith.select %ge3A_2595, %select_n3A_2586, %select_n3A_2576 : vector<16xi1>, vector<16xf32>
      %select_n3A_2599 = arith.select %ge3A_2595, %select_n3A_2587, %select_n3A_2577 : vector<16xi1>, vector<16xi32>
      %ge3A_2600 = arith.cmpf oge, %select_n3A_2591, %select_n3A_2596 : vector<16xf32>
      %select_n3A_2601 = arith.select %ge3A_2600, %select_n3A_2591, %select_n3A_2596 : vector<16xi1>, vector<16xf32>
      %select_n3A_2602 = arith.select %ge3A_2600, %select_n3A_2592, %select_n3A_2597 : vector<16xi1>, vector<16xi32>
      %select_n3A_2603 = arith.select %ge3A_2600, %select_n3A_2596, %select_n3A_2591 : vector<16xi1>, vector<16xf32>
      %select_n3A_2604 = arith.select %ge3A_2600, %select_n3A_2597, %select_n3A_2592 : vector<16xi1>, vector<16xi32>
      %masked_sort3A_2605 = arith.constant dense<true> : vector<16xi1>
      %masked_sort3A_2606, %masked_sort3A_2607, %masked_sort3A_2608 = tpu.sort %select_n3A_2601, %select_n3A_2602 masked %masked_sort3A_2605 {descending = true} : (vector<16xf32>, vector<16xi32>, vector<16xi1>) -> (vector<16xi1>, vector<16xf32>, vector<16xi32>)
      %masked_sort3A_2609 = arith.constant dense<true> : vector<16xi1>
      %masked_sort3A_2610, %masked_sort3A_2611, %masked_sort3A_2612 = tpu.sort %select_n3A_2603, %select_n3A_2604 masked %masked_sort3A_2609 {descending = true} : (vector<16xf32>, vector<16xi32>, vector<16xi1>) -> (vector<16xi1>, vector<16xf32>, vector<16xi32>)
      %ge3A_2613 = arith.cmpf oge, %select_n3A_2593, %select_n3A_2598 : vector<16xf32>
      %select_n3A_2614 = arith.select %ge3A_2613, %select_n3A_2593, %select_n3A_2598 : vector<16xi1>, vector<16xf32>
      %select_n3A_2615 = arith.select %ge3A_2613, %select_n3A_2594, %select_n3A_2599 : vector<16xi1>, vector<16xi32>
      %select_n3A_2616 = arith.select %ge3A_2613, %select_n3A_2598, %select_n3A_2593 : vector<16xi1>, vector<16xf32>
      %select_n3A_2617 = arith.select %ge3A_2613, %select_n3A_2599, %select_n3A_2594 : vector<16xi1>, vector<16xi32>
      %masked_sort3A_2618 = arith.constant dense<true> : vector<16xi1>
      %masked_sort3A_2619, %masked_sort3A_2620, %masked_sort3A_2621 = tpu.sort %select_n3A_2614, %select_n3A_2615 masked %masked_sort3A_2618 {descending = true} : (vector<16xf32>, vector<16xi32>, vector<16xi1>) -> (vector<16xi1>, vector<16xf32>, vector<16xi32>)
      %masked_sort3A_2622 = arith.constant dense<true> : vector<16xi1>
      %masked_sort3A_2623, %masked_sort3A_2624, %masked_sort3A_2625 = tpu.sort %select_n3A_2616, %select_n3A_2617 masked %masked_sort3A_2622 {descending = true} : (vector<16xf32>, vector<16xi32>, vector<16xi1>) -> (vector<16xi1>, vector<16xf32>, vector<16xi32>)
      %ge3A_2626 = arith.cmpf oge, %select_n3A_2573, %select_n3A_2583 : vector<16xf32>
      %select_n3A_2627 = arith.select %ge3A_2626, %select_n3A_2573, %select_n3A_2583 : vector<16xi1>, vector<16xf32>
      %select_n3A_2628 = arith.select %ge3A_2626, %select_n3A_2574, %select_n3A_2584 : vector<16xi1>, vector<16xi32>
      %select_n3A_2629 = arith.select %ge3A_2626, %select_n3A_2583, %select_n3A_2573 : vector<16xi1>, vector<16xf32>
      %select_n3A_2630 = arith.select %ge3A_2626, %select_n3A_2584, %select_n3A_2574 : vector<16xi1>, vector<16xi32>
      %ge3A_2631 = arith.cmpf oge, %select_n3A_2578, %select_n3A_2588 : vector<16xf32>
      %select_n3A_2632 = arith.select %ge3A_2631, %select_n3A_2578, %select_n3A_2588 : vector<16xi1>, vector<16xf32>
      %select_n3A_2633 = arith.select %ge3A_2631, %select_n3A_2579, %select_n3A_2589 : vector<16xi1>, vector<16xi32>
      %select_n3A_2634 = arith.select %ge3A_2631, %select_n3A_2588, %select_n3A_2578 : vector<16xi1>, vector<16xf32>
      %select_n3A_2635 = arith.select %ge3A_2631, %select_n3A_2589, %select_n3A_2579 : vector<16xi1>, vector<16xi32>
      %ge3A_2636 = arith.cmpf oge, %select_n3A_2627, %select_n3A_2632 : vector<16xf32>
      %select_n3A_2637 = arith.select %ge3A_2636, %select_n3A_2627, %select_n3A_2632 : vector<16xi1>, vector<16xf32>
      %select_n3A_2638 = arith.select %ge3A_2636, %select_n3A_2628, %select_n3A_2633 : vector<16xi1>, vector<16xi32>
      %select_n3A_2639 = arith.select %ge3A_2636, %select_n3A_2632, %select_n3A_2627 : vector<16xi1>, vector<16xf32>
      %select_n3A_2640 = arith.select %ge3A_2636, %select_n3A_2633, %select_n3A_2628 : vector<16xi1>, vector<16xi32>
      %masked_sort3A_2641 = arith.constant dense<true> : vector<16xi1>
      %masked_sort3A_2642, %masked_sort3A_2643, %masked_sort3A_2644 = tpu.sort %select_n3A_2637, %select_n3A_2638 masked %masked_sort3A_2641 {descending = true} : (vector<16xf32>, vector<16xi32>, vector<16xi1>) -> (vector<16xi1>, vector<16xf32>, vector<16xi32>)
      %masked_sort3A_2645 = arith.constant dense<true> : vector<16xi1>
      %masked_sort3A_2646, %masked_sort3A_2647, %masked_sort3A_2648 = tpu.sort %select_n3A_2639, %select_n3A_2640 masked %masked_sort3A_2645 {descending = true} : (vector<16xf32>, vector<16xi32>, vector<16xi1>) -> (vector<16xi1>, vector<16xf32>, vector<16xi32>)
      %ge3A_2649 = arith.cmpf oge, %select_n3A_2629, %select_n3A_2634 : vector<16xf32>
      %select_n3A_2650 = arith.select %ge3A_2649, %select_n3A_2629, %select_n3A_2634 : vector<16xi1>, vector<16xf32>
      %select_n3A_2651 = arith.select %ge3A_2649, %select_n3A_2630, %select_n3A_2635 : vector<16xi1>, vector<16xi32>
      %select_n3A_2652 = arith.select %ge3A_2649, %select_n3A_2634, %select_n3A_2629 : vector<16xi1>, vector<16xf32>
      %select_n3A_2653 = arith.select %ge3A_2649, %select_n3A_2635, %select_n3A_2630 : vector<16xi1>, vector<16xi32>
      %masked_sort3A_2654 = arith.constant dense<true> : vector<16xi1>
      %masked_sort3A_2655, %masked_sort3A_2656, %masked_sort3A_2657 = tpu.sort %select_n3A_2650, %select_n3A_2651 masked %masked_sort3A_2654 {descending = true} : (vector<16xf32>, vector<16xi32>, vector<16xi1>) -> (vector<16xi1>, vector<16xf32>, vector<16xi32>)
      %masked_sort3A_2658 = arith.constant dense<true> : vector<16xi1>
      %masked_sort3A_2659, %masked_sort3A_2660, %masked_sort3A_2661 = tpu.sort %select_n3A_2652, %select_n3A_2653 masked %masked_sort3A_2658 {descending = true} : (vector<16xf32>, vector<16xi32>, vector<16xi1>) -> (vector<16xi1>, vector<16xf32>, vector<16xi32>)
      %sub3A = arith.constant 1 : i32
      %sub3A_2662 = vector.broadcast %sub3A : i32 to vector<16xi32>
      %sub3A_2663 = arith.subi %iota3A, %sub3A_2662 : vector<16xi32>
      %max3A_2664 = arith.constant 0 : i32
      %max3A_2665 = vector.broadcast %max3A_2664 : i32 to vector<16xi32>
      %max3A_2666 = arith.maxsi %sub3A_2663, %max3A_2665 : vector<16xi32>
      %add3A_2667 = arith.constant 1 : i32
      %add3A_2668 = vector.broadcast %add3A_2667 : i32 to vector<16xi32>
      %add3A_2669 = arith.addi %iota3A, %add3A_2668 : vector<16xi32>
      %min3A_2670 = arith.constant 15 : i32
      %min3A_2671 = vector.broadcast %min3A_2670 : i32 to vector<16xi32>
      %min3A_2672 = arith.minsi %add3A_2669, %min3A_2671 : vector<16xi32>
      %eq3A = arith.constant 0 : i32
      %eq3A_2673 = vector.broadcast %eq3A : i32 to vector<16xi32>
      %eq3A_2674 = arith.cmpi eq, %iota3A, %eq3A_2673 : vector<16xi32>
      %eq3A_2675 = arith.constant 15 : i32
      %eq3A_2676 = vector.broadcast %eq3A_2675 : i32 to vector<16xi32>
      %eq3A_2677 = arith.cmpi eq, %iota3A, %eq3A_2676 : vector<16xi32>
      %broadcast_in_dim3A_2678 = vector.shape_cast %max3A_2666 : vector<16xi32> to vector<16x1xi32>
      %gather3A_2679 = vector.shape_cast %broadcast_in_dim3A_2678 : vector<16x1xi32> to vector<16xi32>
      %gather3A_2680 = tpu.dynamic_gather %masked_sort3A_2515[%gather3A_2679] in [0] : vector<16xf32>, vector<16xi32> -> vector<16xf32>
      %eq3A_2681 = arith.cmpf oeq, %masked_sort3A_2515, %gather3A_2680 : vector<16xf32>
      %not3A = arith.constant dense<true> : vector<16xi1>
      %not3A_2682 = arith.xori %eq3A_2674, %not3A : vector<16xi1>
      %and3A = arith.andi %eq3A_2681, %not3A_2682 : vector<16xi1>
      %broadcast_in_dim3A_2683 = vector.shape_cast %min3A_2672 : vector<16xi32> to vector<16x1xi32>
      %gather3A_2684 = vector.shape_cast %broadcast_in_dim3A_2683 : vector<16x1xi32> to vector<16xi32>
      %gather3A_2685 = tpu.dynamic_gather %masked_sort3A_2515[%gather3A_2684] in [0] : vector<16xf32>, vector<16xi32> -> vector<16xf32>
      %broadcast_in_dim3A_2686 = arith.constant 0 : i32
      %broadcast_in_dim3A_2687 = vector.broadcast %broadcast_in_dim3A_2686 : i32 to vector<16xi32>
      %broadcast_in_dim3A_2688 = vector.shape_cast %broadcast_in_dim3A_2687 : vector<16xi32> to vector<16x1xi32>
      %gather3A_2689 = vector.shape_cast %broadcast_in_dim3A_2688 : vector<16x1xi32> to vector<16xi32>
      %gather3A_2690 = tpu.dynamic_gather %masked_sort3A_2519[%gather3A_2689] in [0] : vector<16xf32>, vector<16xi32> -> vector<16xf32>
      %select_n3A_2691 = arith.select %eq3A_2677, %gather3A_2690, %gather3A_2685 : vector<16xi1>, vector<16xf32>
      %eq3A_2692 = arith.cmpf oeq, %masked_sort3A_2515, %select_n3A_2691 : vector<16xf32>
      %broadcast_in_dim3A_2693 = vector.shape_cast %max3A_2666 : vector<16xi32> to vector<16x1xi32>
      %gather3A_2694 = vector.shape_cast %broadcast_in_dim3A_2693 : vector<16x1xi32> to vector<16xi32>
      %gather3A_2695 = tpu.dynamic_gather %masked_sort3A_2519[%gather3A_2694] in [0] : vector<16xf32>, vector<16xi32> -> vector<16xf32>
      %broadcast_in_dim3A_2696 = arith.constant 15 : i32
      %broadcast_in_dim3A_2697 = vector.broadcast %broadcast_in_dim3A_2696 : i32 to vector<16xi32>
      %broadcast_in_dim3A_2698 = vector.shape_cast %broadcast_in_dim3A_2697 : vector<16xi32> to vector<16x1xi32>
      %gather3A_2699 = vector.shape_cast %broadcast_in_dim3A_2698 : vector<16x1xi32> to vector<16xi32>
      %gather3A_2700 = tpu.dynamic_gather %masked_sort3A_2515[%gather3A_2699] in [0] : vector<16xf32>, vector<16xi32> -> vector<16xf32>
      %select_n3A_2701 = arith.select %eq3A_2674, %gather3A_2700, %gather3A_2695 : vector<16xi1>, vector<16xf32>
      %eq3A_2702 = arith.cmpf oeq, %masked_sort3A_2519, %select_n3A_2701 : vector<16xf32>
      %broadcast_in_dim3A_2703 = vector.shape_cast %min3A_2672 : vector<16xi32> to vector<16x1xi32>
      %gather3A_2704 = vector.shape_cast %broadcast_in_dim3A_2703 : vector<16x1xi32> to vector<16xi32>
      %gather3A_2705 = tpu.dynamic_gather %masked_sort3A_2519[%gather3A_2704] in [0] : vector<16xf32>, vector<16xi32> -> vector<16xf32>
      %broadcast_in_dim3A_2706 = arith.constant 0 : i32
      %broadcast_in_dim3A_2707 = vector.broadcast %broadcast_in_dim3A_2706 : i32 to vector<16xi32>
      %broadcast_in_dim3A_2708 = vector.shape_cast %broadcast_in_dim3A_2707 : vector<16xi32> to vector<16x1xi32>
      %gather3A_2709 = vector.shape_cast %broadcast_in_dim3A_2708 : vector<16x1xi32> to vector<16xi32>
      %gather3A_2710 = tpu.dynamic_gather %masked_sort3A_2528[%gather3A_2709] in [0] : vector<16xf32>, vector<16xi32> -> vector<16xf32>
      %select_n3A_2711 = arith.select %eq3A_2677, %gather3A_2710, %gather3A_2705 : vector<16xi1>, vector<16xf32>
      %eq3A_2712 = arith.cmpf oeq, %masked_sort3A_2519, %select_n3A_2711 : vector<16xf32>
      %broadcast_in_dim3A_2713 = vector.shape_cast %max3A_2666 : vector<16xi32> to vector<16x1xi32>
      %gather3A_2714 = vector.shape_cast %broadcast_in_dim3A_2713 : vector<16x1xi32> to vector<16xi32>
      %gather3A_2715 = tpu.dynamic_gather %masked_sort3A_2528[%gather3A_2714] in [0] : vector<16xf32>, vector<16xi32> -> vector<16xf32>
      %broadcast_in_dim3A_2716 = arith.constant 15 : i32
      %broadcast_in_dim3A_2717 = vector.broadcast %broadcast_in_dim3A_2716 : i32 to vector<16xi32>
      %broadcast_in_dim3A_2718 = vector.shape_cast %broadcast_in_dim3A_2717 : vector<16xi32> to vector<16x1xi32>
      %gather3A_2719 = vector.shape_cast %broadcast_in_dim3A_2718 : vector<16x1xi32> to vector<16xi32>
      %gather3A_2720 = tpu.dynamic_gather %masked_sort3A_2519[%gather3A_2719] in [0] : vector<16xf32>, vector<16xi32> -> vector<16xf32>
      %select_n3A_2721 = arith.select %eq3A_2674, %gather3A_2720, %gather3A_2715 : vector<16xi1>, vector<16xf32>
      %eq3A_2722 = arith.cmpf oeq, %masked_sort3A_2528, %select_n3A_2721 : vector<16xf32>
      %broadcast_in_dim3A_2723 = vector.shape_cast %min3A_2672 : vector<16xi32> to vector<16x1xi32>
      %gather3A_2724 = vector.shape_cast %broadcast_in_dim3A_2723 : vector<16x1xi32> to vector<16xi32>
      %gather3A_2725 = tpu.dynamic_gather %masked_sort3A_2528[%gather3A_2724] in [0] : vector<16xf32>, vector<16xi32> -> vector<16xf32>
      %broadcast_in_dim3A_2726 = arith.constant 0 : i32
      %broadcast_in_dim3A_2727 = vector.broadcast %broadcast_in_dim3A_2726 : i32 to vector<16xi32>
      %broadcast_in_dim3A_2728 = vector.shape_cast %broadcast_in_dim3A_2727 : vector<16xi32> to vector<16x1xi32>
      %gather3A_2729 = vector.shape_cast %broadcast_in_dim3A_2728 : vector<16x1xi32> to vector<16xi32>
      %gather3A_2730 = tpu.dynamic_gather %masked_sort3A_2532[%gather3A_2729] in [0] : vector<16xf32>, vector<16xi32> -> vector<16xf32>
      %select_n3A_2731 = arith.select %eq3A_2677, %gather3A_2730, %gather3A_2725 : vector<16xi1>, vector<16xf32>
      %eq3A_2732 = arith.cmpf oeq, %masked_sort3A_2528, %select_n3A_2731 : vector<16xf32>
      %broadcast_in_dim3A_2733 = vector.shape_cast %max3A_2666 : vector<16xi32> to vector<16x1xi32>
      %gather3A_2734 = vector.shape_cast %broadcast_in_dim3A_2733 : vector<16x1xi32> to vector<16xi32>
      %gather3A_2735 = tpu.dynamic_gather %masked_sort3A_2532[%gather3A_2734] in [0] : vector<16xf32>, vector<16xi32> -> vector<16xf32>
      %broadcast_in_dim3A_2736 = arith.constant 15 : i32
      %broadcast_in_dim3A_2737 = vector.broadcast %broadcast_in_dim3A_2736 : i32 to vector<16xi32>
      %broadcast_in_dim3A_2738 = vector.shape_cast %broadcast_in_dim3A_2737 : vector<16xi32> to vector<16x1xi32>
      %gather3A_2739 = vector.shape_cast %broadcast_in_dim3A_2738 : vector<16x1xi32> to vector<16xi32>
      %gather3A_2740 = tpu.dynamic_gather %masked_sort3A_2528[%gather3A_2739] in [0] : vector<16xf32>, vector<16xi32> -> vector<16xf32>
      %select_n3A_2741 = arith.select %eq3A_2674, %gather3A_2740, %gather3A_2735 : vector<16xi1>, vector<16xf32>
      %eq3A_2742 = arith.cmpf oeq, %masked_sort3A_2532, %select_n3A_2741 : vector<16xf32>
      %broadcast_in_dim3A_2743 = vector.shape_cast %min3A_2672 : vector<16xi32> to vector<16x1xi32>
      %gather3A_2744 = vector.shape_cast %broadcast_in_dim3A_2743 : vector<16x1xi32> to vector<16xi32>
      %gather3A_2745 = tpu.dynamic_gather %masked_sort3A_2532[%gather3A_2744] in [0] : vector<16xf32>, vector<16xi32> -> vector<16xf32>
      %broadcast_in_dim3A_2746 = arith.constant 0 : i32
      %broadcast_in_dim3A_2747 = vector.broadcast %broadcast_in_dim3A_2746 : i32 to vector<16xi32>
      %broadcast_in_dim3A_2748 = vector.shape_cast %broadcast_in_dim3A_2747 : vector<16xi32> to vector<16x1xi32>
      %gather3A_2749 = vector.shape_cast %broadcast_in_dim3A_2748 : vector<16x1xi32> to vector<16xi32>
      %gather3A_2750 = tpu.dynamic_gather %masked_sort3A_2551[%gather3A_2749] in [0] : vector<16xf32>, vector<16xi32> -> vector<16xf32>
      %select_n3A_2751 = arith.select %eq3A_2677, %gather3A_2750, %gather3A_2745 : vector<16xi1>, vector<16xf32>
      %eq3A_2752 = arith.cmpf oeq, %masked_sort3A_2532, %select_n3A_2751 : vector<16xf32>
      %broadcast_in_dim3A_2753 = vector.shape_cast %max3A_2666 : vector<16xi32> to vector<16x1xi32>
      %gather3A_2754 = vector.shape_cast %broadcast_in_dim3A_2753 : vector<16x1xi32> to vector<16xi32>
      %gather3A_2755 = tpu.dynamic_gather %masked_sort3A_2551[%gather3A_2754] in [0] : vector<16xf32>, vector<16xi32> -> vector<16xf32>
      %broadcast_in_dim3A_2756 = arith.constant 15 : i32
      %broadcast_in_dim3A_2757 = vector.broadcast %broadcast_in_dim3A_2756 : i32 to vector<16xi32>
      %broadcast_in_dim3A_2758 = vector.shape_cast %broadcast_in_dim3A_2757 : vector<16xi32> to vector<16x1xi32>
      %gather3A_2759 = vector.shape_cast %broadcast_in_dim3A_2758 : vector<16x1xi32> to vector<16xi32>
      %gather3A_2760 = tpu.dynamic_gather %masked_sort3A_2532[%gather3A_2759] in [0] : vector<16xf32>, vector<16xi32> -> vector<16xf32>
      %select_n3A_2761 = arith.select %eq3A_2674, %gather3A_2760, %gather3A_2755 : vector<16xi1>, vector<16xf32>
      %eq3A_2762 = arith.cmpf oeq, %masked_sort3A_2551, %select_n3A_2761 : vector<16xf32>
      %broadcast_in_dim3A_2763 = vector.shape_cast %min3A_2672 : vector<16xi32> to vector<16x1xi32>
      %gather3A_2764 = vector.shape_cast %broadcast_in_dim3A_2763 : vector<16x1xi32> to vector<16xi32>
      %gather3A_2765 = tpu.dynamic_gather %masked_sort3A_2551[%gather3A_2764] in [0] : vector<16xf32>, vector<16xi32> -> vector<16xf32>
      %broadcast_in_dim3A_2766 = arith.constant 0 : i32
      %broadcast_in_dim3A_2767 = vector.broadcast %broadcast_in_dim3A_2766 : i32 to vector<16xi32>
      %broadcast_in_dim3A_2768 = vector.shape_cast %broadcast_in_dim3A_2767 : vector<16xi32> to vector<16x1xi32>
      %gather3A_2769 = vector.shape_cast %broadcast_in_dim3A_2768 : vector<16x1xi32> to vector<16xi32>
      %gather3A_2770 = tpu.dynamic_gather %masked_sort3A_2555[%gather3A_2769] in [0] : vector<16xf32>, vector<16xi32> -> vector<16xf32>
      %select_n3A_2771 = arith.select %eq3A_2677, %gather3A_2770, %gather3A_2765 : vector<16xi1>, vector<16xf32>
      %eq3A_2772 = arith.cmpf oeq, %masked_sort3A_2551, %select_n3A_2771 : vector<16xf32>
      %broadcast_in_dim3A_2773 = vector.shape_cast %max3A_2666 : vector<16xi32> to vector<16x1xi32>
      %gather3A_2774 = vector.shape_cast %broadcast_in_dim3A_2773 : vector<16x1xi32> to vector<16xi32>
      %gather3A_2775 = tpu.dynamic_gather %masked_sort3A_2555[%gather3A_2774] in [0] : vector<16xf32>, vector<16xi32> -> vector<16xf32>
      %broadcast_in_dim3A_2776 = arith.constant 15 : i32
      %broadcast_in_dim3A_2777 = vector.broadcast %broadcast_in_dim3A_2776 : i32 to vector<16xi32>
      %broadcast_in_dim3A_2778 = vector.shape_cast %broadcast_in_dim3A_2777 : vector<16xi32> to vector<16x1xi32>
      %gather3A_2779 = vector.shape_cast %broadcast_in_dim3A_2778 : vector<16x1xi32> to vector<16xi32>
      %gather3A_2780 = tpu.dynamic_gather %masked_sort3A_2551[%gather3A_2779] in [0] : vector<16xf32>, vector<16xi32> -> vector<16xf32>
      %select_n3A_2781 = arith.select %eq3A_2674, %gather3A_2780, %gather3A_2775 : vector<16xi1>, vector<16xf32>
      %eq3A_2782 = arith.cmpf oeq, %masked_sort3A_2555, %select_n3A_2781 : vector<16xf32>
      %broadcast_in_dim3A_2783 = vector.shape_cast %min3A_2672 : vector<16xi32> to vector<16x1xi32>
      %gather3A_2784 = vector.shape_cast %broadcast_in_dim3A_2783 : vector<16x1xi32> to vector<16xi32>
      %gather3A_2785 = tpu.dynamic_gather %masked_sort3A_2555[%gather3A_2784] in [0] : vector<16xf32>, vector<16xi32> -> vector<16xf32>
      %broadcast_in_dim3A_2786 = arith.constant 0 : i32
      %broadcast_in_dim3A_2787 = vector.broadcast %broadcast_in_dim3A_2786 : i32 to vector<16xi32>
      %broadcast_in_dim3A_2788 = vector.shape_cast %broadcast_in_dim3A_2787 : vector<16xi32> to vector<16x1xi32>
      %gather3A_2789 = vector.shape_cast %broadcast_in_dim3A_2788 : vector<16x1xi32> to vector<16xi32>
      %gather3A_2790 = tpu.dynamic_gather %masked_sort3A_2564[%gather3A_2789] in [0] : vector<16xf32>, vector<16xi32> -> vector<16xf32>
      %select_n3A_2791 = arith.select %eq3A_2677, %gather3A_2790, %gather3A_2785 : vector<16xi1>, vector<16xf32>
      %eq3A_2792 = arith.cmpf oeq, %masked_sort3A_2555, %select_n3A_2791 : vector<16xf32>
      %broadcast_in_dim3A_2793 = vector.shape_cast %max3A_2666 : vector<16xi32> to vector<16x1xi32>
      %gather3A_2794 = vector.shape_cast %broadcast_in_dim3A_2793 : vector<16x1xi32> to vector<16xi32>
      %gather3A_2795 = tpu.dynamic_gather %masked_sort3A_2564[%gather3A_2794] in [0] : vector<16xf32>, vector<16xi32> -> vector<16xf32>
      %broadcast_in_dim3A_2796 = arith.constant 15 : i32
      %broadcast_in_dim3A_2797 = vector.broadcast %broadcast_in_dim3A_2796 : i32 to vector<16xi32>
      %broadcast_in_dim3A_2798 = vector.shape_cast %broadcast_in_dim3A_2797 : vector<16xi32> to vector<16x1xi32>
      %gather3A_2799 = vector.shape_cast %broadcast_in_dim3A_2798 : vector<16x1xi32> to vector<16xi32>
      %gather3A_2800 = tpu.dynamic_gather %masked_sort3A_2555[%gather3A_2799] in [0] : vector<16xf32>, vector<16xi32> -> vector<16xf32>
      %select_n3A_2801 = arith.select %eq3A_2674, %gather3A_2800, %gather3A_2795 : vector<16xi1>, vector<16xf32>
      %eq3A_2802 = arith.cmpf oeq, %masked_sort3A_2564, %select_n3A_2801 : vector<16xf32>
      %broadcast_in_dim3A_2803 = vector.shape_cast %min3A_2672 : vector<16xi32> to vector<16x1xi32>
      %gather3A_2804 = vector.shape_cast %broadcast_in_dim3A_2803 : vector<16x1xi32> to vector<16xi32>
      %gather3A_2805 = tpu.dynamic_gather %masked_sort3A_2564[%gather3A_2804] in [0] : vector<16xf32>, vector<16xi32> -> vector<16xf32>
      %broadcast_in_dim3A_2806 = arith.constant 0 : i32
      %broadcast_in_dim3A_2807 = vector.broadcast %broadcast_in_dim3A_2806 : i32 to vector<16xi32>
      %broadcast_in_dim3A_2808 = vector.shape_cast %broadcast_in_dim3A_2807 : vector<16xi32> to vector<16x1xi32>
      %gather3A_2809 = vector.shape_cast %broadcast_in_dim3A_2808 : vector<16x1xi32> to vector<16xi32>
      %gather3A_2810 = tpu.dynamic_gather %masked_sort3A_2568[%gather3A_2809] in [0] : vector<16xf32>, vector<16xi32> -> vector<16xf32>
      %select_n3A_2811 = arith.select %eq3A_2677, %gather3A_2810, %gather3A_2805 : vector<16xi1>, vector<16xf32>
      %eq3A_2812 = arith.cmpf oeq, %masked_sort3A_2564, %select_n3A_2811 : vector<16xf32>
      %broadcast_in_dim3A_2813 = vector.shape_cast %max3A_2666 : vector<16xi32> to vector<16x1xi32>
      %gather3A_2814 = vector.shape_cast %broadcast_in_dim3A_2813 : vector<16x1xi32> to vector<16xi32>
      %gather3A_2815 = tpu.dynamic_gather %masked_sort3A_2568[%gather3A_2814] in [0] : vector<16xf32>, vector<16xi32> -> vector<16xf32>
      %broadcast_in_dim3A_2816 = arith.constant 15 : i32
      %broadcast_in_dim3A_2817 = vector.broadcast %broadcast_in_dim3A_2816 : i32 to vector<16xi32>
      %broadcast_in_dim3A_2818 = vector.shape_cast %broadcast_in_dim3A_2817 : vector<16xi32> to vector<16x1xi32>
      %gather3A_2819 = vector.shape_cast %broadcast_in_dim3A_2818 : vector<16x1xi32> to vector<16xi32>
      %gather3A_2820 = tpu.dynamic_gather %masked_sort3A_2564[%gather3A_2819] in [0] : vector<16xf32>, vector<16xi32> -> vector<16xf32>
      %select_n3A_2821 = arith.select %eq3A_2674, %gather3A_2820, %gather3A_2815 : vector<16xi1>, vector<16xf32>
      %eq3A_2822 = arith.cmpf oeq, %masked_sort3A_2568, %select_n3A_2821 : vector<16xf32>
      %broadcast_in_dim3A_2823 = vector.shape_cast %min3A_2672 : vector<16xi32> to vector<16x1xi32>
      %gather3A_2824 = vector.shape_cast %broadcast_in_dim3A_2823 : vector<16x1xi32> to vector<16xi32>
      %gather3A_2825 = tpu.dynamic_gather %masked_sort3A_2568[%gather3A_2824] in [0] : vector<16xf32>, vector<16xi32> -> vector<16xf32>
      %broadcast_in_dim3A_2826 = arith.constant 0 : i32
      %broadcast_in_dim3A_2827 = vector.broadcast %broadcast_in_dim3A_2826 : i32 to vector<16xi32>
      %broadcast_in_dim3A_2828 = vector.shape_cast %broadcast_in_dim3A_2827 : vector<16xi32> to vector<16x1xi32>
      %gather3A_2829 = vector.shape_cast %broadcast_in_dim3A_2828 : vector<16x1xi32> to vector<16xi32>
      %gather3A_2830 = tpu.dynamic_gather %masked_sort3A_2607[%gather3A_2829] in [0] : vector<16xf32>, vector<16xi32> -> vector<16xf32>
      %select_n3A_2831 = arith.select %eq3A_2677, %gather3A_2830, %gather3A_2825 : vector<16xi1>, vector<16xf32>
      %eq3A_2832 = arith.cmpf oeq, %masked_sort3A_2568, %select_n3A_2831 : vector<16xf32>
      %broadcast_in_dim3A_2833 = vector.shape_cast %max3A_2666 : vector<16xi32> to vector<16x1xi32>
      %gather3A_2834 = vector.shape_cast %broadcast_in_dim3A_2833 : vector<16x1xi32> to vector<16xi32>
      %gather3A_2835 = tpu.dynamic_gather %masked_sort3A_2607[%gather3A_2834] in [0] : vector<16xf32>, vector<16xi32> -> vector<16xf32>
      %broadcast_in_dim3A_2836 = arith.constant 15 : i32
      %broadcast_in_dim3A_2837 = vector.broadcast %broadcast_in_dim3A_2836 : i32 to vector<16xi32>
      %broadcast_in_dim3A_2838 = vector.shape_cast %broadcast_in_dim3A_2837 : vector<16xi32> to vector<16x1xi32>
      %gather3A_2839 = vector.shape_cast %broadcast_in_dim3A_2838 : vector<16x1xi32> to vector<16xi32>
      %gather3A_2840 = tpu.dynamic_gather %masked_sort3A_2568[%gather3A_2839] in [0] : vector<16xf32>, vector<16xi32> -> vector<16xf32>
      %select_n3A_2841 = arith.select %eq3A_2674, %gather3A_2840, %gather3A_2835 : vector<16xi1>, vector<16xf32>
      %eq3A_2842 = arith.cmpf oeq, %masked_sort3A_2607, %select_n3A_2841 : vector<16xf32>
      %broadcast_in_dim3A_2843 = vector.shape_cast %min3A_2672 : vector<16xi32> to vector<16x1xi32>
      %gather3A_2844 = vector.shape_cast %broadcast_in_dim3A_2843 : vector<16x1xi32> to vector<16xi32>
      %gather3A_2845 = tpu.dynamic_gather %masked_sort3A_2607[%gather3A_2844] in [0] : vector<16xf32>, vector<16xi32> -> vector<16xf32>
      %eq3A_2846 = arith.cmpf oeq, %masked_sort3A_2607, %gather3A_2845 : vector<16xf32>
      %not3A_2847 = arith.constant dense<true> : vector<16xi1>
      %not3A_2848 = arith.xori %eq3A_2677, %not3A_2847 : vector<16xi1>
      %and3A_2849 = arith.andi %eq3A_2846, %not3A_2848 : vector<16xi1>
      %and3A_2850 = arith.constant 1 : i32
      %and3A_2851 = vector.broadcast %and3A_2850 : i32 to vector<16xi32>
      %and3A_2852 = arith.andi %iota3A, %and3A_2851 : vector<16xi32>
      %eq3A_2853 = arith.constant 1 : i32
      %eq3A_2854 = vector.broadcast %eq3A_2853 : i32 to vector<16xi32>
      %eq3A_2855 = arith.cmpi eq, %and3A_2852, %eq3A_2854 : vector<16xi32>
      %not3A_2856 = arith.constant dense<true> : vector<16xi1>
      %not3A_2857 = arith.xori %eq3A_2855, %not3A_2856 : vector<16xi1>
      %not3A_2858 = arith.constant dense<true> : vector<16xi1>
      %not3A_2859 = arith.xori %not3A_2857, %not3A_2858 : vector<16xi1>
      %broadcast_in_dim3A_2860 = vector.shape_cast %max3A_2666 : vector<16xi32> to vector<16x1xi32>
      %gather3A_2861 = vector.shape_cast %broadcast_in_dim3A_2860 : vector<16x1xi32> to vector<16xi32>
      %gather3A_2862 = tpu.dynamic_gather %masked_sort3A_2516[%gather3A_2861] in [0] : vector<16xi32>, vector<16xi32> -> vector<16xi32>
      %broadcast_in_dim3A_2863 = vector.shape_cast %min3A_2672 : vector<16xi32> to vector<16x1xi32>
      %gather3A_2864 = vector.shape_cast %broadcast_in_dim3A_2863 : vector<16x1xi32> to vector<16xi32>
      %gather3A_2865 = tpu.dynamic_gather %masked_sort3A_2516[%gather3A_2864] in [0] : vector<16xi32>, vector<16xi32> -> vector<16xi32>
      %broadcast_in_dim3A_2866 = arith.constant 0 : i32
      %broadcast_in_dim3A_2867 = vector.broadcast %broadcast_in_dim3A_2866 : i32 to vector<16xi32>
      %broadcast_in_dim3A_2868 = vector.shape_cast %broadcast_in_dim3A_2867 : vector<16xi32> to vector<16x1xi32>
      %gather3A_2869 = vector.shape_cast %broadcast_in_dim3A_2868 : vector<16x1xi32> to vector<16xi32>
      %gather3A_2870 = tpu.dynamic_gather %masked_sort3A_2520[%gather3A_2869] in [0] : vector<16xi32>, vector<16xi32> -> vector<16xi32>
      %select_n3A_2871 = arith.select %eq3A_2677, %gather3A_2870, %gather3A_2865 : vector<16xi1>, vector<16xi32>
      %lt3A_2872 = arith.cmpi slt, %select_n3A_2871, %masked_sort3A_2516 : vector<16xi32>
      %and3A_2873 = arith.andi %eq3A_2692, %lt3A_2872 : vector<16xi1>
      %and3A_2874 = arith.andi %and3A_2873, %not3A_2857 : vector<16xi1>
      %lt3A_2875 = arith.cmpi slt, %masked_sort3A_2516, %gather3A_2862 : vector<16xi32>
      %and3A_2876 = arith.andi %and3A, %lt3A_2875 : vector<16xi1>
      %and3A_2877 = arith.andi %and3A_2876, %not3A_2859 : vector<16xi1>
      %select_n3A_2878 = arith.select %and3A_2874, %select_n3A_2871, %masked_sort3A_2516 : vector<16xi1>, vector<16xi32>
      %select_n3A_2879 = arith.select %and3A_2877, %gather3A_2862, %select_n3A_2878 : vector<16xi1>, vector<16xi32>
      %broadcast_in_dim3A_2880 = vector.shape_cast %max3A_2666 : vector<16xi32> to vector<16x1xi32>
      %gather3A_2881 = vector.shape_cast %broadcast_in_dim3A_2880 : vector<16x1xi32> to vector<16xi32>
      %gather3A_2882 = tpu.dynamic_gather %masked_sort3A_2520[%gather3A_2881] in [0] : vector<16xi32>, vector<16xi32> -> vector<16xi32>
      %broadcast_in_dim3A_2883 = arith.constant 15 : i32
      %broadcast_in_dim3A_2884 = vector.broadcast %broadcast_in_dim3A_2883 : i32 to vector<16xi32>
      %broadcast_in_dim3A_2885 = vector.shape_cast %broadcast_in_dim3A_2884 : vector<16xi32> to vector<16x1xi32>
      %gather3A_2886 = vector.shape_cast %broadcast_in_dim3A_2885 : vector<16x1xi32> to vector<16xi32>
      %gather3A_2887 = tpu.dynamic_gather %masked_sort3A_2516[%gather3A_2886] in [0] : vector<16xi32>, vector<16xi32> -> vector<16xi32>
      %select_n3A_2888 = arith.select %eq3A_2674, %gather3A_2887, %gather3A_2882 : vector<16xi1>, vector<16xi32>
      %broadcast_in_dim3A_2889 = vector.shape_cast %min3A_2672 : vector<16xi32> to vector<16x1xi32>
      %gather3A_2890 = vector.shape_cast %broadcast_in_dim3A_2889 : vector<16x1xi32> to vector<16xi32>
      %gather3A_2891 = tpu.dynamic_gather %masked_sort3A_2520[%gather3A_2890] in [0] : vector<16xi32>, vector<16xi32> -> vector<16xi32>
      %broadcast_in_dim3A_2892 = arith.constant 0 : i32
      %broadcast_in_dim3A_2893 = vector.broadcast %broadcast_in_dim3A_2892 : i32 to vector<16xi32>
      %broadcast_in_dim3A_2894 = vector.shape_cast %broadcast_in_dim3A_2893 : vector<16xi32> to vector<16x1xi32>
      %gather3A_2895 = vector.shape_cast %broadcast_in_dim3A_2894 : vector<16x1xi32> to vector<16xi32>
      %gather3A_2896 = tpu.dynamic_gather %masked_sort3A_2529[%gather3A_2895] in [0] : vector<16xi32>, vector<16xi32> -> vector<16xi32>
      %select_n3A_2897 = arith.select %eq3A_2677, %gather3A_2896, %gather3A_2891 : vector<16xi1>, vector<16xi32>
      %lt3A_2898 = arith.cmpi slt, %select_n3A_2897, %masked_sort3A_2520 : vector<16xi32>
      %and3A_2899 = arith.andi %eq3A_2712, %lt3A_2898 : vector<16xi1>
      %and3A_2900 = arith.andi %and3A_2899, %not3A_2857 : vector<16xi1>
      %lt3A_2901 = arith.cmpi slt, %masked_sort3A_2520, %select_n3A_2888 : vector<16xi32>
      %and3A_2902 = arith.andi %eq3A_2702, %lt3A_2901 : vector<16xi1>
      %and3A_2903 = arith.andi %and3A_2902, %not3A_2859 : vector<16xi1>
      %select_n3A_2904 = arith.select %and3A_2900, %select_n3A_2897, %masked_sort3A_2520 : vector<16xi1>, vector<16xi32>
      %select_n3A_2905 = arith.select %and3A_2903, %select_n3A_2888, %select_n3A_2904 : vector<16xi1>, vector<16xi32>
      %broadcast_in_dim3A_2906 = vector.shape_cast %max3A_2666 : vector<16xi32> to vector<16x1xi32>
      %gather3A_2907 = vector.shape_cast %broadcast_in_dim3A_2906 : vector<16x1xi32> to vector<16xi32>
      %gather3A_2908 = tpu.dynamic_gather %masked_sort3A_2529[%gather3A_2907] in [0] : vector<16xi32>, vector<16xi32> -> vector<16xi32>
      %broadcast_in_dim3A_2909 = arith.constant 15 : i32
      %broadcast_in_dim3A_2910 = vector.broadcast %broadcast_in_dim3A_2909 : i32 to vector<16xi32>
      %broadcast_in_dim3A_2911 = vector.shape_cast %broadcast_in_dim3A_2910 : vector<16xi32> to vector<16x1xi32>
      %gather3A_2912 = vector.shape_cast %broadcast_in_dim3A_2911 : vector<16x1xi32> to vector<16xi32>
      %gather3A_2913 = tpu.dynamic_gather %masked_sort3A_2520[%gather3A_2912] in [0] : vector<16xi32>, vector<16xi32> -> vector<16xi32>
      %select_n3A_2914 = arith.select %eq3A_2674, %gather3A_2913, %gather3A_2908 : vector<16xi1>, vector<16xi32>
      %broadcast_in_dim3A_2915 = vector.shape_cast %min3A_2672 : vector<16xi32> to vector<16x1xi32>
      %gather3A_2916 = vector.shape_cast %broadcast_in_dim3A_2915 : vector<16x1xi32> to vector<16xi32>
      %gather3A_2917 = tpu.dynamic_gather %masked_sort3A_2529[%gather3A_2916] in [0] : vector<16xi32>, vector<16xi32> -> vector<16xi32>
      %broadcast_in_dim3A_2918 = arith.constant 0 : i32
      %broadcast_in_dim3A_2919 = vector.broadcast %broadcast_in_dim3A_2918 : i32 to vector<16xi32>
      %broadcast_in_dim3A_2920 = vector.shape_cast %broadcast_in_dim3A_2919 : vector<16xi32> to vector<16x1xi32>
      %gather3A_2921 = vector.shape_cast %broadcast_in_dim3A_2920 : vector<16x1xi32> to vector<16xi32>
      %gather3A_2922 = tpu.dynamic_gather %masked_sort3A_2533[%gather3A_2921] in [0] : vector<16xi32>, vector<16xi32> -> vector<16xi32>
      %select_n3A_2923 = arith.select %eq3A_2677, %gather3A_2922, %gather3A_2917 : vector<16xi1>, vector<16xi32>
      %lt3A_2924 = arith.cmpi slt, %select_n3A_2923, %masked_sort3A_2529 : vector<16xi32>
      %and3A_2925 = arith.andi %eq3A_2732, %lt3A_2924 : vector<16xi1>
      %and3A_2926 = arith.andi %and3A_2925, %not3A_2857 : vector<16xi1>
      %lt3A_2927 = arith.cmpi slt, %masked_sort3A_2529, %select_n3A_2914 : vector<16xi32>
      %and3A_2928 = arith.andi %eq3A_2722, %lt3A_2927 : vector<16xi1>
      %and3A_2929 = arith.andi %and3A_2928, %not3A_2859 : vector<16xi1>
      %select_n3A_2930 = arith.select %and3A_2926, %select_n3A_2923, %masked_sort3A_2529 : vector<16xi1>, vector<16xi32>
      %select_n3A_2931 = arith.select %and3A_2929, %select_n3A_2914, %select_n3A_2930 : vector<16xi1>, vector<16xi32>
      %broadcast_in_dim3A_2932 = vector.shape_cast %max3A_2666 : vector<16xi32> to vector<16x1xi32>
      %gather3A_2933 = vector.shape_cast %broadcast_in_dim3A_2932 : vector<16x1xi32> to vector<16xi32>
      %gather3A_2934 = tpu.dynamic_gather %masked_sort3A_2533[%gather3A_2933] in [0] : vector<16xi32>, vector<16xi32> -> vector<16xi32>
      %broadcast_in_dim3A_2935 = arith.constant 15 : i32
      %broadcast_in_dim3A_2936 = vector.broadcast %broadcast_in_dim3A_2935 : i32 to vector<16xi32>
      %broadcast_in_dim3A_2937 = vector.shape_cast %broadcast_in_dim3A_2936 : vector<16xi32> to vector<16x1xi32>
      %gather3A_2938 = vector.shape_cast %broadcast_in_dim3A_2937 : vector<16x1xi32> to vector<16xi32>
      %gather3A_2939 = tpu.dynamic_gather %masked_sort3A_2529[%gather3A_2938] in [0] : vector<16xi32>, vector<16xi32> -> vector<16xi32>
      %select_n3A_2940 = arith.select %eq3A_2674, %gather3A_2939, %gather3A_2934 : vector<16xi1>, vector<16xi32>
      %broadcast_in_dim3A_2941 = vector.shape_cast %min3A_2672 : vector<16xi32> to vector<16x1xi32>
      %gather3A_2942 = vector.shape_cast %broadcast_in_dim3A_2941 : vector<16x1xi32> to vector<16xi32>
      %gather3A_2943 = tpu.dynamic_gather %masked_sort3A_2533[%gather3A_2942] in [0] : vector<16xi32>, vector<16xi32> -> vector<16xi32>
      %broadcast_in_dim3A_2944 = arith.constant 0 : i32
      %broadcast_in_dim3A_2945 = vector.broadcast %broadcast_in_dim3A_2944 : i32 to vector<16xi32>
      %broadcast_in_dim3A_2946 = vector.shape_cast %broadcast_in_dim3A_2945 : vector<16xi32> to vector<16x1xi32>
      %gather3A_2947 = vector.shape_cast %broadcast_in_dim3A_2946 : vector<16x1xi32> to vector<16xi32>
      %gather3A_2948 = tpu.dynamic_gather %masked_sort3A_2552[%gather3A_2947] in [0] : vector<16xi32>, vector<16xi32> -> vector<16xi32>
      %select_n3A_2949 = arith.select %eq3A_2677, %gather3A_2948, %gather3A_2943 : vector<16xi1>, vector<16xi32>
      %lt3A_2950 = arith.cmpi slt, %select_n3A_2949, %masked_sort3A_2533 : vector<16xi32>
      %and3A_2951 = arith.andi %eq3A_2752, %lt3A_2950 : vector<16xi1>
      %and3A_2952 = arith.andi %and3A_2951, %not3A_2857 : vector<16xi1>
      %lt3A_2953 = arith.cmpi slt, %masked_sort3A_2533, %select_n3A_2940 : vector<16xi32>
      %and3A_2954 = arith.andi %eq3A_2742, %lt3A_2953 : vector<16xi1>
      %and3A_2955 = arith.andi %and3A_2954, %not3A_2859 : vector<16xi1>
      %select_n3A_2956 = arith.select %and3A_2952, %select_n3A_2949, %masked_sort3A_2533 : vector<16xi1>, vector<16xi32>
      %select_n3A_2957 = arith.select %and3A_2955, %select_n3A_2940, %select_n3A_2956 : vector<16xi1>, vector<16xi32>
      %broadcast_in_dim3A_2958 = vector.shape_cast %max3A_2666 : vector<16xi32> to vector<16x1xi32>
      %gather3A_2959 = vector.shape_cast %broadcast_in_dim3A_2958 : vector<16x1xi32> to vector<16xi32>
      %gather3A_2960 = tpu.dynamic_gather %masked_sort3A_2552[%gather3A_2959] in [0] : vector<16xi32>, vector<16xi32> -> vector<16xi32>
      %broadcast_in_dim3A_2961 = arith.constant 15 : i32
      %broadcast_in_dim3A_2962 = vector.broadcast %broadcast_in_dim3A_2961 : i32 to vector<16xi32>
      %broadcast_in_dim3A_2963 = vector.shape_cast %broadcast_in_dim3A_2962 : vector<16xi32> to vector<16x1xi32>
      %gather3A_2964 = vector.shape_cast %broadcast_in_dim3A_2963 : vector<16x1xi32> to vector<16xi32>
      %gather3A_2965 = tpu.dynamic_gather %masked_sort3A_2533[%gather3A_2964] in [0] : vector<16xi32>, vector<16xi32> -> vector<16xi32>
      %select_n3A_2966 = arith.select %eq3A_2674, %gather3A_2965, %gather3A_2960 : vector<16xi1>, vector<16xi32>
      %broadcast_in_dim3A_2967 = vector.shape_cast %min3A_2672 : vector<16xi32> to vector<16x1xi32>
      %gather3A_2968 = vector.shape_cast %broadcast_in_dim3A_2967 : vector<16x1xi32> to vector<16xi32>
      %gather3A_2969 = tpu.dynamic_gather %masked_sort3A_2552[%gather3A_2968] in [0] : vector<16xi32>, vector<16xi32> -> vector<16xi32>
      %broadcast_in_dim3A_2970 = arith.constant 0 : i32
      %broadcast_in_dim3A_2971 = vector.broadcast %broadcast_in_dim3A_2970 : i32 to vector<16xi32>
      %broadcast_in_dim3A_2972 = vector.shape_cast %broadcast_in_dim3A_2971 : vector<16xi32> to vector<16x1xi32>
      %gather3A_2973 = vector.shape_cast %broadcast_in_dim3A_2972 : vector<16x1xi32> to vector<16xi32>
      %gather3A_2974 = tpu.dynamic_gather %masked_sort3A_2556[%gather3A_2973] in [0] : vector<16xi32>, vector<16xi32> -> vector<16xi32>
      %select_n3A_2975 = arith.select %eq3A_2677, %gather3A_2974, %gather3A_2969 : vector<16xi1>, vector<16xi32>
      %lt3A_2976 = arith.cmpi slt, %select_n3A_2975, %masked_sort3A_2552 : vector<16xi32>
      %and3A_2977 = arith.andi %eq3A_2772, %lt3A_2976 : vector<16xi1>
      %and3A_2978 = arith.andi %and3A_2977, %not3A_2857 : vector<16xi1>
      %lt3A_2979 = arith.cmpi slt, %masked_sort3A_2552, %select_n3A_2966 : vector<16xi32>
      %and3A_2980 = arith.andi %eq3A_2762, %lt3A_2979 : vector<16xi1>
      %and3A_2981 = arith.andi %and3A_2980, %not3A_2859 : vector<16xi1>
      %select_n3A_2982 = arith.select %and3A_2978, %select_n3A_2975, %masked_sort3A_2552 : vector<16xi1>, vector<16xi32>
      %select_n3A_2983 = arith.select %and3A_2981, %select_n3A_2966, %select_n3A_2982 : vector<16xi1>, vector<16xi32>
      %broadcast_in_dim3A_2984 = vector.shape_cast %max3A_2666 : vector<16xi32> to vector<16x1xi32>
      %gather3A_2985 = vector.shape_cast %broadcast_in_dim3A_2984 : vector<16x1xi32> to vector<16xi32>
      %gather3A_2986 = tpu.dynamic_gather %masked_sort3A_2556[%gather3A_2985] in [0] : vector<16xi32>, vector<16xi32> -> vector<16xi32>
      %broadcast_in_dim3A_2987 = arith.constant 15 : i32
      %broadcast_in_dim3A_2988 = vector.broadcast %broadcast_in_dim3A_2987 : i32 to vector<16xi32>
      %broadcast_in_dim3A_2989 = vector.shape_cast %broadcast_in_dim3A_2988 : vector<16xi32> to vector<16x1xi32>
      %gather3A_2990 = vector.shape_cast %broadcast_in_dim3A_2989 : vector<16x1xi32> to vector<16xi32>
      %gather3A_2991 = tpu.dynamic_gather %masked_sort3A_2552[%gather3A_2990] in [0] : vector<16xi32>, vector<16xi32> -> vector<16xi32>
      %select_n3A_2992 = arith.select %eq3A_2674, %gather3A_2991, %gather3A_2986 : vector<16xi1>, vector<16xi32>
      %broadcast_in_dim3A_2993 = vector.shape_cast %min3A_2672 : vector<16xi32> to vector<16x1xi32>
      %gather3A_2994 = vector.shape_cast %broadcast_in_dim3A_2993 : vector<16x1xi32> to vector<16xi32>
      %gather3A_2995 = tpu.dynamic_gather %masked_sort3A_2556[%gather3A_2994] in [0] : vector<16xi32>, vector<16xi32> -> vector<16xi32>
      %broadcast_in_dim3A_2996 = arith.constant 0 : i32
      %broadcast_in_dim3A_2997 = vector.broadcast %broadcast_in_dim3A_2996 : i32 to vector<16xi32>
      %broadcast_in_dim3A_2998 = vector.shape_cast %broadcast_in_dim3A_2997 : vector<16xi32> to vector<16x1xi32>
      %gather3A_2999 = vector.shape_cast %broadcast_in_dim3A_2998 : vector<16x1xi32> to vector<16xi32>
      %gather3A_3000 = tpu.dynamic_gather %masked_sort3A_2565[%gather3A_2999] in [0] : vector<16xi32>, vector<16xi32> -> vector<16xi32>
      %select_n3A_3001 = arith.select %eq3A_2677, %gather3A_3000, %gather3A_2995 : vector<16xi1>, vector<16xi32>
      %lt3A_3002 = arith.cmpi slt, %select_n3A_3001, %masked_sort3A_2556 : vector<16xi32>
      %and3A_3003 = arith.andi %eq3A_2792, %lt3A_3002 : vector<16xi1>
      %and3A_3004 = arith.andi %and3A_3003, %not3A_2857 : vector<16xi1>
      %lt3A_3005 = arith.cmpi slt, %masked_sort3A_2556, %select_n3A_2992 : vector<16xi32>
      %and3A_3006 = arith.andi %eq3A_2782, %lt3A_3005 : vector<16xi1>
      %and3A_3007 = arith.andi %and3A_3006, %not3A_2859 : vector<16xi1>
      %select_n3A_3008 = arith.select %and3A_3004, %select_n3A_3001, %masked_sort3A_2556 : vector<16xi1>, vector<16xi32>
      %select_n3A_3009 = arith.select %and3A_3007, %select_n3A_2992, %select_n3A_3008 : vector<16xi1>, vector<16xi32>
      %broadcast_in_dim3A_3010 = vector.shape_cast %max3A_2666 : vector<16xi32> to vector<16x1xi32>
      %gather3A_3011 = vector.shape_cast %broadcast_in_dim3A_3010 : vector<16x1xi32> to vector<16xi32>
      %gather3A_3012 = tpu.dynamic_gather %masked_sort3A_2565[%gather3A_3011] in [0] : vector<16xi32>, vector<16xi32> -> vector<16xi32>
      %broadcast_in_dim3A_3013 = arith.constant 15 : i32
      %broadcast_in_dim3A_3014 = vector.broadcast %broadcast_in_dim3A_3013 : i32 to vector<16xi32>
      %broadcast_in_dim3A_3015 = vector.shape_cast %broadcast_in_dim3A_3014 : vector<16xi32> to vector<16x1xi32>
      %gather3A_3016 = vector.shape_cast %broadcast_in_dim3A_3015 : vector<16x1xi32> to vector<16xi32>
      %gather3A_3017 = tpu.dynamic_gather %masked_sort3A_2556[%gather3A_3016] in [0] : vector<16xi32>, vector<16xi32> -> vector<16xi32>
      %select_n3A_3018 = arith.select %eq3A_2674, %gather3A_3017, %gather3A_3012 : vector<16xi1>, vector<16xi32>
      %broadcast_in_dim3A_3019 = vector.shape_cast %min3A_2672 : vector<16xi32> to vector<16x1xi32>
      %gather3A_3020 = vector.shape_cast %broadcast_in_dim3A_3019 : vector<16x1xi32> to vector<16xi32>
      %gather3A_3021 = tpu.dynamic_gather %masked_sort3A_2565[%gather3A_3020] in [0] : vector<16xi32>, vector<16xi32> -> vector<16xi32>
      %broadcast_in_dim3A_3022 = arith.constant 0 : i32
      %broadcast_in_dim3A_3023 = vector.broadcast %broadcast_in_dim3A_3022 : i32 to vector<16xi32>
      %broadcast_in_dim3A_3024 = vector.shape_cast %broadcast_in_dim3A_3023 : vector<16xi32> to vector<16x1xi32>
      %gather3A_3025 = vector.shape_cast %broadcast_in_dim3A_3024 : vector<16x1xi32> to vector<16xi32>
      %gather3A_3026 = tpu.dynamic_gather %masked_sort3A_2569[%gather3A_3025] in [0] : vector<16xi32>, vector<16xi32> -> vector<16xi32>
      %select_n3A_3027 = arith.select %eq3A_2677, %gather3A_3026, %gather3A_3021 : vector<16xi1>, vector<16xi32>
      %lt3A_3028 = arith.cmpi slt, %select_n3A_3027, %masked_sort3A_2565 : vector<16xi32>
      %and3A_3029 = arith.andi %eq3A_2812, %lt3A_3028 : vector<16xi1>
      %and3A_3030 = arith.andi %and3A_3029, %not3A_2857 : vector<16xi1>
      %lt3A_3031 = arith.cmpi slt, %masked_sort3A_2565, %select_n3A_3018 : vector<16xi32>
      %and3A_3032 = arith.andi %eq3A_2802, %lt3A_3031 : vector<16xi1>
      %and3A_3033 = arith.andi %and3A_3032, %not3A_2859 : vector<16xi1>
      %select_n3A_3034 = arith.select %and3A_3030, %select_n3A_3027, %masked_sort3A_2565 : vector<16xi1>, vector<16xi32>
      %select_n3A_3035 = arith.select %and3A_3033, %select_n3A_3018, %select_n3A_3034 : vector<16xi1>, vector<16xi32>
      %broadcast_in_dim3A_3036 = vector.shape_cast %max3A_2666 : vector<16xi32> to vector<16x1xi32>
      %gather3A_3037 = vector.shape_cast %broadcast_in_dim3A_3036 : vector<16x1xi32> to vector<16xi32>
      %gather3A_3038 = tpu.dynamic_gather %masked_sort3A_2569[%gather3A_3037] in [0] : vector<16xi32>, vector<16xi32> -> vector<16xi32>
      %broadcast_in_dim3A_3039 = arith.constant 15 : i32
      %broadcast_in_dim3A_3040 = vector.broadcast %broadcast_in_dim3A_3039 : i32 to vector<16xi32>
      %broadcast_in_dim3A_3041 = vector.shape_cast %broadcast_in_dim3A_3040 : vector<16xi32> to vector<16x1xi32>
      %gather3A_3042 = vector.shape_cast %broadcast_in_dim3A_3041 : vector<16x1xi32> to vector<16xi32>
      %gather3A_3043 = tpu.dynamic_gather %masked_sort3A_2565[%gather3A_3042] in [0] : vector<16xi32>, vector<16xi32> -> vector<16xi32>
      %select_n3A_3044 = arith.select %eq3A_2674, %gather3A_3043, %gather3A_3038 : vector<16xi1>, vector<16xi32>
      %broadcast_in_dim3A_3045 = vector.shape_cast %min3A_2672 : vector<16xi32> to vector<16x1xi32>
      %gather3A_3046 = vector.shape_cast %broadcast_in_dim3A_3045 : vector<16x1xi32> to vector<16xi32>
      %gather3A_3047 = tpu.dynamic_gather %masked_sort3A_2569[%gather3A_3046] in [0] : vector<16xi32>, vector<16xi32> -> vector<16xi32>
      %broadcast_in_dim3A_3048 = arith.constant 0 : i32
      %broadcast_in_dim3A_3049 = vector.broadcast %broadcast_in_dim3A_3048 : i32 to vector<16xi32>
      %broadcast_in_dim3A_3050 = vector.shape_cast %broadcast_in_dim3A_3049 : vector<16xi32> to vector<16x1xi32>
      %gather3A_3051 = vector.shape_cast %broadcast_in_dim3A_3050 : vector<16x1xi32> to vector<16xi32>
      %gather3A_3052 = tpu.dynamic_gather %masked_sort3A_2608[%gather3A_3051] in [0] : vector<16xi32>, vector<16xi32> -> vector<16xi32>
      %select_n3A_3053 = arith.select %eq3A_2677, %gather3A_3052, %gather3A_3047 : vector<16xi1>, vector<16xi32>
      %lt3A_3054 = arith.cmpi slt, %select_n3A_3053, %masked_sort3A_2569 : vector<16xi32>
      %and3A_3055 = arith.andi %eq3A_2832, %lt3A_3054 : vector<16xi1>
      %and3A_3056 = arith.andi %and3A_3055, %not3A_2857 : vector<16xi1>
      %lt3A_3057 = arith.cmpi slt, %masked_sort3A_2569, %select_n3A_3044 : vector<16xi32>
      %and3A_3058 = arith.andi %eq3A_2822, %lt3A_3057 : vector<16xi1>
      %and3A_3059 = arith.andi %and3A_3058, %not3A_2859 : vector<16xi1>
      %select_n3A_3060 = arith.select %and3A_3056, %select_n3A_3053, %masked_sort3A_2569 : vector<16xi1>, vector<16xi32>
      %select_n3A_3061 = arith.select %and3A_3059, %select_n3A_3044, %select_n3A_3060 : vector<16xi1>, vector<16xi32>
      %broadcast_in_dim3A_3062 = vector.shape_cast %max3A_2666 : vector<16xi32> to vector<16x1xi32>
      %gather3A_3063 = vector.shape_cast %broadcast_in_dim3A_3062 : vector<16x1xi32> to vector<16xi32>
      %gather3A_3064 = tpu.dynamic_gather %masked_sort3A_2608[%gather3A_3063] in [0] : vector<16xi32>, vector<16xi32> -> vector<16xi32>
      %broadcast_in_dim3A_3065 = arith.constant 15 : i32
      %broadcast_in_dim3A_3066 = vector.broadcast %broadcast_in_dim3A_3065 : i32 to vector<16xi32>
      %broadcast_in_dim3A_3067 = vector.shape_cast %broadcast_in_dim3A_3066 : vector<16xi32> to vector<16x1xi32>
      %gather3A_3068 = vector.shape_cast %broadcast_in_dim3A_3067 : vector<16x1xi32> to vector<16xi32>
      %gather3A_3069 = tpu.dynamic_gather %masked_sort3A_2569[%gather3A_3068] in [0] : vector<16xi32>, vector<16xi32> -> vector<16xi32>
      %select_n3A_3070 = arith.select %eq3A_2674, %gather3A_3069, %gather3A_3064 : vector<16xi1>, vector<16xi32>
      %broadcast_in_dim3A_3071 = vector.shape_cast %min3A_2672 : vector<16xi32> to vector<16x1xi32>
      %gather3A_3072 = vector.shape_cast %broadcast_in_dim3A_3071 : vector<16x1xi32> to vector<16xi32>
      %gather3A_3073 = tpu.dynamic_gather %masked_sort3A_2608[%gather3A_3072] in [0] : vector<16xi32>, vector<16xi32> -> vector<16xi32>
      %lt3A_3074 = arith.cmpi slt, %gather3A_3073, %masked_sort3A_2608 : vector<16xi32>
      %and3A_3075 = arith.andi %and3A_2849, %lt3A_3074 : vector<16xi1>
      %and3A_3076 = arith.andi %and3A_3075, %not3A_2857 : vector<16xi1>
      %lt3A_3077 = arith.cmpi slt, %masked_sort3A_2608, %select_n3A_3070 : vector<16xi32>
      %and3A_3078 = arith.andi %eq3A_2842, %lt3A_3077 : vector<16xi1>
      %and3A_3079 = arith.andi %and3A_3078, %not3A_2859 : vector<16xi1>
      %select_n3A_3080 = arith.select %and3A_3076, %gather3A_3073, %masked_sort3A_2608 : vector<16xi1>, vector<16xi32>
      %select_n3A_3081 = arith.select %and3A_3079, %select_n3A_3070, %select_n3A_3080 : vector<16xi1>, vector<16xi32>
      %not3A_3082 = arith.constant dense<true> : vector<16xi1>
      %not3A_3083 = arith.xori %eq3A_2855, %not3A_3082 : vector<16xi1>
      %broadcast_in_dim3A_3084 = vector.shape_cast %max3A_2666 : vector<16xi32> to vector<16x1xi32>
      %gather3A_3085 = vector.shape_cast %broadcast_in_dim3A_3084 : vector<16x1xi32> to vector<16xi32>
      %gather3A_3086 = tpu.dynamic_gather %select_n3A_2879[%gather3A_3085] in [0] : vector<16xi32>, vector<16xi32> -> vector<16xi32>
      %broadcast_in_dim3A_3087 = vector.shape_cast %min3A_2672 : vector<16xi32> to vector<16x1xi32>
      %gather3A_3088 = vector.shape_cast %broadcast_in_dim3A_3087 : vector<16x1xi32> to vector<16xi32>
      %gather3A_3089 = tpu.dynamic_gather %select_n3A_2879[%gather3A_3088] in [0] : vector<16xi32>, vector<16xi32> -> vector<16xi32>
      %broadcast_in_dim3A_3090 = arith.constant 0 : i32
      %broadcast_in_dim3A_3091 = vector.broadcast %broadcast_in_dim3A_3090 : i32 to vector<16xi32>
      %broadcast_in_dim3A_3092 = vector.shape_cast %broadcast_in_dim3A_3091 : vector<16xi32> to vector<16x1xi32>
      %gather3A_3093 = vector.shape_cast %broadcast_in_dim3A_3092 : vector<16x1xi32> to vector<16xi32>
      %gather3A_3094 = tpu.dynamic_gather %select_n3A_2905[%gather3A_3093] in [0] : vector<16xi32>, vector<16xi32> -> vector<16xi32>
      %select_n3A_3095 = arith.select %eq3A_2677, %gather3A_3094, %gather3A_3089 : vector<16xi1>, vector<16xi32>
      %lt3A_3096 = arith.cmpi slt, %select_n3A_3095, %select_n3A_2879 : vector<16xi32>
      %and3A_3097 = arith.andi %eq3A_2692, %lt3A_3096 : vector<16xi1>
      %and3A_3098 = arith.andi %and3A_3097, %eq3A_2855 : vector<16xi1>
      %lt3A_3099 = arith.cmpi slt, %select_n3A_2879, %gather3A_3086 : vector<16xi32>
      %and3A_3100 = arith.andi %and3A, %lt3A_3099 : vector<16xi1>
      %and3A_3101 = arith.andi %and3A_3100, %not3A_3083 : vector<16xi1>
      %select_n3A_3102 = arith.select %and3A_3098, %select_n3A_3095, %select_n3A_2879 : vector<16xi1>, vector<16xi32>
      %select_n3A_3103 = arith.select %and3A_3101, %gather3A_3086, %select_n3A_3102 : vector<16xi1>, vector<16xi32>
      %broadcast_in_dim3A_3104 = vector.shape_cast %max3A_2666 : vector<16xi32> to vector<16x1xi32>
      %gather3A_3105 = vector.shape_cast %broadcast_in_dim3A_3104 : vector<16x1xi32> to vector<16xi32>
      %gather3A_3106 = tpu.dynamic_gather %select_n3A_2905[%gather3A_3105] in [0] : vector<16xi32>, vector<16xi32> -> vector<16xi32>
      %broadcast_in_dim3A_3107 = arith.constant 15 : i32
      %broadcast_in_dim3A_3108 = vector.broadcast %broadcast_in_dim3A_3107 : i32 to vector<16xi32>
      %broadcast_in_dim3A_3109 = vector.shape_cast %broadcast_in_dim3A_3108 : vector<16xi32> to vector<16x1xi32>
      %gather3A_3110 = vector.shape_cast %broadcast_in_dim3A_3109 : vector<16x1xi32> to vector<16xi32>
      %gather3A_3111 = tpu.dynamic_gather %select_n3A_2879[%gather3A_3110] in [0] : vector<16xi32>, vector<16xi32> -> vector<16xi32>
      %select_n3A_3112 = arith.select %eq3A_2674, %gather3A_3111, %gather3A_3106 : vector<16xi1>, vector<16xi32>
      %broadcast_in_dim3A_3113 = vector.shape_cast %min3A_2672 : vector<16xi32> to vector<16x1xi32>
      %gather3A_3114 = vector.shape_cast %broadcast_in_dim3A_3113 : vector<16x1xi32> to vector<16xi32>
      %gather3A_3115 = tpu.dynamic_gather %select_n3A_2905[%gather3A_3114] in [0] : vector<16xi32>, vector<16xi32> -> vector<16xi32>
      %broadcast_in_dim3A_3116 = arith.constant 0 : i32
      %broadcast_in_dim3A_3117 = vector.broadcast %broadcast_in_dim3A_3116 : i32 to vector<16xi32>
      %broadcast_in_dim3A_3118 = vector.shape_cast %broadcast_in_dim3A_3117 : vector<16xi32> to vector<16x1xi32>
      %gather3A_3119 = vector.shape_cast %broadcast_in_dim3A_3118 : vector<16x1xi32> to vector<16xi32>
      %gather3A_3120 = tpu.dynamic_gather %select_n3A_2931[%gather3A_3119] in [0] : vector<16xi32>, vector<16xi32> -> vector<16xi32>
      %select_n3A_3121 = arith.select %eq3A_2677, %gather3A_3120, %gather3A_3115 : vector<16xi1>, vector<16xi32>
      %lt3A_3122 = arith.cmpi slt, %select_n3A_3121, %select_n3A_2905 : vector<16xi32>
      %and3A_3123 = arith.andi %eq3A_2712, %lt3A_3122 : vector<16xi1>
      %and3A_3124 = arith.andi %and3A_3123, %eq3A_2855 : vector<16xi1>
      %lt3A_3125 = arith.cmpi slt, %select_n3A_2905, %select_n3A_3112 : vector<16xi32>
      %and3A_3126 = arith.andi %eq3A_2702, %lt3A_3125 : vector<16xi1>
      %and3A_3127 = arith.andi %and3A_3126, %not3A_3083 : vector<16xi1>
      %select_n3A_3128 = arith.select %and3A_3124, %select_n3A_3121, %select_n3A_2905 : vector<16xi1>, vector<16xi32>
      %select_n3A_3129 = arith.select %and3A_3127, %select_n3A_3112, %select_n3A_3128 : vector<16xi1>, vector<16xi32>
      %broadcast_in_dim3A_3130 = vector.shape_cast %max3A_2666 : vector<16xi32> to vector<16x1xi32>
      %gather3A_3131 = vector.shape_cast %broadcast_in_dim3A_3130 : vector<16x1xi32> to vector<16xi32>
      %gather3A_3132 = tpu.dynamic_gather %select_n3A_2931[%gather3A_3131] in [0] : vector<16xi32>, vector<16xi32> -> vector<16xi32>
      %broadcast_in_dim3A_3133 = arith.constant 15 : i32
      %broadcast_in_dim3A_3134 = vector.broadcast %broadcast_in_dim3A_3133 : i32 to vector<16xi32>
      %broadcast_in_dim3A_3135 = vector.shape_cast %broadcast_in_dim3A_3134 : vector<16xi32> to vector<16x1xi32>
      %gather3A_3136 = vector.shape_cast %broadcast_in_dim3A_3135 : vector<16x1xi32> to vector<16xi32>
      %gather3A_3137 = tpu.dynamic_gather %select_n3A_2905[%gather3A_3136] in [0] : vector<16xi32>, vector<16xi32> -> vector<16xi32>
      %select_n3A_3138 = arith.select %eq3A_2674, %gather3A_3137, %gather3A_3132 : vector<16xi1>, vector<16xi32>
      %broadcast_in_dim3A_3139 = vector.shape_cast %min3A_2672 : vector<16xi32> to vector<16x1xi32>
      %gather3A_3140 = vector.shape_cast %broadcast_in_dim3A_3139 : vector<16x1xi32> to vector<16xi32>
      %gather3A_3141 = tpu.dynamic_gather %select_n3A_2931[%gather3A_3140] in [0] : vector<16xi32>, vector<16xi32> -> vector<16xi32>
      %broadcast_in_dim3A_3142 = arith.constant 0 : i32
      %broadcast_in_dim3A_3143 = vector.broadcast %broadcast_in_dim3A_3142 : i32 to vector<16xi32>
      %broadcast_in_dim3A_3144 = vector.shape_cast %broadcast_in_dim3A_3143 : vector<16xi32> to vector<16x1xi32>
      %gather3A_3145 = vector.shape_cast %broadcast_in_dim3A_3144 : vector<16x1xi32> to vector<16xi32>
      %gather3A_3146 = tpu.dynamic_gather %select_n3A_2957[%gather3A_3145] in [0] : vector<16xi32>, vector<16xi32> -> vector<16xi32>
      %select_n3A_3147 = arith.select %eq3A_2677, %gather3A_3146, %gather3A_3141 : vector<16xi1>, vector<16xi32>
      %lt3A_3148 = arith.cmpi slt, %select_n3A_3147, %select_n3A_2931 : vector<16xi32>
      %and3A_3149 = arith.andi %eq3A_2732, %lt3A_3148 : vector<16xi1>
      %and3A_3150 = arith.andi %and3A_3149, %eq3A_2855 : vector<16xi1>
      %lt3A_3151 = arith.cmpi slt, %select_n3A_2931, %select_n3A_3138 : vector<16xi32>
      %and3A_3152 = arith.andi %eq3A_2722, %lt3A_3151 : vector<16xi1>
      %and3A_3153 = arith.andi %and3A_3152, %not3A_3083 : vector<16xi1>
      %select_n3A_3154 = arith.select %and3A_3150, %select_n3A_3147, %select_n3A_2931 : vector<16xi1>, vector<16xi32>
      %select_n3A_3155 = arith.select %and3A_3153, %select_n3A_3138, %select_n3A_3154 : vector<16xi1>, vector<16xi32>
      %broadcast_in_dim3A_3156 = vector.shape_cast %max3A_2666 : vector<16xi32> to vector<16x1xi32>
      %gather3A_3157 = vector.shape_cast %broadcast_in_dim3A_3156 : vector<16x1xi32> to vector<16xi32>
      %gather3A_3158 = tpu.dynamic_gather %select_n3A_2957[%gather3A_3157] in [0] : vector<16xi32>, vector<16xi32> -> vector<16xi32>
      %broadcast_in_dim3A_3159 = arith.constant 15 : i32
      %broadcast_in_dim3A_3160 = vector.broadcast %broadcast_in_dim3A_3159 : i32 to vector<16xi32>
      %broadcast_in_dim3A_3161 = vector.shape_cast %broadcast_in_dim3A_3160 : vector<16xi32> to vector<16x1xi32>
      %gather3A_3162 = vector.shape_cast %broadcast_in_dim3A_3161 : vector<16x1xi32> to vector<16xi32>
      %gather3A_3163 = tpu.dynamic_gather %select_n3A_2931[%gather3A_3162] in [0] : vector<16xi32>, vector<16xi32> -> vector<16xi32>
      %select_n3A_3164 = arith.select %eq3A_2674, %gather3A_3163, %gather3A_3158 : vector<16xi1>, vector<16xi32>
      %broadcast_in_dim3A_3165 = vector.shape_cast %min3A_2672 : vector<16xi32> to vector<16x1xi32>
      %gather3A_3166 = vector.shape_cast %broadcast_in_dim3A_3165 : vector<16x1xi32> to vector<16xi32>
      %gather3A_3167 = tpu.dynamic_gather %select_n3A_2957[%gather3A_3166] in [0] : vector<16xi32>, vector<16xi32> -> vector<16xi32>
      %broadcast_in_dim3A_3168 = arith.constant 0 : i32
      %broadcast_in_dim3A_3169 = vector.broadcast %broadcast_in_dim3A_3168 : i32 to vector<16xi32>
      %broadcast_in_dim3A_3170 = vector.shape_cast %broadcast_in_dim3A_3169 : vector<16xi32> to vector<16x1xi32>
      %gather3A_3171 = vector.shape_cast %broadcast_in_dim3A_3170 : vector<16x1xi32> to vector<16xi32>
      %gather3A_3172 = tpu.dynamic_gather %select_n3A_2983[%gather3A_3171] in [0] : vector<16xi32>, vector<16xi32> -> vector<16xi32>
      %select_n3A_3173 = arith.select %eq3A_2677, %gather3A_3172, %gather3A_3167 : vector<16xi1>, vector<16xi32>
      %lt3A_3174 = arith.cmpi slt, %select_n3A_3173, %select_n3A_2957 : vector<16xi32>
      %and3A_3175 = arith.andi %eq3A_2752, %lt3A_3174 : vector<16xi1>
      %and3A_3176 = arith.andi %and3A_3175, %eq3A_2855 : vector<16xi1>
      %lt3A_3177 = arith.cmpi slt, %select_n3A_2957, %select_n3A_3164 : vector<16xi32>
      %and3A_3178 = arith.andi %eq3A_2742, %lt3A_3177 : vector<16xi1>
      %and3A_3179 = arith.andi %and3A_3178, %not3A_3083 : vector<16xi1>
      %select_n3A_3180 = arith.select %and3A_3176, %select_n3A_3173, %select_n3A_2957 : vector<16xi1>, vector<16xi32>
      %select_n3A_3181 = arith.select %and3A_3179, %select_n3A_3164, %select_n3A_3180 : vector<16xi1>, vector<16xi32>
      %broadcast_in_dim3A_3182 = vector.shape_cast %max3A_2666 : vector<16xi32> to vector<16x1xi32>
      %gather3A_3183 = vector.shape_cast %broadcast_in_dim3A_3182 : vector<16x1xi32> to vector<16xi32>
      %gather3A_3184 = tpu.dynamic_gather %select_n3A_2983[%gather3A_3183] in [0] : vector<16xi32>, vector<16xi32> -> vector<16xi32>
      %broadcast_in_dim3A_3185 = arith.constant 15 : i32
      %broadcast_in_dim3A_3186 = vector.broadcast %broadcast_in_dim3A_3185 : i32 to vector<16xi32>
      %broadcast_in_dim3A_3187 = vector.shape_cast %broadcast_in_dim3A_3186 : vector<16xi32> to vector<16x1xi32>
      %gather3A_3188 = vector.shape_cast %broadcast_in_dim3A_3187 : vector<16x1xi32> to vector<16xi32>
      %gather3A_3189 = tpu.dynamic_gather %select_n3A_2957[%gather3A_3188] in [0] : vector<16xi32>, vector<16xi32> -> vector<16xi32>
      %select_n3A_3190 = arith.select %eq3A_2674, %gather3A_3189, %gather3A_3184 : vector<16xi1>, vector<16xi32>
      %broadcast_in_dim3A_3191 = vector.shape_cast %min3A_2672 : vector<16xi32> to vector<16x1xi32>
      %gather3A_3192 = vector.shape_cast %broadcast_in_dim3A_3191 : vector<16x1xi32> to vector<16xi32>
      %gather3A_3193 = tpu.dynamic_gather %select_n3A_2983[%gather3A_3192] in [0] : vector<16xi32>, vector<16xi32> -> vector<16xi32>
      %broadcast_in_dim3A_3194 = arith.constant 0 : i32
      %broadcast_in_dim3A_3195 = vector.broadcast %broadcast_in_dim3A_3194 : i32 to vector<16xi32>
      %broadcast_in_dim3A_3196 = vector.shape_cast %broadcast_in_dim3A_3195 : vector<16xi32> to vector<16x1xi32>
      %gather3A_3197 = vector.shape_cast %broadcast_in_dim3A_3196 : vector<16x1xi32> to vector<16xi32>
      %gather3A_3198 = tpu.dynamic_gather %select_n3A_3009[%gather3A_3197] in [0] : vector<16xi32>, vector<16xi32> -> vector<16xi32>
      %select_n3A_3199 = arith.select %eq3A_2677, %gather3A_3198, %gather3A_3193 : vector<16xi1>, vector<16xi32>
      %lt3A_3200 = arith.cmpi slt, %select_n3A_3199, %select_n3A_2983 : vector<16xi32>
      %and3A_3201 = arith.andi %eq3A_2772, %lt3A_3200 : vector<16xi1>
      %and3A_3202 = arith.andi %and3A_3201, %eq3A_2855 : vector<16xi1>
      %lt3A_3203 = arith.cmpi slt, %select_n3A_2983, %select_n3A_3190 : vector<16xi32>
      %and3A_3204 = arith.andi %eq3A_2762, %lt3A_3203 : vector<16xi1>
      %and3A_3205 = arith.andi %and3A_3204, %not3A_3083 : vector<16xi1>
      %select_n3A_3206 = arith.select %and3A_3202, %select_n3A_3199, %select_n3A_2983 : vector<16xi1>, vector<16xi32>
      %select_n3A_3207 = arith.select %and3A_3205, %select_n3A_3190, %select_n3A_3206 : vector<16xi1>, vector<16xi32>
      %broadcast_in_dim3A_3208 = vector.shape_cast %max3A_2666 : vector<16xi32> to vector<16x1xi32>
      %gather3A_3209 = vector.shape_cast %broadcast_in_dim3A_3208 : vector<16x1xi32> to vector<16xi32>
      %gather3A_3210 = tpu.dynamic_gather %select_n3A_3009[%gather3A_3209] in [0] : vector<16xi32>, vector<16xi32> -> vector<16xi32>
      %broadcast_in_dim3A_3211 = arith.constant 15 : i32
      %broadcast_in_dim3A_3212 = vector.broadcast %broadcast_in_dim3A_3211 : i32 to vector<16xi32>
      %broadcast_in_dim3A_3213 = vector.shape_cast %broadcast_in_dim3A_3212 : vector<16xi32> to vector<16x1xi32>
      %gather3A_3214 = vector.shape_cast %broadcast_in_dim3A_3213 : vector<16x1xi32> to vector<16xi32>
      %gather3A_3215 = tpu.dynamic_gather %select_n3A_2983[%gather3A_3214] in [0] : vector<16xi32>, vector<16xi32> -> vector<16xi32>
      %select_n3A_3216 = arith.select %eq3A_2674, %gather3A_3215, %gather3A_3210 : vector<16xi1>, vector<16xi32>
      %broadcast_in_dim3A_3217 = vector.shape_cast %min3A_2672 : vector<16xi32> to vector<16x1xi32>
      %gather3A_3218 = vector.shape_cast %broadcast_in_dim3A_3217 : vector<16x1xi32> to vector<16xi32>
      %gather3A_3219 = tpu.dynamic_gather %select_n3A_3009[%gather3A_3218] in [0] : vector<16xi32>, vector<16xi32> -> vector<16xi32>
      %broadcast_in_dim3A_3220 = arith.constant 0 : i32
      %broadcast_in_dim3A_3221 = vector.broadcast %broadcast_in_dim3A_3220 : i32 to vector<16xi32>
      %broadcast_in_dim3A_3222 = vector.shape_cast %broadcast_in_dim3A_3221 : vector<16xi32> to vector<16x1xi32>
      %gather3A_3223 = vector.shape_cast %broadcast_in_dim3A_3222 : vector<16x1xi32> to vector<16xi32>
      %gather3A_3224 = tpu.dynamic_gather %select_n3A_3035[%gather3A_3223] in [0] : vector<16xi32>, vector<16xi32> -> vector<16xi32>
      %select_n3A_3225 = arith.select %eq3A_2677, %gather3A_3224, %gather3A_3219 : vector<16xi1>, vector<16xi32>
      %lt3A_3226 = arith.cmpi slt, %select_n3A_3225, %select_n3A_3009 : vector<16xi32>
      %and3A_3227 = arith.andi %eq3A_2792, %lt3A_3226 : vector<16xi1>
      %and3A_3228 = arith.andi %and3A_3227, %eq3A_2855 : vector<16xi1>
      %lt3A_3229 = arith.cmpi slt, %select_n3A_3009, %select_n3A_3216 : vector<16xi32>
      %and3A_3230 = arith.andi %eq3A_2782, %lt3A_3229 : vector<16xi1>
      %and3A_3231 = arith.andi %and3A_3230, %not3A_3083 : vector<16xi1>
      %select_n3A_3232 = arith.select %and3A_3228, %select_n3A_3225, %select_n3A_3009 : vector<16xi1>, vector<16xi32>
      %select_n3A_3233 = arith.select %and3A_3231, %select_n3A_3216, %select_n3A_3232 : vector<16xi1>, vector<16xi32>
      %broadcast_in_dim3A_3234 = vector.shape_cast %max3A_2666 : vector<16xi32> to vector<16x1xi32>
      %gather3A_3235 = vector.shape_cast %broadcast_in_dim3A_3234 : vector<16x1xi32> to vector<16xi32>
      %gather3A_3236 = tpu.dynamic_gather %select_n3A_3035[%gather3A_3235] in [0] : vector<16xi32>, vector<16xi32> -> vector<16xi32>
      %broadcast_in_dim3A_3237 = arith.constant 15 : i32
      %broadcast_in_dim3A_3238 = vector.broadcast %broadcast_in_dim3A_3237 : i32 to vector<16xi32>
      %broadcast_in_dim3A_3239 = vector.shape_cast %broadcast_in_dim3A_3238 : vector<16xi32> to vector<16x1xi32>
      %gather3A_3240 = vector.shape_cast %broadcast_in_dim3A_3239 : vector<16x1xi32> to vector<16xi32>
      %gather3A_3241 = tpu.dynamic_gather %select_n3A_3009[%gather3A_3240] in [0] : vector<16xi32>, vector<16xi32> -> vector<16xi32>
      %select_n3A_3242 = arith.select %eq3A_2674, %gather3A_3241, %gather3A_3236 : vector<16xi1>, vector<16xi32>
      %broadcast_in_dim3A_3243 = vector.shape_cast %min3A_2672 : vector<16xi32> to vector<16x1xi32>
      %gather3A_3244 = vector.shape_cast %broadcast_in_dim3A_3243 : vector<16x1xi32> to vector<16xi32>
      %gather3A_3245 = tpu.dynamic_gather %select_n3A_3035[%gather3A_3244] in [0] : vector<16xi32>, vector<16xi32> -> vector<16xi32>
      %broadcast_in_dim3A_3246 = arith.constant 0 : i32
      %broadcast_in_dim3A_3247 = vector.broadcast %broadcast_in_dim3A_3246 : i32 to vector<16xi32>
      %broadcast_in_dim3A_3248 = vector.shape_cast %broadcast_in_dim3A_3247 : vector<16xi32> to vector<16x1xi32>
      %gather3A_3249 = vector.shape_cast %broadcast_in_dim3A_3248 : vector<16x1xi32> to vector<16xi32>
      %gather3A_3250 = tpu.dynamic_gather %select_n3A_3061[%gather3A_3249] in [0] : vector<16xi32>, vector<16xi32> -> vector<16xi32>
      %select_n3A_3251 = arith.select %eq3A_2677, %gather3A_3250, %gather3A_3245 : vector<16xi1>, vector<16xi32>
      %lt3A_3252 = arith.cmpi slt, %select_n3A_3251, %select_n3A_3035 : vector<16xi32>
      %and3A_3253 = arith.andi %eq3A_2812, %lt3A_3252 : vector<16xi1>
      %and3A_3254 = arith.andi %and3A_3253, %eq3A_2855 : vector<16xi1>
      %lt3A_3255 = arith.cmpi slt, %select_n3A_3035, %select_n3A_3242 : vector<16xi32>
      %and3A_3256 = arith.andi %eq3A_2802, %lt3A_3255 : vector<16xi1>
      %and3A_3257 = arith.andi %and3A_3256, %not3A_3083 : vector<16xi1>
      %select_n3A_3258 = arith.select %and3A_3254, %select_n3A_3251, %select_n3A_3035 : vector<16xi1>, vector<16xi32>
      %select_n3A_3259 = arith.select %and3A_3257, %select_n3A_3242, %select_n3A_3258 : vector<16xi1>, vector<16xi32>
      %broadcast_in_dim3A_3260 = vector.shape_cast %max3A_2666 : vector<16xi32> to vector<16x1xi32>
      %gather3A_3261 = vector.shape_cast %broadcast_in_dim3A_3260 : vector<16x1xi32> to vector<16xi32>
      %gather3A_3262 = tpu.dynamic_gather %select_n3A_3061[%gather3A_3261] in [0] : vector<16xi32>, vector<16xi32> -> vector<16xi32>
      %broadcast_in_dim3A_3263 = arith.constant 15 : i32
      %broadcast_in_dim3A_3264 = vector.broadcast %broadcast_in_dim3A_3263 : i32 to vector<16xi32>
      %broadcast_in_dim3A_3265 = vector.shape_cast %broadcast_in_dim3A_3264 : vector<16xi32> to vector<16x1xi32>
      %gather3A_3266 = vector.shape_cast %broadcast_in_dim3A_3265 : vector<16x1xi32> to vector<16xi32>
      %gather3A_3267 = tpu.dynamic_gather %select_n3A_3035[%gather3A_3266] in [0] : vector<16xi32>, vector<16xi32> -> vector<16xi32>
      %select_n3A_3268 = arith.select %eq3A_2674, %gather3A_3267, %gather3A_3262 : vector<16xi1>, vector<16xi32>
      %broadcast_in_dim3A_3269 = vector.shape_cast %min3A_2672 : vector<16xi32> to vector<16x1xi32>
      %gather3A_3270 = vector.shape_cast %broadcast_in_dim3A_3269 : vector<16x1xi32> to vector<16xi32>
      %gather3A_3271 = tpu.dynamic_gather %select_n3A_3061[%gather3A_3270] in [0] : vector<16xi32>, vector<16xi32> -> vector<16xi32>
      %broadcast_in_dim3A_3272 = arith.constant 0 : i32
      %broadcast_in_dim3A_3273 = vector.broadcast %broadcast_in_dim3A_3272 : i32 to vector<16xi32>
      %broadcast_in_dim3A_3274 = vector.shape_cast %broadcast_in_dim3A_3273 : vector<16xi32> to vector<16x1xi32>
      %gather3A_3275 = vector.shape_cast %broadcast_in_dim3A_3274 : vector<16x1xi32> to vector<16xi32>
      %gather3A_3276 = tpu.dynamic_gather %select_n3A_3081[%gather3A_3275] in [0] : vector<16xi32>, vector<16xi32> -> vector<16xi32>
      %select_n3A_3277 = arith.select %eq3A_2677, %gather3A_3276, %gather3A_3271 : vector<16xi1>, vector<16xi32>
      %lt3A_3278 = arith.cmpi slt, %select_n3A_3277, %select_n3A_3061 : vector<16xi32>
      %and3A_3279 = arith.andi %eq3A_2832, %lt3A_3278 : vector<16xi1>
      %and3A_3280 = arith.andi %and3A_3279, %eq3A_2855 : vector<16xi1>
      %lt3A_3281 = arith.cmpi slt, %select_n3A_3061, %select_n3A_3268 : vector<16xi32>
      %and3A_3282 = arith.andi %eq3A_2822, %lt3A_3281 : vector<16xi1>
      %and3A_3283 = arith.andi %and3A_3282, %not3A_3083 : vector<16xi1>
      %select_n3A_3284 = arith.select %and3A_3280, %select_n3A_3277, %select_n3A_3061 : vector<16xi1>, vector<16xi32>
      %select_n3A_3285 = arith.select %and3A_3283, %select_n3A_3268, %select_n3A_3284 : vector<16xi1>, vector<16xi32>
      %broadcast_in_dim3A_3286 = vector.shape_cast %max3A_2666 : vector<16xi32> to vector<16x1xi32>
      %gather3A_3287 = vector.shape_cast %broadcast_in_dim3A_3286 : vector<16x1xi32> to vector<16xi32>
      %gather3A_3288 = tpu.dynamic_gather %select_n3A_3081[%gather3A_3287] in [0] : vector<16xi32>, vector<16xi32> -> vector<16xi32>
      %broadcast_in_dim3A_3289 = arith.constant 15 : i32
      %broadcast_in_dim3A_3290 = vector.broadcast %broadcast_in_dim3A_3289 : i32 to vector<16xi32>
      %broadcast_in_dim3A_3291 = vector.shape_cast %broadcast_in_dim3A_3290 : vector<16xi32> to vector<16x1xi32>
      %gather3A_3292 = vector.shape_cast %broadcast_in_dim3A_3291 : vector<16x1xi32> to vector<16xi32>
      %gather3A_3293 = tpu.dynamic_gather %select_n3A_3061[%gather3A_3292] in [0] : vector<16xi32>, vector<16xi32> -> vector<16xi32>
      %select_n3A_3294 = arith.select %eq3A_2674, %gather3A_3293, %gather3A_3288 : vector<16xi1>, vector<16xi32>
      %broadcast_in_dim3A_3295 = vector.shape_cast %min3A_2672 : vector<16xi32> to vector<16x1xi32>
      %gather3A_3296 = vector.shape_cast %broadcast_in_dim3A_3295 : vector<16x1xi32> to vector<16xi32>
      %gather3A_3297 = tpu.dynamic_gather %select_n3A_3081[%gather3A_3296] in [0] : vector<16xi32>, vector<16xi32> -> vector<16xi32>
      %lt3A_3298 = arith.cmpi slt, %gather3A_3297, %select_n3A_3081 : vector<16xi32>
      %and3A_3299 = arith.andi %and3A_2849, %lt3A_3298 : vector<16xi1>
      %and3A_3300 = arith.andi %and3A_3299, %eq3A_2855 : vector<16xi1>
      %lt3A_3301 = arith.cmpi slt, %select_n3A_3081, %select_n3A_3294 : vector<16xi32>
      %and3A_3302 = arith.andi %eq3A_2842, %lt3A_3301 : vector<16xi1>
      %and3A_3303 = arith.andi %and3A_3302, %not3A_3083 : vector<16xi1>
      %select_n3A_3304 = arith.select %and3A_3300, %gather3A_3297, %select_n3A_3081 : vector<16xi1>, vector<16xi32>
      %select_n3A_3305 = arith.select %and3A_3303, %select_n3A_3294, %select_n3A_3304 : vector<16xi1>, vector<16xi32>
      %not3A_3306 = arith.constant dense<true> : vector<16xi1>
      %not3A_3307 = arith.xori %eq3A_2855, %not3A_3306 : vector<16xi1>
      %not3A_3308 = arith.constant dense<true> : vector<16xi1>
      %not3A_3309 = arith.xori %not3A_3307, %not3A_3308 : vector<16xi1>
      %broadcast_in_dim3A_3310 = vector.shape_cast %max3A_2666 : vector<16xi32> to vector<16x1xi32>
      %gather3A_3311 = vector.shape_cast %broadcast_in_dim3A_3310 : vector<16x1xi32> to vector<16xi32>
      %gather3A_3312 = tpu.dynamic_gather %select_n3A_3103[%gather3A_3311] in [0] : vector<16xi32>, vector<16xi32> -> vector<16xi32>
      %broadcast_in_dim3A_3313 = vector.shape_cast %min3A_2672 : vector<16xi32> to vector<16x1xi32>
      %gather3A_3314 = vector.shape_cast %broadcast_in_dim3A_3313 : vector<16x1xi32> to vector<16xi32>
      %gather3A_3315 = tpu.dynamic_gather %select_n3A_3103[%gather3A_3314] in [0] : vector<16xi32>, vector<16xi32> -> vector<16xi32>
      %broadcast_in_dim3A_3316 = arith.constant 0 : i32
      %broadcast_in_dim3A_3317 = vector.broadcast %broadcast_in_dim3A_3316 : i32 to vector<16xi32>
      %broadcast_in_dim3A_3318 = vector.shape_cast %broadcast_in_dim3A_3317 : vector<16xi32> to vector<16x1xi32>
      %gather3A_3319 = vector.shape_cast %broadcast_in_dim3A_3318 : vector<16x1xi32> to vector<16xi32>
      %gather3A_3320 = tpu.dynamic_gather %select_n3A_3129[%gather3A_3319] in [0] : vector<16xi32>, vector<16xi32> -> vector<16xi32>
      %select_n3A_3321 = arith.select %eq3A_2677, %gather3A_3320, %gather3A_3315 : vector<16xi1>, vector<16xi32>
      %lt3A_3322 = arith.cmpi slt, %select_n3A_3321, %select_n3A_3103 : vector<16xi32>
      %and3A_3323 = arith.andi %eq3A_2692, %lt3A_3322 : vector<16xi1>
      %and3A_3324 = arith.andi %and3A_3323, %not3A_3307 : vector<16xi1>
      %lt3A_3325 = arith.cmpi slt, %select_n3A_3103, %gather3A_3312 : vector<16xi32>
      %and3A_3326 = arith.andi %and3A, %lt3A_3325 : vector<16xi1>
      %and3A_3327 = arith.andi %and3A_3326, %not3A_3309 : vector<16xi1>
      %select_n3A_3328 = arith.select %and3A_3324, %select_n3A_3321, %select_n3A_3103 : vector<16xi1>, vector<16xi32>
      %select_n3A_3329 = arith.select %and3A_3327, %gather3A_3312, %select_n3A_3328 : vector<16xi1>, vector<16xi32>
      %broadcast_in_dim3A_3330 = vector.shape_cast %max3A_2666 : vector<16xi32> to vector<16x1xi32>
      %gather3A_3331 = vector.shape_cast %broadcast_in_dim3A_3330 : vector<16x1xi32> to vector<16xi32>
      %gather3A_3332 = tpu.dynamic_gather %select_n3A_3129[%gather3A_3331] in [0] : vector<16xi32>, vector<16xi32> -> vector<16xi32>
      %broadcast_in_dim3A_3333 = arith.constant 15 : i32
      %broadcast_in_dim3A_3334 = vector.broadcast %broadcast_in_dim3A_3333 : i32 to vector<16xi32>
      %broadcast_in_dim3A_3335 = vector.shape_cast %broadcast_in_dim3A_3334 : vector<16xi32> to vector<16x1xi32>
      %gather3A_3336 = vector.shape_cast %broadcast_in_dim3A_3335 : vector<16x1xi32> to vector<16xi32>
      %gather3A_3337 = tpu.dynamic_gather %select_n3A_3103[%gather3A_3336] in [0] : vector<16xi32>, vector<16xi32> -> vector<16xi32>
      %select_n3A_3338 = arith.select %eq3A_2674, %gather3A_3337, %gather3A_3332 : vector<16xi1>, vector<16xi32>
      %broadcast_in_dim3A_3339 = vector.shape_cast %min3A_2672 : vector<16xi32> to vector<16x1xi32>
      %gather3A_3340 = vector.shape_cast %broadcast_in_dim3A_3339 : vector<16x1xi32> to vector<16xi32>
      %gather3A_3341 = tpu.dynamic_gather %select_n3A_3129[%gather3A_3340] in [0] : vector<16xi32>, vector<16xi32> -> vector<16xi32>
      %broadcast_in_dim3A_3342 = arith.constant 0 : i32
      %broadcast_in_dim3A_3343 = vector.broadcast %broadcast_in_dim3A_3342 : i32 to vector<16xi32>
      %broadcast_in_dim3A_3344 = vector.shape_cast %broadcast_in_dim3A_3343 : vector<16xi32> to vector<16x1xi32>
      %gather3A_3345 = vector.shape_cast %broadcast_in_dim3A_3344 : vector<16x1xi32> to vector<16xi32>
      %gather3A_3346 = tpu.dynamic_gather %select_n3A_3155[%gather3A_3345] in [0] : vector<16xi32>, vector<16xi32> -> vector<16xi32>
      %select_n3A_3347 = arith.select %eq3A_2677, %gather3A_3346, %gather3A_3341 : vector<16xi1>, vector<16xi32>
      %lt3A_3348 = arith.cmpi slt, %select_n3A_3347, %select_n3A_3129 : vector<16xi32>
      %and3A_3349 = arith.andi %eq3A_2712, %lt3A_3348 : vector<16xi1>
      %and3A_3350 = arith.andi %and3A_3349, %not3A_3307 : vector<16xi1>
      %lt3A_3351 = arith.cmpi slt, %select_n3A_3129, %select_n3A_3338 : vector<16xi32>
      %and3A_3352 = arith.andi %eq3A_2702, %lt3A_3351 : vector<16xi1>
      %and3A_3353 = arith.andi %and3A_3352, %not3A_3309 : vector<16xi1>
      %select_n3A_3354 = arith.select %and3A_3350, %select_n3A_3347, %select_n3A_3129 : vector<16xi1>, vector<16xi32>
      %select_n3A_3355 = arith.select %and3A_3353, %select_n3A_3338, %select_n3A_3354 : vector<16xi1>, vector<16xi32>
      %broadcast_in_dim3A_3356 = vector.shape_cast %max3A_2666 : vector<16xi32> to vector<16x1xi32>
      %gather3A_3357 = vector.shape_cast %broadcast_in_dim3A_3356 : vector<16x1xi32> to vector<16xi32>
      %gather3A_3358 = tpu.dynamic_gather %select_n3A_3155[%gather3A_3357] in [0] : vector<16xi32>, vector<16xi32> -> vector<16xi32>
      %broadcast_in_dim3A_3359 = arith.constant 15 : i32
      %broadcast_in_dim3A_3360 = vector.broadcast %broadcast_in_dim3A_3359 : i32 to vector<16xi32>
      %broadcast_in_dim3A_3361 = vector.shape_cast %broadcast_in_dim3A_3360 : vector<16xi32> to vector<16x1xi32>
      %gather3A_3362 = vector.shape_cast %broadcast_in_dim3A_3361 : vector<16x1xi32> to vector<16xi32>
      %gather3A_3363 = tpu.dynamic_gather %select_n3A_3129[%gather3A_3362] in [0] : vector<16xi32>, vector<16xi32> -> vector<16xi32>
      %select_n3A_3364 = arith.select %eq3A_2674, %gather3A_3363, %gather3A_3358 : vector<16xi1>, vector<16xi32>
      %broadcast_in_dim3A_3365 = vector.shape_cast %min3A_2672 : vector<16xi32> to vector<16x1xi32>
      %gather3A_3366 = vector.shape_cast %broadcast_in_dim3A_3365 : vector<16x1xi32> to vector<16xi32>
      %gather3A_3367 = tpu.dynamic_gather %select_n3A_3155[%gather3A_3366] in [0] : vector<16xi32>, vector<16xi32> -> vector<16xi32>
      %broadcast_in_dim3A_3368 = arith.constant 0 : i32
      %broadcast_in_dim3A_3369 = vector.broadcast %broadcast_in_dim3A_3368 : i32 to vector<16xi32>
      %broadcast_in_dim3A_3370 = vector.shape_cast %broadcast_in_dim3A_3369 : vector<16xi32> to vector<16x1xi32>
      %gather3A_3371 = vector.shape_cast %broadcast_in_dim3A_3370 : vector<16x1xi32> to vector<16xi32>
      %gather3A_3372 = tpu.dynamic_gather %select_n3A_3181[%gather3A_3371] in [0] : vector<16xi32>, vector<16xi32> -> vector<16xi32>
      %select_n3A_3373 = arith.select %eq3A_2677, %gather3A_3372, %gather3A_3367 : vector<16xi1>, vector<16xi32>
      %lt3A_3374 = arith.cmpi slt, %select_n3A_3373, %select_n3A_3155 : vector<16xi32>
      %and3A_3375 = arith.andi %eq3A_2732, %lt3A_3374 : vector<16xi1>
      %and3A_3376 = arith.andi %and3A_3375, %not3A_3307 : vector<16xi1>
      %lt3A_3377 = arith.cmpi slt, %select_n3A_3155, %select_n3A_3364 : vector<16xi32>
      %and3A_3378 = arith.andi %eq3A_2722, %lt3A_3377 : vector<16xi1>
      %and3A_3379 = arith.andi %and3A_3378, %not3A_3309 : vector<16xi1>
      %select_n3A_3380 = arith.select %and3A_3376, %select_n3A_3373, %select_n3A_3155 : vector<16xi1>, vector<16xi32>
      %select_n3A_3381 = arith.select %and3A_3379, %select_n3A_3364, %select_n3A_3380 : vector<16xi1>, vector<16xi32>
      %broadcast_in_dim3A_3382 = vector.shape_cast %max3A_2666 : vector<16xi32> to vector<16x1xi32>
      %gather3A_3383 = vector.shape_cast %broadcast_in_dim3A_3382 : vector<16x1xi32> to vector<16xi32>
      %gather3A_3384 = tpu.dynamic_gather %select_n3A_3181[%gather3A_3383] in [0] : vector<16xi32>, vector<16xi32> -> vector<16xi32>
      %broadcast_in_dim3A_3385 = arith.constant 15 : i32
      %broadcast_in_dim3A_3386 = vector.broadcast %broadcast_in_dim3A_3385 : i32 to vector<16xi32>
      %broadcast_in_dim3A_3387 = vector.shape_cast %broadcast_in_dim3A_3386 : vector<16xi32> to vector<16x1xi32>
      %gather3A_3388 = vector.shape_cast %broadcast_in_dim3A_3387 : vector<16x1xi32> to vector<16xi32>
      %gather3A_3389 = tpu.dynamic_gather %select_n3A_3155[%gather3A_3388] in [0] : vector<16xi32>, vector<16xi32> -> vector<16xi32>
      %select_n3A_3390 = arith.select %eq3A_2674, %gather3A_3389, %gather3A_3384 : vector<16xi1>, vector<16xi32>
      %broadcast_in_dim3A_3391 = vector.shape_cast %min3A_2672 : vector<16xi32> to vector<16x1xi32>
      %gather3A_3392 = vector.shape_cast %broadcast_in_dim3A_3391 : vector<16x1xi32> to vector<16xi32>
      %gather3A_3393 = tpu.dynamic_gather %select_n3A_3181[%gather3A_3392] in [0] : vector<16xi32>, vector<16xi32> -> vector<16xi32>
      %broadcast_in_dim3A_3394 = arith.constant 0 : i32
      %broadcast_in_dim3A_3395 = vector.broadcast %broadcast_in_dim3A_3394 : i32 to vector<16xi32>
      %broadcast_in_dim3A_3396 = vector.shape_cast %broadcast_in_dim3A_3395 : vector<16xi32> to vector<16x1xi32>
      %gather3A_3397 = vector.shape_cast %broadcast_in_dim3A_3396 : vector<16x1xi32> to vector<16xi32>
      %gather3A_3398 = tpu.dynamic_gather %select_n3A_3207[%gather3A_3397] in [0] : vector<16xi32>, vector<16xi32> -> vector<16xi32>
      %select_n3A_3399 = arith.select %eq3A_2677, %gather3A_3398, %gather3A_3393 : vector<16xi1>, vector<16xi32>
      %lt3A_3400 = arith.cmpi slt, %select_n3A_3399, %select_n3A_3181 : vector<16xi32>
      %and3A_3401 = arith.andi %eq3A_2752, %lt3A_3400 : vector<16xi1>
      %and3A_3402 = arith.andi %and3A_3401, %not3A_3307 : vector<16xi1>
      %lt3A_3403 = arith.cmpi slt, %select_n3A_3181, %select_n3A_3390 : vector<16xi32>
      %and3A_3404 = arith.andi %eq3A_2742, %lt3A_3403 : vector<16xi1>
      %and3A_3405 = arith.andi %and3A_3404, %not3A_3309 : vector<16xi1>
      %select_n3A_3406 = arith.select %and3A_3402, %select_n3A_3399, %select_n3A_3181 : vector<16xi1>, vector<16xi32>
      %select_n3A_3407 = arith.select %and3A_3405, %select_n3A_3390, %select_n3A_3406 : vector<16xi1>, vector<16xi32>
      %broadcast_in_dim3A_3408 = vector.shape_cast %max3A_2666 : vector<16xi32> to vector<16x1xi32>
      %gather3A_3409 = vector.shape_cast %broadcast_in_dim3A_3408 : vector<16x1xi32> to vector<16xi32>
      %gather3A_3410 = tpu.dynamic_gather %select_n3A_3207[%gather3A_3409] in [0] : vector<16xi32>, vector<16xi32> -> vector<16xi32>
      %broadcast_in_dim3A_3411 = arith.constant 15 : i32
      %broadcast_in_dim3A_3412 = vector.broadcast %broadcast_in_dim3A_3411 : i32 to vector<16xi32>
      %broadcast_in_dim3A_3413 = vector.shape_cast %broadcast_in_dim3A_3412 : vector<16xi32> to vector<16x1xi32>
      %gather3A_3414 = vector.shape_cast %broadcast_in_dim3A_3413 : vector<16x1xi32> to vector<16xi32>
      %gather3A_3415 = tpu.dynamic_gather %select_n3A_3181[%gather3A_3414] in [0] : vector<16xi32>, vector<16xi32> -> vector<16xi32>
      %select_n3A_3416 = arith.select %eq3A_2674, %gather3A_3415, %gather3A_3410 : vector<16xi1>, vector<16xi32>
      %broadcast_in_dim3A_3417 = vector.shape_cast %min3A_2672 : vector<16xi32> to vector<16x1xi32>
      %gather3A_3418 = vector.shape_cast %broadcast_in_dim3A_3417 : vector<16x1xi32> to vector<16xi32>
      %gather3A_3419 = tpu.dynamic_gather %select_n3A_3207[%gather3A_3418] in [0] : vector<16xi32>, vector<16xi32> -> vector<16xi32>
      %broadcast_in_dim3A_3420 = arith.constant 0 : i32
      %broadcast_in_dim3A_3421 = vector.broadcast %broadcast_in_dim3A_3420 : i32 to vector<16xi32>
      %broadcast_in_dim3A_3422 = vector.shape_cast %broadcast_in_dim3A_3421 : vector<16xi32> to vector<16x1xi32>
      %gather3A_3423 = vector.shape_cast %broadcast_in_dim3A_3422 : vector<16x1xi32> to vector<16xi32>
      %gather3A_3424 = tpu.dynamic_gather %select_n3A_3233[%gather3A_3423] in [0] : vector<16xi32>, vector<16xi32> -> vector<16xi32>
      %select_n3A_3425 = arith.select %eq3A_2677, %gather3A_3424, %gather3A_3419 : vector<16xi1>, vector<16xi32>
      %lt3A_3426 = arith.cmpi slt, %select_n3A_3425, %select_n3A_3207 : vector<16xi32>
      %and3A_3427 = arith.andi %eq3A_2772, %lt3A_3426 : vector<16xi1>
      %and3A_3428 = arith.andi %and3A_3427, %not3A_3307 : vector<16xi1>
      %lt3A_3429 = arith.cmpi slt, %select_n3A_3207, %select_n3A_3416 : vector<16xi32>
      %and3A_3430 = arith.andi %eq3A_2762, %lt3A_3429 : vector<16xi1>
      %and3A_3431 = arith.andi %and3A_3430, %not3A_3309 : vector<16xi1>
      %select_n3A_3432 = arith.select %and3A_3428, %select_n3A_3425, %select_n3A_3207 : vector<16xi1>, vector<16xi32>
      %select_n3A_3433 = arith.select %and3A_3431, %select_n3A_3416, %select_n3A_3432 : vector<16xi1>, vector<16xi32>
      %broadcast_in_dim3A_3434 = vector.shape_cast %max3A_2666 : vector<16xi32> to vector<16x1xi32>
      %gather3A_3435 = vector.shape_cast %broadcast_in_dim3A_3434 : vector<16x1xi32> to vector<16xi32>
      %gather3A_3436 = tpu.dynamic_gather %select_n3A_3233[%gather3A_3435] in [0] : vector<16xi32>, vector<16xi32> -> vector<16xi32>
      %broadcast_in_dim3A_3437 = arith.constant 15 : i32
      %broadcast_in_dim3A_3438 = vector.broadcast %broadcast_in_dim3A_3437 : i32 to vector<16xi32>
      %broadcast_in_dim3A_3439 = vector.shape_cast %broadcast_in_dim3A_3438 : vector<16xi32> to vector<16x1xi32>
      %gather3A_3440 = vector.shape_cast %broadcast_in_dim3A_3439 : vector<16x1xi32> to vector<16xi32>
      %gather3A_3441 = tpu.dynamic_gather %select_n3A_3207[%gather3A_3440] in [0] : vector<16xi32>, vector<16xi32> -> vector<16xi32>
      %select_n3A_3442 = arith.select %eq3A_2674, %gather3A_3441, %gather3A_3436 : vector<16xi1>, vector<16xi32>
      %broadcast_in_dim3A_3443 = vector.shape_cast %min3A_2672 : vector<16xi32> to vector<16x1xi32>
      %gather3A_3444 = vector.shape_cast %broadcast_in_dim3A_3443 : vector<16x1xi32> to vector<16xi32>
      %gather3A_3445 = tpu.dynamic_gather %select_n3A_3233[%gather3A_3444] in [0] : vector<16xi32>, vector<16xi32> -> vector<16xi32>
      %broadcast_in_dim3A_3446 = arith.constant 0 : i32
      %broadcast_in_dim3A_3447 = vector.broadcast %broadcast_in_dim3A_3446 : i32 to vector<16xi32>
      %broadcast_in_dim3A_3448 = vector.shape_cast %broadcast_in_dim3A_3447 : vector<16xi32> to vector<16x1xi32>
      %gather3A_3449 = vector.shape_cast %broadcast_in_dim3A_3448 : vector<16x1xi32> to vector<16xi32>
      %gather3A_3450 = tpu.dynamic_gather %select_n3A_3259[%gather3A_3449] in [0] : vector<16xi32>, vector<16xi32> -> vector<16xi32>
      %select_n3A_3451 = arith.select %eq3A_2677, %gather3A_3450, %gather3A_3445 : vector<16xi1>, vector<16xi32>
      %lt3A_3452 = arith.cmpi slt, %select_n3A_3451, %select_n3A_3233 : vector<16xi32>
      %and3A_3453 = arith.andi %eq3A_2792, %lt3A_3452 : vector<16xi1>
      %and3A_3454 = arith.andi %and3A_3453, %not3A_3307 : vector<16xi1>
      %lt3A_3455 = arith.cmpi slt, %select_n3A_3233, %select_n3A_3442 : vector<16xi32>
      %and3A_3456 = arith.andi %eq3A_2782, %lt3A_3455 : vector<16xi1>
      %and3A_3457 = arith.andi %and3A_3456, %not3A_3309 : vector<16xi1>
      %select_n3A_3458 = arith.select %and3A_3454, %select_n3A_3451, %select_n3A_3233 : vector<16xi1>, vector<16xi32>
      %select_n3A_3459 = arith.select %and3A_3457, %select_n3A_3442, %select_n3A_3458 : vector<16xi1>, vector<16xi32>
      %broadcast_in_dim3A_3460 = vector.shape_cast %max3A_2666 : vector<16xi32> to vector<16x1xi32>
      %gather3A_3461 = vector.shape_cast %broadcast_in_dim3A_3460 : vector<16x1xi32> to vector<16xi32>
      %gather3A_3462 = tpu.dynamic_gather %select_n3A_3259[%gather3A_3461] in [0] : vector<16xi32>, vector<16xi32> -> vector<16xi32>
      %broadcast_in_dim3A_3463 = arith.constant 15 : i32
      %broadcast_in_dim3A_3464 = vector.broadcast %broadcast_in_dim3A_3463 : i32 to vector<16xi32>
      %broadcast_in_dim3A_3465 = vector.shape_cast %broadcast_in_dim3A_3464 : vector<16xi32> to vector<16x1xi32>
      %gather3A_3466 = vector.shape_cast %broadcast_in_dim3A_3465 : vector<16x1xi32> to vector<16xi32>
      %gather3A_3467 = tpu.dynamic_gather %select_n3A_3233[%gather3A_3466] in [0] : vector<16xi32>, vector<16xi32> -> vector<16xi32>
      %select_n3A_3468 = arith.select %eq3A_2674, %gather3A_3467, %gather3A_3462 : vector<16xi1>, vector<16xi32>
      %broadcast_in_dim3A_3469 = vector.shape_cast %min3A_2672 : vector<16xi32> to vector<16x1xi32>
      %gather3A_3470 = vector.shape_cast %broadcast_in_dim3A_3469 : vector<16x1xi32> to vector<16xi32>
      %gather3A_3471 = tpu.dynamic_gather %select_n3A_3259[%gather3A_3470] in [0] : vector<16xi32>, vector<16xi32> -> vector<16xi32>
      %broadcast_in_dim3A_3472 = arith.constant 0 : i32
      %broadcast_in_dim3A_3473 = vector.broadcast %broadcast_in_dim3A_3472 : i32 to vector<16xi32>
      %broadcast_in_dim3A_3474 = vector.shape_cast %broadcast_in_dim3A_3473 : vector<16xi32> to vector<16x1xi32>
      %gather3A_3475 = vector.shape_cast %broadcast_in_dim3A_3474 : vector<16x1xi32> to vector<16xi32>
      %gather3A_3476 = tpu.dynamic_gather %select_n3A_3285[%gather3A_3475] in [0] : vector<16xi32>, vector<16xi32> -> vector<16xi32>
      %select_n3A_3477 = arith.select %eq3A_2677, %gather3A_3476, %gather3A_3471 : vector<16xi1>, vector<16xi32>
      %lt3A_3478 = arith.cmpi slt, %select_n3A_3477, %select_n3A_3259 : vector<16xi32>
      %and3A_3479 = arith.andi %eq3A_2812, %lt3A_3478 : vector<16xi1>
      %and3A_3480 = arith.andi %and3A_3479, %not3A_3307 : vector<16xi1>
      %lt3A_3481 = arith.cmpi slt, %select_n3A_3259, %select_n3A_3468 : vector<16xi32>
      %and3A_3482 = arith.andi %eq3A_2802, %lt3A_3481 : vector<16xi1>
      %and3A_3483 = arith.andi %and3A_3482, %not3A_3309 : vector<16xi1>
      %select_n3A_3484 = arith.select %and3A_3480, %select_n3A_3477, %select_n3A_3259 : vector<16xi1>, vector<16xi32>
      %select_n3A_3485 = arith.select %and3A_3483, %select_n3A_3468, %select_n3A_3484 : vector<16xi1>, vector<16xi32>
      %broadcast_in_dim3A_3486 = vector.shape_cast %max3A_2666 : vector<16xi32> to vector<16x1xi32>
      %gather3A_3487 = vector.shape_cast %broadcast_in_dim3A_3486 : vector<16x1xi32> to vector<16xi32>
      %gather3A_3488 = tpu.dynamic_gather %select_n3A_3285[%gather3A_3487] in [0] : vector<16xi32>, vector<16xi32> -> vector<16xi32>
      %broadcast_in_dim3A_3489 = arith.constant 15 : i32
      %broadcast_in_dim3A_3490 = vector.broadcast %broadcast_in_dim3A_3489 : i32 to vector<16xi32>
      %broadcast_in_dim3A_3491 = vector.shape_cast %broadcast_in_dim3A_3490 : vector<16xi32> to vector<16x1xi32>
      %gather3A_3492 = vector.shape_cast %broadcast_in_dim3A_3491 : vector<16x1xi32> to vector<16xi32>
      %gather3A_3493 = tpu.dynamic_gather %select_n3A_3259[%gather3A_3492] in [0] : vector<16xi32>, vector<16xi32> -> vector<16xi32>
      %select_n3A_3494 = arith.select %eq3A_2674, %gather3A_3493, %gather3A_3488 : vector<16xi1>, vector<16xi32>
      %broadcast_in_dim3A_3495 = vector.shape_cast %min3A_2672 : vector<16xi32> to vector<16x1xi32>
      %gather3A_3496 = vector.shape_cast %broadcast_in_dim3A_3495 : vector<16x1xi32> to vector<16xi32>
      %gather3A_3497 = tpu.dynamic_gather %select_n3A_3285[%gather3A_3496] in [0] : vector<16xi32>, vector<16xi32> -> vector<16xi32>
      %broadcast_in_dim3A_3498 = arith.constant 0 : i32
      %broadcast_in_dim3A_3499 = vector.broadcast %broadcast_in_dim3A_3498 : i32 to vector<16xi32>
      %broadcast_in_dim3A_3500 = vector.shape_cast %broadcast_in_dim3A_3499 : vector<16xi32> to vector<16x1xi32>
      %gather3A_3501 = vector.shape_cast %broadcast_in_dim3A_3500 : vector<16x1xi32> to vector<16xi32>
      %gather3A_3502 = tpu.dynamic_gather %select_n3A_3305[%gather3A_3501] in [0] : vector<16xi32>, vector<16xi32> -> vector<16xi32>
      %select_n3A_3503 = arith.select %eq3A_2677, %gather3A_3502, %gather3A_3497 : vector<16xi1>, vector<16xi32>
      %lt3A_3504 = arith.cmpi slt, %select_n3A_3503, %select_n3A_3285 : vector<16xi32>
      %and3A_3505 = arith.andi %eq3A_2832, %lt3A_3504 : vector<16xi1>
      %and3A_3506 = arith.andi %and3A_3505, %not3A_3307 : vector<16xi1>
      %lt3A_3507 = arith.cmpi slt, %select_n3A_3285, %select_n3A_3494 : vector<16xi32>
      %and3A_3508 = arith.andi %eq3A_2822, %lt3A_3507 : vector<16xi1>
      %and3A_3509 = arith.andi %and3A_3508, %not3A_3309 : vector<16xi1>
      %select_n3A_3510 = arith.select %and3A_3506, %select_n3A_3503, %select_n3A_3285 : vector<16xi1>, vector<16xi32>
      %select_n3A_3511 = arith.select %and3A_3509, %select_n3A_3494, %select_n3A_3510 : vector<16xi1>, vector<16xi32>
      %broadcast_in_dim3A_3512 = vector.shape_cast %max3A_2666 : vector<16xi32> to vector<16x1xi32>
      %gather3A_3513 = vector.shape_cast %broadcast_in_dim3A_3512 : vector<16x1xi32> to vector<16xi32>
      %gather3A_3514 = tpu.dynamic_gather %select_n3A_3305[%gather3A_3513] in [0] : vector<16xi32>, vector<16xi32> -> vector<16xi32>
      %broadcast_in_dim3A_3515 = arith.constant 15 : i32
      %broadcast_in_dim3A_3516 = vector.broadcast %broadcast_in_dim3A_3515 : i32 to vector<16xi32>
      %broadcast_in_dim3A_3517 = vector.shape_cast %broadcast_in_dim3A_3516 : vector<16xi32> to vector<16x1xi32>
      %gather3A_3518 = vector.shape_cast %broadcast_in_dim3A_3517 : vector<16x1xi32> to vector<16xi32>
      %gather3A_3519 = tpu.dynamic_gather %select_n3A_3285[%gather3A_3518] in [0] : vector<16xi32>, vector<16xi32> -> vector<16xi32>
      %select_n3A_3520 = arith.select %eq3A_2674, %gather3A_3519, %gather3A_3514 : vector<16xi1>, vector<16xi32>
      %broadcast_in_dim3A_3521 = vector.shape_cast %min3A_2672 : vector<16xi32> to vector<16x1xi32>
      %gather3A_3522 = vector.shape_cast %broadcast_in_dim3A_3521 : vector<16x1xi32> to vector<16xi32>
      %gather3A_3523 = tpu.dynamic_gather %select_n3A_3305[%gather3A_3522] in [0] : vector<16xi32>, vector<16xi32> -> vector<16xi32>
      %lt3A_3524 = arith.cmpi slt, %gather3A_3523, %select_n3A_3305 : vector<16xi32>
      %and3A_3525 = arith.andi %and3A_2849, %lt3A_3524 : vector<16xi1>
      %and3A_3526 = arith.andi %and3A_3525, %not3A_3307 : vector<16xi1>
      %lt3A_3527 = arith.cmpi slt, %select_n3A_3305, %select_n3A_3520 : vector<16xi32>
      %and3A_3528 = arith.andi %eq3A_2842, %lt3A_3527 : vector<16xi1>
      %and3A_3529 = arith.andi %and3A_3528, %not3A_3309 : vector<16xi1>
      %select_n3A_3530 = arith.select %and3A_3526, %gather3A_3523, %select_n3A_3305 : vector<16xi1>, vector<16xi32>
      %select_n3A_3531 = arith.select %and3A_3529, %select_n3A_3520, %select_n3A_3530 : vector<16xi1>, vector<16xi32>
      %swap3A = arith.index_cast %scan3A_70 : i32 to index
      %swap3A_3532 = arith.constant 0 : index
      %swap3A_3533 = tpu.vector_load %arg8[%swap3A, %swap3A_3532] {strides = array<i32>} : memref<4x128xf32, #tpu.memory_space<vmem>>, vector<16xf32>,
      tpu.vector_store %arg8[%swap3A, %swap3A_3532], %masked_sort3A_2515 {strides = array<i32>} : memref<4x128xf32, #tpu.memory_space<vmem>>, vector<16xf32>,
      %swap3A_3534 = arith.index_cast %scan3A_70 : i32 to index
      %swap3A_3535 = arith.constant 0 : index
      %swap3A_3536 = tpu.vector_load %arg9[%swap3A_3534, %swap3A_3535] {strides = array<i32>} : memref<4x128xi32, #tpu.memory_space<vmem>>, vector<16xi32>,
      tpu.vector_store %arg9[%swap3A_3534, %swap3A_3535], %select_n3A_3329 {strides = array<i32>} : memref<4x128xi32, #tpu.memory_space<vmem>>, vector<16xi32>,
      %swap3A_3537 = arith.index_cast %scan3A_70 : i32 to index
      %swap3A_3538 = arith.constant 16 : index
      %swap3A_3539 = tpu.vector_load %arg8[%swap3A_3537, %swap3A_3538] {strides = array<i32>} : memref<4x128xf32, #tpu.memory_space<vmem>>, vector<16xf32>,
      tpu.vector_store %arg8[%swap3A_3537, %swap3A_3538], %masked_sort3A_2519 {strides = array<i32>} : memref<4x128xf32, #tpu.memory_space<vmem>>, vector<16xf32>,
      %swap3A_3540 = arith.index_cast %scan3A_70 : i32 to index
      %swap3A_3541 = arith.constant 16 : index
      %swap3A_3542 = tpu.vector_load %arg9[%swap3A_3540, %swap3A_3541] {strides = array<i32>} : memref<4x128xi32, #tpu.memory_space<vmem>>, vector<16xi32>,
      tpu.vector_store %arg9[%swap3A_3540, %swap3A_3541], %select_n3A_3355 {strides = array<i32>} : memref<4x128xi32, #tpu.memory_space<vmem>>, vector<16xi32>,
      %swap3A_3543 = arith.index_cast %scan3A_70 : i32 to index
      %swap3A_3544 = arith.constant 32 : index
      %swap3A_3545 = tpu.vector_load %arg8[%swap3A_3543, %swap3A_3544] {strides = array<i32>} : memref<4x128xf32, #tpu.memory_space<vmem>>, vector<16xf32>,
      tpu.vector_store %arg8[%swap3A_3543, %swap3A_3544], %masked_sort3A_2528 {strides = array<i32>} : memref<4x128xf32, #tpu.memory_space<vmem>>, vector<16xf32>,
      %swap3A_3546 = arith.index_cast %scan3A_70 : i32 to index
      %swap3A_3547 = arith.constant 32 : index
      %swap3A_3548 = tpu.vector_load %arg9[%swap3A_3546, %swap3A_3547] {strides = array<i32>} : memref<4x128xi32, #tpu.memory_space<vmem>>, vector<16xi32>,
      tpu.vector_store %arg9[%swap3A_3546, %swap3A_3547], %select_n3A_3381 {strides = array<i32>} : memref<4x128xi32, #tpu.memory_space<vmem>>, vector<16xi32>,
      %swap3A_3549 = arith.index_cast %scan3A_70 : i32 to index
      %swap3A_3550 = arith.constant 48 : index
      %swap3A_3551 = tpu.vector_load %arg8[%swap3A_3549, %swap3A_3550] {strides = array<i32>} : memref<4x128xf32, #tpu.memory_space<vmem>>, vector<16xf32>,
      tpu.vector_store %arg8[%swap3A_3549, %swap3A_3550], %masked_sort3A_2532 {strides = array<i32>} : memref<4x128xf32, #tpu.memory_space<vmem>>, vector<16xf32>,
      %swap3A_3552 = arith.index_cast %scan3A_70 : i32 to index
      %swap3A_3553 = arith.constant 48 : index
      %swap3A_3554 = tpu.vector_load %arg9[%swap3A_3552, %swap3A_3553] {strides = array<i32>} : memref<4x128xi32, #tpu.memory_space<vmem>>, vector<16xi32>,
      tpu.vector_store %arg9[%swap3A_3552, %swap3A_3553], %select_n3A_3407 {strides = array<i32>} : memref<4x128xi32, #tpu.memory_space<vmem>>, vector<16xi32>,
      %swap3A_3555 = arith.index_cast %scan3A_70 : i32 to index
      %swap3A_3556 = arith.constant 64 : index
      %swap3A_3557 = tpu.vector_load %arg8[%swap3A_3555, %swap3A_3556] {strides = array<i32>} : memref<4x128xf32, #tpu.memory_space<vmem>>, vector<16xf32>,
      tpu.vector_store %arg8[%swap3A_3555, %swap3A_3556], %masked_sort3A_2551 {strides = array<i32>} : memref<4x128xf32, #tpu.memory_space<vmem>>, vector<16xf32>,
      %swap3A_3558 = arith.index_cast %scan3A_70 : i32 to index
      %swap3A_3559 = arith.constant 64 : index
      %swap3A_3560 = tpu.vector_load %arg9[%swap3A_3558, %swap3A_3559] {strides = array<i32>} : memref<4x128xi32, #tpu.memory_space<vmem>>, vector<16xi32>,
      tpu.vector_store %arg9[%swap3A_3558, %swap3A_3559], %select_n3A_3433 {strides = array<i32>} : memref<4x128xi32, #tpu.memory_space<vmem>>, vector<16xi32>,
      %swap3A_3561 = arith.index_cast %scan3A_70 : i32 to index
      %swap3A_3562 = arith.constant 80 : index
      %swap3A_3563 = tpu.vector_load %arg8[%swap3A_3561, %swap3A_3562] {strides = array<i32>} : memref<4x128xf32, #tpu.memory_space<vmem>>, vector<16xf32>,
      tpu.vector_store %arg8[%swap3A_3561, %swap3A_3562], %masked_sort3A_2555 {strides = array<i32>} : memref<4x128xf32, #tpu.memory_space<vmem>>, vector<16xf32>,
      %swap3A_3564 = arith.index_cast %scan3A_70 : i32 to index
      %swap3A_3565 = arith.constant 80 : index
      %swap3A_3566 = tpu.vector_load %arg9[%swap3A_3564, %swap3A_3565] {strides = array<i32>} : memref<4x128xi32, #tpu.memory_space<vmem>>, vector<16xi32>,
      tpu.vector_store %arg9[%swap3A_3564, %swap3A_3565], %select_n3A_3459 {strides = array<i32>} : memref<4x128xi32, #tpu.memory_space<vmem>>, vector<16xi32>,
      %swap3A_3567 = arith.index_cast %scan3A_70 : i32 to index
      %swap3A_3568 = arith.constant 96 : index
      %swap3A_3569 = tpu.vector_load %arg8[%swap3A_3567, %swap3A_3568] {strides = array<i32>} : memref<4x128xf32, #tpu.memory_space<vmem>>, vector<16xf32>,
      tpu.vector_store %arg8[%swap3A_3567, %swap3A_3568], %masked_sort3A_2564 {strides = array<i32>} : memref<4x128xf32, #tpu.memory_space<vmem>>, vector<16xf32>,
      %swap3A_3570 = arith.index_cast %scan3A_70 : i32 to index
      %swap3A_3571 = arith.constant 96 : index
      %swap3A_3572 = tpu.vector_load %arg9[%swap3A_3570, %swap3A_3571] {strides = array<i32>} : memref<4x128xi32, #tpu.memory_space<vmem>>, vector<16xi32>,
      tpu.vector_store %arg9[%swap3A_3570, %swap3A_3571], %select_n3A_3485 {strides = array<i32>} : memref<4x128xi32, #tpu.memory_space<vmem>>, vector<16xi32>,
      %swap3A_3573 = arith.index_cast %scan3A_70 : i32 to index
      %swap3A_3574 = arith.constant 112 : index
      %swap3A_3575 = tpu.vector_load %arg8[%swap3A_3573, %swap3A_3574] {strides = array<i32>} : memref<4x128xf32, #tpu.memory_space<vmem>>, vector<16xf32>,
      tpu.vector_store %arg8[%swap3A_3573, %swap3A_3574], %masked_sort3A_2568 {strides = array<i32>} : memref<4x128xf32, #tpu.memory_space<vmem>>, vector<16xf32>,
      %swap3A_3576 = arith.index_cast %scan3A_70 : i32 to index
      %swap3A_3577 = arith.constant 112 : index
      %swap3A_3578 = tpu.vector_load %arg9[%swap3A_3576, %swap3A_3577] {strides = array<i32>} : memref<4x128xi32, #tpu.memory_space<vmem>>, vector<16xi32>,
      tpu.vector_store %arg9[%swap3A_3576, %swap3A_3577], %select_n3A_3511 {strides = array<i32>} : memref<4x128xi32, #tpu.memory_space<vmem>>, vector<16xi32>,
    }
    %scan3A_54 = arith.constant 4 : i32
    %dma_start3A_55 = arith.constant 0 : i32
    %dma_start3A_56 = tpu.memref_slice %arg3[%mul3A_2, %dma_start3A_55] : memref<128x128xf32, #tpu.memory_space<hbm>> -> memref<4x128xf32, #tpu.memory_space<hbm>>
    %dma_start3A_57 = arith.constant 0 : i32
    %dma_start3A_58 = tpu.memref_slice %arg3[%mul3A_2, %dma_start3A_57] : memref<128x128xf32, #tpu.memory_space<hbm>> -> memref<4x128xf32, #tpu.memory_space<hbm>>
    tpu.enqueue_dma source(%arg8 : memref<4x128xf32, #tpu.memory_space<vmem>>) target(%dma_start3A_58 : memref<4x128xf32, #tpu.memory_space<hbm>>) target_semaphore(%arg10 : memref<!tpu.dma_semaphore, #tpu.memory_space<semaphore_mem>>)
    %dma_start3A_59 = arith.constant 0 : i32
    %dma_start3A_60 = tpu.memref_slice %arg4[%mul3A_2, %dma_start3A_59] : memref<128x128xi32, #tpu.memory_space<hbm>> -> memref<4x128xi32, #tpu.memory_space<hbm>>
    %dma_start3A_61 = arith.constant 0 : i32
    %dma_start3A_62 = tpu.memref_slice %arg4[%mul3A_2, %dma_start3A_61] : memref<128x128xi32, #tpu.memory_space<hbm>> -> memref<4x128xi32, #tpu.memory_space<hbm>>
    tpu.enqueue_dma source(%arg9 : memref<4x128xi32, #tpu.memory_space<vmem>>) target(%dma_start3A_62 : memref<4x128xi32, #tpu.memory_space<hbm>>) target_semaphore(%arg10 : memref<!tpu.dma_semaphore, #tpu.memory_space<semaphore_mem>>)
    %dma_wait3A = arith.constant 0 : i32
    %dma_wait3A_63 = tpu.memref_slice %arg3[%mul3A_2, %dma_wait3A] : memref<128x128xf32, #tpu.memory_space<hbm>> -> memref<4x128xf32, #tpu.memory_space<hbm>>
    %dma_wait3A_64 = arith.constant 0 : i32
    %dma_wait3A_65 = tpu.memref_slice %arg3[%mul3A_2, %dma_wait3A_64] : memref<128x128xf32, #tpu.memory_space<hbm>> -> memref<4x128xf32, #tpu.memory_space<hbm>>
    tpu.wait_dma2 semaphore(%arg10 : memref<!tpu.dma_semaphore, #tpu.memory_space<semaphore_mem>>) src(%arg8 : memref<4x128xf32, #tpu.memory_space<vmem>>) dst(%dma_wait3A_65 : memref<4x128xf32, #tpu.memory_space<hbm>>)
    %dma_wait3A_66 = arith.constant 0 : i32
    %dma_wait3A_67 = tpu.memref_slice %arg4[%mul3A_2, %dma_wait3A_66] : memref<128x128xi32, #tpu.memory_space<hbm>> -> memref<4x128xi32, #tpu.memory_space<hbm>>
    %dma_wait3A_68 = arith.constant 0 : i32
    %dma_wait3A_69 = tpu.memref_slice %arg4[%mul3A_2, %dma_wait3A_68] : memref<128x128xi32, #tpu.memory_space<hbm>> -> memref<4x128xi32, #tpu.memory_space<hbm>>
    tpu.wait_dma2 semaphore(%arg10 : memref<!tpu.dma_semaphore, #tpu.memory_space<semaphore_mem>>) src(%arg9 : memref<4x128xi32, #tpu.memory_space<vmem>>) dst(%dma_wait3A_69 : memref<4x128xi32, #tpu.memory_space<hbm>>)
    return
  }
}

</mosaic_0001>

<sc_bundles>
// kernel: kernel.3.cloned.1.call-start
scs
__scs_entry_jumppad:
0x0: {  	(pc) =	sbr.rel $0x88, $3  }
0x1: {  	(tag) =	ssettag $0x0;
	lr =	simm.s32 $0x1  }
0x2: {  	[smem:$0x3FA0] =	sst lr;
	_ =	strace $0xD0000000  }
0x3: {  	_ = 	snop  }
0x4: {  	_ = 	snop  }
0x5: {  	_ = 	snop  }
0x6: {  	_ = 	snop  }
0x7: {  	_ = 	snop  }
__scs_overlays_trampoline_lowered:
0x8: {  	[smem:$0x3FAF] =	sst s0  }
0x9: {  	[smem:$0x3FB0] =	sst s1  }
0xa: {  	[smem:$0x3FB1] =	sst s2  }
0xb: {  	[smem:$0x3FB2] =	sst s3  }
0xc: {  	[smem:$0x3FB3] =	sst s4  }
0xd: {  	[smem:$0x3FB4] =	sst s5  }
0xe: {  	[smem:$0x3FB5] =	sst s6  }
0xf: {  	[smem:$0x3FB6] =	sst s7  }
0x10: {  	[smem:$0x3FB7] =	sst s8  }
0x11: {  	[smem:$0x3FB8] =	sst s9;
	s0 =	simm.s32 @!p0 $0x0  }
0x12: {  	s1 =	sld [smem:$0x3F9E];
	s0 =	simm.s32 @p0 $0x1  }
0x13: {  	[smem:$0x3FB9] =	sst s0;
	s0 =	simm.s32 @!p1 $0x0  }
0x14: {  	s2 =	sld [smem:$0x3F9D];
	s0 =	simm.s32 @p1 $0x1  }
0x15: {  	[smem:$0x3FBA] =	sst s0;
	s0 =	simm.s32 @!p2 $0x0  }
0x16: {  	s3 =	sld [smem:$0x3FDB];
	s0 =	simm.s32 @p2 $0x1  }
0x17: {  	s4 =	simm.s32 $0x1BF5;
	[smem:$0x3FBC] =	sst s0  }
0x18: {  	s0 =	sld [smem:$0x3F9F];
	_ =	swait.ge [sflag:s4], $0x0  }
0x19: {  	s7 =	sld [smem:$0x3FA0]  }
0x1a: {  	s8 =	sadd.s32 $0xFFFFE003, lr  }
0x1b: {  	s9 =	sadd.s32 $0xFFFFFEF7, lr;
	s5 =	simm.s32 $0xFFFFFFFF;
	p2 =	slt.u32 s8, $0xFFFFF086  }
0x1c: {  	p1 =	slt.u32 s9, $0xF7A;
	s5 =	simm.s32 @!p2 $0x0  }
0x1d: {  	s5 =	simm.s32 @p1 $0x1;
	p0 =	seq.s32 s7, s2  }
0x1e: {  	s7 =	smul.u32 @!p0 $0xF7A, s2;
	p2 =	seq.s32 @!p0 s5, $0x0  }
0x1f: {  	s9 =	smul.u32 $0xF7A, s1;
	s8 =	simm.s32 @!p0 $0x1BF5;
	p2 =	por !p2, p0  }
0x20: {  	[sflag:s8] =	ssyncset.s32 @!p0 $0xFFFFF086;
	s6 =	sadd.s32 @!p0 s3, s7;
	s7 =	simm.s32 @!p0 $0x108  }
0x21: {  	s3 =	sadd.s32 s3, s9;
	s6 =	sadd.s32 @!p0 $0x88, s6;
	s7 =	simm.s32 @p2 $0x1082  }
0x22: {  	[simem:s7], [sflag:s8] =	dma.local @!p0 [hbm:s6], $0xF7A  }
0x23: {  	s9 =	sor.u32 $0xD0000000, s2;
	s6 =	simm.s32 $0x108;
	_ =	swait.ge @!p0 [sflag:s8], $0x0  }
0x24: {  	s3 =	sadd.s32 $0x88, s3;
	s6 =	simm.s32 @!p1 $0x1082;
	[sflag:s4] =	ssyncset.s32 $0xFFFFF086  }
0x25: {  	[simem:s6], [sflag:s4] =	dma.local [hbm:s3], $0xF7A  }
0x26: {  	[smem:$0x3FA0] =	sst s1;
	(tag) =	ssettag s2;
	_ =	strace s9  }
0x27: {  	s1 =	sld [smem:$0x3FB0]  }
0x28: {  	s2 =	sld [smem:$0x3FB1]  }
0x29: {  	s4 =	sld [smem:$0x3FB3]  }
0x2a: {  	p0 =	seq.s32 s5, $0x0;
	s5 =	sld [smem:$0x3FB4]  }
0x2b: {  	s6 =	sld [smem:$0x3FB5]  }
0x2c: {  	s7 =	sld [smem:$0x3FB6]  }
0x2d: {  	s3 =	simm.s32 $0x108;
	s8 =	sld [smem:$0x3FB7]  }
0x2e: {  	s3 =	simm.s32 @!p0 $0x1082;
	s9 =	sld [smem:$0x3FB8]  }
0x2f: {  	lr =	sadd.s32 s0, s3;
	s0 =	sld [smem:$0x3FAF]  }
0x30: {  	s3 =	sld [smem:$0x3FB2]  }
0x31: {  	[smem:$0x3FBB] =	sst s10  }
0x32: {  	s10 =	sld [smem:$0x3FB9];
	_ =	sdelay $0x3  }
0x33: {  	p0 =	seq.s32 s10, $0x1;
	s10 =	sld [smem:$0x3FBB];
	_ =	sdelay $0x3  }
0x34: {  	[smem:$0x3FBB] =	sst s10  }
0x35: {  	s10 =	sld [smem:$0x3FBA];
	_ =	sdelay $0x3  }
0x36: {  	p1 =	seq.s32 s10, $0x1;
	s10 =	sld [smem:$0x3FBB];
	_ =	sdelay $0x3  }
0x37: {  	[smem:$0x3FBB] =	sst s10  }
0x38: {  	s10 =	sld [smem:$0x3FBC]  }
0x39: {  	_ = 	snop;
	(pc) =	sbr.ind lr, $3  }
0x3a: {  	_ = 	snop  }
0x3b: {  	_ = 	snop  }
0x3c: {  	p2 =	seq.s32 s10, $0x1;
	s10 =	sld [smem:$0x3FBB]  }
0x3d: {  	_ =	shalt  }
0x3e: {  	_ =	shalt  }
0x3f: {  	_ =	shalt  }
0x40: {  	_ =	shalt  }
0x41: {  	_ =	shalt  }
0x42: {  	_ =	shalt  }
0x43: {  	_ =	shalt  }
0x44: {  	_ =	shalt  }
0x45: {  	_ =	shalt  }
0x46: {  	_ =	shalt  }
0x47: {  	_ =	shalt  }
0x48: {  	_ =	shalt  }
0x49: {  	_ =	shalt  }
0x4a: {  	_ =	shalt  }
0x4b: {  	_ =	shalt  }
0x4c: {  	_ =	shalt  }
0x4d: {  	_ =	shalt  }
0x4e: {  	_ =	shalt  }
0x4f: {  	_ =	shalt  }
0x50: {  	_ =	shalt  }
0x51: {  	_ =	shalt  }
0x52: {  	_ =	shalt  }
0x53: {  	_ =	shalt  }
0x54: {  	_ =	shalt  }
0x55: {  	_ =	shalt  }
0x56: {  	_ =	shalt  }
0x57: {  	_ =	shalt  }
0x58: {  	_ =	shalt  }
0x59: {  	_ =	shalt  }
0x5a: {  	_ =	shalt  }
0x5b: {  	_ =	shalt  }
0x5c: {  	_ =	shalt  }
0x5d: {  	_ =	shalt  }
0x5e: {  	_ =	shalt  }
0x5f: {  	_ =	shalt  }
0x60: {  	_ =	shalt  }
0x61: {  	_ =	shalt  }
0x62: {  	_ =	shalt  }
0x63: {  	_ =	shalt  }
0x64: {  	_ =	shalt  }
0x65: {  	_ =	shalt  }
0x66: {  	_ =	shalt  }
0x67: {  	_ =	shalt  }
0x68: {  	_ =	shalt  }
0x69: {  	_ =	shalt  }
0x6a: {  	_ =	shalt  }
0x6b: {  	_ =	shalt  }
0x6c: {  	_ =	shalt  }
0x6d: {  	_ =	shalt  }
0x6e: {  	_ =	shalt  }
0x6f: {  	_ =	shalt  }
0x70: {  	_ =	shalt  }
0x71: {  	_ =	shalt  }
0x72: {  	_ =	shalt  }
0x73: {  	_ =	shalt  }
0x74: {  	_ =	shalt  }
0x75: {  	_ =	shalt  }
0x76: {  	_ =	shalt  }
0x77: {  	_ =	shalt  }
0x78: {  	_ =	shalt  }
0x79: {  	_ =	shalt  }
0x7a: {  	_ =	shalt  }
0x7b: {  	_ =	shalt  }
0x7c: {  	_ =	shalt  }
0x7d: {  	_ =	shalt  }
0x7e: {  	_ =	shalt  }
0x7f: {  	_ =	shalt  }
0x80: {  	_ =	shalt  }
0x81: {  	_ =	shalt  }
0x82: {  	_ =	shalt  }
0x83: {  	_ =	shalt  }
0x84: {  	_ =	shalt  }
0x85: {  	_ =	shalt  }
0x86: {  	_ =	shalt  }
0x87: {  	_ =	shalt  }
.Lfunc_end0:
.L_simem_size_0:
called_computation_lowered:
.L_overlay_start_0:
0x88: {  	s2 =	sld [smem:$0x3FD9]  }
0x89: {  	s3 =	sld [smem:$0x3FFE];
	_ =	sdelay $0x1  }
0x8a: {  	s1 =	srdreg.scid  }
0x8b: {  	s0 =	sand.u32 $0x1, s1  }
0x8c: {  	s15 =	sshll.u32 s0, $0xA;
	s2 =	sadd.s32 s3, s2  }
0x8d: {  	s2 =	sadd.s32 s2, s15  }
0x8e: {  	[smem:$0x3FC7] =	sst s2  }
0x8f: {  	_ = 	snop  }
0x90: {  	s2 =	sld [smem:$0x3FD0];
	_ =	sdelay $0x2  }
0x91: {  	s4 =	simm.s32 $0xA;
	s5 =	simm.s32 $0x10;
	s16 =	sld [smem:$0x3FC9]  }
0x92: {  	[smem:s5], [sflag:s4] =	dma.local [hbm:s2], $0x1  }
0x93: {  	_ =	swait.eq [sflag:s4], $0x1  }
0x94: {  	[sflag:s4] =	ssyncset.done $0x0  }
0x95: {  	s17 =	sld [smem:$0x10];
	[sflag:s4] =	ssyncadd.s32 $0xFFFFFFFF  }
0x96: {  	s18 =	sld [smem:$0x11];
	(tm) =	ssettm $0x1  }
0x97: {  	s19 =	sld [smem:$0x3FFB];
	_ =	sdelay $0x3  }
0x98: {  	_ =	strace s19  }
0x99: {  	s5 =	sld [smem:$0x3FFC];
	_ =	sdelay $0x3  }
0x9a: {  	_ =	strace s5  }
0x9b: {  	s5 =	sld [smem:$0x3FFD];
	_ =	sdelay $0x3  }
0x9c: {  	_ =	strace s5  }
0x9d: {  	_ =	strace $0x8FFFFFFF  }
0x9e: {  	s20 =	sld [smem:$0x3FDB];
	_ =	sdelay $0x1  }
0x9f: {  	s6 =	simm.s32 $_scs_section_size  }
0xa0: {  	s7 =	simm.s32 $_size__tile_overlayer_lowered;
	s8 =	simm.s32 $_tile_overlayer_lowered  }
0xa1: {  	s23 =	simm.s32 $0x1BFF;
	s22 =	sshll.u32 s8, $0x1;
	s5 =	sadd.s32 s6, s20  }
0xa2: {  	s9 =	simm.s32 $0x0;
	s21 =	sshll.u32 s7, $0x1;
	s7 =	sadd.s32 s22, s5  }
0xa3: {  	[timem:s9], [sflag:s23] =	dma.local [hbm:s7], s21  }
0xa4: {  	_ =	swait.ge [sflag:s23], s21  }
0xa5: {  	s6 =	ssub.s32 $0x0, s21;
	[sflag:s23] =	ssyncset.done $0x0  }
0xa6: {  	[sflag:s23] =	ssyncadd.s32 s6;
	_ =	sdelay $0x1  }
0xa7: {  	s24 =	simm.s32 $0x1B8B  }
0xa8: {  	_ =	swait.ge [sflag:s24], $0x1  }
0xa9: {  	[sflag:s24] =	ssyncset.done $0x0  }
0xaa: {  	s25 =	simm.s32 $0x1B8E;
	[sflag:s24] =	ssyncadd.s32 $0xFFFFFFFF  }
0xab: {  	s26 =	simm.s32 $execute0_lowered;
	[smem:$0x3FD2] =	sst s25  }
0xac: {  	s6 =	sshll.u32 s26, $0x1;
	_ =	strace $0x80000046;
	[dreg:$0x1] =	wrdreg $0xFFFFFFFF  }
0xad: {  	s28 =	simm.s32 $_size_execute0_lowered;
	s5 =	sadd.s32 s5, s6;
	[dreg:$0x0] =	wrdreg $0x0  }
0xae: {  	s6 =	sshll.u32 s28, $0x1;
	[dreg:$0x2] =	wrdreg s5  }
0xaf: {  	[dreg:$0x3] =	wrdreg s6  }
0xb0: {  	[dreg:$0x4] =	wrdreg $0xC0  }
0xb1: {  	_ =	task [dreg:s9], $0x5FFFF  }
0xb2: {  	[dreg:$0x1] =	wrdreg $0xFFFFFFFF  }
0xb3: {  	[dreg:$0x0] =	wrdreg $0x60  }
0xb4: {  	[dreg:$0x2] =	wrdreg s16  }
0xb5: {  	[dreg:$0x3] =	wrdreg s17  }
0xb6: {  	[dreg:$0x4] =	wrdreg s18  }
0xb7: {  	[dreg:$0x5] =	wrdreg $0x9  }
0xb8: {  	_ =	task.clear_ibuf [dreg:s9], $0x6FFFF;
	_ =	strace $0x90000046  }
0xb9: {  	s29 =	simm.s32 $0x9;
	_ =	strace $0x80000048  }
0xba: {  	_ =	swait.ge [sflag:s29], $0x1  }
0xbb: {  	[sflag:s29] =	ssyncadd.s32 $0xFFFFFFFF  }
0xbc: {  	_ =	strace $0x90000048  }
0xbd: {  	_ =	sfence  }
0xbe: {  	s30 =	sld [smem:$0x0];
	_ =	sdelay $0x2  }
0xbf: {  	s31 =	sshll.u32 s1, $0xD;
	s1 =	sshrl.u32 s1, $0x2  }
0xc0: {  	s3 =	sand.u32 $0x4000, s31;
	s1 =	sadd.s32 s1, s30  }
0xc1: {  	s0 =	sor.u32 s3, s0;
	s1 =	sshll.u32 s1, $0x11  }
0xc2: {  	s0 =	sor.u32 s1, s0  }
0xc3: {  	s0 =	sadd.s32 $0x8F2B, s0  }
0xc4: {  	[sflag:s0] =	ssyncadd.remote.s32 $0x1  }
0xc5: {  	_ =	sfence.sel $0xFFFF  }
0xc6: {  	[dreg:$0x0] =	wrdreg $0xFFFFFFFF;
	(pc) =	sbr.abs _section_cstart, $3  }
0xc7: {  	[dreg:$0x1] =	wrdreg $0xFFFFFFFF  }
0xc8: {  	_ =	task.clear_ibuf [dreg:s9], $0x2FFFF;
	_ =	strace $0x9FFFFFFF  }
0xc9: {  	(tm) =	ssettm $0x7FFFFFFF  }
tec
execute0_lowered:
.L_overlay_start_1:
0x0: {  	(tag) =	ssettag $0x1  }
0x1: {  	v0 =	vlaneseq.u32;
	v1 =	vimm.s32 $0xEDCBA987;
	v3 =	vimm.s32 $0x65432100  }
0x2: {  	v7 =	vimm.s32 $0x87654321;
	vm0 =	vcmask $0xB08;
	vm1 =	vcmask $0x300  }
0x3: {  	vm15 =	vcmask $0x1310;
	vm4 =	vcmask $0x1B18;
	vm5 =	vcmask $0x2320  }
0x4: {  	vm6 =	vcmask $0xF0C;
	vm2 =	vcmask $0x704;
	vm3 =	vcmask $0x2B28  }
0x5: {  	vm7 =	vcmask $0x1714;
	vm8 =	vcmask $0x1F1C;
	vm9 =	vcmask $0x3330  }
0x6: {  	vm10 =	vcmask $0x2724;
	vm11 =	vcmask $0x2F2C;
	v4 =	vunpack.c.l.s4.s8 v1  }
0x7: {  	s3 =	rddreg [dreg:$0x0];
	vm12 =	vcmask $0x3B38;
	v3 =	vunpack.c.l.s4.s8 v3;
	vm0 =	vmor vm1, vm0  }
0x8: {  	s7 =	rddreg [dreg:$0x1];
	vm1 =	vmor vm2, vm6;
	vm0 =	vmor vm0, vm15;
	v4 =	vunpack.c.0.s8.s32 v4  }
0x9: {  	s8 =	rddreg [dreg:$0x2];
	vm1 =	vmor vm1, vm7;
	v5 =	vunpack.c.0.s8.s32 v3;
	v3 =	vimm.s32 $0xFFEDCBA9  }
0xa: {  	s0 =	rddreg [dreg:$0x3];
	s4 =	srdreg.scid;
	vm0 =	vmor vm0, vm4;
	vm1 =	vmor vm1, vm8;
	v4 =	vand.u32 $0xF, v4  }
0xb: {  	s2 =	simm.s32 $0x0;
	s1 =	stileid.u32;
	s11 =	simm.s32 $0x8200;
	v6 =	vunpack.c.l.s4.s8 v3;
	v4 =	vcombine.low v5, v4;
	v5 =	vunpack.c.l.s4.s8 v7  }
0xc: {  	vm13 =	vcmask $0x3734;
	s12 =	simm.s32 $0x8380;
	s13 =	simm.s32 $0x8580;
	s14 =	simm.s32 $0x0;
	vm0 =	vmor vm0, vm5;
	vm1 =	vmor vm1, vm10  }
0xd: {  	s4 =	sand.u32 $0x1, s4;
	[smem:$0x7FF] =	sst s2;
	s5 =	sshll.u32 s1, $0x10;
	vm0 =	vmor vm0, vm3;
	v6 =	vunpack.c.0.s8.s32 v6;
	v7 =	vunpack.c.0.s8.s32 v5  }
0xe: {  	v2 =	vmul.u32 $0xFFFFFFFF, v0;
	s10 =	sshll.u32 s1, $0xA;
	s6 =	sshll.u32 s4, $0x9;
	_ =	strace $0x80000047;
	vm1 =	vmor vm1, vm11;
	vm0 =	vmor vm0, vm9  }
0xf: {  	s4 =	ssub.s32 $0x2, s4;
	s5 =	sor.u32 s6, s5;
	s6 =	sor.u32 s6, s10;
	vm0 =	vmor vm0, vm12;
	v6 =	vcombine.low v7, v6;
	v7 =	vimm.s32 $0x0  }
0x10: {  	vm15 =	vcmask $0x3F3C;
	s9 =	sshrl.u32 s4, $0x1;
	s5 =	sshrl.u32 s5, $0x3;
	s10 =	sshrl.u32 s6, $0x3;
	vm14 =	vmor vm1, vm13;
	v7 =	vsel vm0, $0xFFFFFFFF, v7  }
0x11: {  	s9 =	ssub.s32 s4, s9;
	s3 =	sadd.s32 s3, s5;
	s7 =	sadd.s32 s7, s10;
	vm0 =	vmor vm14, vm15;
	[tilespmem:$0x1FFE0] =	vst v7;
	v7 =	vimm.s32 $0x0  }
0x12: {  	v1 =	vadd.s32 $0xF, v2;
	v2 =	vimm.s32 $0xF;
	s8 =	sadd.s32 s8, s10;
	s9 =	smax.u32 s9, $0x1;
	s10 =	simm.s32 $0x1;
	v7 =	vsel vm0, $0xFFFFFFFF, v7  }
0x13: {  	v3 =	vimm.s32 $0x1;
	s4 =	sadd.s32 $0x10, s3;
	s5 =	sadd.s32 $0x20, s3;
	s6 =	sadd.s32 $0x30, s3;
	v5 =	vimm.s32 $0x0;
	v6 =	vand.u32 $0xF, v6;
	[tilespmem:$0x1FFF0] =	vst v7  }
.LBB2_1:
0x14: {  	s15 =	simm.s32 $0x80  }
0x15: {  	s18 =	sadd.s32 $0x0, s3;
	s16 =	simm.s32 $0x200;
	s17 =	simm.s32 $0x0  }
.LBB2_2:
0x16: {  	[tilespmem:s17], [sflag:$0x1] =	stream.linear.gather [hbm4b:s18+s2], $0x80, $0x38;
	[tilespmem:$0x8780] =	vst v63  }
0x17: {  	s18 =	smov.u32 s15;
	s17 =	smov.u32 s16;
	p0 =	sne.s32 s15, $0x1F80  }
.Ltmp0:
0x18: {  	s15 =	sadd.s32 $0x80, s15;
	(pc) =	sbr.rel @p0 .LBB2_2-.Ltmp0, $2  }
0x19: {  	_ =	sdelay $0x2  }
0x1a: {  	s16 =	sadd.s32 $0x200, s16;
	s18 =	sadd.s32 s18, s3  }
0x1b: {  	[tilespmem:s17], [sflag:$0x1] =	stream.linear.gather [hbm4b:s18+s2], $0x80, $0x38;
	[tilespmem:$0x8780] =	vst v63  }
0x1c: {  	s15 =	simm.s32 $0x80  }
0x1d: {  	s16 =	simm.s32 $0x80;
	s18 =	sadd.s32 $0x0, s4;
	s17 =	simm.s32 $0x280  }
.LBB2_4:
0x1e: {  	[tilespmem:s15], [sflag:$0x1] =	stream.linear.gather [hbm4b:s18+s2], $0x80, $0x38;
	[tilespmem:$0x8780] =	vst v63  }
0x1f: {  	s18 =	smov.u32 s16;
	s15 =	smov.u32 s17;
	p0 =	sne.s32 s16, $0x1F80  }
.Ltmp1:
0x20: {  	s16 =	sadd.s32 $0x80, s16;
	(pc) =	sbr.rel @p0 .LBB2_4-.Ltmp1, $2  }
0x21: {  	_ =	sdelay $0x2  }
0x22: {  	s17 =	sadd.s32 $0x200, s17;
	s18 =	sadd.s32 s18, s4  }
0x23: {  	[tilespmem:s15], [sflag:$0x1] =	stream.linear.gather [hbm4b:s18+s2], $0x80, $0x38;
	[tilespmem:$0x8780] =	vst v63  }
0x24: {  	s15 =	simm.s32 $0x100  }
0x25: {  	s16 =	simm.s32 $0x80;
	s18 =	sadd.s32 $0x0, s5;
	s17 =	simm.s32 $0x300  }
.LBB2_6:
0x26: {  	[tilespmem:s15], [sflag:$0x1] =	stream.linear.gather [hbm4b:s18+s2], $0x80, $0x38;
	[tilespmem:$0x8780] =	vst v63  }
0x27: {  	s18 =	smov.u32 s16;
	s15 =	smov.u32 s17;
	p0 =	sne.s32 s16, $0x1F80  }
.Ltmp2:
0x28: {  	s16 =	sadd.s32 $0x80, s16;
	(pc) =	sbr.rel @p0 .LBB2_6-.Ltmp2, $2  }
0x29: {  	_ =	sdelay $0x2  }
0x2a: {  	s17 =	sadd.s32 $0x200, s17;
	s18 =	sadd.s32 s18, s5  }
0x2b: {  	[tilespmem:s15], [sflag:$0x1] =	stream.linear.gather [hbm4b:s18+s2], $0x80, $0x38;
	[tilespmem:$0x8780] =	vst v63  }
0x2c: {  	s15 =	simm.s32 $0x0;
	s16 =	simm.s32 $0x180;
	s17 =	simm.s32 $0x0  }
.LBB2_8:
0x2d: {  	p0 =	sne.s32 s17, $0x1F80  }
.Ltmp3:
0x2e: {  	_ = 	snop;
	(pc) =	sbr.rel @p0 .LBB2_8-.Ltmp3, $4  }
0x2f: {  	_ = 	snop  }
0x30: {  	s18 =	sadd.s32 s17, s6  }
0x31: {  	[tilespmem:s16], [sflag:$0x1] =	stream.linear.gather [hbm4b:s18+s15], $0x80, $0x38;
	[tilespmem:$0x8780] =	vst v63  }
0x32: {  	s17 =	sadd.s32 $0x80, s17;
	s16 =	sadd.s32 $0x200, s16  }
0x33: {  	s16 =	simm.s32 $0x400;
	s17 =	simm.s32 $0x40  }
.LBB2_10:
0x34: {  	_ =	swait.ge [sflag:s10], $0x2000  }
0x35: {  	[sflag:s10] =	ssyncset.done $0x0  }
0x36: {  	[sflag:s10] =	ssyncadd.s32 $0xFFFFE000  }
0x37: {  	v8 =	vld [tilespmem:s16+$0x0]  }
0x38: {  	v9 =	vld [tilespmem:s16+$0x10]  }
0x39: {  	v10 =	vld [tilespmem:s16+$0x20]  }
0x3a: {  	v11 =	vld [tilespmem:s16+$0x30]  }
0x3b: {  	v12 =	vld [tilespmem:s16+$0x40]  }
0x3c: {  	v13 =	vld [tilespmem:s16+$0x50]  }
0x3d: {  	v14 =	vld [tilespmem:s16+$0x60]  }
0x3e: {  	v15 =	vld [tilespmem:s16+$0x70]  }
0x3f: {  	v16 =	vld [tilespmem:s16+$0x200]  }
0x40: {  	v17 =	vld [tilespmem:s16+$0x210]  }
0x41: {  	v18 =	vld [tilespmem:s16+$0x220]  }
0x42: {  	v19 =	vld [tilespmem:s16+$0x230]  }
0x43: {  	v20 =	vld [tilespmem:s16+$0x240]  }
0x44: {  	v21 =	vld [tilespmem:s16+$0x250]  }
0x45: {  	v22 =	vld [tilespmem:s16+$0x260]  }
0x46: {  	v23 =	vld [tilespmem:s16+$0x270]  }
0x47: {  	v7 =	vld [tilespmem:s16+$0xFFFFFC10]  }
0x48: {  	v24 =	vld [tilespmem:s16+$0xFFFFFC20]  }
0x49: {  	v25 =	vld [tilespmem:s16+$0xFFFFFC30]  }
0x4a: {  	v26 =	vld [tilespmem:s16+$0xFFFFFC40]  }
0x4b: {  	v27 =	vld [tilespmem:s16+$0xFFFFFC50]  }
0x4c: {  	v28 =	vld [tilespmem:s16+$0xFFFFFC60]  }
0x4d: {  	v29 =	vld [tilespmem:s16+$0xFFFFFC70]  }
0x4e: {  	v30 =	vld [tilespmem:s16+$0xFFFFFE00]  }
0x4f: {  	v31 =	vld [tilespmem:s16+$0xFFFFFE10]  }
0x50: {  	v32 =	vld [tilespmem:s16+$0xFFFFFE20];
	v8 =	vmax.f32 v8, v9;
	v9 =	vmax.f32 v10, v11;
	v11 =	vmax.f32 v12, v13  }
0x51: {  	v12 =	vmax.f32 v14, v15;
	v13 =	vmax.f32 v16, v17;
	v14 =	vmax.f32 v18, v19;
	v16 =	vld [tilespmem:s16+$0xFFFFFE30]  }
0x52: {  	v15 =	vmax.f32 v20, v21;
	v17 =	vmax.f32 v22, v23;
	v10 =	vld [tilespmem:s16+$0xFFFFFE40];
	v8 =	vmax.f32 v8, v9  }
0x53: {  	v9 =	vmax.f32 v11, v12;
	v12 =	vmax.f32 v13, v14;
	v13 =	vmax.f32 v15, v17;
	v11 =	vld [tilespmem:s16+$0xFFFFFE50]  }
0x54: {  	v14 =	vmax.f32 v26, v27;
	v9 =	vmax.f32 v8, v9;
	v13 =	vmax.f32 v12, v13;
	v12 =	vld [tilespmem:s16+$0xFFFFFE60]  }
0x55: {  	s19 =	simm.s32 $0x8010;
	v15 =	vmax.f32 v28, v29;
	v8 =	vmax.f32 v24, v25;
	v9 =	vmax.f32 v9, v13;
	v13 =	vld [tilespmem:s16+$0xFFFFFE70]  }
0x56: {  	s18 =	sshll.u32 s15, $0x7;
	s20 =	simm.s32 $0x0;
	s21 =	sadd.s32 $0x800, s16;
	[tilespmem:s19+$0x0] =	vst v9;
	v9 =	vmax.f32 v14, v15;
	v15 =	vmax.f32 v30, v31;
	v14 =	vld [tilespmem:s16+$0xFFFFFC00];
	v16 =	vmax.f32 v32, v16  }
.LBB2_11:
0x57: {  	v17 =	vld [tilespmem:s21+$0x0];
	v15 =	vmax.f32 v15, v16  }
0x58: {  	v16 =	vld [tilespmem:s21+$0x10];
	v10 =	vmax.f32 v10, v11  }
0x59: {  	v11 =	vld [tilespmem:s21+$0x20]  }
0x5a: {  	v18 =	vld [tilespmem:s21+$0x30];
	v12 =	vmax.f32 v12, v13  }
0x5b: {  	v13 =	vld [tilespmem:s21+$0x40];
	v7 =	vmax.f32 v14, v7;
	v10 =	vmax.f32 v10, v12  }
0x5c: {  	v12 =	vld [tilespmem:s21+$0x50];
	v7 =	vmax.f32 v7, v8;
	v8 =	vmax.f32 v15, v10  }
0x5d: {  	v10 =	vld [tilespmem:s21+$0x60];
	v7 =	vmax.f32 v7, v9  }
0x5e: {  	v9 =	vld [tilespmem:s21+$0x70];
	v7 =	vmax.f32 v7, v8  }
0x5f: {  	v8 =	vld [tilespmem:s21+$0x200];
	[tilespmem:s19+$0xFFFFFFF0] =	vst v7  }
0x60: {  	v14 =	vld [tilespmem:s21+$0x210]  }
0x61: {  	v15 =	vld [tilespmem:s21+$0x220]  }
0x62: {  	v19 =	vld [tilespmem:s21+$0x230]  }
0x63: {  	v20 =	vld [tilespmem:s21+$0x240]  }
0x64: {  	v21 =	vld [tilespmem:s21+$0x250]  }
0x65: {  	v22 =	vld [tilespmem:s21+$0x260]  }
0x66: {  	s20 =	sadd.s32 $0x2, s20;
	v23 =	vld [tilespmem:s21+$0x270]  }
0x67: {  	p0 =	slt.u32 s20, $0x1E;
	v7 =	vld [tilespmem:s21+$0xFFFFFC10]  }
0x68: {  	v24 =	vld [tilespmem:s21+$0xFFFFFC20]  }
0x69: {  	v16 =	vmax.f32 v17, v16;
	v11 =	vmax.f32 v11, v18;
	v12 =	vmax.f32 v13, v12;
	v25 =	vld [tilespmem:s21+$0xFFFFFC30]  }
0x6a: {  	v9 =	vmax.f32 v10, v9;
	v8 =	vmax.f32 v8, v14;
	v10 =	vmax.f32 v15, v19;
	v13 =	vld [tilespmem:s21+$0xFFFFFC40]  }
0x6b: {  	v11 =	vmax.f32 v16, v11;
	v15 =	vmax.f32 v20, v21;
	v14 =	vld [tilespmem:s21+$0xFFFFFC50];
	v17 =	vmax.f32 v22, v23  }
0x6c: {  	v9 =	vmax.f32 v12, v9;
	v8 =	vmax.f32 v8, v10;
	v16 =	vld [tilespmem:s21+$0xFFFFFC60];
	v10 =	vmax.f32 v15, v17  }
0x6d: {  	v9 =	vmax.f32 v11, v9;
	v12 =	vld [tilespmem:s21+$0xFFFFFC70];
	v10 =	vmax.f32 v8, v10  }
0x6e: {  	s19 =	sadd.s32 $0x20, s19;
	v15 =	vld [tilespmem:s21+$0xFFFFFE00];
	v8 =	vmax.f32 v24, v25;
	v9 =	vmax.f32 v9, v10  }
0x6f: {  	v17 =	vld [tilespmem:s21+$0xFFFFFE10];
	[tilespmem:s19+$0x0] =	vst v9  }
0x70: {  	v18 =	vld [tilespmem:s21+$0xFFFFFE20];
	v9 =	vmax.f32 v13, v14  }
0x71: {  	v19 =	vld [tilespmem:s21+$0xFFFFFE30]  }
.Ltmp4:
0x72: {  	v10 =	vld [tilespmem:s21+$0xFFFFFE40];
	v12 =	vmax.f32 v16, v12;
	(pc) =	sbr.rel @p0 .LBB2_11-.Ltmp4, $4  }
0x73: {  	v11 =	vld [tilespmem:s21+$0xFFFFFE50];
	v9 =	vmax.f32 v9, v12  }
0x74: {  	v12 =	vld [tilespmem:s21+$0xFFFFFE60];
	v15 =	vmax.f32 v15, v17  }
0x75: {  	v13 =	vld [tilespmem:s21+$0xFFFFFE70]  }
0x76: {  	v14 =	vld [tilespmem:s21+$0xFFFFFC00];
	v16 =	vmax.f32 v18, v19;
	s21 =	sadd.s32 $0x800, s21  }
0x77: {  	_ =	sdelay $0x3  }
0x78: {  	v10 =	vmax.f32 v10, v11;
	v11 =	vmax.f32 v12, v13;
	v7 =	vmax.f32 v14, v7  }
0x79: {  	v12 =	vmax.f32 v15, v16;
	v10 =	vmax.f32 v10, v11;
	v7 =	vmax.f32 v7, v8  }
0x7a: {  	v8 =	vmax.f32 v12, v10;
	v7 =	vmax.f32 v7, v9  }
0x7b: {  	v7 =	vmax.f32 v7, v8  }
0x7c: {  	[tilespmem:s19+$0xFFFFFFF0] =	vst v7  }
0x7d: {  	v7 =	vld [tilespmem:$0x8000]  }
0x7e: {  	v8 =	vld [tilespmem:$0x8010];
	_ =	sdelay $0x3  }
0x7f: {  	(xrf1) =	vsort.dscd.msk.f32 $0xffff, v7, v7  }
0x80: {  	(xrf1) =	vsort.dscd.msk.f32 $0xffff, v8, v8;
	_ =	sdelay $0xc  }
0x81: {  	v7, _, _ =	vpop (xrf1)  }
0x82: {  	v8, _, _ =	vpop (xrf1)  }
0x83: {  	v9 =	vld [tilespmem:$0x8020];
	v8 =	vperm.xlane v8, v1  }
0x84: {  	v10 =	vld [tilespmem:$0x8030]  }
0x85: {  	v11 =	vmax.f32 v7, v8  }
0x86: {  	v7 =	vmin.f32 v7, v8;
	(xrf1) =	vsort.dscd.msk.f32 $0xffff, v11, v11  }
0x87: {  	(xrf1) =	vsort.dscd.msk.f32 $0xffff, v7, v7  }
0x88: {  	(xrf1) =	vsort.dscd.msk.f32 $0xffff, v9, v9  }
0x89: {  	(xrf1) =	vsort.dscd.msk.f32 $0xffff, v10, v10;
	_ =	sdelay $0xa  }
0x8a: {  	v7, _, _ =	vpop (xrf1)  }
0x8b: {  	v8, _, _ =	vpop (xrf1)  }
0x8c: {  	v9, _, _ =	vpop (xrf1)  }
0x8d: {  	v10, _, _ =	vpop (xrf1)  }
0x8e: {  	v10 =	vperm.xlane v10, v1;
	_ =	sdelay $0x1  }
0x8f: {  	v11 =	vmax.f32 v9, v10  }
0x90: {  	v9 =	vmin.f32 v9, v10;
	(xrf1) =	vsort.dscd.msk.f32 $0xffff, v11, v11  }
0x91: {  	(xrf1) =	vsort.dscd.msk.f32 $0xffff, v9, v9;
	_ =	sdelay $0xc  }
0x92: {  	v9, _, _ =	vpop (xrf1)  }
0x93: {  	v10, _, _ =	vpop (xrf1)  }
0x94: {  	v9 =	vperm.xlane v9, v1;
	v10 =	vperm.xlane v10, v1;
	_ =	sdelay $0x1  }
0x95: {  	v12 =	vmax.f32 v8, v9;
	v11 =	vmax.f32 v7, v10  }
0x96: {  	v13 =	vld [tilespmem:$0x8040];
	v7 =	vmin.f32 v7, v10;
	v10 =	vmax.f32 v11, v12  }
0x97: {  	v14 =	vld [tilespmem:$0x8050];
	v8 =	vmin.f32 v8, v9;
	v9 =	vmin.f32 v11, v12;
	(xrf1) =	vsort.dscd.msk.f32 $0xffff, v10, v10  }
0x98: {  	(xrf1) =	vsort.dscd.msk.f32 $0xffff, v9, v9;
	v9 =	vmax.f32 v7, v8  }
0x99: {  	v7 =	vmin.f32 v7, v8;
	(xrf1) =	vsort.dscd.msk.f32 $0xffff, v9, v9  }
0x9a: {  	(xrf1) =	vsort.dscd.msk.f32 $0xffff, v7, v7  }
0x9b: {  	(xrf1) =	vsort.dscd.msk.f32 $0xffff, v13, v13  }
0x9c: {  	(xrf1) =	vsort.dscd.msk.f32 $0xffff, v14, v14;
	_ =	sdelay $0x8  }
0x9d: {  	v7, _, _ =	vpop (xrf1)  }
0x9e: {  	v8, _, _ =	vpop (xrf1)  }
0x9f: {  	v9, _, _ =	vpop (xrf1)  }
0xa0: {  	v10, _, _ =	vpop (xrf1)  }
0xa1: {  	v11, _, _ =	vpop (xrf1)  }
0xa2: {  	v12, _, _ =	vpop (xrf1)  }
0xa3: {  	v13 =	vld [tilespmem:$0x8060];
	v12 =	vperm.xlane v12, v1  }
0xa4: {  	v14 =	vld [tilespmem:$0x8070]  }
0xa5: {  	v15 =	vmax.f32 v11, v12  }
0xa6: {  	v11 =	vmin.f32 v11, v12;
	(xrf1) =	vsort.dscd.msk.f32 $0xffff, v15, v15  }
0xa7: {  	(xrf1) =	vsort.dscd.msk.f32 $0xffff, v11, v11  }
0xa8: {  	(xrf1) =	vsort.dscd.msk.f32 $0xffff, v13, v13  }
0xa9: {  	(xrf1) =	vsort.dscd.msk.f32 $0xffff, v14, v14;
	_ =	sdelay $0xa  }
0xaa: {  	v11, _, _ =	vpop (xrf1)  }
0xab: {  	v12, _, _ =	vpop (xrf1)  }
0xac: {  	v13, _, _ =	vpop (xrf1)  }
0xad: {  	v14, _, _ =	vpop (xrf1)  }
0xae: {  	v14 =	vperm.xlane v14, v1;
	_ =	sdelay $0x1  }
0xaf: {  	v15 =	vmax.f32 v13, v14  }
0xb0: {  	v13 =	vmin.f32 v13, v14;
	(xrf1) =	vsort.dscd.msk.f32 $0xffff, v15, v15  }
0xb1: {  	(xrf1) =	vsort.dscd.msk.f32 $0xffff, v13, v13;
	_ =	sdelay $0xc  }
0xb2: {  	v13, _, _ =	vpop (xrf1)  }
0xb3: {  	v14, _, _ =	vpop (xrf1)  }
0xb4: {  	v13 =	vperm.xlane v13, v1;
	v14 =	vperm.xlane v14, v1;
	_ =	sdelay $0x1  }
0xb5: {  	v16 =	vmax.f32 v12, v13;
	v15 =	vmax.f32 v11, v14  }
0xb6: {  	v11 =	vmin.f32 v11, v14;
	v14 =	vmax.f32 v15, v16  }
0xb7: {  	v12 =	vmin.f32 v12, v13;
	v13 =	vmin.f32 v15, v16;
	(xrf1) =	vsort.dscd.msk.f32 $0xffff, v14, v14  }
0xb8: {  	(xrf1) =	vsort.dscd.msk.f32 $0xffff, v13, v13;
	v13 =	vmax.f32 v11, v12  }
0xb9: {  	v11 =	vmin.f32 v11, v12;
	(xrf1) =	vsort.dscd.msk.f32 $0xffff, v13, v13  }
0xba: {  	(xrf1) =	vsort.dscd.msk.f32 $0xffff, v11, v11;
	_ =	sdelay $0xa  }
0xbb: {  	v11, _, _ =	vpop (xrf1)  }
0xbc: {  	v12, _, _ =	vpop (xrf1)  }
0xbd: {  	v13, _, _ =	vpop (xrf1)  }
0xbe: {  	v14, _, _ =	vpop (xrf1)  }
0xbf: {  	v11 =	vperm.xlane v11, v1;
	v14 =	vperm.xlane v14, v1  }
0xc0: {  	v12 =	vperm.xlane v12, v1;
	v13 =	vperm.xlane v13, v1  }
0xc1: {  	v16 =	vmax.f32 v10, v11;
	v15 =	vmax.f32 v7, v14;
	v7 =	vmin.f32 v7, v14  }
0xc2: {  	v14 =	vmax.f32 v8, v13;
	v8 =	vmin.f32 v8, v13;
	v13 =	vmax.f32 v9, v12  }
0xc3: {  	v9 =	vmin.f32 v9, v12;
	v12 =	vmax.f32 v15, v13;
	v17 =	vmax.f32 v14, v16  }
0xc4: {  	v10 =	vmin.f32 v10, v11;
	v11 =	vmin.f32 v15, v13;
	v13 =	vmax.f32 v12, v17  }
0xc5: {  	v14 =	vmin.f32 v14, v16;
	v12 =	vmin.f32 v12, v17;
	(xrf1) =	vsort.dscd.msk.f32 $0xffff, v13, v13  }
0xc6: {  	v13 =	vmax.f32 v8, v10;
	(xrf1) =	vsort.dscd.msk.f32 $0xffff, v12, v12;
	v12 =	vmax.f32 v11, v14  }
0xc7: {  	v11 =	vmin.f32 v11, v14;
	(xrf1) =	vsort.dscd.msk.f32 $0xffff, v12, v12;
	v12 =	vmax.f32 v7, v9  }
0xc8: {  	v14 =	vld [tilespmem:$0x8080];
	v7 =	vmin.f32 v7, v9;
	(xrf1) =	vsort.dscd.msk.f32 $0xffff, v11, v11;
	v9 =	vmax.f32 v12, v13  }
0xc9: {  	v8 =	vmin.f32 v8, v10;
	v11 =	vld [tilespmem:$0x8090];
	v10 =	vmin.f32 v12, v13;
	(xrf1) =	vsort.dscd.msk.f32 $0xffff, v9, v9  }
0xca: {  	v9 =	vmax.f32 v7, v8;
	(xrf1) =	vsort.dscd.msk.f32 $0xffff, v10, v10  }
0xcb: {  	v7 =	vmin.f32 v7, v8;
	(xrf1) =	vsort.dscd.msk.f32 $0xffff, v9, v9  }
0xcc: {  	(xrf1) =	vsort.dscd.msk.f32 $0xffff, v7, v7  }
0xcd: {  	(xrf1) =	vsort.dscd.msk.f32 $0xffff, v14, v14  }
0xce: {  	(xrf1) =	vsort.dscd.msk.f32 $0xffff, v11, v11;
	_ =	sdelay $0x4  }
0xcf: {  	v14, _, _ =	vpop (xrf1)  }
0xd0: {  	v13, _, _ =	vpop (xrf1)  }
0xd1: {  	v7, _, _ =	vpop (xrf1)  }
0xd2: {  	v8, _, _ =	vpop (xrf1)  }
0xd3: {  	v9, _, _ =	vpop (xrf1)  }
0xd4: {  	v10, _, _ =	vpop (xrf1)  }
0xd5: {  	v11, _, _ =	vpop (xrf1)  }
0xd6: {  	v12, _, _ =	vpop (xrf1)  }
0xd7: {  	v15, _, _ =	vpop (xrf1)  }
0xd8: {  	v16, _, _ =	vpop (xrf1)  }
0xd9: {  	v17 =	vld [tilespmem:$0x80A0];
	v16 =	vperm.xlane v16, v1  }
0xda: {  	v18 =	vld [tilespmem:$0x80B0]  }
0xdb: {  	v19 =	vmax.f32 v15, v16  }
0xdc: {  	v15 =	vmin.f32 v15, v16;
	(xrf1) =	vsort.dscd.msk.f32 $0xffff, v19, v19  }
0xdd: {  	(xrf1) =	vsort.dscd.msk.f32 $0xffff, v15, v15  }
0xde: {  	(xrf1) =	vsort.dscd.msk.f32 $0xffff, v17, v17  }
0xdf: {  	(xrf1) =	vsort.dscd.msk.f32 $0xffff, v18, v18;
	_ =	sdelay $0xa  }
0xe0: {  	v15, _, _ =	vpop (xrf1)  }
0xe1: {  	v16, _, _ =	vpop (xrf1)  }
0xe2: {  	v17, _, _ =	vpop (xrf1)  }
0xe3: {  	v18, _, _ =	vpop (xrf1)  }
0xe4: {  	v18 =	vperm.xlane v18, v1;
	_ =	sdelay $0x1  }
0xe5: {  	v19 =	vmax.f32 v17, v18  }
0xe6: {  	v17 =	vmin.f32 v17, v18;
	(xrf1) =	vsort.dscd.msk.f32 $0xffff, v19, v19  }
0xe7: {  	(xrf1) =	vsort.dscd.msk.f32 $0xffff, v17, v17;
	_ =	sdelay $0xc  }
0xe8: {  	v17, _, _ =	vpop (xrf1)  }
0xe9: {  	v18, _, _ =	vpop (xrf1)  }
0xea: {  	v17 =	vperm.xlane v17, v1;
	v18 =	vperm.xlane v18, v1;
	_ =	sdelay $0x1  }
0xeb: {  	v20 =	vmax.f32 v16, v17;
	v19 =	vmax.f32 v15, v18  }
0xec: {  	v21 =	vld [tilespmem:$0x80C0];
	v15 =	vmin.f32 v15, v18;
	v18 =	vmax.f32 v19, v20  }
0xed: {  	v22 =	vld [tilespmem:$0x80D0];
	v16 =	vmin.f32 v16, v17;
	v17 =	vmin.f32 v19, v20;
	(xrf1) =	vsort.dscd.msk.f32 $0xffff, v18, v18  }
0xee: {  	(xrf1) =	vsort.dscd.msk.f32 $0xffff, v17, v17;
	v17 =	vmax.f32 v15, v16  }
0xef: {  	v15 =	vmin.f32 v15, v16;
	(xrf1) =	vsort.dscd.msk.f32 $0xffff, v17, v17  }
0xf0: {  	(xrf1) =	vsort.dscd.msk.f32 $0xffff, v15, v15  }
0xf1: {  	(xrf1) =	vsort.dscd.msk.f32 $0xffff, v21, v21  }
0xf2: {  	(xrf1) =	vsort.dscd.msk.f32 $0xffff, v22, v22;
	_ =	sdelay $0x8  }
0xf3: {  	v15, _, _ =	vpop (xrf1)  }
0xf4: {  	v16, _, _ =	vpop (xrf1)  }
0xf5: {  	v17, _, _ =	vpop (xrf1)  }
0xf6: {  	v18, _, _ =	vpop (xrf1)  }
0xf7: {  	v19, _, _ =	vpop (xrf1)  }
0xf8: {  	v20, _, _ =	vpop (xrf1)  }
0xf9: {  	v21 =	vld [tilespmem:$0x80E0];
	v20 =	vperm.xlane v20, v1  }
0xfa: {  	v22 =	vld [tilespmem:$0x80F0]  }
0xfb: {  	v23 =	vmax.f32 v19, v20  }
0xfc: {  	v19 =	vmin.f32 v19, v20;
	(xrf1) =	vsort.dscd.msk.f32 $0xffff, v23, v23  }
0xfd: {  	(xrf1) =	vsort.dscd.msk.f32 $0xffff, v19, v19  }
0xfe: {  	(xrf1) =	vsort.dscd.msk.f32 $0xffff, v21, v21  }
0xff: {  	(xrf1) =	vsort.dscd.msk.f32 $0xffff, v22, v22;
	_ =	sdelay $0xa  }
0x100: {  	v19, _, _ =	vpop (xrf1)  }
0x101: {  	v20, _, _ =	vpop (xrf1)  }
0x102: {  	v21, _, _ =	vpop (xrf1)  }
0x103: {  	v22, _, _ =	vpop (xrf1)  }
0x104: {  	v22 =	vperm.xlane v22, v1;
	_ =	sdelay $0x1  }
0x105: {  	v23 =	vmax.f32 v21, v22  }
0x106: {  	v21 =	vmin.f32 v21, v22;
	(xrf1) =	vsort.dscd.msk.f32 $0xffff, v23, v23  }
0x107: {  	(xrf1) =	vsort.dscd.msk.f32 $0xffff, v21, v21;
	_ =	sdelay $0xc  }
0x108: {  	v21, _, _ =	vpop (xrf1)  }
0x109: {  	v22, _, _ =	vpop (xrf1)  }
0x10a: {  	v21 =	vperm.xlane v21, v1;
	v22 =	vperm.xlane v22, v1;
	_ =	sdelay $0x1  }
0x10b: {  	v24 =	vmax.f32 v20, v21;
	v23 =	vmax.f32 v19, v22  }
0x10c: {  	v19 =	vmin.f32 v19, v22;
	v22 =	vmax.f32 v23, v24  }
0x10d: {  	v20 =	vmin.f32 v20, v21;
	v21 =	vmin.f32 v23, v24;
	(xrf1) =	vsort.dscd.msk.f32 $0xffff, v22, v22  }
0x10e: {  	(xrf1) =	vsort.dscd.msk.f32 $0xffff, v21, v21;
	v21 =	vmax.f32 v19, v20  }
0x10f: {  	v19 =	vmin.f32 v19, v20;
	(xrf1) =	vsort.dscd.msk.f32 $0xffff, v21, v21  }
0x110: {  	(xrf1) =	vsort.dscd.msk.f32 $0xffff, v19, v19;
	_ =	sdelay $0xa  }
0x111: {  	v19, _, _ =	vpop (xrf1)  }
0x112: {  	v20, _, _ =	vpop (xrf1)  }
0x113: {  	v21, _, _ =	vpop (xrf1)  }
0x114: {  	v22, _, _ =	vpop (xrf1)  }
0x115: {  	v19 =	vperm.xlane v19, v1;
	v22 =	vperm.xlane v22, v1  }
0x116: {  	v20 =	vperm.xlane v20, v1;
	v21 =	vperm.xlane v21, v1  }
0x117: {  	v60 =	vmax.f32 v18, v19;
	v23 =	vmax.f32 v15, v22;
	v15 =	vmin.f32 v15, v22  }
0x118: {  	v22 =	vmax.f32 v16, v21;
	v16 =	vmin.f32 v16, v21;
	v21 =	vmax.f32 v17, v20  }
0x119: {  	v17 =	vmin.f32 v17, v20;
	v20 =	vmax.f32 v23, v21;
	v25 =	vmax.f32 v22, v60  }
0x11a: {  	v18 =	vmin.f32 v18, v19;
	v19 =	vmin.f32 v23, v21;
	v21 =	vmax.f32 v20, v25  }
0x11b: {  	v22 =	vmin.f32 v22, v60;
	v20 =	vmin.f32 v20, v25;
	(xrf1) =	vsort.dscd.msk.f32 $0xffff, v21, v21  }
0x11c: {  	v21 =	vmax.f32 v16, v18;
	(xrf1) =	vsort.dscd.msk.f32 $0xffff, v20, v20;
	v20 =	vmax.f32 v19, v22  }
0x11d: {  	v19 =	vmin.f32 v19, v22;
	(xrf1) =	vsort.dscd.msk.f32 $0xffff, v20, v20;
	v20 =	vmax.f32 v15, v17  }
0x11e: {  	v22 =	vld [tilespmem:$0x8100];
	v15 =	vmin.f32 v15, v17;
	(xrf1) =	vsort.dscd.msk.f32 $0xffff, v19, v19;
	v17 =	vmax.f32 v20, v21  }
0x11f: {  	v16 =	vmin.f32 v16, v18;
	v19 =	vld [tilespmem:$0x8110];
	v18 =	vmin.f32 v20, v21;
	(xrf1) =	vsort.dscd.msk.f32 $0xffff, v17, v17  }
0x120: {  	v17 =	vmax.f32 v15, v16;
	(xrf1) =	vsort.dscd.msk.f32 $0xffff, v18, v18  }
0x121: {  	v15 =	vmin.f32 v15, v16;
	(xrf1) =	vsort.dscd.msk.f32 $0xffff, v17, v17  }
0x122: {  	(xrf1) =	vsort.dscd.msk.f32 $0xffff, v15, v15  }
0x123: {  	(xrf1) =	vsort.dscd.msk.f32 $0xffff, v22, v22  }
0x124: {  	(xrf1) =	vsort.dscd.msk.f32 $0xffff, v19, v19;
	_ =	sdelay $0x4  }
0x125: {  	v15, _, _ =	vpop (xrf1)  }
0x126: {  	v16, _, _ =	vpop (xrf1)  }
0x127: {  	v17, _, _ =	vpop (xrf1)  }
0x128: {  	v18, _, _ =	vpop (xrf1)  }
0x129: {  	v19, _, _ =	vpop (xrf1)  }
0x12a: {  	v20, _, _ =	vpop (xrf1)  }
0x12b: {  	v21, _, _ =	vpop (xrf1)  }
0x12c: {  	v22, _, _ =	vpop (xrf1)  }
0x12d: {  	v23, _, _ =	vpop (xrf1)  }
0x12e: {  	v61, _, _ =	vpop (xrf1)  }
0x12f: {  	v62 =	vld [tilespmem:$0x8120];
	v24 =	vperm.xlane v61, v1  }
0x130: {  	v26 =	vld [tilespmem:$0x8130]  }
0x131: {  	v27 =	vmax.f32 v23, v24  }
0x132: {  	v23 =	vmin.f32 v23, v24;
	(xrf1) =	vsort.dscd.msk.f32 $0xffff, v27, v27  }
0x133: {  	(xrf1) =	vsort.dscd.msk.f32 $0xffff, v23, v23  }
0x134: {  	(xrf1) =	vsort.dscd.msk.f32 $0xffff, v62, v62  }
0x135: {  	(xrf1) =	vsort.dscd.msk.f32 $0xffff, v26, v26;
	_ =	sdelay $0xa  }
0x136: {  	v23, _, _ =	vpop (xrf1)  }
0x137: {  	v63, _, _ =	vpop (xrf1)  }
0x138: {  	v25, _, _ =	vpop (xrf1)  }
0x139: {  	v26, _, _ =	vpop (xrf1)  }
0x13a: {  	v26 =	vperm.xlane v26, v1;
	_ =	sdelay $0x1  }
0x13b: {  	v32 =	vmax.f32 v25, v26  }
0x13c: {  	v25 =	vmin.f32 v25, v26;
	(xrf1) =	vsort.dscd.msk.f32 $0xffff, v32, v32  }
0x13d: {  	(xrf1) =	vsort.dscd.msk.f32 $0xffff, v25, v25;
	_ =	sdelay $0xc  }
0x13e: {  	v33, _, _ =	vpop (xrf1)  }
0x13f: {  	v34, _, _ =	vpop (xrf1)  }
0x140: {  	v25 =	vperm.xlane v33, v1;
	v26 =	vperm.xlane v34, v1;
	_ =	sdelay $0x1  }
0x141: {  	v28 =	vmax.f32 v63, v25;
	v35 =	vmax.f32 v23, v26  }
0x142: {  	v29 =	vld [tilespmem:$0x8140];
	v24 =	vmin.f32 v63, v25;
	v36 =	vmax.f32 v35, v28  }
0x143: {  	v30 =	vld [tilespmem:$0x8150];
	v23 =	vmin.f32 v23, v26;
	v37 =	vmin.f32 v35, v28;
	(xrf1) =	vsort.dscd.msk.f32 $0xffff, v36, v36  }
0x144: {  	v38 =	vmax.f32 v23, v24;
	(xrf1) =	vsort.dscd.msk.f32 $0xffff, v37, v37  }
0x145: {  	v23 =	vmin.f32 v23, v24;
	(xrf1) =	vsort.dscd.msk.f32 $0xffff, v38, v38  }
0x146: {  	(xrf1) =	vsort.dscd.msk.f32 $0xffff, v23, v23  }
0x147: {  	(xrf1) =	vsort.dscd.msk.f32 $0xffff, v29, v29  }
0x148: {  	(xrf1) =	vsort.dscd.msk.f32 $0xffff, v30, v30;
	_ =	sdelay $0x8  }
0x149: {  	v23, _, _ =	vpop (xrf1)  }
0x14a: {  	v39, _, _ =	vpop (xrf1)  }
0x14b: {  	v25, _, _ =	vpop (xrf1)  }
0x14c: {  	v40, _, _ =	vpop (xrf1)  }
0x14d: {  	v41, _, _ =	vpop (xrf1)  }
0x14e: {  	v42, _, _ =	vpop (xrf1)  }
0x14f: {  	v43 =	vld [tilespmem:$0x8160];
	v28 =	vperm.xlane v42, v1  }
0x150: {  	v44 =	vld [tilespmem:$0x8170]  }
0x151: {  	v31 =	vmax.f32 v41, v28  }
0x152: {  	v27 =	vmin.f32 v41, v28;
	(xrf1) =	vsort.dscd.msk.f32 $0xffff, v31, v31  }
0x153: {  	(xrf1) =	vsort.dscd.msk.f32 $0xffff, v27, v27  }
0x154: {  	(xrf1) =	vsort.dscd.msk.f32 $0xffff, v43, v43  }
0x155: {  	(xrf1) =	vsort.dscd.msk.f32 $0xffff, v44, v44;
	_ =	sdelay $0xa  }
0x156: {  	v45, _, _ =	vpop (xrf1)  }
0x157: {  	v46, _, _ =	vpop (xrf1)  }
0x158: {  	v29, _, _ =	vpop (xrf1)  }
0x159: {  	v30, _, _ =	vpop (xrf1)  }
0x15a: {  	v30 =	vperm.xlane v30, v1;
	_ =	sdelay $0x1  }
0x15b: {  	v47 =	vmax.f32 v29, v30  }
0x15c: {  	v29 =	vmin.f32 v29, v30;
	(xrf1) =	vsort.dscd.msk.f32 $0xffff, v47, v47  }
0x15d: {  	(xrf1) =	vsort.dscd.msk.f32 $0xffff, v29, v29;
	_ =	sdelay $0xc  }
0x15e: {  	v48, _, _ =	vpop (xrf1)  }
0x15f: {  	v49, _, _ =	vpop (xrf1)  }
0x160: {  	v29 =	vperm.xlane v48, v1;
	v30 =	vperm.xlane v49, v1;
	_ =	sdelay $0x1  }
0x161: {  	v32 =	vmax.f32 v46, v29;
	v50 =	vmax.f32 v45, v30  }
0x162: {  	v28 =	vmin.f32 v46, v29;
	v51 =	vmax.f32 v50, v32  }
0x163: {  	v27 =	vmin.f32 v45, v30;
	v52 =	vmin.f32 v50, v32;
	(xrf1) =	vsort.dscd.msk.f32 $0xffff, v51, v51  }
0x164: {  	v53 =	vmax.f32 v27, v28;
	(xrf1) =	vsort.dscd.msk.f32 $0xffff, v52, v52  }
0x165: {  	v27 =	vmin.f32 v27, v28;
	(xrf1) =	vsort.dscd.msk.f32 $0xffff, v53, v53  }
0x166: {  	(xrf1) =	vsort.dscd.msk.f32 $0xffff, v27, v27;
	_ =	sdelay $0xa  }
0x167: {  	v54, _, _ =	vpop (xrf1)  }
0x168: {  	v55, _, _ =	vpop (xrf1)  }
0x169: {  	v29, _, _ =	vpop (xrf1)  }
0x16a: {  	v27 =	vperm.xlane v54, v1;
	v28 =	vperm.xlane v55, v1;
	v56, _, _ =	vpop (xrf1)  }
0x16b: {  	v29 =	vperm.xlane v29, v1;
	v30 =	vperm.xlane v56, v1  }
0x16c: {  	v60 =	vmax.f32 v40, v27;
	v26 =	vmin.f32 v40, v27;
	v59 =	vmax.f32 v25, v28  }
0x16d: {  	v25 =	vmin.f32 v25, v28;
	v58 =	vmax.f32 v39, v29;
	v57 =	vmax.f32 v23, v30  }
0x16e: {  	v24 =	vmin.f32 v39, v29;
	v33 =	vmax.f32 v58, v60;
	v61 =	vmax.f32 v57, v59  }
0x16f: {  	v23 =	vmin.f32 v23, v30;
	v30 =	vmin.f32 v58, v60;
	v63 =	vmax.f32 v61, v33  }
0x170: {  	v62 =	vmin.f32 v57, v59;
	v28 =	vmin.f32 v61, v33;
	(xrf1) =	vsort.dscd.msk.f32 $0xffff, v63, v63  }
0x171: {  	v36 =	vmax.f32 v24, v26;
	v34 =	vmax.f32 v62, v30;
	(xrf1) =	vsort.dscd.msk.f32 $0xffff, v28, v28  }
0x172: {  	v35 =	vmax.f32 v23, v25;
	v27 =	vmin.f32 v62, v30;
	(xrf1) =	vsort.dscd.msk.f32 $0xffff, v34, v34  }
0x173: {  	v37 =	vld [tilespmem:$0x8180];
	v24 =	vmin.f32 v24, v26;
	v38 =	vmax.f32 v35, v36;
	(xrf1) =	vsort.dscd.msk.f32 $0xffff, v27, v27  }
0x174: {  	v39 =	vld [tilespmem:$0x8190];
	v23 =	vmin.f32 v23, v25;
	v40 =	vmin.f32 v35, v36;
	(xrf1) =	vsort.dscd.msk.f32 $0xffff, v38, v38  }
0x175: {  	v41 =	vmax.f32 v23, v24;
	(xrf1) =	vsort.dscd.msk.f32 $0xffff, v40, v40  }
0x176: {  	v23 =	vmin.f32 v23, v24;
	(xrf1) =	vsort.dscd.msk.f32 $0xffff, v41, v41  }
0x177: {  	(xrf1) =	vsort.dscd.msk.f32 $0xffff, v23, v23  }
0x178: {  	(xrf1) =	vsort.dscd.msk.f32 $0xffff, v37, v37  }
0x179: {  	(xrf1) =	vsort.dscd.msk.f32 $0xffff, v39, v39;
	_ =	sdelay $0x4  }
0x17a: {  	v30, _, _ =	vpop (xrf1)  }
0x17b: {  	v29, _, _ =	vpop (xrf1)  }
0x17c: {  	v23, _, _ =	vpop (xrf1)  }
0x17d: {  	v24, _, _ =	vpop (xrf1)  }
0x17e: {  	v25, _, _ =	vpop (xrf1)  }
0x17f: {  	v26, _, _ =	vpop (xrf1)  }
0x180: {  	v27, _, _ =	vpop (xrf1)  }
0x181: {  	v28, _, _ =	vpop (xrf1)  }
0x182: {  	v42, _, _ =	vpop (xrf1)  }
0x183: {  	v43, _, _ =	vpop (xrf1)  }
0x184: {  	v44 =	vld [tilespmem:$0x81A0];
	v32 =	vperm.xlane v43, v1  }
0x185: {  	v34 =	vld [tilespmem:$0x81B0]  }
0x186: {  	v35 =	vmax.f32 v42, v32  }
0x187: {  	v31 =	vmin.f32 v42, v32;
	(xrf1) =	vsort.dscd.msk.f32 $0xffff, v35, v35  }
0x188: {  	(xrf1) =	vsort.dscd.msk.f32 $0xffff, v31, v31  }
0x189: {  	(xrf1) =	vsort.dscd.msk.f32 $0xffff, v44, v44  }
0x18a: {  	(xrf1) =	vsort.dscd.msk.f32 $0xffff, v34, v34;
	_ =	sdelay $0xa  }
0x18b: {  	v45, _, _ =	vpop (xrf1)  }
0x18c: {  	v46, _, _ =	vpop (xrf1)  }
0x18d: {  	v33, _, _ =	vpop (xrf1)  }
0x18e: {  	v34, _, _ =	vpop (xrf1)  }
0x18f: {  	v34 =	vperm.xlane v34, v1;
	_ =	sdelay $0x1  }
0x190: {  	v47 =	vmax.f32 v33, v34  }
0x191: {  	v33 =	vmin.f32 v33, v34;
	(xrf1) =	vsort.dscd.msk.f32 $0xffff, v47, v47  }
0x192: {  	(xrf1) =	vsort.dscd.msk.f32 $0xffff, v33, v33;
	_ =	sdelay $0xc  }
0x193: {  	v48, _, _ =	vpop (xrf1)  }
0x194: {  	v49, _, _ =	vpop (xrf1)  }
0x195: {  	v33 =	vperm.xlane v48, v1;
	v34 =	vperm.xlane v49, v1;
	_ =	sdelay $0x1  }
0x196: {  	v36 =	vmax.f32 v46, v33;
	v50 =	vmax.f32 v45, v34  }
0x197: {  	v37 =	vld [tilespmem:$0x81C0];
	v32 =	vmin.f32 v46, v33;
	v51 =	vmax.f32 v50, v36  }
0x198: {  	v38 =	vld [tilespmem:$0x81D0];
	v31 =	vmin.f32 v45, v34;
	v52 =	vmin.f32 v50, v36;
	(xrf1) =	vsort.dscd.msk.f32 $0xffff, v51, v51  }
0x199: {  	v53 =	vmax.f32 v31, v32;
	(xrf1) =	vsort.dscd.msk.f32 $0xffff, v52, v52  }
0x19a: {  	v31 =	vmin.f32 v31, v32;
	(xrf1) =	vsort.dscd.msk.f32 $0xffff, v53, v53  }
0x19b: {  	(xrf1) =	vsort.dscd.msk.f32 $0xffff, v31, v31  }
0x19c: {  	(xrf1) =	vsort.dscd.msk.f32 $0xffff, v37, v37  }
0x19d: {  	(xrf1) =	vsort.dscd.msk.f32 $0xffff, v38, v38;
	_ =	sdelay $0x8  }
0x19e: {  	v54, _, _ =	vpop (xrf1)  }
0x19f: {  	v55, _, _ =	vpop (xrf1)  }
0x1a0: {  	v33, _, _ =	vpop (xrf1)  }
0x1a1: {  	v56, _, _ =	vpop (xrf1)  }
0x1a2: {  	v57, _, _ =	vpop (xrf1)  }
0x1a3: {  	v58, _, _ =	vpop (xrf1)  }
0x1a4: {  	v59 =	vld [tilespmem:$0x81E0];
	v36 =	vperm.xlane v58, v1  }
0x1a5: {  	v60 =	vld [tilespmem:$0x81F0]  }
0x1a6: {  	v39 =	vmax.f32 v57, v36  }
0x1a7: {  	v35 =	vmin.f32 v57, v36;
	(xrf1) =	vsort.dscd.msk.f32 $0xffff, v39, v39  }
0x1a8: {  	(xrf1) =	vsort.dscd.msk.f32 $0xffff, v35, v35  }
0x1a9: {  	(xrf1) =	vsort.dscd.msk.f32 $0xffff, v59, v59  }
0x1aa: {  	(xrf1) =	vsort.dscd.msk.f32 $0xffff, v60, v60;
	_ =	sdelay $0xa  }
0x1ab: {  	v61, _, _ =	vpop (xrf1)  }
0x1ac: {  	v62, _, _ =	vpop (xrf1)  }
0x1ad: {  	v37, _, _ =	vpop (xrf1)  }
0x1ae: {  	v38, _, _ =	vpop (xrf1)  }
0x1af: {  	v38 =	vperm.xlane v38, v1;
	_ =	sdelay $0x1  }
0x1b0: {  	v63 =	vmax.f32 v37, v38  }
0x1b1: {  	v37 =	vmin.f32 v37, v38;
	(xrf1) =	vsort.dscd.msk.f32 $0xffff, v63, v63  }
0x1b2: {  	(xrf1) =	vsort.dscd.msk.f32 $0xffff, v37, v37;
	_ =	sdelay $0xc  }
0x1b3: {  	v42, _, _ =	vpop (xrf1)  }
0x1b4: {  	v43, _, _ =	vpop (xrf1)  }
0x1b5: {  	v37 =	vperm.xlane v42, v1;
	v38 =	vperm.xlane v43, v1;
	_ =	sdelay $0x1  }
0x1b6: {  	v40 =	vmax.f32 v62, v37;
	v44 =	vmax.f32 v61, v38  }
0x1b7: {  	v36 =	vmin.f32 v62, v37;
	v45 =	vmax.f32 v44, v40  }
0x1b8: {  	v35 =	vmin.f32 v61, v38;
	v46 =	vmin.f32 v44, v40;
	(xrf1) =	vsort.dscd.msk.f32 $0xffff, v45, v45  }
0x1b9: {  	v47 =	vmax.f32 v35, v36;
	(xrf1) =	vsort.dscd.msk.f32 $0xffff, v46, v46  }
0x1ba: {  	v35 =	vmin.f32 v35, v36;
	(xrf1) =	vsort.dscd.msk.f32 $0xffff, v47, v47  }
0x1bb: {  	(xrf1) =	vsort.dscd.msk.f32 $0xffff, v35, v35;
	_ =	sdelay $0xa  }
0x1bc: {  	v15 =	vperm.xlane v15, v1;
	v16 =	vperm.xlane v16, v1;
	v48, _, _ =	vpop (xrf1)  }
0x1bd: {  	v17 =	vperm.xlane v17, v1;
	v18 =	vperm.xlane v18, v1;
	v49, _, _ =	vpop (xrf1)  }
0x1be: {  	v12 =	vmax.f32 v12, v15;
	v19 =	vperm.xlane v19, v1;
	v35 =	vperm.xlane v48, v1;
	v37, _, _ =	vpop (xrf1)  }
0x1bf: {  	v11 =	vmax.f32 v11, v16;
	v36 =	vperm.xlane v49, v1;
	v50, _, _ =	vpop (xrf1);
	v37 =	vperm.xlane v37, v1  }
0x1c0: {  	v10 =	vmax.f32 v10, v17;
	v20 =	vperm.xlane v20, v1;
	v38 =	vperm.xlane v50, v1  }
0x1c1: {  	v34 =	vmin.f32 v56, v35;
	v53 =	vmax.f32 v33, v36;
	v52 =	vmax.f32 v55, v37  }
0x1c2: {  	v51 =	vmax.f32 v54, v38;
	v31 =	vmin.f32 v54, v38;
	v54 =	vmax.f32 v56, v35  }
0x1c3: {  	v32 =	vmin.f32 v55, v37;
	v55 =	vmax.f32 v51, v53;
	v41 =	vmax.f32 v52, v54  }
0x1c4: {  	v33 =	vmin.f32 v33, v36;
	v56 =	vmin.f32 v51, v53;
	v57 =	vmax.f32 v55, v41  }
0x1c5: {  	v38 =	vmin.f32 v52, v54;
	v36 =	vmin.f32 v55, v41;
	(xrf1) =	vsort.dscd.msk.f32 $0xffff, v57, v57  }
0x1c6: {  	v60 =	vmax.f32 v32, v34;
	v58 =	vmax.f32 v56, v38;
	(xrf1) =	vsort.dscd.msk.f32 $0xffff, v36, v36  }
0x1c7: {  	v59 =	vmax.f32 v31, v33;
	v35 =	vmin.f32 v56, v38;
	(xrf1) =	vsort.dscd.msk.f32 $0xffff, v58, v58  }
0x1c8: {  	v32 =	vmin.f32 v32, v34;
	v61 =	vmax.f32 v59, v60;
	(xrf1) =	vsort.dscd.msk.f32 $0xffff, v35, v35  }
0x1c9: {  	v31 =	vmin.f32 v31, v33;
	v62 =	vmin.f32 v59, v60;
	(xrf1) =	vsort.dscd.msk.f32 $0xffff, v61, v61  }
0x1ca: {  	v9 =	vmax.f32 v9, v18;
	v63 =	vmax.f32 v31, v32;
	(xrf1) =	vsort.dscd.msk.f32 $0xffff, v62, v62  }
0x1cb: {  	v22 =	vperm.xlane v22, v1;
	v31 =	vmin.f32 v31, v32;
	(xrf1) =	vsort.dscd.msk.f32 $0xffff, v63, v63  }
0x1cc: {  	v21 =	vperm.xlane v21, v1;
	v8 =	vmax.f32 v8, v19;
	(xrf1) =	vsort.dscd.msk.f32 $0xffff, v31, v31  }
0x1cd: {  	v7 =	vmax.f32 v7, v20;
	v16 =	vmax.f32 v8, v12;
	v14 =	vmax.f32 v14, v22  }
0x1ce: {  	v13 =	vmax.f32 v13, v21;
	v15 =	vmax.f32 v14, v9;
	v9 =	vmin.f32 v14, v9  }
0x1cf: {  	v14 =	vmax.f32 v13, v10;
	v10 =	vmin.f32 v13, v10;
	v13 =	vmax.f32 v7, v11  }
0x1d0: {  	v7 =	vmin.f32 v7, v11;
	v11 =	vmax.f32 v15, v13;
	v18 =	vmax.f32 v14, v16  }
0x1d1: {  	v8 =	vmin.f32 v8, v12;
	v12 =	vmin.f32 v15, v13;
	v13 =	vmax.f32 v11, v18  }
0x1d2: {  	v14 =	vmin.f32 v14, v16;
	v11 =	vmin.f32 v11, v18;
	(xrf1) =	vsort.dscd.msk.f32 $0xffff, v13, v13  }
0x1d3: {  	v16 =	vmax.f32 v10, v8;
	(xrf1) =	vsort.dscd.msk.f32 $0xffff, v11, v11;
	v11 =	vmax.f32 v12, v14;
	v17, _, _ =	vpop (xrf1)  }
0x1d4: {  	v12 =	vmin.f32 v12, v14;
	(xrf1) =	vsort.dscd.msk.f32 $0xffff, v11, v11;
	v11 =	vmax.f32 v9, v7;
	v19, _, _ =	vpop (xrf1)  }
0x1d5: {  	v7 =	vmin.f32 v9, v7;
	(xrf1) =	vsort.dscd.msk.f32 $0xffff, v12, v12;
	v9 =	vmax.f32 v11, v16;
	v15, _, _ =	vpop (xrf1)  }
0x1d6: {  	v8 =	vmin.f32 v10, v8;
	v10 =	vmin.f32 v11, v16;
	(xrf1) =	vsort.dscd.msk.f32 $0xffff, v9, v9;
	v13, _, _ =	vpop (xrf1)  }
0x1d7: {  	(xrf1) =	vsort.dscd.msk.f32 $0xffff, v10, v10;
	v10 =	vmax.f32 v7, v8;
	v7 =	vmin.f32 v7, v8;
	v14, _, _ =	vpop (xrf1)  }
0x1d8: {  	(xrf1) =	vsort.dscd.msk.f32 $0xffff, v10, v10;
	v11 =	vperm.xlane v13, v1;
	v13 =	vperm.xlane v19, v1;
	v18, _, _ =	vpop (xrf1)  }
0x1d9: {  	(xrf1) =	vsort.dscd.msk.f32 $0xffff, v7, v7;
	v10 =	vperm.xlane v14, v1;
	v14 =	vperm.xlane v17, v1;
	v12, _, _ =	vpop (xrf1)  }
0x1da: {  	v7 =	vperm.xlane v18, v1;
	v11 =	vmax.f32 v25, v11;
	v13 =	vmax.f32 v27, v13;
	v9, _, _ =	vpop (xrf1)  }
0x1db: {  	v10 =	vmax.f32 v24, v10;
	v8 =	vperm.xlane v9, v1;
	v9 =	vperm.xlane v12, v1  }
0x1dc: {  	v14 =	vmax.f32 v28, v14;
	v12 =	vperm.xlane v15, v1;
	v7 =	vmax.f32 v23, v7  }
0x1dd: {  	v16 =	vmax.f32 v10, v14;
	v8 =	vmax.f32 v30, v8;
	v9 =	vmax.f32 v29, v9  }
0x1de: {  	v12 =	vmax.f32 v26, v12;
	v15 =	vmax.f32 v8, v11;
	v8 =	vmin.f32 v8, v11  }
0x1df: {  	v11 =	vmax.f32 v9, v12;
	v9 =	vmin.f32 v9, v12;
	v12 =	vmax.f32 v7, v13  }
0x1e0: {  	v7 =	vmin.f32 v7, v13;
	v13 =	vmax.f32 v15, v12;
	v17 =	vmax.f32 v11, v16  }
0x1e1: {  	v10 =	vmin.f32 v10, v14;
	v12 =	vmin.f32 v15, v12;
	v14 =	vmax.f32 v13, v17  }
0x1e2: {  	v11 =	vmin.f32 v11, v16;
	v13 =	vmin.f32 v13, v17;
	(xrf1) =	vsort.dscd.msk.f32 $0xffff, v14, v14  }
0x1e3: {  	(xrf1) =	vsort.dscd.msk.f32 $0xffff, v13, v13;
	v13 =	vmax.f32 v12, v11  }
0x1e4: {  	v11 =	vmin.f32 v12, v11;
	v12 =	vmax.f32 v8, v7;
	v7 =	vmin.f32 v8, v7  }
0x1e5: {  	(xrf1) =	vsort.dscd.msk.f32 $0xffff, v13, v13;
	v13 =	vmax.f32 v9, v10;
	v9 =	vmin.f32 v9, v10  }
0x1e6: {  	(xrf1) =	vsort.dscd.msk.f32 $0xffff, v11, v11;
	v8 =	vmax.f32 v12, v13;
	v10 =	vmin.f32 v12, v13  }
0x1e7: {  	(xrf1) =	vsort.dscd.msk.f32 $0xffff, v8, v8;
	v8 =	vmax.f32 v7, v9  }
0x1e8: {  	v7 =	vmin.f32 v7, v9;
	(xrf1) =	vsort.dscd.msk.f32 $0xffff, v10, v10  }
0x1e9: {  	v10, _, _ =	vpop (xrf1);
	(xrf1) =	vsort.dscd.msk.f32 $0xffff, v8, v8  }
0x1ea: {  	v8, _, _ =	vpop (xrf1);
	(xrf1) =	vsort.dscd.msk.f32 $0xffff, v7, v7  }
0x1eb: {  	v7, _, _ =	vpop (xrf1)  }
0x1ec: {  	v9, _, _ =	vpop (xrf1)  }
0x1ed: {  	v11, _, _ =	vpop (xrf1)  }
0x1ee: {  	v12, _, _ =	vpop (xrf1)  }
0x1ef: {  	v13, _, _ =	vpop (xrf1)  }
0x1f0: {  	v14, _, _ =	vpop (xrf1)  }
0x1f1: {  	v15, _, _ =	vpop (xrf1)  }
0x1f2: {  	v16, _, _ =	vpop (xrf1)  }
0x1f3: {  	v17, _, _ =	vpop (xrf1)  }
0x1f4: {  	v18, _, _ =	vpop (xrf1)  }
0x1f5: {  	v15 =	vperm.xlane v15, v1;
	v19, _, _ =	vpop (xrf1)  }
0x1f6: {  	v16 =	vperm.xlane v16, v1;
	v20, _, _ =	vpop (xrf1)  }
0x1f7: {  	v17 =	vperm.xlane v17, v1;
	v14 =	vmax.f32 v14, v15;
	v18 =	vperm.xlane v18, v1;
	v21, _, _ =	vpop (xrf1)  }
0x1f8: {  	v13 =	vmax.f32 v13, v16;
	v19 =	vperm.xlane v19, v1;
	v20 =	vperm.xlane v20, v1;
	v22, _, _ =	vpop (xrf1)  }
0x1f9: {  	v12 =	vmax.f32 v12, v17;
	v21 =	vperm.xlane v21, v1;
	v22 =	vperm.xlane v22, v1  }
0x1fa: {  	v11 =	vmax.f32 v11, v18;
	v9 =	vmax.f32 v9, v19;
	v7 =	vmax.f32 v7, v20  }
0x1fb: {  	v9 =	vmin.f32 v9, v14;
	v8 =	vmax.f32 v8, v21;
	v10 =	vmax.f32 v10, v22  }
0x1fc: {  	v7 =	vmin.f32 v7, v13;
	v8 =	vmin.f32 v8, v12;
	v10 =	vmin.f32 v10, v11  }
0x1fd: {  	v8 =	vmin.f32 v8, v9;
	v7 =	vmin.f32 v10, v7  }
0x1fe: {  	v7 =	vmin.f32 v7, v8  }
0x1ff: {  	(xrf1) =	vsort.dscd.msk.f32 $0xffff, v7, v7;
	_ =	sdelay $0xb  }
0x200: {  	v8 =	vld [tilespmem:s17+$0xFFFFFFC0]  }
0x201: {  	v9 =	vld [tilespmem:s17+$0xFFFFFFD0]  }
0x202: {  	v10 =	vld [tilespmem:s17+$0xFFFFFFE0];
	v7, _, _ =	vpop (xrf1)  }
0x203: {  	v12 =	vld [tilespmem:s17+$0x0];
	v7 =	vperm.xlane v7, v2  }
0x204: {  	v11 =	vld [tilespmem:s17+$0xFFFFFFF0]  }
0x205: {  	vm6 =	vge.f32 v8, v7;
	v8 =	vld [tilespmem:s17+$0x10]  }
0x206: {  	vm5 =	vge.f32 v9, v7;
	v9 =	vld [tilespmem:s17+$0x20]  }
0x207: {  	s24 =	simm.s32 $0x0;
	vm3 =	vge.f32 v10, v7;
	v10 =	vld [tilespmem:s17+$0x30];
	v14 =	vmpcnt.ones.xlane vm6;
	(xrf0) =	vadd.scan.msk.s32 vm6, v3  }
0x208: {  	v15 =	vor.u32 s24, v0;
	v13 =	vimm.s32 $0xFFFFFFFF;
	v16 =	vmpcnt.ones.xlane vm5;
	(xrf0) =	vadd.scan.msk.s32 vm5, v3  }
0x209: {  	vm2 =	vge.f32 v11, v7;
	v17 =	vmpcnt.ones.xlane vm3;
	v14 =	vadd.s32 v13, v14;
	(xrf0) =	vadd.scan.msk.s32 vm3, v3  }
0x20a: {  	vm0 =	vge.f32 v12, v7;
	v11 =	vadd.s32 v14, v16;
	v16 =	vmpcnt.ones.xlane vm2;
	(xrf0) =	vadd.scan.msk.s32 vm2, v3  }
0x20b: {  	s25 =	simm.s32 $0x10;
	v12 =	vadd.s32 v11, v17;
	v17 =	vmpcnt.ones.xlane vm0;
	vm7 =	vge.f32 v8, v7;
	(xrf0) =	vadd.scan.msk.s32 vm0, v3  }
0x20c: {  	vm1 =	vge.f32 v9, v7;
	v9 =	vor.u32 s25, v0;
	vm4 =	vge.f32 v10, v7;
	(xrf0) =	vadd.scan.msk.s32 vm7, v3  }
0x20d: {  	v8 =	vadd.s32 v12, v16;
	v16 =	vmpcnt.ones.xlane vm7;
	v19 =	vmpcnt.ones.xlane vm4;
	v10, _, _ =	vpop (xrf0);
	(xrf0) =	vadd.scan.msk.s32 vm1, v3  }
0x20e: {  	v18 =	vmpcnt.ones.xlane vm1;
	v17 =	vadd.s32 v8, v17;
	v13 =	vadd.s32 v13, v10;
	v10, _, _ =	vpop (xrf0)  }
0x20f: {  	v16 =	vadd.s32 v17, v16;
	(xrf0) =	vadd.scan.msk.s32 vm4, v3;
	vm8 =	vlt.s32 v13, $0x10F;
	v14 =	vadd.s32 v14, v10;
	v10, _, _ =	vpop (xrf0)  }
0x210: {  	v18 =	vadd.s32 v16, v18;
	vm9 =	vlt.s32 v14, $0x10F;
	v11 =	vadd.s32 v11, v10;
	v20, _, _ =	vpop (xrf0)  }
0x211: {  	v10 =	vadd.s32 v18, v19;
	v13 =	vnsel vm8, $0x10F, v13;
	vm8 =	vlt.s32 v11, $0x10F;
	v19, _, _ =	vpop (xrf0)  }
0x212: {  	v12 =	vadd.s32 v12, v20;
	v14 =	vnsel vm9, $0x10F, v14;
	v8 =	vadd.s32 v8, v19;
	v19, _, _ =	vpop (xrf0)  }
0x213: {  	s20 =	sadd.s32 $0x200, s17;
	vm9 =	vlt.s32 v12, $0x10F;
	v20 =	vnsel vm8, $0x10F, v11;
	vm8 =	vlt.s32 v8, $0x10F;
	v11, _, _ =	vpop (xrf0)  }
0x214: {  	v17 =	vadd.s32 v17, v19;
	v12 =	vnsel vm9, $0x10F, v12;
	v19 =	vld [tilespmem:s20+$0xFFFFFFC0];
	v11 =	vadd.s32 v16, v11  }
0x215: {  	v23 =	vld [tilespmem:s20+$0x30];
	vm7 =	vmmov vm7;
	v16, _, _ =	vpop (xrf0);
	v21 =	vnsel vm8, $0x10F, v8;
	vm8 =	vlt.s32 v11, $0x10F  }
0x216: {  	s21 =	simm.s32 $0x20;
	s19 =	simm.s32 $0x80;
	vm9 =	vlt.s32 v17, $0x10F;
	v16 =	vadd.s32 v18, v16;
	v18 =	vld [tilespmem:s20+$0xFFFFFFD0];
	[tilespmem:v13+s11+$0x0] =	vst.idx.msk vm6, v15;
	v13 =	vnsel vm8, $0x10F, v11  }
0x217: {  	s26 =	simm.s32 $0x30;
	v8 =	vor.u32 s19, v0;
	v15 =	vld [tilespmem:s20+$0xFFFFFFE0];
	vm6 =	vlt.s32 v16, $0x10F;
	[tilespmem:v14+s11+$0x0] =	vst.idx.msk vm5, v9;
	v14 =	vor.u32 s21, v0  }
0x218: {  	s22 =	simm.s32 $0x90;
	s28 =	simm.s32 $0x40;
	v11 =	vnsel vm9, $0x10F, v17;
	v17 =	vld [tilespmem:s20+$0xFFFFFFF0];
	v16 =	vnsel vm6, $0x10F, v16;
	[tilespmem:v20+s11+$0x0] =	vst.idx.msk vm3, v14;
	v14 =	vor.u32 s26, v0  }
0x219: {  	s30 =	simm.s32 $0x60;
	v9 =	vor.u32 s22, v0;
	v20 =	vld [tilespmem:s20+$0x0];
	[tilespmem:v12+s11+$0x0] =	vst.idx.msk vm2, v14;
	v14 =	vor.u32 s28, v0;
	vm3 =	vge.f32 v19, v7  }
0x21a: {  	s31 =	simm.s32 $0x70;
	vm5 =	vge.f32 v23, v7;
	v19 =	vld [tilespmem:s20+$0x10];
	[tilespmem:v21+s11+$0x0] =	vst.idx.msk vm0, v14;
	v14 =	vor.u32 s30, v0;
	v22 =	vmpcnt.ones.xlane vm3  }
0x21b: {  	v21 =	vor.u32 s31, v0;
	(xrf0) =	vadd.scan.msk.s32 vm3, v3;
	vm2 =	vge.f32 v18, v7;
	v18 =	vld [tilespmem:s20+$0x20];
	[tilespmem:v13+s11+$0x0] =	vst.idx.msk vm1, v14  }
0x21c: {  	v13 =	vmpcnt.ones.xlane vm2;
	vm1 =	vge.f32 v15, v7;
	(xrf0) =	vadd.scan.msk.s32 vm2, v3;
	v15 =	vadd.s32 v10, v22  }
0x21d: {  	[tilespmem:v16+s11+$0x0] =	vst.idx.msk vm4, v21;
	v14 =	vmpcnt.ones.xlane vm1;
	vm4 =	vge.f32 v17, v7;
	(xrf0) =	vadd.scan.msk.s32 vm1, v3  }
0x21e: {  	vm0 =	vge.f32 v20, v7;
	v17 =	vadd.s32 v15, v13;
	v16 =	vmpcnt.ones.xlane vm4;
	(xrf0) =	vadd.scan.msk.s32 vm4, v3  }
0x21f: {  	vm8 =	vge.f32 v19, v7;
	v13 =	vadd.s32 v17, v14;
	v14 =	vmpcnt.ones.xlane vm0;
	(xrf0) =	vadd.scan.msk.s32 vm0, v3  }
0x220: {  	s29 =	simm.s32 $0x50;
	v19 =	vmpcnt.ones.xlane vm8;
	v16 =	vadd.s32 v13, v16;
	vm6 =	vge.f32 v18, v7;
	(xrf0) =	vadd.scan.msk.s32 vm8, v3  }
0x221: {  	s21 =	simm.s32 $0x8;
	s22 =	simm.s32 $0x80;
	v12 =	vor.u32 s29, v0;
	v20, _, _ =	vpop (xrf0);
	v14 =	vadd.s32 v16, v14;
	v18 =	vmpcnt.ones.xlane vm6;
	(xrf0) =	vadd.scan.msk.s32 vm6, v3  }
.LBB2_13:
0x222: {  	s21 =	sadd.s32 $0x8, s21;
	v20 =	vadd.s32 v10, v20;
	v19 =	vadd.s32 v14, v19;
	v10 =	vmpcnt.ones.xlane vm5;
	v21, _, _ =	vpop (xrf0);
	(xrf0) =	vadd.scan.msk.s32 vm5, v3  }
0x223: {  	p0 =	slt.u32 s21, $0x1F8;
	vm9 =	vlt.s32 v20, $0x10F;
	v15 =	vadd.s32 v15, v21;
	v18 =	vadd.s32 v19, v18;
	v21, _, _ =	vpop (xrf0);
	[tilespmem:v11+s11+$0x0] =	vst.idx.msk vm7, v12  }
0x224: {  	vm7 =	vlt.s32 v15, $0x10F;
	v11 =	vadd.s32 v17, v21;
	v10 =	vadd.s32 v18, v10;
	v12, _, _ =	vpop (xrf0)  }
0x225: {  	v17 =	vnsel vm9, $0x10F, v20;
	vm9 =	vlt.s32 v11, $0x10F;
	v12 =	vadd.s32 v13, v12;
	v13, _, _ =	vpop (xrf0)  }
0x226: {  	v15 =	vnsel vm7, $0x10F, v15;
	vm7 =	vlt.s32 v12, $0x10F;
	v13 =	vadd.s32 v16, v13;
	v16, _, _ =	vpop (xrf0)  }
0x227: {  	v20 =	vnsel vm9, $0x10F, v11;
	vm9 =	vlt.s32 v13, $0x10F;
	v11 =	vadd.s32 v14, v16;
	v14, _, _ =	vpop (xrf0)  }
0x228: {  	s20 =	sadd.s32 $0x200, s20;
	v12 =	vnsel vm7, $0x10F, v12;
	vm7 =	vlt.s32 v11, $0x10F;
	v14 =	vadd.s32 v19, v14;
	v16, _, _ =	vpop (xrf0)  }
0x229: {  	v13 =	vnsel vm9, $0x10F, v13;
	v19 =	vld [tilespmem:s20+$0xFFFFFFC0];
	vm9 =	vlt.s32 v14, $0x10F;
	v16 =	vadd.s32 v18, v16  }
0x22a: {  	s23 =	sadd.s32 $0x20, s19;
	s22 =	sadd.s32 $0x80, s22;
	v11 =	vnsel vm7, $0x10F, v11;
	v18 =	vld [tilespmem:s20+$0xFFFFFFD0];
	[tilespmem:v17+s11+$0x0] =	vst.idx.msk vm3, v8;
	v14 =	vnsel vm9, $0x10F, v14;
	vm3 =	vlt.s32 v16, $0x10F  }
0x22b: {  	s24 =	sadd.s32 $0x10, s22;
	v8 =	vor.u32 s22, v0;
	v17 =	vld [tilespmem:s20+$0xFFFFFFE0];
	[tilespmem:v15+s11+$0x0] =	vst.idx.msk vm2, v9;
	v15 =	vor.u32 s23, v0;
	s23 =	sadd.s32 $0x30, s19;
	v16 =	vnsel vm3, $0x10F, v16  }
0x22c: {  	vm7 =	vmmov vm8;
	v9 =	vor.u32 s24, v0;
	s24 =	sadd.s32 $0x50, s19;
	v21 =	vld [tilespmem:s20+$0xFFFFFFF0];
	[tilespmem:v20+s11+$0x0] =	vst.idx.msk vm1, v15;
	v15 =	vor.u32 s23, v0;
	s23 =	sadd.s32 $0x40, s19  }
0x22d: {  	v20 =	vld [tilespmem:s20+$0x0];
	[tilespmem:v12+s11+$0x0] =	vst.idx.msk vm4, v15;
	v15 =	vor.u32 s23, v0;
	v12 =	vor.u32 s24, v0;
	s23 =	sadd.s32 $0x60, s19;
	s24 =	sadd.s32 $0x70, s19;
	s19 =	smov.u32 s22  }
0x22e: {  	vm3 =	vge.f32 v19, v7;
	v19 =	vld [tilespmem:s20+$0x10];
	[tilespmem:v13+s11+$0x0] =	vst.idx.msk vm0, v15;
	v13 =	vor.u32 s23, v0;
	v15 =	vor.u32 s24, v0  }
0x22f: {  	v22 =	vmpcnt.ones.xlane vm3;
	vm2 =	vge.f32 v18, v7;
	v18 =	vld [tilespmem:s20+$0x20];
	(xrf0) =	vadd.scan.msk.s32 vm3, v3;
	[tilespmem:v14+s11+$0x0] =	vst.idx.msk vm6, v13  }
0x230: {  	v13 =	vmpcnt.ones.xlane vm2;
	vm1 =	vge.f32 v17, v7;
	v23 =	vld [tilespmem:s20+$0x30];
	(xrf0) =	vadd.scan.msk.s32 vm2, v3;
	[tilespmem:v16+s11+$0x0] =	vst.idx.msk vm5, v15  }
.Ltmp5:
0x231: {  	v15 =	vadd.s32 v10, v22;
	v14 =	vmpcnt.ones.xlane vm1;
	vm4 =	vge.f32 v21, v7;
	(xrf0) =	vadd.scan.msk.s32 vm1, v3;
	(pc) =	sbr.rel @p0 .LBB2_13-.Ltmp5, $4  }
0x232: {  	v17 =	vadd.s32 v15, v13;
	v16 =	vmpcnt.ones.xlane vm4;
	vm0 =	vge.f32 v20, v7;
	(xrf0) =	vadd.scan.msk.s32 vm4, v3  }
0x233: {  	v13 =	vadd.s32 v17, v14;
	v14 =	vmpcnt.ones.xlane vm0;
	vm8 =	vge.f32 v19, v7;
	(xrf0) =	vadd.scan.msk.s32 vm0, v3  }
0x234: {  	v16 =	vadd.s32 v13, v16;
	v19 =	vmpcnt.ones.xlane vm8;
	vm6 =	vge.f32 v18, v7;
	(xrf0) =	vadd.scan.msk.s32 vm8, v3  }
0x235: {  	v14 =	vadd.s32 v16, v14;
	v18 =	vmpcnt.ones.xlane vm6;
	vm5 =	vge.f32 v23, v7;
	v20, _, _ =	vpop (xrf0);
	(xrf0) =	vadd.scan.msk.s32 vm6, v3  }
0x236: {  	v35, _, _ =	vpop (xrf0);
	(xrf0) =	vadd.scan.msk.s32 vm5, v3  }
0x237: {  	v7 =	vadd.s32 v10, v20;
	v19 =	vadd.s32 v14, v19;
	v36, _, _ =	vpop (xrf0)  }
0x238: {  	vm9 =	vlt.s32 v7, $0x10F;
	v10 =	vadd.s32 v15, v35;
	v37 =	vadd.s32 v19, v18;
	v38, _, _ =	vpop (xrf0)  }
0x239: {  	v17 =	vadd.s32 v17, v36;
	vm10 =	vlt.s32 v10, $0x10F;
	v7 =	vnsel vm9, $0x10F, v7;
	v39, _, _ =	vpop (xrf0)  }
0x23a: {  	vm14 =	vlt.s32 v17, $0x10F;
	v13 =	vadd.s32 v13, v38;
	v10 =	vnsel vm10, $0x10F, v10;
	v40, _, _ =	vpop (xrf0)  }
0x23b: {  	v16 =	vadd.s32 v16, v39;
	vm15 =	vlt.s32 v13, $0x10F;
	v17 =	vnsel vm14, $0x10F, v17;
	v41, _, _ =	vpop (xrf0)  }
0x23c: {  	vm12 =	vlt.s32 v16, $0x10F;
	v13 =	vnsel vm15, $0x10F, v13;
	v43 =	vadd.s32 v19, v41;
	v44, _, _ =	vpop (xrf0)  }
0x23d: {  	[tilespmem:v11+s11+$0x0] =	vst.idx.msk vm7, v12;
	v45 =	vnsel vm12, $0x10F, v16;
	vm13 =	vlt.s32 v43, $0x10F;
	v46 =	vadd.s32 v37, v44  }
0x23e: {  	s20 =	sadd.s32 $0x20, s19;
	v42 =	vadd.s32 v14, v40;
	[tilespmem:v7+s11+$0x0] =	vst.idx.msk vm3, v8;
	v7 =	vnsel vm13, $0x10F, v43;
	vm15 =	vlt.s32 v46, $0x10F  }
0x23f: {  	s28 =	sadd.s32 $0x30, s19;
	vm14 =	vlt.s32 v42, $0x10F;
	v8 =	vor.u32 s20, v0;
	[tilespmem:v10+s11+$0x0] =	vst.idx.msk vm2, v9;
	v47 =	vnsel vm15, $0x10F, v46  }
0x240: {  	s29 =	sadd.s32 $0x40, s19;
	v48 =	vnsel vm14, $0x10F, v42;
	[tilespmem:v17+s11+$0x0] =	vst.idx.msk vm1, v8;
	v8 =	vor.u32 s28, v0  }
0x241: {  	s30 =	sadd.s32 $0x60, s19;
	[tilespmem:v13+s11+$0x0] =	vst.idx.msk vm4, v8;
	v8 =	vor.u32 s29, v0  }
0x242: {  	s21 =	sadd.s32 $0x70, s19;
	[tilespmem:v45+s11+$0x0] =	vst.idx.msk vm0, v8;
	v8 =	vor.u32 s30, v0  }
0x243: {  	s31 =	sadd.s32 $0x50, s19;
	v49 =	vor.u32 s21, v0;
	[tilespmem:v7+s11+$0x0] =	vst.idx.msk vm6, v8  }
0x244: {  	v7 =	vor.u32 s31, v0;
	[tilespmem:v47+s11+$0x0] =	vst.idx.msk vm5, v49  }
0x245: {  	[tilespmem:v48+s11+$0x0] =	vst.idx.msk vm8, v7  }
0x246: {  	v7 =	vmpcnt.ones.xlane vm5;
	v9 =	vld [tilespmem:$0x8200]  }
0x247: {  	v10 =	vld [tilespmem:$0x8210]  }
0x248: {  	v7 =	vadd.s32 v37, v7  }
0x249: {  	v8 =	vadd.s32 $0x1, v7;
	v7 =	vmov s15  }
0x24a: {  	v50 =	vor.u32 $0x10, v0;
	vm10 =	vgt.s32 v8, v0;
	v7 =	vshll.u32 v7, $0x7  }
0x24b: {  	vm11 =	vgt.s32 v8, v50;
	v7 =	vand.u32 $0x180, v7;
	v9 =	vnsel vm10, $0x0, v9  }
0x24c: {  	v10 =	vnsel vm11, $0x0, v10;
	v7 =	vbroadcast v7, $0x0;
	v52 =	vshll.u32 v9, $0x2  }
0x24d: {  	v51 =	vand.u32 $0x7F, v9;
	v53 =	vshll.u32 v10, $0x2;
	v11 =	vand.u32 $0xFFFFFE00, v52  }
0x24e: {  	v54 =	vand.u32 $0x7F, v10;
	v13 =	vand.u32 $0xFFFFFE00, v53;
	v11 =	vor.u32 v11, v51  }
0x24f: {  	v12 =	vor.u32 v13, v54;
	v11 =	vor.u32 v7, v11  }
0x250: {  	v12 =	vor.u32 v7, v12;
	_ =	sdelay $0x3  }
0x251: {  	v11 =	vld.idx.msk [tilespmem:v11+s2+$0x0], $0xffff  }
0x252: {  	v12 =	vld.idx.msk [tilespmem:v12+s2+$0x0], $0xffff;
	_ =	sdelay $0x3  }
0x253: {  	v11 =	vnsel vm10, $0xFF800000, v11  }
0x254: {  	v12 =	vnsel vm11, $0xFF800000, v12;
	(xrf1) =	vsort.dscd.msk.f32 $0xffff, v11, v9  }
0x255: {  	(xrf1) =	vsort.dscd.msk.f32 $0xffff, v12, v10  }
0x256: {  	v55 =	vld [tilespmem:$0x8220]  }
0x257: {  	v56 =	vld [tilespmem:$0x8230];
	_ =	sdelay $0x1  }
0x258: {  	v57 =	vor.u32 $0x20, v0  }
0x259: {  	v58 =	vor.u32 $0x30, v0;
	vm12 =	vgt.s32 v8, v57  }
0x25a: {  	vm13 =	vgt.s32 v8, v58;
	v9 =	vnsel vm12, $0x0, v55  }
0x25b: {  	v59 =	vshll.u32 v9, $0x2;
	v10 =	vnsel vm13, $0x0, v56  }
0x25c: {  	v60 =	vand.u32 $0x7F, v9;
	v11 =	vand.u32 $0xFFFFFE00, v59;
	v61 =	vshll.u32 v10, $0x2  }
0x25d: {  	v62 =	vand.u32 $0x7F, v10;
	v11 =	vor.u32 v11, v60;
	v13 =	vand.u32 $0xFFFFFE00, v61  }
0x25e: {  	v11 =	vor.u32 v7, v11;
	v12 =	vor.u32 v13, v62  }
0x25f: {  	v12 =	vor.u32 v7, v12;
	_ =	sdelay $0x1  }
0x260: {  	v21, v63, _ =	vpop (xrf1)  }
0x261: {  	v23, v22, _ =	vpop (xrf1)  }
0x262: {  	v11 =	vld.idx.msk [tilespmem:v11+s2+$0x0], $0xffff;
	v15 =	vperm.xlane v23, v1  }
0x263: {  	v12 =	vld.idx.msk [tilespmem:v12+s2+$0x0], $0xffff;
	v16 =	vperm.xlane v22, v1  }
0x264: {  	vm2 =	vge.f32 v21, v15  }
0x265: {  	v24 =	vsel vm2, v21, v15;
	v25 =	vsel vm2, v63, v16  }
0x266: {  	v13 =	vsel vm2, v15, v21;
	v14 =	vsel vm2, v16, v63;
	(xrf1) =	vsort.dscd.msk.f32 $0xffff, v24, v25  }
0x267: {  	v11 =	vnsel vm12, $0xFF800000, v11;
	(xrf1) =	vsort.dscd.msk.f32 $0xffff, v13, v14  }
0x268: {  	v12 =	vnsel vm13, $0xFF800000, v12;
	(xrf1) =	vsort.dscd.msk.f32 $0xffff, v11, v9  }
0x269: {  	(xrf1) =	vsort.dscd.msk.f32 $0xffff, v12, v10;
	_ =	sdelay $0xa  }
0x26a: {  	v26, v27, _ =	vpop (xrf1)  }
0x26b: {  	v28, v29, _ =	vpop (xrf1)  }
0x26c: {  	v13, v14, _ =	vpop (xrf1)  }
0x26d: {  	v30, v31, _ =	vpop (xrf1)  }
0x26e: {  	v15 =	vperm.xlane v30, v1  }
0x26f: {  	v16 =	vperm.xlane v31, v1  }
0x270: {  	vm14 =	vge.f32 v13, v15  }
0x271: {  	v32 =	vsel vm14, v13, v15;
	v33 =	vsel vm14, v14, v16  }
0x272: {  	v13 =	vsel vm14, v15, v13;
	v14 =	vsel vm14, v16, v14;
	(xrf1) =	vsort.dscd.msk.f32 $0xffff, v32, v33  }
0x273: {  	(xrf1) =	vsort.dscd.msk.f32 $0xffff, v13, v14;
	_ =	sdelay $0x4  }
0x274: {  	v34 =	vld [tilespmem:$0x8240]  }
0x275: {  	v35 =	vld [tilespmem:$0x8250];
	_ =	sdelay $0x2  }
0x276: {  	v36 =	vor.u32 $0x40, v0;
	v37 =	vor.u32 $0x50, v0  }
0x277: {  	vm15 =	vgt.s32 v8, v36;
	vm6 =	vgt.s32 v8, v37  }
0x278: {  	v13 =	vnsel vm15, $0x0, v34;
	v14 =	vnsel vm6, $0x0, v35  }
0x279: {  	v38 =	vand.u32 $0x7F, v13;
	v39 =	vshll.u32 v13, $0x2;
	v40 =	vshll.u32 v14, $0x2  }
0x27a: {  	v42 =	vand.u32 $0x7F, v14;
	v16 =	vand.u32 $0xFFFFFE00, v39;
	v17 =	vand.u32 $0xFFFFFE00, v40;
	v18, v41, _ =	vpop (xrf1)  }
0x27b: {  	v15 =	vor.u32 v16, v38;
	v43 =	vor.u32 v17, v42;
	v21, v22, _ =	vpop (xrf1)  }
0x27c: {  	v15 =	vor.u32 v7, v15;
	v18 =	vperm.xlane v18, v1;
	v44 =	vperm.xlane v21, v1  }
0x27d: {  	vm7 =	vmmov vm8;
	v16 =	vor.u32 v7, v43;
	v19 =	vperm.xlane v41, v1  }
0x27e: {  	v45 =	vperm.xlane v22, v1;
	vm8 =	vge.f32 v28, v18;
	vm7 =	vge.f32 v26, v44  }
0x27f: {  	v46 =	vsel vm8, v28, v18;
	v47 =	vsel vm8, v29, v19;
	v11 =	vsel vm8, v18, v28  }
0x280: {  	v12 =	vsel vm8, v19, v29;
	v21 =	vsel vm7, v26, v44;
	v22 =	vsel vm7, v27, v45  }
0x281: {  	v15 =	vld.idx.msk [tilespmem:v15+s2+$0x0], $0xffff;
	v9 =	vsel vm7, v44, v26;
	v10 =	vsel vm7, v45, v27;
	vm9 =	vge.f32 v21, v46  }
0x282: {  	v16 =	vld.idx.msk [tilespmem:v16+s2+$0x0], $0xffff;
	vm10 =	vge.f32 v9, v11;
	v48 =	vsel vm9, v21, v46;
	v49 =	vsel vm9, v22, v47  }
0x283: {  	v17 =	vsel vm9, v46, v21;
	v20 =	vsel vm9, v47, v22;
	(xrf1) =	vsort.dscd.msk.f32 $0xffff, v48, v49  }
0x284: {  	v50 =	vsel vm10, v9, v11;
	v51 =	vsel vm10, v10, v12;
	(xrf1) =	vsort.dscd.msk.f32 $0xffff, v17, v20  }
0x285: {  	v9 =	vsel vm10, v11, v9;
	v10 =	vsel vm10, v12, v10;
	(xrf1) =	vsort.dscd.msk.f32 $0xffff, v50, v51  }
0x286: {  	v52 =	vnsel vm15, $0xFF800000, v15;
	(xrf1) =	vsort.dscd.msk.f32 $0xffff, v9, v10  }
0x287: {  	v55 =	vld [tilespmem:$0x8270];
	v53 =	vnsel vm6, $0xFF800000, v16;
	(xrf1) =	vsort.dscd.msk.f32 $0xffff, v52, v13  }
0x288: {  	v54 =	vld [tilespmem:$0x8260];
	(xrf1) =	vsort.dscd.msk.f32 $0xffff, v53, v14;
	_ =	sdelay $0x1  }
0x289: {  	v57 =	vor.u32 $0x70, v0  }
0x28a: {  	v56 =	vor.u32 $0x60, v0;
	vm12 =	vgt.s32 v8, v57  }
0x28b: {  	vm11 =	vgt.s32 v8, v56;
	v10 =	vnsel vm12, $0x0, v55  }
0x28c: {  	v58 =	vnsel vm11, $0x0, v54;
	v60 =	vshll.u32 v10, $0x2  }
0x28d: {  	v9 =	vshll.u32 v58, $0x2;
	v13 =	vand.u32 $0xFFFFFE00, v60  }
0x28e: {  	v59 =	vand.u32 $0x7F, v58;
	v9 =	vand.u32 $0xFFFFFE00, v9  }
0x28f: {  	v9 =	vor.u32 v9, v59  }
0x290: {  	v61 =	vand.u32 $0x7F, v10;
	v63, v62, _ =	vpop (xrf1)  }
0x291: {  	v28 =	vor.u32 v7, v9;
	v29 =	vor.u32 v13, v61;
	v11, v13, _ =	vpop (xrf1)  }
0x292: {  	v30 =	vor.u32 v7, v29;
	v18, v19, _ =	vpop (xrf1)  }
0x293: {  	v20, v9, _ =	vpop (xrf1)  }
0x294: {  	v31, v32, _ =	vpop (xrf1)  }
0x295: {  	v23, v24, _ =	vpop (xrf1)  }
0x296: {  	v16 =	vld.idx.msk [tilespmem:v28+s2+$0x0], $0xffff;
	v23 =	vperm.xlane v23, v1  }
0x297: {  	v17 =	vld.idx.msk [tilespmem:v30+s2+$0x0], $0xffff;
	v24 =	vperm.xlane v24, v1  }
0x298: {  	vm13 =	vge.f32 v31, v23  }
0x299: {  	v25 =	vsel vm13, v31, v23;
	v26 =	vsel vm13, v32, v24  }
0x29a: {  	v21 =	vsel vm13, v23, v31;
	v22 =	vsel vm13, v24, v32;
	(xrf1) =	vsort.dscd.msk.f32 $0xffff, v25, v26  }
0x29b: {  	v16 =	vnsel vm11, $0xFF800000, v16;
	(xrf1) =	vsort.dscd.msk.f32 $0xffff, v21, v22  }
0x29c: {  	v17 =	vnsel vm12, $0xFF800000, v17;
	(xrf1) =	vsort.dscd.msk.f32 $0xffff, v16, v58  }
0x29d: {  	(xrf1) =	vsort.dscd.msk.f32 $0xffff, v17, v10;
	_ =	sdelay $0xa  }
0x29e: {  	v34, v33, _ =	vpop (xrf1)  }
0x29f: {  	v35, v36, _ =	vpop (xrf1)  }
0x2a0: {  	v21, v22, _ =	vpop (xrf1)  }
0x2a1: {  	v37, v38, _ =	vpop (xrf1)  }
0x2a2: {  	v23 =	vperm.xlane v37, v1  }
0x2a3: {  	v24 =	vperm.xlane v38, v1  }
0x2a4: {  	vm14 =	vge.f32 v21, v23  }
0x2a5: {  	v39 =	vsel vm14, v21, v23;
	v40 =	vsel vm14, v22, v24  }
0x2a6: {  	v21 =	vsel vm14, v23, v21;
	v22 =	vsel vm14, v24, v22;
	(xrf1) =	vsort.dscd.msk.f32 $0xffff, v39, v40  }
0x2a7: {  	(xrf1) =	vsort.dscd.msk.f32 $0xffff, v21, v22;
	_ =	sdelay $0xc  }
0x2a8: {  	v21, v22, _ =	vpop (xrf1)  }
0x2a9: {  	v41, v42, _ =	vpop (xrf1)  }
0x2aa: {  	v21 =	vperm.xlane v21, v1;
	v23 =	vperm.xlane v41, v1  }
0x2ab: {  	v22 =	vperm.xlane v22, v1  }
0x2ac: {  	v24 =	vperm.xlane v42, v1;
	vm4 =	vge.f32 v35, v21;
	vm15 =	vge.f32 v34, v23  }
0x2ad: {  	v45 =	vsel vm4, v35, v21;
	v46 =	vsel vm4, v36, v22;
	v16 =	vsel vm4, v21, v35  }
0x2ae: {  	v17 =	vsel vm4, v22, v36;
	v43 =	vsel vm15, v34, v23;
	v44 =	vsel vm15, v33, v24  }
0x2af: {  	v10 =	vsel vm15, v23, v34;
	v12 =	vsel vm15, v24, v33;
	vm5 =	vge.f32 v43, v45  }
0x2b0: {  	vm6 =	vge.f32 v10, v16;
	v47 =	vsel vm5, v43, v45;
	v48 =	vsel vm5, v44, v46  }
0x2b1: {  	v23 =	vsel vm5, v45, v43;
	v24 =	vsel vm5, v46, v44;
	(xrf1) =	vsort.dscd.msk.f32 $0xffff, v47, v48  }
0x2b2: {  	v49 =	vsel vm6, v10, v16;
	v50 =	vsel vm6, v12, v17;
	(xrf1) =	vsort.dscd.msk.f32 $0xffff, v23, v24  }
0x2b3: {  	v10 =	vsel vm6, v16, v10;
	v12 =	vsel vm6, v17, v12;
	(xrf1) =	vsort.dscd.msk.f32 $0xffff, v49, v50  }
0x2b4: {  	(xrf1) =	vsort.dscd.msk.f32 $0xffff, v10, v12;
	_ =	sdelay $0x1  }
0x2b5: {  	v53 =	vld [tilespmem:$0x8290];
	_ =	sdelay $0x2  }
0x2b6: {  	v51 =	vld [tilespmem:$0x8280];
	v55 =	vor.u32 $0x90, v0  }
0x2b7: {  	vm1 =	vgt.s32 v8, v55  }
0x2b8: {  	v16 =	vnsel vm1, $0x0, v53  }
0x2b9: {  	v52 =	vor.u32 $0x80, v0;
	v27 =	vshll.u32 v16, $0x2  }
0x2ba: {  	vm0 =	vgt.s32 v8, v52;
	v60 =	vand.u32 $0x7F, v16;
	v27 =	vand.u32 $0xFFFFFE00, v27  }
0x2bb: {  	v26 =	vor.u32 v27, v60;
	v10 =	vnsel vm0, $0x0, v51  }
0x2bc: {  	v26 =	vor.u32 v7, v26;
	v54 =	vshll.u32 v10, $0x2;
	v56 =	vand.u32 $0x7F, v10;
	v21, v22, _ =	vpop (xrf1)  }
0x2bd: {  	v12 =	vand.u32 $0xFFFFFE00, v54;
	v57, v24, _ =	vpop (xrf1);
	v21 =	vperm.xlane v21, v1;
	v22 =	vperm.xlane v22, v1  }
0x2be: {  	v12 =	vor.u32 v12, v56;
	v59, v58, _ =	vpop (xrf1);
	v17 =	vperm.xlane v57, v1;
	v24 =	vperm.xlane v24, v1  }
0x2bf: {  	v12 =	vor.u32 v7, v12;
	v28, v29, _ =	vpop (xrf1);
	v23 =	vperm.xlane v59, v1;
	v25 =	vperm.xlane v58, v1  }
0x2c0: {  	vm10 =	vge.f32 v20, v21;
	v28 =	vperm.xlane v28, v1;
	v29 =	vperm.xlane v29, v1  }
0x2c1: {  	vm9 =	vge.f32 v18, v17;
	v38 =	vsel vm10, v20, v21;
	v39 =	vsel vm10, v9, v22  }
0x2c2: {  	v20 =	vsel vm10, v21, v20;
	v9 =	vsel vm10, v22, v9;
	vm8 =	vge.f32 v11, v23  }
0x2c3: {  	v35 =	vsel vm9, v18, v17;
	v36 =	vsel vm9, v19, v24;
	vm7 =	vge.f32 v63, v28  }
0x2c4: {  	v17 =	vsel vm9, v17, v18;
	v37 =	vsel vm9, v24, v19;
	v61 =	vsel vm7, v63, v28  }
0x2c5: {  	v30 =	vsel vm7, v62, v29;
	v14 =	vsel vm7, v28, v63;
	v15 =	vsel vm7, v29, v62  }
0x2c6: {  	v62 =	vsel vm8, v11, v23;
	v63 =	vsel vm8, v13, v25;
	v11 =	vsel vm8, v23, v11  }
0x2c7: {  	v13 =	vsel vm8, v25, v13;
	vm11 =	vge.f32 v61, v35;
	vm12 =	vge.f32 v62, v38  }
0x2c8: {  	vm15 =	vge.f32 v14, v17;
	vm4 =	vge.f32 v11, v20;
	v40 =	vsel vm11, v61, v35  }
0x2c9: {  	v31 =	vsel vm11, v30, v36;
	v23 =	vsel vm11, v35, v61;
	v41 =	vsel vm12, v62, v38  }
0x2ca: {  	v25 =	vsel vm11, v36, v30;
	v42 =	vsel vm12, v63, v39;
	v19 =	vsel vm12, v38, v62  }
0x2cb: {  	v24 =	vsel vm12, v39, v63;
	v48 =	vsel vm15, v14, v17;
	v49 =	vsel vm15, v15, v37  }
0x2cc: {  	v14 =	vsel vm15, v17, v14;
	v15 =	vsel vm15, v37, v15;
	v50 =	vsel vm4, v11, v20  }
0x2cd: {  	v51 =	vsel vm4, v13, v9;
	v11 =	vsel vm4, v20, v11;
	v9 =	vsel vm4, v9, v13  }
0x2ce: {  	vm13 =	vge.f32 v40, v41;
	vm14 =	vge.f32 v23, v19;
	vm5 =	vge.f32 v48, v50  }
0x2cf: {  	vm6 =	vge.f32 v14, v11;
	v43 =	vsel vm13, v40, v41;
	v32 =	vsel vm13, v31, v42  }
0x2d0: {  	v21 =	vsel vm13, v41, v40;
	v44 =	vsel vm13, v42, v31;
	(xrf1) =	vsort.dscd.msk.f32 $0xffff, v43, v32  }
0x2d1: {  	v45 =	vsel vm14, v23, v19;
	v46 =	vsel vm14, v25, v24;
	(xrf1) =	vsort.dscd.msk.f32 $0xffff, v21, v44  }
0x2d2: {  	v12 =	vld.idx.msk [tilespmem:v12+s2+$0x0], $0xffff;
	v19 =	vsel vm14, v19, v23;
	v47 =	vsel vm14, v24, v25;
	(xrf1) =	vsort.dscd.msk.f32 $0xffff, v45, v46  }
0x2d3: {  	v52 =	vld.idx.msk [tilespmem:v26+s2+$0x0], $0xffff;
	v53 =	vsel vm5, v48, v50;
	v54 =	vsel vm5, v49, v51;
	(xrf1) =	vsort.dscd.msk.f32 $0xffff, v19, v47  }
0x2d4: {  	v17 =	vsel vm5, v50, v48;
	v18 =	vsel vm5, v51, v49;
	(xrf1) =	vsort.dscd.msk.f32 $0xffff, v53, v54  }
0x2d5: {  	v55 =	vsel vm6, v14, v11;
	v56 =	vsel vm6, v15, v9;
	(xrf1) =	vsort.dscd.msk.f32 $0xffff, v17, v18  }
0x2d6: {  	v11 =	vsel vm6, v11, v14;
	v9 =	vsel vm6, v9, v15;
	(xrf1) =	vsort.dscd.msk.f32 $0xffff, v55, v56  }
0x2d7: {  	v12 =	vnsel vm0, $0xFF800000, v12;
	(xrf1) =	vsort.dscd.msk.f32 $0xffff, v11, v9  }
0x2d8: {  	v57 =	vnsel vm1, $0xFF800000, v52;
	v58 =	vld [tilespmem:$0x82A0];
	(xrf1) =	vsort.dscd.msk.f32 $0xffff, v12, v10  }
0x2d9: {  	v59 =	vld [tilespmem:$0x82B0];
	(xrf1) =	vsort.dscd.msk.f32 $0xffff, v57, v16;
	_ =	sdelay $0x2  }
0x2da: {  	v60 =	vor.u32 $0xA0, v0;
	v61 =	vor.u32 $0xB0, v0  }
0x2db: {  	vm7 =	vgt.s32 v8, v60;
	vm8 =	vgt.s32 v8, v61  }
0x2dc: {  	v62 =	vnsel vm7, $0x0, v58;
	v63 =	vnsel vm8, $0x0, v59;
	v24, v22, _ =	vpop (xrf1)  }
0x2dd: {  	v36 =	vshll.u32 v63, $0x2;
	v9 =	vshll.u32 v62, $0x2;
	v23, v19, _ =	vpop (xrf1)  }
0x2de: {  	v35 =	vand.u32 $0x7F, v62;
	v11 =	vand.u32 $0xFFFFFE00, v36;
	v9 =	vand.u32 $0xFFFFFE00, v9;
	v20, v17, _ =	vpop (xrf1)  }
0x2df: {  	v9 =	vor.u32 v9, v35;
	v21, v15, _ =	vpop (xrf1)  }
0x2e0: {  	v37 =	vand.u32 $0x7F, v63;
	v18, v16, _ =	vpop (xrf1)  }
0x2e1: {  	v39 =	vor.u32 v11, v37;
	v38 =	vor.u32 v7, v9;
	v14, v13, _ =	vpop (xrf1)  }
0x2e2: {  	v40 =	vor.u32 v7, v39;
	v12, v11, _ =	vpop (xrf1)  }
0x2e3: {  	v10, v9, _ =	vpop (xrf1)  }
0x2e4: {  	v42, v41, _ =	vpop (xrf1)  }
0x2e5: {  	v43, v44, _ =	vpop (xrf1)  }
0x2e6: {  	v27 =	vld.idx.msk [tilespmem:v38+s2+$0x0], $0xffff;
	v31 =	vperm.xlane v43, v1  }
0x2e7: {  	v28 =	vld.idx.msk [tilespmem:v40+s2+$0x0], $0xffff;
	v32 =	vperm.xlane v44, v1  }
0x2e8: {  	vm9 =	vge.f32 v42, v31  }
0x2e9: {  	v33 =	vsel vm9, v42, v31;
	v34 =	vsel vm9, v41, v32  }
0x2ea: {  	v29 =	vsel vm9, v31, v42;
	v30 =	vsel vm9, v32, v41;
	(xrf1) =	vsort.dscd.msk.f32 $0xffff, v33, v34  }
0x2eb: {  	v27 =	vnsel vm7, $0xFF800000, v27;
	(xrf1) =	vsort.dscd.msk.f32 $0xffff, v29, v30  }
0x2ec: {  	v28 =	vnsel vm8, $0xFF800000, v28;
	(xrf1) =	vsort.dscd.msk.f32 $0xffff, v27, v62  }
0x2ed: {  	(xrf1) =	vsort.dscd.msk.f32 $0xffff, v28, v63;
	_ =	sdelay $0xa  }
0x2ee: {  	v45, v46, _ =	vpop (xrf1)  }
0x2ef: {  	v47, v48, _ =	vpop (xrf1)  }
0x2f0: {  	v29, v30, _ =	vpop (xrf1)  }
0x2f1: {  	v49, v50, _ =	vpop (xrf1)  }
0x2f2: {  	v31 =	vperm.xlane v49, v1  }
0x2f3: {  	v32 =	vperm.xlane v50, v1  }
0x2f4: {  	vm10 =	vge.f32 v29, v31  }
0x2f5: {  	v51 =	vsel vm10, v29, v31;
	v52 =	vsel vm10, v30, v32  }
0x2f6: {  	v29 =	vsel vm10, v31, v29;
	v30 =	vsel vm10, v32, v30;
	(xrf1) =	vsort.dscd.msk.f32 $0xffff, v51, v52  }
0x2f7: {  	(xrf1) =	vsort.dscd.msk.f32 $0xffff, v29, v30;
	_ =	sdelay $0x4  }
0x2f8: {  	v53 =	vld [tilespmem:$0x82C0]  }
0x2f9: {  	v54 =	vld [tilespmem:$0x82D0];
	_ =	sdelay $0x2  }
0x2fa: {  	v55 =	vor.u32 $0xC0, v0;
	v56 =	vor.u32 $0xD0, v0  }
0x2fb: {  	vm11 =	vgt.s32 v8, v55;
	vm12 =	vgt.s32 v8, v56  }
0x2fc: {  	v29 =	vnsel vm11, $0x0, v53;
	v30 =	vnsel vm12, $0x0, v54  }
0x2fd: {  	v57 =	vand.u32 $0x7F, v29;
	v58 =	vshll.u32 v29, $0x2;
	v59 =	vshll.u32 v30, $0x2  }
0x2fe: {  	v36 =	vand.u32 $0x7F, v30;
	v32 =	vand.u32 $0xFFFFFE00, v58;
	v33 =	vand.u32 $0xFFFFFE00, v59;
	v34, v35, _ =	vpop (xrf1)  }
0x2ff: {  	v31 =	vor.u32 v32, v57;
	v60 =	vor.u32 v33, v36;
	v37, v38, _ =	vpop (xrf1)  }
0x300: {  	v31 =	vor.u32 v7, v31;
	v34 =	vperm.xlane v34, v1;
	v61 =	vperm.xlane v37, v1  }
0x301: {  	v32 =	vor.u32 v7, v60;
	v35 =	vperm.xlane v35, v1  }
0x302: {  	v62 =	vperm.xlane v38, v1;
	vm14 =	vge.f32 v47, v34;
	vm13 =	vge.f32 v45, v61  }
0x303: {  	v63 =	vsel vm14, v47, v34;
	v40 =	vsel vm14, v48, v35;
	v27 =	vsel vm14, v34, v47  }
0x304: {  	v28 =	vsel vm14, v35, v48;
	v37 =	vsel vm13, v45, v61;
	v38 =	vsel vm13, v46, v62  }
0x305: {  	v31 =	vld.idx.msk [tilespmem:v31+s2+$0x0], $0xffff;
	v25 =	vsel vm13, v61, v45;
	v26 =	vsel vm13, v62, v46;
	vm15 =	vge.f32 v37, v63  }
0x306: {  	v32 =	vld.idx.msk [tilespmem:v32+s2+$0x0], $0xffff;
	vm4 =	vge.f32 v25, v27;
	v41 =	vsel vm15, v37, v63;
	v42 =	vsel vm15, v38, v40  }
0x307: {  	v33 =	vsel vm15, v63, v37;
	v36 =	vsel vm15, v40, v38;
	(xrf1) =	vsort.dscd.msk.f32 $0xffff, v41, v42  }
0x308: {  	v43 =	vsel vm4, v25, v27;
	v44 =	vsel vm4, v26, v28;
	(xrf1) =	vsort.dscd.msk.f32 $0xffff, v33, v36  }
0x309: {  	v25 =	vsel vm4, v27, v25;
	v26 =	vsel vm4, v28, v26;
	(xrf1) =	vsort.dscd.msk.f32 $0xffff, v43, v44  }
0x30a: {  	v45 =	vnsel vm11, $0xFF800000, v31;
	(xrf1) =	vsort.dscd.msk.f32 $0xffff, v25, v26  }
0x30b: {  	v46 =	vnsel vm12, $0xFF800000, v32;
	(xrf1) =	vsort.dscd.msk.f32 $0xffff, v45, v29  }
0x30c: {  	v48 =	vld [tilespmem:$0x82F0];
	(xrf1) =	vsort.dscd.msk.f32 $0xffff, v46, v30  }
0x30d: {  	v47 =	vld [tilespmem:$0x82E0];
	_ =	sdelay $0x1  }
0x30e: {  	v50 =	vor.u32 $0xF0, v0  }
0x30f: {  	v49 =	vor.u32 $0xE0, v0;
	vm6 =	vgt.s32 v8, v50  }
0x310: {  	vm5 =	vgt.s32 v8, v49;
	v26 =	vnsel vm6, $0x0, v48  }
0x311: {  	v25 =	vnsel vm5, $0x0, v47;
	v52 =	vshll.u32 v26, $0x2  }
0x312: {  	v8 =	vshll.u32 v25, $0x2;
	v53 =	vand.u32 $0x7F, v26;
	v28 =	vand.u32 $0xFFFFFE00, v52  }
0x313: {  	v51 =	vand.u32 $0x7F, v25;
	v8 =	vand.u32 $0xFFFFFE00, v8;
	v27 =	vor.u32 v28, v53  }
0x314: {  	v8 =	vor.u32 v8, v51;
	v29, v30, _ =	vpop (xrf1)  }
0x315: {  	v8 =	vor.u32 v7, v8;
	v28, v31, _ =	vpop (xrf1)  }
0x316: {  	v7 =	vor.u32 v7, v27;
	v27, v32, _ =	vpop (xrf1)  }
0x317: {  	v33, v34, _ =	vpop (xrf1)  }
0x318: {  	v54, v55, _ =	vpop (xrf1)  }
0x319: {  	v56, v57, _ =	vpop (xrf1)  }
0x31a: {  	v8 =	vld.idx.msk [tilespmem:v8+s2+$0x0], $0xffff;
	v37 =	vperm.xlane v56, v1  }
0x31b: {  	v7 =	vld.idx.msk [tilespmem:v7+s2+$0x0], $0xffff;
	v38 =	vperm.xlane v57, v1  }
0x31c: {  	vm7 =	vge.f32 v54, v37  }
0x31d: {  	v39 =	vsel vm7, v54, v37;
	v40 =	vsel vm7, v55, v38  }
0x31e: {  	v35 =	vsel vm7, v37, v54;
	v36 =	vsel vm7, v38, v55;
	(xrf1) =	vsort.dscd.msk.f32 $0xffff, v39, v40  }
0x31f: {  	v8 =	vnsel vm5, $0xFF800000, v8;
	(xrf1) =	vsort.dscd.msk.f32 $0xffff, v35, v36  }
0x320: {  	v7 =	vnsel vm6, $0xFF800000, v7;
	(xrf1) =	vsort.dscd.msk.f32 $0xffff, v8, v25  }
0x321: {  	(xrf1) =	vsort.dscd.msk.f32 $0xffff, v7, v26;
	_ =	sdelay $0xa  }
0x322: {  	v7, v8, _ =	vpop (xrf1)  }
0x323: {  	v58, v59, _ =	vpop (xrf1)  }
0x324: {  	v35, v36, _ =	vpop (xrf1)  }
0x325: {  	v60, v61, _ =	vpop (xrf1)  }
0x326: {  	v37 =	vperm.xlane v60, v1  }
0x327: {  	v38 =	vperm.xlane v61, v1  }
0x328: {  	vm8 =	vge.f32 v35, v37  }
0x329: {  	v62 =	vsel vm8, v35, v37;
	v63 =	vsel vm8, v36, v38  }
0x32a: {  	v35 =	vsel vm8, v37, v35;
	v36 =	vsel vm8, v38, v36;
	(xrf1) =	vsort.dscd.msk.f32 $0xffff, v62, v63  }
0x32b: {  	(xrf1) =	vsort.dscd.msk.f32 $0xffff, v35, v36;
	_ =	sdelay $0xc  }
0x32c: {  	v35, v36, _ =	vpop (xrf1)  }
0x32d: {  	v43, v44, _ =	vpop (xrf1)  }
0x32e: {  	v35 =	vperm.xlane v35, v1;
	v37 =	vperm.xlane v43, v1  }
0x32f: {  	v36 =	vperm.xlane v36, v1  }
0x330: {  	v38 =	vperm.xlane v44, v1;
	vm10 =	vge.f32 v58, v35;
	vm9 =	vge.f32 v7, v37  }
0x331: {  	v47 =	vsel vm10, v58, v35;
	v48 =	vsel vm10, v59, v36;
	v25 =	vsel vm10, v35, v58  }
0x332: {  	v26 =	vsel vm10, v36, v59;
	v45 =	vsel vm9, v7, v37;
	v46 =	vsel vm9, v8, v38  }
0x333: {  	v7 =	vsel vm9, v37, v7;
	v8 =	vsel vm9, v38, v8;
	vm11 =	vge.f32 v45, v47  }
0x334: {  	vm12 =	vge.f32 v7, v25;
	v49 =	vsel vm11, v45, v47;
	v50 =	vsel vm11, v46, v48  }
0x335: {  	v37 =	vsel vm11, v47, v45;
	v38 =	vsel vm11, v48, v46;
	(xrf1) =	vsort.dscd.msk.f32 $0xffff, v49, v50  }
0x336: {  	v51 =	vsel vm12, v7, v25;
	v52 =	vsel vm12, v8, v26;
	(xrf1) =	vsort.dscd.msk.f32 $0xffff, v37, v38  }
0x337: {  	v7 =	vsel vm12, v25, v7;
	v8 =	vsel vm12, v26, v8;
	(xrf1) =	vsort.dscd.msk.f32 $0xffff, v51, v52  }
0x338: {  	(xrf1) =	vsort.dscd.msk.f32 $0xffff, v7, v8;
	_ =	sdelay $0xa  }
0x339: {  	v7, v8, _ =	vpop (xrf1)  }
0x33a: {  	v53, v54, _ =	vpop (xrf1);
	v7 =	vperm.xlane v7, v1  }
0x33b: {  	v8 =	vperm.xlane v8, v1;
	v35, v36, _ =	vpop (xrf1);
	v25 =	vperm.xlane v53, v1  }
0x33c: {  	v26 =	vperm.xlane v54, v1;
	v37, v38, _ =	vpop (xrf1);
	v35 =	vperm.xlane v35, v1  }
0x33d: {  	v36 =	vperm.xlane v36, v1;
	vm4 =	vge.f32 v33, v7;
	v37 =	vperm.xlane v37, v1  }
0x33e: {  	v38 =	vperm.xlane v38, v1;
	vm15 =	vge.f32 v27, v25;
	v61 =	vsel vm4, v33, v7  }
0x33f: {  	v62 =	vsel vm4, v34, v8;
	v7 =	vsel vm4, v7, v33;
	v8 =	vsel vm4, v8, v34  }
0x340: {  	vm14 =	vge.f32 v28, v35;
	v59 =	vsel vm15, v27, v25;
	v60 =	vsel vm15, v32, v26  }
0x341: {  	v25 =	vsel vm15, v25, v27;
	v26 =	vsel vm15, v26, v32;
	vm13 =	vge.f32 v29, v37  }
0x342: {  	v57 =	vsel vm14, v28, v35;
	v58 =	vsel vm14, v31, v36;
	v28 =	vsel vm14, v35, v28  }
0x343: {  	v31 =	vsel vm14, v36, v31;
	v55 =	vsel vm13, v29, v37;
	v56 =	vsel vm13, v30, v38  }
0x344: {  	v29 =	vsel vm13, v37, v29;
	v30 =	vsel vm13, v38, v30;
	vm6 =	vge.f32 v57, v61  }
0x345: {  	vm10 =	vge.f32 v28, v7;
	vm5 =	vge.f32 v55, v59;
	v45 =	vsel vm6, v57, v61  }
0x346: {  	v46 =	vsel vm6, v58, v62;
	v27 =	vsel vm6, v61, v57;
	v32 =	vsel vm6, v62, v58  }
0x347: {  	vm9 =	vge.f32 v29, v25;
	v53 =	vsel vm10, v28, v7;
	v54 =	vsel vm10, v31, v8  }
0x348: {  	v63 =	vsel vm5, v55, v59;
	v41 =	vsel vm5, v56, v60;
	v35 =	vsel vm5, v59, v55  }
0x349: {  	v36 =	vsel vm5, v60, v56;
	v51 =	vsel vm9, v29, v25;
	vm7 =	vge.f32 v63, v45  }
0x34a: {  	vm8 =	vge.f32 v35, v27;
	v47 =	vsel vm7, v63, v45;
	v42 =	vsel vm7, v41, v46  }
0x34b: {  	v33 =	vsel vm7, v45, v63;
	v48 =	vsel vm7, v46, v41;
	(xrf1) =	vsort.dscd.msk.f32 $0xffff, v47, v42  }
0x34c: {  	v49 =	vsel vm8, v35, v27;
	v50 =	vsel vm8, v36, v32;
	(xrf1) =	vsort.dscd.msk.f32 $0xffff, v33, v48  }
0x34d: {  	v27 =	vsel vm8, v27, v35;
	v32 =	vsel vm8, v32, v36;
	(xrf1) =	vsort.dscd.msk.f32 $0xffff, v49, v50  }
0x34e: {  	v52 =	vsel vm9, v30, v26;
	vm11 =	vge.f32 v51, v53;
	(xrf1) =	vsort.dscd.msk.f32 $0xffff, v27, v32  }
0x34f: {  	v55 =	vsel vm11, v51, v53;
	v56 =	vsel vm11, v52, v54  }
0x350: {  	(xrf1) =	vsort.dscd.msk.f32 $0xffff, v55, v56  }
0x351: {  	v7 =	vsel vm10, v7, v28;
	v8 =	vsel vm10, v8, v31  }
0x352: {  	v25 =	vsel vm9, v25, v29;
	v57 =	vsel vm11, v54, v52;
	v27 =	vsel vm11, v53, v51  }
0x353: {  	v26 =	vsel vm9, v26, v30;
	vm12 =	vge.f32 v25, v7;
	(xrf1) =	vsort.dscd.msk.f32 $0xffff, v27, v57  }
0x354: {  	v58 =	vsel vm12, v25, v7;
	v59 =	vsel vm12, v26, v8  }
0x355: {  	v8 =	vsel vm12, v8, v26;
	(xrf1) =	vsort.dscd.msk.f32 $0xffff, v58, v59  }
0x356: {  	v7 =	vsel vm12, v7, v25  }
0x357: {  	(xrf1) =	vsort.dscd.msk.f32 $0xffff, v7, v8;
	_ =	sdelay $0x1  }
0x358: {  	v7, v8, _ =	vpop (xrf1)  }
0x359: {  	v60, v61, _ =	vpop (xrf1);
	v7 =	vperm.xlane v7, v1;
	v8 =	vperm.xlane v8, v1  }
0x35a: {  	v27, v28, _ =	vpop (xrf1);
	v25 =	vperm.xlane v60, v1;
	v26 =	vperm.xlane v61, v1  }
0x35b: {  	v62, v30, _ =	vpop (xrf1);
	v27 =	vperm.xlane v27, v1;
	v28 =	vperm.xlane v28, v1  }
0x35c: {  	vm8 =	vge.f32 v10, v7;
	v29 =	vperm.xlane v62, v1;
	v30 =	vperm.xlane v30, v1  }
0x35d: {  	v31, v63, _ =	vpop (xrf1);
	vm7 =	vge.f32 v12, v25;
	v59 =	vsel vm8, v10, v7;
	v60 =	vsel vm8, v9, v8  }
0x35e: {  	v7 =	vsel vm8, v7, v10;
	v9 =	vsel vm8, v8, v9;
	v31 =	vperm.xlane v31, v1  }
0x35f: {  	v32 =	vperm.xlane v63, v1;
	vm6 =	vge.f32 v14, v27;
	v57 =	vsel vm7, v12, v25  }
0x360: {  	v40, v41, _ =	vpop (xrf1);
	v58 =	vsel vm7, v11, v26;
	v12 =	vsel vm7, v25, v12;
	v11 =	vsel vm7, v26, v11  }
0x361: {  	v33 =	vperm.xlane v40, v1;
	v34 =	vperm.xlane v41, v1;
	vm5 =	vge.f32 v18, v29  }
0x362: {  	v42, v43, _ =	vpop (xrf1);
	v55 =	vsel vm6, v14, v27;
	v56 =	vsel vm6, v13, v28;
	v14 =	vsel vm6, v27, v14  }
0x363: {  	v13 =	vsel vm6, v28, v13;
	v35 =	vperm.xlane v42, v1;
	v36 =	vperm.xlane v43, v1  }
0x364: {  	v45, v44, _ =	vpop (xrf1);
	vm4 =	vge.f32 v21, v31;
	v53 =	vsel vm5, v18, v29;
	v54 =	vsel vm5, v16, v30  }
0x365: {  	v18 =	vsel vm5, v29, v18;
	v16 =	vsel vm5, v30, v16;
	v37 =	vperm.xlane v45, v1  }
0x366: {  	v38 =	vperm.xlane v44, v1;
	vm15 =	vge.f32 v20, v33;
	v52 =	vsel vm4, v21, v31  }
0x367: {  	v21 =	vsel vm4, v31, v21;
	vm14 =	vge.f32 v23, v35;
	v50 =	vsel vm15, v20, v33  }
0x368: {  	v51 =	vsel vm15, v17, v34;
	v20 =	vsel vm15, v33, v20;
	v17 =	vsel vm15, v34, v17  }
0x369: {  	v34 =	vsel vm4, v15, v32;
	v15 =	vsel vm4, v32, v15;
	vm12 =	vge.f32 v52, v59  }
0x36a: {  	vm13 =	vge.f32 v24, v37;
	v48 =	vsel vm14, v23, v35;
	v49 =	vsel vm14, v19, v36  }
0x36b: {  	v23 =	vsel vm14, v35, v23;
	v19 =	vsel vm14, v36, v19;
	vm11 =	vge.f32 v50, v57  }
0x36c: {  	v25 =	vsel vm12, v59, v52;
	v26 =	vsel vm12, v60, v34;
	v46 =	vsel vm13, v24, v37  }
0x36d: {  	v47 =	vsel vm13, v22, v38;
	v24 =	vsel vm13, v37, v24;
	v22 =	vsel vm13, v38, v22  }
0x36e: {  	vm10 =	vge.f32 v48, v55;
	v44 =	vsel vm11, v50, v57;
	v45 =	vsel vm11, v51, v58  }
0x36f: {  	v27 =	vsel vm11, v57, v50;
	v28 =	vsel vm11, v58, v51;
	vm11 =	vge.f32 v20, v12  }
0x370: {  	vm9 =	vge.f32 v46, v53;
	v62 =	vsel vm10, v48, v55;
	v63 =	vsel vm10, v49, v56  }
0x371: {  	v29 =	vsel vm10, v55, v48;
	v30 =	vsel vm10, v56, v49;
	vm10 =	vge.f32 v23, v14  }
0x372: {  	v12 =	vsel vm11, v20, v12;
	v11 =	vsel vm11, v17, v11;
	v8 =	vsel vm9, v46, v53  }
0x373: {  	v61 =	vsel vm9, v47, v54;
	v31 =	vsel vm9, v53, v46;
	v32 =	vsel vm9, v54, v47  }
0x374: {  	v46 =	vsel vm12, v52, v59;
	v47 =	vsel vm12, v34, v60;
	vm6 =	vge.f32 v29, v25  }
0x375: {  	vm9 =	vge.f32 v24, v18;
	vm12 =	vge.f32 v21, v7;
	v14 =	vsel vm10, v23, v14  }
0x376: {  	v13 =	vsel vm10, v19, v13;
	vm13 =	vge.f32 v8, v44;
	vm14 =	vge.f32 v62, v46  }
0x377: {  	vm5 =	vge.f32 v31, v27;
	v48 =	vsel vm13, v8, v44;
	v50 =	vsel vm14, v62, v46  }
0x378: {  	v49 =	vsel vm13, v61, v45;
	v51 =	vsel vm14, v63, v47;
	vm15 =	vge.f32 v48, v50  }
0x379: {  	v58 =	vsel vm6, v29, v25;
	v52 =	vsel vm15, v48, v50;
	v53 =	vsel vm15, v49, v51  }
0x37a: {  	v59 =	vsel vm6, v30, v26;
	v25 =	vsel vm6, v25, v29;
	(xrf1) =	vsort.dscd.msk.f32 $0xffff, v52, v53  }
0x37b: {  	v26 =	vsel vm6, v26, v30;
	v8 =	vsel vm13, v44, v8;
	v10 =	vsel vm13, v45, v61  }
0x37c: {  	v35 =	vsel vm14, v46, v62;
	v33 =	vsel vm15, v50, v48;
	v54 =	vsel vm15, v51, v49  }
0x37d: {  	vm3 =	vmmov $0x7fff;
	v36 =	vsel vm14, v47, v63;
	vm4 =	vge.f32 v8, v35;
	(xrf1) =	vsort.dscd.msk.f32 $0xffff, v33, v54  }
0x37e: {  	v16 =	vsel vm9, v22, v16;
	v55 =	vsel vm4, v8, v35;
	v56 =	vsel vm4, v10, v36  }
0x37f: {  	v42 =	vimm.s32 $0x0;
	v7 =	vsel vm12, v21, v7;
	v9 =	vsel vm12, v15, v9;
	(xrf1) =	vsort.dscd.msk.f32 $0xffff, v55, v56  }
0x380: {  	v57 =	vsel vm5, v32, v28;
	v8 =	vsel vm4, v35, v8;
	v10 =	vsel vm4, v36, v10  }
0x381: {  	v43 =	vimm.s32 $0x0;
	v28 =	vsel vm5, v28, v32;
	(xrf1) =	vsort.dscd.msk.f32 $0xffff, v8, v10;
	v8 =	vsel vm5, v31, v27  }
0x382: {  	v63 =	vsel vm9, v24, v18;
	v27 =	vsel vm5, v27, v31;
	vm7 =	vge.f32 v8, v58  }
0x383: {  	vm8 =	vge.f32 v27, v25;
	v60 =	vsel vm7, v8, v58;
	v61 =	vsel vm7, v57, v59  }
0x384: {  	v37 =	vimm.s32 $0x0;
	v8 =	vsel vm7, v58, v8;
	v10 =	vsel vm7, v59, v57;
	(xrf1) =	vsort.dscd.msk.f32 $0xffff, v60, v61  }
0x385: {  	v30 =	vimm.s32 $0x0;
	vm14 =	vge.f32 v14, v7;
	(xrf1) =	vsort.dscd.msk.f32 $0xffff, v8, v10;
	v8 =	vsel vm8, v27, v25  }
0x386: {  	v24 =	vimm.s32 $0x0;
	v44 =	vimm.s32 $0x0;
	vm13 =	vge.f32 v63, v12  }
0x387: {  	v20 =	vsel vm14, v14, v7;
	v9 =	vsel vm14, v13, v9;
	v62 =	vsel vm8, v28, v26  }
0x388: {  	v11 =	vsel vm13, v16, v11;
	v52 =	vimm.s32 $0x0;
	vm5 =	vcmask $0x3F04;
	(xrf1) =	vsort.dscd.msk.f32 $0xffff, v8, v62;
	v8, v18, _ =	vpop (xrf1)  }
0x389: {  	v26 =	vsel vm8, v26, v28;
	v59 =	vimm.s32 $0x0;
	v21 =	vperm.xlane v8, v4  }
0x38a: {  	v10 =	vsel vm13, v63, v12;
	v22 =	vperm.xlane v8, v6;
	v29 =	vperm.xlane v8, v2  }
0x38b: {  	v25 =	vsel vm8, v25, v27;
	v7, v15, _ =	vpop (xrf1);
	v57 =	vperm.xlane v18, v6;
	v62 =	vperm.xlane v18, v4  }
0x38c: {  	vm15 =	vge.f32 v10, v20;
	v23 =	vperm.xlane v7, v5;
	v28 =	vperm.xlane v7, v4  }
0x38d: {  	v16 =	vsel vm15, v10, v20;
	v10, v19, _ =	vpop (xrf1);
	v31 =	vperm.xlane v7, v6;
	v34 =	vperm.xlane v7, v2  }
0x38e: {  	v17 =	vsel vm15, v11, v9;
	v58 =	vperm.xlane v15, v5;
	v32 =	vperm.xlane v10, v5  }
0x38f: {  	vm4 =	veq.f32 v8, v21;
	v33 =	vperm.xlane v10, v4;
	v35 =	vperm.xlane v10, v6  }
0x390: {  	v41 =	vperm.xlane v10, v2;
	vm5 =	vmand vm4, vm5;
	v27 =	vsel vm3, v22, v23  }
0x391: {  	vm4 =	vmmov $0x1;
	v61 =	vsel vm3, v57, v58;
	v9 =	vsel vm5, $0xFFFFFFFF, v24  }
0x392: {  	vm1 =	veq.f32 v8, v27;
	v11 =	vsel vm4, v29, v28;
	v38 =	vsel vm3, v31, v32  }
0x393: {  	v39 =	vsel vm4, v34, v33;
	vm6 =	vlt.s32 v61, v18;
	[tilespmem:$0x1FF00] =	vst v9;
	v9 =	vsel vm1, $0xFFFFFFFF, v30  }
0x394: {  	v33 =	vperm.xlane v15, v6;
	v34 =	vperm.xlane v19, v5;
	vm8 =	veq.f32 v7, v11  }
0x395: {  	vm2 =	veq.f32 v7, v38;
	vm10 =	veq.f32 v10, v39;
	[tilespmem:$0x1FEF0] =	vst v9;
	v11 =	vsel vm8, $0xFFFFFFFF, v37  }
0x396: {  	vm0 =	vmand vm1, vm6;
	v38 =	vld [tilespmem:$0x1FFF0];
	v37 =	vperm.xlane v18, v2;
	[tilespmem:$0x1FF70] =	vst v11;
	v11 =	vsel vm2, $0xFFFFFFFF, v42;
	v9, v21, _ =	vpop (xrf1)  }
0x397: {  	[tilespmem:$0x1FF10] =	vst v11;
	v11 =	vsel vm10, $0xFFFFFFFF, v43;
	v43 =	vperm.xlane v19, v4;
	v36 =	vperm.xlane v9, v5  }
0x398: {  	vm1 =	vlt.s32 v18, v62;
	v40 =	vperm.xlane v9, v4;
	v13, v23, _ =	vpop (xrf1);
	v46 =	vperm.xlane v9, v6  }
0x399: {  	vm1 =	vmand vm5, vm1;
	v49 =	vperm.xlane v9, v2;
	v47 =	vperm.xlane v13, v5  }
0x39a: {  	v27 =	vsel vm3, v33, v34;
	v48 =	vperm.xlane v13, v4;
	v50 =	vperm.xlane v13, v6  }
0x39b: {  	v54 =	vperm.xlane v13, v2;
	vm5 =	vnez.u8 v38;
	v12 =	vsel vm3, v35, v36  }
0x39c: {  	v45 =	vsel vm4, v41, v40;
	v36 =	vperm.xlane v15, v4;
	vm1 =	vmand vm1, vm5  }
0x39d: {  	v40 =	vperm.xlane v19, v6;
	v41 =	vperm.xlane v21, v5;
	vm7 =	veq.f32 v10, v12  }
0x39e: {  	vm14 =	veq.f32 v9, v45;
	v14 =	vsel vm3, v46, v47;
	v24 =	vsel vm4, v49, v48  }
0x39f: {  	[tilespmem:$0x1FF30] =	vst v11;
	v46 =	vperm.xlane v21, v6;
	v47 =	vperm.xlane v23, v5;
	v11 =	vsel vm7, $0xFFFFFFFF, v44  }
0x3a0: {  	v35 =	vld [tilespmem:$0x1FFE0];
	vm12 =	veq.f32 v9, v14;
	vm9 =	veq.f32 v13, v24;
	v39 =	vsel vm4, v37, v36  }
0x3a1: {  	v44 =	vperm.xlane v15, v2;
	v36 =	vimm.s32 $0x0;
	v12, v22, _ =	vpop (xrf1);
	v14 =	vsel vm12, $0xFFFFFFFF, v52  }
0x3a2: {  	(xrf1) =	vsort.dscd.msk.f32 $0xffff, v25, v26;
	v24 =	vsel vm9, $0xFFFFFFFF, v59;
	v51 =	vperm.xlane v12, v5;
	v53 =	vperm.xlane v12, v4  }
0x3a3: {  	v55 =	vperm.xlane v12, v6;
	[tilespmem:$0x1FF40] =	vst v24;
	v32 =	vperm.xlane v12, v2;
	v24 =	vsel vm3, v40, v41  }
0x3a4: {  	v45 =	vsel vm4, v44, v43;
	v52 =	vperm.xlane v22, v5;
	v57 =	vperm.xlane v22, v6  }
0x3a5: {  	[tilespmem:$0x1FF20] =	vst v11;
	v37 =	vperm.xlane v22, v4;
	v44 =	vperm.xlane v22, v2;
	v11, v20, _ =	vpop (xrf1);
	vm6 =	vnez.u8 v35  }
0x3a6: {  	v56 =	vperm.xlane v11, v5;
	v26 =	vsel vm3, v50, v51;
	v63 =	vperm.xlane v11, v4  }
0x3a7: {  	[tilespmem:$0x1FF80] =	vst v14;
	v14 =	vsel vm4, v54, v53;
	v42 =	vperm.xlane v11, v6;
	v51 =	vperm.xlane v23, v6  }
0x3a8: {  	vm0 =	vmand vm0, vm6;
	v53 =	vperm.xlane v21, v4;
	v54 =	vperm.xlane v23, v4  }
0x3a9: {  	v50 =	vsel vm3, v46, v47;
	v58 =	vperm.xlane v20, v5;
	v40 =	vperm.xlane v11, v2  }
0x3aa: {  	v43 =	vperm.xlane v20, v4;
	v47 =	vimm.s32 $0x0;
	vm11 =	veq.f32 v13, v26  }
0x3ab: {  	vm15 =	veq.f32 v12, v14;
	v18 =	vsel vm0, v61, v18;
	vm0 =	vlt.s32 v27, v15  }
0x3ac: {  	v60 =	vsel vm3, v55, v56;
	v25 =	vsel vm4, v32, v63;
	v18 =	vsel vm1, v62, v18  }
0x3ad: {  	vm0 =	vmand vm2, vm0;
	vm1 =	vlt.s32 v15, v39;
	v55 =	vperm.xlane v21, v2  }
0x3ae: {  	v59 =	vsel vm3, v57, v58;
	v62 =	vimm.s32 $0x0;
	v58 =	vimm.s32 $0x0  }
0x3af: {  	vm13 =	veq.f32 v12, v60;
	vm0 =	vmand vm0, vm6;
	vm1 =	vmand vm8, vm1  }
0x3b0: {  	vm8 =	vlt.s32 v24, v19;
	v60 =	vperm.xlane v20, v6;
	vm1 =	vmand vm1, vm5  }
0x3b1: {  	v15 =	vsel vm0, v27, v15;
	vm0 =	vmand vm7, vm8;
	vm8 =	vlt.s32 v19, v45  }
0x3b2: {  	v14, v27, _ =	vpop (xrf1);
	vm7 =	vlt.s32 v50, v21;
	v56 =	vsel vm4, v55, v54;
	v29 =	vsel vm13, $0xFFFFFFFF, v36  }
0x3b3: {  	v15 =	vsel vm1, v39, v15;
	v48 =	vperm.xlane v14, v5;
	vm0 =	vmand vm0, vm6  }
0x3b4: {  	vm1 =	vmand vm10, vm8;
	v61 =	vperm.xlane v27, v5;
	v63 =	vperm.xlane v14, v4  }
0x3b5: {  	[tilespmem:$0x1FF90] =	vst v29;
	v41 =	vperm.xlane v14, v6;
	v29 =	vsel vm4, v44, v43;
	vm1 =	vmand vm1, vm5  }
0x3b6: {  	v49 =	vsel vm0, v24, v19;
	vm0 =	vmand vm12, vm7;
	v19 =	vperm.xlane v19, v2  }
0x3b7: {  	(xrf1) =	vsort.dscd.msk.f32 $0xffff, v16, v17;
	v24 =	vsel vm3, v51, v52;
	vm12 =	vmmov vm11;
	v52 =	vperm.xlane v14, v2  }
0x3b8: {  	v34 =	vperm.xlane v15, v6;
	v36 =	vperm.xlane v15, v4;
	v16 =	vsel vm1, v45, v49  }
0x3b9: {  	vm0 =	vmand vm0, vm6;
	vm8 =	vlt.s32 v24, v23;
	v28 =	vsel vm3, v42, v48  }
0x3ba: {  	v45 =	vperm.xlane v27, v6;
	v48 =	vimm.s32 $0x0;
	v49 =	vperm.xlane v27, v4  }
0x3bb: {  	v19 =	vsel vm4, v19, v53;
	v17 =	vsel vm0, v50, v21;
	vm10 =	vmand vm11, vm8  }
0x3bc: {  	vm11 =	vmmov vm14;
	vm8 =	vlt.s32 v23, v56;
	v50 =	vsel vm4, v40, v63  }
0x3bd: {  	v53 =	vimm.s32 $0x0;
	v35 =	vperm.xlane v16, v5;
	v40 =	vperm.xlane v16, v6  }
0x3be: {  	vm7 =	vlt.s32 v21, v19;
	vm0 =	vmand vm10, vm6;
	vm10 =	vlt.s32 v59, v22  }
0x3bf: {  	vm1 =	vmand vm14, vm7;
	v24 =	vsel vm0, v24, v23;
	vm0 =	vmand vm9, vm8  }
0x3c0: {  	vm14 =	veq.f32 v11, v28;
	vm8 =	vmmov vm13;
	v23 =	vperm.xlane v23, v2  }
0x3c1: {  	vm1 =	vmand vm1, vm5;
	vm0 =	vmand vm0, vm5;
	v28 =	vsel vm14, $0xFFFFFFFF, v62  }
0x3c2: {  	v62 =	vimm.s32 $0x0;
	v19 =	vsel vm1, v19, v17;
	v17 =	vsel vm0, v56, v24  }
0x3c3: {  	vm0 =	vmand vm13, vm10;
	v24 =	vsel vm3, v60, v61;
	v23 =	vsel vm4, v23, v37  }
0x3c4: {  	vm10 =	veq.f32 v11, v25;
	vm13 =	vlt.s32 v20, v29;
	v60 =	vperm.xlane v18, v6  }
0x3c5: {  	v61 =	vperm.xlane v15, v5;
	vm0 =	vmand vm0, vm6;
	vm7 =	vlt.s32 v24, v20  }
0x3c6: {  	v37 =	vperm.xlane v18, v2;
	v21 =	vsel vm0, v59, v22;
	vm0 =	vmand vm14, vm7  }
0x3c7: {  	vm9 =	vlt.s32 v22, v23;
	v25 =	vsel vm10, $0xFFFFFFFF, v47;
	vm0 =	vmand vm0, vm6  }
0x3c8: {  	vm1 =	vmand vm10, vm13;
	v24 =	vsel vm0, v24, v20;
	vm0 =	vmand vm15, vm9  }
0x3c9: {  	vm10 =	veq.f32 v14, v50;
	v20 =	vperm.xlane v20, v2;
	vm0 =	vmand vm0, vm5  }
0x3ca: {  	v44 =	vperm.xlane v19, v6;
	vm1 =	vmand vm1, vm5;
	v39, v38, _ =	vpop (xrf1);
	v21 =	vsel vm0, v23, v21  }
0x3cb: {  	v20 =	vsel vm4, v20, v49;
	v49 =	vperm.xlane v16, v2;
	v42 =	vperm.xlane v39, v5  }
0x3cc: {  	v23 =	vsel vm1, v29, v24;
	v46 =	vperm.xlane v38, v5;
	v51 =	vperm.xlane v39, v4  }
0x3cd: {  	v24 =	vsel vm10, $0xFFFFFFFF, v53;
	v54 =	vperm.xlane v39, v6;
	v55 =	vperm.xlane v38, v4  }
0x3ce: {  	vm13 =	vlt.s32 v27, v20;
	v56 =	vperm.xlane v38, v6;
	v53 =	vperm.xlane v21, v5  }
0x3cf: {  	vm0 =	vmand vm10, vm13;
	v32 =	vsel vm3, v41, v42;
	v22 =	vsel vm3, v45, v46  }
0x3d0: {  	vm0 =	vmand vm0, vm5;
	v41 =	vperm.xlane v19, v5;
	v45 =	vperm.xlane v17, v5  }
0x3d1: {  	v57 =	vsel vm4, v52, v51;
	v46 =	vperm.xlane v16, v4;
	v52 =	vperm.xlane v17, v6  }
0x3d2: {  	vm14 =	veq.f32 v14, v32;
	vm9 =	vlt.s32 v22, v27;
	vm10 =	veq.f32 v39, v57  }
0x3d3: {  	[tilespmem:$0x1FFB0] =	vst v25;
	v32 =	vperm.xlane v18, v4;
	v57 =	vperm.xlane v21, v6;
	v25 =	vsel vm14, $0xFFFFFFFF, v48  }
0x3d4: {  	vm2 =	vmand vm14, vm9;
	vm14 =	veq.f32 v39, v54;
	vm9 =	vlt.s32 v56, v38  }
0x3d5: {  	v48 =	vperm.xlane v19, v4;
	vm2 =	vmand vm2, vm6;
	vm7 =	vmand vm14, vm3  }
0x3d6: {  	[tilespmem:$0x1FFC0] =	vst v25;
	v25 =	vsel vm3, v60, v61;
	v60 =	vperm.xlane v21, v4;
	v61 =	vperm.xlane v17, v2  }
0x3d7: {  	[tilespmem:$0x1FFD0] =	vst v24;
	v22 =	vsel vm2, v22, v27;
	v27 =	vperm.xlane v27, v2;
	v24 =	vsel vm7, $0xFFFFFFFF, v58  }
0x3d8: {  	vm14 =	vlt.s32 v25, v18;
	v51 =	vsel vm4, v49, v48;
	v58 =	vperm.xlane v23, v5  }
0x3d9: {  	v33 =	vld [tilespmem:$0x1FEF0];
	v20 =	vsel vm0, v20, v22;
	vm0 =	vmand vm7, vm9;
	v22 =	vsel vm10, $0xFFFFFFFF, v62  }
0x3da: {  	[tilespmem:$0x1FF50] =	vst v24;
	vm9 =	vlt.s32 v18, v32;
	v24 =	vsel vm4, v37, v36;
	vm2 =	vlt.s32 v19, v51  }
0x3db: {  	v59 =	vsel vm4, v27, v55;
	vm1 =	vmand vm0, vm6;
	v27 =	vsel vm3, v34, v35  }
0x3dc: {  	v34 =	vperm.xlane v20, v5;
	vm13 =	vlt.s32 v38, v59;
	v63 =	vsel vm1, v56, v38;
	v38 =	vld [tilespmem:$0x1FF00]  }
0x3dd: {  	v35 =	vperm.xlane v23, v4;
	v37 =	vperm.xlane v20, v6;
	vm0 =	vmand vm10, vm13  }
0x3de: {  	v39 =	vld [tilespmem:$0x1FF10];
	v56 =	vsel vm3, v52, v53;
	vm10 =	vnez.u8 v33;
	vm0 =	vmand vm0, vm5  }
0x3df: {  	[tilespmem:$0x1FF60] =	vst v22;
	v33 =	vperm.xlane v23, v6;
	vm1 =	vmand vm10, vm14;
	v22 =	vsel vm0, v59, v63  }
0x3e0: {  	v42 =	vld [tilespmem:$0x1FF70];
	vm7 =	vmand vm1, vm5;
	v59 =	vperm.xlane v17, v4;
	v63 =	vsel vm4, v61, v60  }
0x3e1: {  	v47 =	vld [tilespmem:$0x1FF20];
	v18 =	vsel vm7, v25, v18;
	vm7 =	vlt.s32 v27, v15;
	vm13 =	vnez.u8 v38  }
0x3e2: {  	v25 =	vsel vm3, v40, v41;
	v40 =	vperm.xlane v23, v2;
	vm14 =	vmand vm13, vm9  }
0x3e3: {  	v38 =	vperm.xlane v22, v5;
	vm9 =	vmand vm14, vm6;
	vm14 =	vnez.u8 v39  }
0x3e4: {  	v39 =	vperm.xlane v20, v4;
	vm1 =	vmand vm14, vm7;
	vm7 =	vlt.s32 v15, v24  }
0x3e5: {  	v18 =	vsel vm9, v32, v18;
	vm9 =	vnez.u8 v42;
	vm1 =	vmand vm1, vm5  }
0x3e6: {  	v50 =	vld [tilespmem:$0x1FF80];
	vm0 =	vmand vm9, vm7;
	vm7 =	vlt.s32 v25, v16;
	vm9 =	vnez.u8 v47  }
0x3e7: {  	v55 =	vld [tilespmem:$0x1FF30];
	v42 =	vsel vm4, v40, v39;
	v47 =	vperm.xlane v22, v4;
	v48 =	vperm.xlane v18, v6  }
0x3e8: {  	v53 =	vperm.xlane v18, v4;
	v43 =	vsel vm1, v27, v15;
	vm0 =	vmand vm0, vm6  }
0x3e9: {  	vm7 =	vmand vm9, vm7;
	v15 =	vperm.xlane v15, v2;
	v27 =	vsel vm3, v44, v45  }
0x3ea: {  	v24 =	vsel vm0, v24, v43;
	vm0 =	vmand vm7, vm5;
	vm1 =	vlt.s32 v27, v19  }
0x3eb: {  	vm7 =	vnez.u8 v50;
	v25 =	vsel vm0, v25, v16;
	v15 =	vsel vm4, v15, v46  }
0x3ec: {  	vm0 =	vmand vm7, vm1;
	vm7 =	vnez.u8 v55;
	v46 =	vperm.xlane v22, v6  }
0x3ed: {  	v49 =	vperm.xlane v24, v5;
	vm0 =	vmand vm0, vm5;
	vm1 =	vlt.s32 v16, v15  }
0x3ee: {  	v55 =	vperm.xlane v18, v2;
	v54 =	vsel vm0, v27, v19;
	vm0 =	vmand vm7, vm1  }
0x3ef: {  	vm1 =	vmand vm11, vm2;
	v19 =	vperm.xlane v19, v2;
	vm2 =	vlt.s32 v21, v63  }
0x3f0: {  	v27 =	vsel vm3, v37, v38;
	vm0 =	vmand vm0, vm6;
	vm1 =	vmand vm1, vm6  }
0x3f1: {  	vm2 =	vmand vm15, vm2;
	v15 =	vsel vm0, v15, v25;
	v16 =	vsel vm1, v51, v54  }
0x3f2: {  	vm0 =	vlt.s32 v56, v17;
	v25 =	vsel vm3, v57, v58;
	v19 =	vsel vm4, v19, v59  }
0x3f3: {  	v32 =	vld [tilespmem:$0x1FF40];
	v51 =	vsel vm3, v48, v49;
	v54 =	vperm.xlane v24, v4;
	vm0 =	vmand vm12, vm0  }
0x3f4: {  	vm1 =	vlt.s32 v17, v19;
	v57 =	vperm.xlane v15, v5;
	v60 =	vperm.xlane v15, v6  }
0x3f5: {  	v61 =	vperm.xlane v16, v5;
	v37 =	vperm.xlane v16, v4;
	vm0 =	vmand vm0, vm5  }
0x3f6: {  	v43 =	vld [tilespmem:$0x1FFC0];
	v38 =	vperm.xlane v15, v2;
	v58 =	vsel vm4, v55, v54;
	v62 =	vsel vm0, v56, v17  }
0x3f7: {  	[tilespmem:$0x1FFA0] =	vst v28;
	vm0 =	vlt.s32 v25, v21;
	v17 =	vsel vm3, v33, v34;
	v56 =	vperm.xlane v24, v6  }
0x3f8: {  	v36 =	vld [tilespmem:$0x1FFA0];
	v33 =	vperm.xlane v24, v2;
	vm0 =	vmand vm8, vm0;
	vm8 =	vnez.u8 v32  }
0x3f9: {  	v32 =	vperm.xlane v15, v4;
	vm1 =	vmand vm8, vm1;
	vm0 =	vmand vm0, vm5  }
0x3fa: {  	v59 =	vsel vm3, v56, v57;
	v25 =	vsel vm0, v25, v21;
	vm0 =	vmand vm1, vm6  }
0x3fb: {  	v41 =	vld [tilespmem:$0x1FFB0];
	vm1 =	vmand vm2, vm6;
	v21 =	vperm.xlane v21, v2;
	vm2 =	vnez.u8 v43  }
0x3fc: {  	v34 =	vsel vm4, v33, v32;
	v43 =	vperm.xlane v16, v2;
	v19 =	vsel vm0, v19, v62  }
0x3fd: {  	v25 =	vsel vm1, v63, v25;
	vm0 =	vlt.s32 v17, v23;
	vm1 =	vnez.u8 v36  }
0x3fe: {  	v52 =	vld [tilespmem:$0x1FF60];
	v63 =	vsel vm3, v60, v61;
	vm0 =	vmand vm1, vm0;
	v21 =	vsel vm4, v21, v35  }
0x3ff: {  	v35 =	vperm.xlane v16, v6;
	v36 =	vperm.xlane v19, v5;
	vm0 =	vmand vm0, vm5  }
0x400: {  	v45 =	vld [tilespmem:$0x1FFD0];
	vm1 =	vlt.s32 v23, v21;
	v17 =	vsel vm0, v17, v23;
	vm0 =	vnez.u8 v41  }
0x401: {  	v40 =	vperm.xlane v19, v6;
	v41 =	vperm.xlane v25, v5;
	vm0 =	vmand vm0, vm1  }
0x402: {  	v48 =	vperm.xlane v19, v2;
	vm1 =	vlt.s32 v27, v20;
	vm0 =	vmand vm0, vm6  }
0x403: {  	vm1 =	vmand vm2, vm1;
	vm2 =	vnez.u8 v52;
	v26 =	vsel vm3, v40, v41  }
0x404: {  	v50 =	vld [tilespmem:$0x1FF50];
	v17 =	vsel vm0, v21, v17;
	vm0 =	vmand vm1, vm5;
	vm1 =	vlt.s32 v20, v42  }
0x405: {  	v44 =	vsel vm0, v27, v20;
	vm0 =	vnez.u8 v45;
	v20 =	vperm.xlane v20, v2  }
0x406: {  	[tilespmem:s18+$0x8390] =	vst v7;
	v27 =	vsel vm3, v35, v36;
	v45 =	vperm.xlane v25, v6;
	v7 =	vperm.xlane v17, v6  }
0x407: {  	v52 =	vperm.xlane v17, v4;
	v60 =	vperm.xlane v17, v2;
	vm0 =	vmand vm0, vm1  }
0x408: {  	vm1 =	vlt.s32 v46, v22;
	vm0 =	vmand vm0, vm6;
	v20 =	vsel vm4, v20, v47  }
0x409: {  	v47 =	vperm.xlane v25, v4;
	v21 =	vsel vm0, v42, v44;
	vm0 =	vnez.u8 v50  }
0x40a: {  	v42 =	vperm.xlane v19, v4;
	vm0 =	vmand vm0, vm1;
	vm1 =	vlt.s32 v22, v20  }
0x40b: {  	v49 =	vsel vm4, v48, v47;
	v57 =	vperm.xlane v21, v6;
	vm0 =	vmand vm0, vm5  }
0x40c: {  	v62 =	vld [tilespmem:$0x1FF70];
	vm1 =	vmand vm2, vm1;
	v22 =	vsel vm0, v46, v22;
	vm0 =	vlt.s32 v51, v18  }
0x40d: {  	v44 =	vsel vm4, v43, v42;
	vm0 =	vmand vm10, vm0;
	vm10 =	vlt.s32 v18, v53  }
0x40e: {  	vm1 =	vmand vm1, vm6;
	vm0 =	vmand vm0, vm6;
	vm13 =	vmand vm13, vm10  }
0x40f: {  	v46 =	vperm.xlane v17, v5;
	v18 =	vsel vm0, v51, v18;
	vm10 =	vmand vm13, vm5  }
0x410: {  	v39 =	vld [tilespmem:$0x1FF80];
	v20 =	vsel vm1, v20, v22;
	vm13 =	vlt.s32 v59, v24;
	v18 =	vsel vm10, v53, v18  }
0x411: {  	vm14 =	vmand vm14, vm13;
	vm10 =	vlt.s32 v24, v58;
	vm13 =	vnez.u8 v62  }
0x412: {  	v51 =	vperm.xlane v21, v5;
	v53 =	vperm.xlane v25, v2;
	vm1 =	vmand vm13, vm10  }
0x413: {  	vm0 =	vmand vm14, vm6;
	vm14 =	vlt.s32 v63, v15;
	vm10 =	vlt.s32 v15, v34  }
0x414: {  	vm13 =	vlt.s32 v27, v16;
	v7 =	vsel vm3, v7, v51;
	v23 =	vsel vm0, v59, v24  }
0x415: {  	v50 =	vld [tilespmem:$0x1FF90];
	vm9 =	vmand vm9, vm14;
	vm1 =	vmand vm1, vm5;
	vm14 =	vnez.u8 v39  }
0x416: {  	v24 =	vsel vm3, v45, v46;
	v55 =	vsel vm4, v53, v52;
	v59 =	vperm.xlane v21, v4  }
0x417: {  	v22 =	vsel vm1, v58, v23;
	vm0 =	vmand vm9, vm6;
	vm1 =	vmand vm7, vm10  }
0x418: {  	v23 =	vsel vm4, v38, v37;
	vm10 =	vlt.s32 v26, v19;
	v58 =	vperm.xlane v20, v5  }
0x419: {  	v61 =	vld [tilespmem:$0x1FFB0];
	v15 =	vsel vm0, v63, v15;
	vm1 =	vmand vm1, vm5;
	vm0 =	vmand vm14, vm13  }
0x41a: {  	vm7 =	vlt.s32 v16, v23;
	vm13 =	vnez.u8 v50;
	vm14 =	vlt.s32 v25, v49  }
0x41b: {  	v56 =	vld [tilespmem:$0x1FFA0];
	v15 =	vsel vm1, v34, v15;
	vm9 =	vmand vm11, vm7;
	vm0 =	vmand vm0, vm6  }
0x41c: {  	[tilespmem:s18+$0x83B0] =	vst v9;
	v62 =	vld [tilespmem:$0x1FFC0];
	vm11 =	vlt.s32 v19, v44;
	vm7 =	vlt.s32 v7, v17;
	v9 =	vsel vm3, v57, v58  }
0x41d: {  	[tilespmem:s18+$0x8380] =	vst v8;
	vm1 =	vmand vm9, vm5;
	v16 =	vsel vm0, v27, v16;
	vm0 =	vmand vm12, vm10  }
0x41e: {  	[tilespmem:s18+$0x83A0] =	vst v10;
	v63 =	vld [tilespmem:$0x1FFD0];
	vm12 =	vlt.s32 v24, v25;
	vm9 =	vlt.s32 v17, v55;
	vm10 =	vnez.u8 v61  }
0x41f: {  	[tilespmem:s18+$0x83C0] =	vst v13;
	v16 =	vsel vm1, v23, v16;
	vm1 =	vmand vm8, vm11;
	vm0 =	vmand vm0, vm6  }
0x420: {  	[tilespmem:s18+$0x83D0] =	vst v12;
	vm8 =	vnez.u8 v56;
	vm11 =	vlt.s32 v9, v21;
	vm1 =	vmand vm1, vm5  }
0x421: {  	[tilespmem:s18+$0x83E0] =	vst v11;
	v8 =	vsel vm0, v26, v19;
	vm0 =	vmand vm13, vm12;
	vm12 =	vnez.u8 v62  }
0x422: {  	[tilespmem:s18+$0x83F0] =	vst v14;
	v8 =	vsel vm1, v44, v8;
	vm1 =	vmand vm15, vm14;
	vm0 =	vmand vm0, vm6  }
0x423: {  	[tilespmem:s18+$0x8580] =	vst v18;
	vm14 =	vnez.u8 v63;
	v54 =	vsel vm0, v24, v25;
	vm15 =	vmand vm1, vm5  }
0x424: {  	s15 =	sadd.s32 $0x1, s15;
	vm0 =	vmand vm8, vm7;
	vm1 =	vmand vm10, vm9;
	[tilespmem:s18+$0x85C0] =	vst v8;
	v8 =	vsel vm4, v60, v59  }
0x425: {  	p0 =	sne.s32 s15, $0x4;
	[tilespmem:s18+$0x8590] =	vst v22;
	v10 =	vsel vm15, v49, v54;
	vm0 =	vmand vm0, vm6;
	vm1 =	vmand vm1, vm5  }
.Ltmp6:
0x426: {  	[tilespmem:s18+$0x85A0] =	vst v15;
	vm13 =	vlt.s32 v21, v8;
	v7 =	vsel vm0, v7, v17;
	vm0 =	vmand vm12, vm11;
	(pc) =	sbr.rel @p0 .LBB2_10-.Ltmp6, $4  }
0x427: {  	[tilespmem:s18+$0x85B0] =	vst v16;
	v7 =	vsel vm1, v55, v7;
	vm1 =	vmand vm14, vm13;
	vm0 =	vmand vm0, vm6  }
0x428: {  	[tilespmem:s18+$0x85D0] =	vst v10;
	v9 =	vsel vm0, v9, v21;
	vm15 =	vmand vm1, vm5  }
0x429: {  	[tilespmem:s18+$0x85E0] =	vst v7;
	v7 =	vsel vm15, v8, v9  }
0x42a: {  	s16 =	sadd.s32 $0x80, s16;
	s17 =	sadd.s32 $0x80, s17;
	[tilespmem:s18+$0x85F0] =	vst v7  }
0x42b: {  	[hbm4b:s7+s2] =	stream.linear.scatter [tilespmem:s12], [sflag:$0x1], $0x200, $0x38;
	[tilespmem:$0x8780] =	vst v63  }
0x42c: {  	s14 =	sadd.s32 $0x1, s14  }
0x42d: {  	[hbm4b:s8+s2] =	stream.linear.scatter [tilespmem:s13], [sflag:$0x1], $0x200, $0x38;
	[tilespmem:$0x8780] =	vst v63  }
0x42e: {  	p0 =	sne.s32 s14, s9;
	_ =	swait.ge [sflag:s10], $0x200  }
.Ltmp7:
0x42f: {  	[sflag:s10] =	ssyncset.done $0x0;
	(pc) =	sbr.rel @p0 .LBB2_1-.Ltmp7, $4  }
0x430: {  	[sflag:s10] =	ssyncadd.s32 $0xFFFFFE00  }
0x431: {  	_ =	swait.ge [sflag:s10], $0x200  }
0x432: {  	[sflag:s10] =	ssyncset.done $0x0  }
0x433: {  	[sflag:s10] =	ssyncadd.s32 $0xFFFFFE00  }
0x434: {  	_ =	sfence.sel $0x180000  }
0x435: {  	[bflag:$0x0] =	sbarrier.arrive $0xFFFF  }
0x436: {  	p0 =	sne.s32 s1, $0x0;
	_ =	strace $0x90000047  }
0x437: {  	s0 =	sadd.s32 @!p0 $0x100000, s0;
	[bflag:$0x2] =	sbarrier.arrive $0xFFFF  }
0x438: {  	[sflag:s0] =	ssyncadd.tile.s32 @!p0 $0x1;
	_ =	shalt  }
.Lfunc_end2:
_tile_overlayer_lowered:
.L_overlay_start_2:
0x439: {  	(tag) =	ssettag $0x2  }
0x43a: {  	s0 =	rddreg [dreg:$0x0];
	s2 =	stileid.u32  }
0x43b: {  	s1 =	rddreg [dreg:$0x1];
	p0 =	sne.s32 s2, $0x0  }
0x43c: {  	s3 =	rddreg [dreg:$0x2];
	[bflag:$0x3] =	sbarrier.arrive $0xFFFF;
	s2 =	simm.s32 @!p0 $0x1C02  }
0x43d: {  	[timem:s3], [sflag:s2] =	dma.local @!p0 [hbm:s0], s1  }
0x43e: {  	s0 =	simm.s32 @!p0 $0x2  }
0x43f: {  	_ =	swait.ge @!p0 [sflag:s0], s1  }
0x440: {  	s1 =	ssub.s32 @!p0 $0x0, s1;
	[sflag:s0] =	ssyncset.done @!p0 $0x0  }
0x441: {  	[sflag:s0] =	ssyncadd.s32 @!p0 s1  }
0x442: {  	[bflag:$0x3] =	sbarrier.arrive $0xFFFF  }
0x443: {  	_ =	shalt  }

</sc_bundles>
